<compile_context>
chip_gen: v7x
topology: tpu7x:2x2x1
jax: 0.10.2.dev20260603
libtpu: 0.0.44.dev20260713+nightly
codegen_flags: <defaults>
</compile_context>

<pallas_src>
import functools

import jax
import jax.numpy as jnp
import numpy as np
from jax import lax
from jax.experimental import pallas as pl
from jax.experimental.pallas import tpu as pltpu
from jax.experimental.pallas import tpu_sc as plsc

VOCAB = 100000
D = 128
S = 200
B = 1024
N = B * S

NC = 2
NS = 16
NW = NC * NS
IDS_PER_W = N // NW
CHUNK = 40
NCHUNK = IDS_PER_W // CHUNK
NBUF = 10


def _pos_enc() -> np.ndarray:
    pos = np.arange(S, dtype=np.float32)[:, None]
    i = np.arange(D, dtype=np.float32)[None, :]
    angle_rates = 1.0 / np.power(10000.0, (2.0 * np.floor(i / 2.0)) / np.float32(D))
    angles = pos * angle_rates
    pe = np.zeros((S, D), dtype=np.float32)
    pe[:, 0::2] = np.sin(angles[:, 0::2])
    pe[:, 1::2] = np.cos(angles[:, 1::2])
    return pe


_MESH = plsc.VectorSubcoreMesh(core_axis_name="c", subcore_axis_name="s")


@functools.partial(
    pl.kernel,
    out_type=jax.ShapeDtypeStruct((N, D), jnp.float32),
    mesh=_MESH,
    scratch_types=[
        pltpu.VMEM((IDS_PER_W,), jnp.int32),
        pltpu.VMEM((S, D), jnp.float32),
        [pltpu.VMEM((CHUNK, D), jnp.float32)] * NBUF,
        [pltpu.SemaphoreType.DMA] * NBUF,
        [pltpu.SemaphoreType.DMA] * NBUF,
    ],
)
def _emb(table_hbm, idx_hbm, pe_hbm, out_hbm, idx_v, pe_v, bufs, gsems, osems):
    wid = lax.axis_index("s") * NC + lax.axis_index("c")
    base = wid * IDS_PER_W
    icp = pltpu.make_async_copy(idx_hbm.at[pl.ds(base, IDS_PER_W)], idx_v,
                                gsems[NBUF - 1])
    pcp = pltpu.make_async_copy(pe_hbm, pe_v, osems[NBUF - 1])
    icp.start()
    pcp.start()
    icp.wait()
    pcp.wait()

    def gather_desc(c, k):
        return pltpu.make_async_copy(
            table_hbm.at[idx_v.at[pl.ds(c * CHUNK, CHUNK)]], bufs[k], gsems[k])

    def out_desc(c, k):
        return pltpu.make_async_copy(
            bufs[k], out_hbm.at[pl.ds(base + c * CHUNK, CHUNK)], osems[k])

    def prefill_pe(k):
        buf = bufs[k]
        s0 = (k % (S // CHUNK)) * CHUNK

        def cp_rows(t, c2):
            for u in range(2):
                i = 2 * t + u
                for j in range(D // 16):
                    sl = pl.ds(j * 16, 16)
                    buf[i, sl] = pe_v[s0 + i, sl]
            return c2

        lax.fori_loop(0, CHUNK // 2, cp_rows, 0)

    def issue_gather(c, k):
        prefill_pe(k)
        src = table_hbm.at[idx_v.at[pl.ds(c * CHUNK, CHUNK)]]
        pltpu.async_copy(src, bufs[k], gsems[k], add=True)

    for k in range(NBUF - 1):
        issue_gather(k, k)

    def ring(p, carry):
        for j in range(NBUF):
            c = NBUF * p + j
            gather_desc(c, j).wait()
            out_desc(c, j).start()
            kn = (j + NBUF - 1) % NBUF

            def recycle():
                out_desc(c - 1, kn).wait()
                issue_gather(c + NBUF - 1, kn)

            if j == 0:
                @pl.when(p > 0)
                def _():
                    recycle()

                @pl.when(p == 0)
                def _():
                    issue_gather(c + NBUF - 1, kn)
            else:
                @pl.when(p < NCHUNK // NBUF - 1)
                def _():
                    recycle()
        return carry

    lax.fori_loop(0, NCHUNK // NBUF, ring, 0)
    for j in range(NBUF):
        out_desc(NCHUNK - NBUF + j, j).wait()


def kernel(inputs, table):
    idx_flat = inputs.reshape(-1).astype(jnp.int32)
    pe = jnp.asarray(_pos_enc())
    return _emb(table, idx_flat, pe).reshape(B, S, D)

# --- scband reference (transcript-rebuilt; emitter-appended) ---
"""Pipeline reference for scband-embeddings-2929167696227 (READ-ONLY COPY).

The authoritative reference and input builder live on the scoring server;
editing this copy changes nothing except your own understanding.
"""

import jax, jax.numpy as jnp
import numpy as np

VOCAB_SIZE = 100000
OUTPUT_DIM = 128
SEQ_LEN = 200
BATCH = 1024


def positional_encodings(seq_len, d_model):
    pos = np.arange(seq_len, dtype=np.float32)[:, None]
    i = np.arange(d_model, dtype=np.float32)[None, :]
    angle_rates = 1.0 / np.power(10000.0, (2.0 * np.floor(i / 2.0)) / np.float32(d_model))
    angles = pos * angle_rates
    pe = np.zeros((seq_len, d_model), dtype=np.float32)
    pe[:, 0::2] = np.sin(angles[:, 0::2])
    pe[:, 1::2] = np.cos(angles[:, 1::2])
    return jnp.asarray(pe)


def setup_inputs(seed: int = 0) -> dict:
    key = jax.random.key(seed)
    k1, k2 = jax.random.split(key)
    inputs = jax.random.randint(k1, (BATCH, SEQ_LEN), 0, VOCAB_SIZE, dtype=jnp.int64 if jax.config.read('jax_enable_x64') else jnp.int32)
    table = jax.random.normal(k2, (VOCAB_SIZE, OUTPUT_DIM), dtype=jnp.float32)
    return {"inputs": inputs, "table": table}


def reference(inputs, table):
    # Embedding lookup (gather over vocab rows)
    embedding_tokens = jnp.take(table, inputs, axis=0)  # [B, S, D]
    # Sinusoidal positional encodings, broadcast-added over batch
    pos_enc = positional_encodings(SEQ_LEN, OUTPUT_DIM)  # [S, D]
    final_output = embedding_tokens + pos_enc[None, :, :]
    return final_output

if __name__ == "__main__":
    import jax
    _d = setup_inputs()
    print(jax.jit(kernel)(*tuple(_d.values())))

</pallas_src>

<mosaic_0001>
#map = affine_map<(d0, d1) -> (0, 0)>
#map1 = affine_map<(d0, d1) -> (0)>
module attributes {stable_mosaic.version = 14 : i64} {
  func.func @_emb(%arg0: i32, %arg1: i32, %arg2: memref<100000x128xf32, #tpu.memory_space<hbm>>, %arg3: memref<204800xi32, #tpu.memory_space<hbm>>, %arg4: memref<200x128xf32, #tpu.memory_space<hbm>>, %arg5: memref<204800x128xf32, #tpu.memory_space<hbm>>, %arg6: memref<6400xi32, #tpu.memory_space<vmem>>, %arg7: memref<200x128xf32, #tpu.memory_space<vmem>>, %arg8: memref<40x128xf32, #tpu.memory_space<vmem>>, %arg9: memref<40x128xf32, #tpu.memory_space<vmem>>, %arg10: memref<40x128xf32, #tpu.memory_space<vmem>>, %arg11: memref<40x128xf32, #tpu.memory_space<vmem>>, %arg12: memref<40x128xf32, #tpu.memory_space<vmem>>, %arg13: memref<40x128xf32, #tpu.memory_space<vmem>>, %arg14: memref<40x128xf32, #tpu.memory_space<vmem>>, %arg15: memref<40x128xf32, #tpu.memory_space<vmem>>, %arg16: memref<40x128xf32, #tpu.memory_space<vmem>>, %arg17: memref<40x128xf32, #tpu.memory_space<vmem>>, %arg18: memref<!tpu.dma_semaphore, #tpu.memory_space<semaphore_mem>>, %arg19: memref<!tpu.dma_semaphore, #tpu.memory_space<semaphore_mem>>, %arg20: memref<!tpu.dma_semaphore, #tpu.memory_space<semaphore_mem>>, %arg21: memref<!tpu.dma_semaphore, #tpu.memory_space<semaphore_mem>>, %arg22: memref<!tpu.dma_semaphore, #tpu.memory_space<semaphore_mem>>, %arg23: memref<!tpu.dma_semaphore, #tpu.memory_space<semaphore_mem>>, %arg24: memref<!tpu.dma_semaphore, #tpu.memory_space<semaphore_mem>>, %arg25: memref<!tpu.dma_semaphore, #tpu.memory_space<semaphore_mem>>, %arg26: memref<!tpu.dma_semaphore, #tpu.memory_space<semaphore_mem>>, %arg27: memref<!tpu.dma_semaphore, #tpu.memory_space<semaphore_mem>>, %arg28: memref<!tpu.dma_semaphore, #tpu.memory_space<semaphore_mem>>, %arg29: memref<!tpu.dma_semaphore, #tpu.memory_space<semaphore_mem>>, %arg30: memref<!tpu.dma_semaphore, #tpu.memory_space<semaphore_mem>>, %arg31: memref<!tpu.dma_semaphore, #tpu.memory_space<semaphore_mem>>, %arg32: memref<!tpu.dma_semaphore, #tpu.memory_space<semaphore_mem>>, %arg33: memref<!tpu.dma_semaphore, #tpu.memory_space<semaphore_mem>>, %arg34: memref<!tpu.dma_semaphore, #tpu.memory_space<semaphore_mem>>, %arg35: memref<!tpu.dma_semaphore, #tpu.memory_space<semaphore_mem>>, %arg36: memref<!tpu.dma_semaphore, #tpu.memory_space<semaphore_mem>>, %arg37: memref<!tpu.dma_semaphore, #tpu.memory_space<semaphore_mem>>) attributes {dimension_semantics = [#tpu.dimension_semantics<core_parallel>, #tpu.dimension_semantics<subcore_parallel>], iteration_bounds = array<i64: 2, 16>, scalar_prefetch = 0 : i64, scratch_operands = 32 : i64, tpu.core_type = #tpu.core_type<sc_vector_subcore>, window_params = [{transform_indices = #map}, {transform_indices = #map1}, {transform_indices = #map}, {transform_indices = #map}]} {
    %mul3A = arith.constant 2 : i32
    %mul3A_0 = arith.muli %arg1, %mul3A : i32
    %add3A = arith.addi %mul3A_0, %arg0 : i32
    %mul3A_1 = arith.constant 6400 : i32
    %mul3A_2 = arith.muli %add3A, %mul3A_1 : i32
    %dma_start3A = tpu.memref_slice %arg3[%mul3A_2] : memref<204800xi32, #tpu.memory_space<hbm>> -> memref<6400xi32, #tpu.memory_space<hbm>>
    %dma_start3A_3 = tpu.memref_slice %arg3[%mul3A_2] : memref<204800xi32, #tpu.memory_space<hbm>> -> memref<6400xi32, #tpu.memory_space<hbm>>
    tpu.enqueue_dma source(%dma_start3A_3 : memref<6400xi32, #tpu.memory_space<hbm>>) target(%arg6 : memref<6400xi32, #tpu.memory_space<vmem>>) target_semaphore(%arg27 : memref<!tpu.dma_semaphore, #tpu.memory_space<semaphore_mem>>)
    tpu.enqueue_dma source(%arg4 : memref<200x128xf32, #tpu.memory_space<hbm>>) target(%arg7 : memref<200x128xf32, #tpu.memory_space<vmem>>) target_semaphore(%arg37 : memref<!tpu.dma_semaphore, #tpu.memory_space<semaphore_mem>>)
    %dma_wait3A = tpu.memref_slice %arg3[%mul3A_2] : memref<204800xi32, #tpu.memory_space<hbm>> -> memref<6400xi32, #tpu.memory_space<hbm>>
    %dma_wait3A_4 = tpu.memref_slice %arg3[%mul3A_2] : memref<204800xi32, #tpu.memory_space<hbm>> -> memref<6400xi32, #tpu.memory_space<hbm>>
    tpu.wait_dma2 semaphore(%arg27 : memref<!tpu.dma_semaphore, #tpu.memory_space<semaphore_mem>>) src(%dma_wait3A_4 : memref<6400xi32, #tpu.memory_space<hbm>>) dst(%arg6 : memref<6400xi32, #tpu.memory_space<vmem>>)
    tpu.wait_dma2 semaphore(%arg37 : memref<!tpu.dma_semaphore, #tpu.memory_space<semaphore_mem>>) src(%arg4 : memref<200x128xf32, #tpu.memory_space<hbm>>) dst(%arg7 : memref<200x128xf32, #tpu.memory_space<vmem>>)
    %scan3A = arith.constant 0 : i32
    %scan3A_5 = arith.constant 0 : i32
    %scan3A_6 = arith.constant 20 : i32
    %scan3A_7 = arith.addi %scan3A_5, %scan3A_6 : i32
    %scan3A_8 = arith.constant 1 : i32
    scf.for %scan3A_169 = %scan3A_5 to %scan3A_7 step %scan3A_8  : i32 {
      %mul3A_170 = arith.constant 2 : i32
      %mul3A_171 = arith.muli %mul3A_170, %scan3A_169 : i32
      %add3A_172 = arith.constant 0 : i32
      %add3A_173 = arith.addi %mul3A_171, %add3A_172 : i32
      %add3A_174 = arith.constant 0 : i32
      %add3A_175 = arith.addi %add3A_174, %add3A_173 : i32
      %get3A = arith.index_cast %add3A_175 : i32 to index
      %get3A_176 = arith.constant 0 : index
      %get3A_177 = tpu.vector_load %arg7[%get3A, %get3A_176] {strides = array<i32>} : memref<200x128xf32, #tpu.memory_space<vmem>>, vector<1x16xf32>,
      %get3A_178 = vector.shape_cast %get3A_177 : vector<1x16xf32> to vector<16xf32>
      %swap3A = arith.index_cast %add3A_173 : i32 to index
      %swap3A_179 = arith.constant 0 : index
      %swap3A_180 = tpu.vector_load %arg8[%swap3A, %swap3A_179] {strides = array<i32>} : memref<40x128xf32, #tpu.memory_space<vmem>>, vector<1x16xf32>,
      %swap3A_181 = vector.shape_cast %swap3A_180 : vector<1x16xf32> to vector<16xf32>
      %swap3A_182 = vector.shape_cast %get3A_178 : vector<16xf32> to vector<1x16xf32>
      tpu.vector_store %arg8[%swap3A, %swap3A_179], %swap3A_182 {strides = array<i32>} : memref<40x128xf32, #tpu.memory_space<vmem>>, vector<1x16xf32>,
      %add3A_183 = arith.constant 0 : i32
      %add3A_184 = arith.addi %add3A_183, %add3A_173 : i32
      %get3A_185 = arith.index_cast %add3A_184 : i32 to index
      %get3A_186 = arith.constant 16 : index
      %get3A_187 = tpu.vector_load %arg7[%get3A_185, %get3A_186] {strides = array<i32>} : memref<200x128xf32, #tpu.memory_space<vmem>>, vector<1x16xf32>,
      %get3A_188 = vector.shape_cast %get3A_187 : vector<1x16xf32> to vector<16xf32>
      %swap3A_189 = arith.index_cast %add3A_173 : i32 to index
      %swap3A_190 = arith.constant 16 : index
      %swap3A_191 = tpu.vector_load %arg8[%swap3A_189, %swap3A_190] {strides = array<i32>} : memref<40x128xf32, #tpu.memory_space<vmem>>, vector<1x16xf32>,
      %swap3A_192 = vector.shape_cast %swap3A_191 : vector<1x16xf32> to vector<16xf32>
      %swap3A_193 = vector.shape_cast %get3A_188 : vector<16xf32> to vector<1x16xf32>
      tpu.vector_store %arg8[%swap3A_189, %swap3A_190], %swap3A_193 {strides = array<i32>} : memref<40x128xf32, #tpu.memory_space<vmem>>, vector<1x16xf32>,
      %add3A_194 = arith.constant 0 : i32
      %add3A_195 = arith.addi %add3A_194, %add3A_173 : i32
      %get3A_196 = arith.index_cast %add3A_195 : i32 to index
      %get3A_197 = arith.constant 32 : index
      %get3A_198 = tpu.vector_load %arg7[%get3A_196, %get3A_197] {strides = array<i32>} : memref<200x128xf32, #tpu.memory_space<vmem>>, vector<1x16xf32>,
      %get3A_199 = vector.shape_cast %get3A_198 : vector<1x16xf32> to vector<16xf32>
      %swap3A_200 = arith.index_cast %add3A_173 : i32 to index
      %swap3A_201 = arith.constant 32 : index
      %swap3A_202 = tpu.vector_load %arg8[%swap3A_200, %swap3A_201] {strides = array<i32>} : memref<40x128xf32, #tpu.memory_space<vmem>>, vector<1x16xf32>,
      %swap3A_203 = vector.shape_cast %swap3A_202 : vector<1x16xf32> to vector<16xf32>
      %swap3A_204 = vector.shape_cast %get3A_199 : vector<16xf32> to vector<1x16xf32>
      tpu.vector_store %arg8[%swap3A_200, %swap3A_201], %swap3A_204 {strides = array<i32>} : memref<40x128xf32, #tpu.memory_space<vmem>>, vector<1x16xf32>,
      %add3A_205 = arith.constant 0 : i32
      %add3A_206 = arith.addi %add3A_205, %add3A_173 : i32
      %get3A_207 = arith.index_cast %add3A_206 : i32 to index
      %get3A_208 = arith.constant 48 : index
      %get3A_209 = tpu.vector_load %arg7[%get3A_207, %get3A_208] {strides = array<i32>} : memref<200x128xf32, #tpu.memory_space<vmem>>, vector<1x16xf32>,
      %get3A_210 = vector.shape_cast %get3A_209 : vector<1x16xf32> to vector<16xf32>
      %swap3A_211 = arith.index_cast %add3A_173 : i32 to index
      %swap3A_212 = arith.constant 48 : index
      %swap3A_213 = tpu.vector_load %arg8[%swap3A_211, %swap3A_212] {strides = array<i32>} : memref<40x128xf32, #tpu.memory_space<vmem>>, vector<1x16xf32>,
      %swap3A_214 = vector.shape_cast %swap3A_213 : vector<1x16xf32> to vector<16xf32>
      %swap3A_215 = vector.shape_cast %get3A_210 : vector<16xf32> to vector<1x16xf32>
      tpu.vector_store %arg8[%swap3A_211, %swap3A_212], %swap3A_215 {strides = array<i32>} : memref<40x128xf32, #tpu.memory_space<vmem>>, vector<1x16xf32>,
      %add3A_216 = arith.constant 0 : i32
      %add3A_217 = arith.addi %add3A_216, %add3A_173 : i32
      %get3A_218 = arith.index_cast %add3A_217 : i32 to index
      %get3A_219 = arith.constant 64 : index
      %get3A_220 = tpu.vector_load %arg7[%get3A_218, %get3A_219] {strides = array<i32>} : memref<200x128xf32, #tpu.memory_space<vmem>>, vector<1x16xf32>,
      %get3A_221 = vector.shape_cast %get3A_220 : vector<1x16xf32> to vector<16xf32>
      %swap3A_222 = arith.index_cast %add3A_173 : i32 to index
      %swap3A_223 = arith.constant 64 : index
      %swap3A_224 = tpu.vector_load %arg8[%swap3A_222, %swap3A_223] {strides = array<i32>} : memref<40x128xf32, #tpu.memory_space<vmem>>, vector<1x16xf32>,
      %swap3A_225 = vector.shape_cast %swap3A_224 : vector<1x16xf32> to vector<16xf32>
      %swap3A_226 = vector.shape_cast %get3A_221 : vector<16xf32> to vector<1x16xf32>
      tpu.vector_store %arg8[%swap3A_222, %swap3A_223], %swap3A_226 {strides = array<i32>} : memref<40x128xf32, #tpu.memory_space<vmem>>, vector<1x16xf32>,
      %add3A_227 = arith.constant 0 : i32
      %add3A_228 = arith.addi %add3A_227, %add3A_173 : i32
      %get3A_229 = arith.index_cast %add3A_228 : i32 to index
      %get3A_230 = arith.constant 80 : index
      %get3A_231 = tpu.vector_load %arg7[%get3A_229, %get3A_230] {strides = array<i32>} : memref<200x128xf32, #tpu.memory_space<vmem>>, vector<1x16xf32>,
      %get3A_232 = vector.shape_cast %get3A_231 : vector<1x16xf32> to vector<16xf32>
      %swap3A_233 = arith.index_cast %add3A_173 : i32 to index
      %swap3A_234 = arith.constant 80 : index
      %swap3A_235 = tpu.vector_load %arg8[%swap3A_233, %swap3A_234] {strides = array<i32>} : memref<40x128xf32, #tpu.memory_space<vmem>>, vector<1x16xf32>,
      %swap3A_236 = vector.shape_cast %swap3A_235 : vector<1x16xf32> to vector<16xf32>
      %swap3A_237 = vector.shape_cast %get3A_232 : vector<16xf32> to vector<1x16xf32>
      tpu.vector_store %arg8[%swap3A_233, %swap3A_234], %swap3A_237 {strides = array<i32>} : memref<40x128xf32, #tpu.memory_space<vmem>>, vector<1x16xf32>,
      %add3A_238 = arith.constant 0 : i32
      %add3A_239 = arith.addi %add3A_238, %add3A_173 : i32
      %get3A_240 = arith.index_cast %add3A_239 : i32 to index
      %get3A_241 = arith.constant 96 : index
      %get3A_242 = tpu.vector_load %arg7[%get3A_240, %get3A_241] {strides = array<i32>} : memref<200x128xf32, #tpu.memory_space<vmem>>, vector<1x16xf32>,
      %get3A_243 = vector.shape_cast %get3A_242 : vector<1x16xf32> to vector<16xf32>
      %swap3A_244 = arith.index_cast %add3A_173 : i32 to index
      %swap3A_245 = arith.constant 96 : index
      %swap3A_246 = tpu.vector_load %arg8[%swap3A_244, %swap3A_245] {strides = array<i32>} : memref<40x128xf32, #tpu.memory_space<vmem>>, vector<1x16xf32>,
      %swap3A_247 = vector.shape_cast %swap3A_246 : vector<1x16xf32> to vector<16xf32>
      %swap3A_248 = vector.shape_cast %get3A_243 : vector<16xf32> to vector<1x16xf32>
      tpu.vector_store %arg8[%swap3A_244, %swap3A_245], %swap3A_248 {strides = array<i32>} : memref<40x128xf32, #tpu.memory_space<vmem>>, vector<1x16xf32>,
      %add3A_249 = arith.constant 0 : i32
      %add3A_250 = arith.addi %add3A_249, %add3A_173 : i32
      %get3A_251 = arith.index_cast %add3A_250 : i32 to index
      %get3A_252 = arith.constant 112 : index
      %get3A_253 = tpu.vector_load %arg7[%get3A_251, %get3A_252] {strides = array<i32>} : memref<200x128xf32, #tpu.memory_space<vmem>>, vector<1x16xf32>,
      %get3A_254 = vector.shape_cast %get3A_253 : vector<1x16xf32> to vector<16xf32>
      %swap3A_255 = arith.index_cast %add3A_173 : i32 to index
      %swap3A_256 = arith.constant 112 : index
      %swap3A_257 = tpu.vector_load %arg8[%swap3A_255, %swap3A_256] {strides = array<i32>} : memref<40x128xf32, #tpu.memory_space<vmem>>, vector<1x16xf32>,
      %swap3A_258 = vector.shape_cast %swap3A_257 : vector<1x16xf32> to vector<16xf32>
      %swap3A_259 = vector.shape_cast %get3A_254 : vector<16xf32> to vector<1x16xf32>
      tpu.vector_store %arg8[%swap3A_255, %swap3A_256], %swap3A_259 {strides = array<i32>} : memref<40x128xf32, #tpu.memory_space<vmem>>, vector<1x16xf32>,
      %mul3A_260 = arith.constant 2 : i32
      %mul3A_261 = arith.muli %mul3A_260, %scan3A_169 : i32
      %add3A_262 = arith.constant 1 : i32
      %add3A_263 = arith.addi %mul3A_261, %add3A_262 : i32
      %add3A_264 = arith.constant 0 : i32
      %add3A_265 = arith.addi %add3A_264, %add3A_263 : i32
      %get3A_266 = arith.index_cast %add3A_265 : i32 to index
      %get3A_267 = arith.constant 0 : index
      %get3A_268 = tpu.vector_load %arg7[%get3A_266, %get3A_267] {strides = array<i32>} : memref<200x128xf32, #tpu.memory_space<vmem>>, vector<1x16xf32>,
      %get3A_269 = vector.shape_cast %get3A_268 : vector<1x16xf32> to vector<16xf32>
      %swap3A_270 = arith.index_cast %add3A_263 : i32 to index
      %swap3A_271 = arith.constant 0 : index
      %swap3A_272 = tpu.vector_load %arg8[%swap3A_270, %swap3A_271] {strides = array<i32>} : memref<40x128xf32, #tpu.memory_space<vmem>>, vector<1x16xf32>,
      %swap3A_273 = vector.shape_cast %swap3A_272 : vector<1x16xf32> to vector<16xf32>
      %swap3A_274 = vector.shape_cast %get3A_269 : vector<16xf32> to vector<1x16xf32>
      tpu.vector_store %arg8[%swap3A_270, %swap3A_271], %swap3A_274 {strides = array<i32>} : memref<40x128xf32, #tpu.memory_space<vmem>>, vector<1x16xf32>,
      %add3A_275 = arith.constant 0 : i32
      %add3A_276 = arith.addi %add3A_275, %add3A_263 : i32
      %get3A_277 = arith.index_cast %add3A_276 : i32 to index
      %get3A_278 = arith.constant 16 : index
      %get3A_279 = tpu.vector_load %arg7[%get3A_277, %get3A_278] {strides = array<i32>} : memref<200x128xf32, #tpu.memory_space<vmem>>, vector<1x16xf32>,
      %get3A_280 = vector.shape_cast %get3A_279 : vector<1x16xf32> to vector<16xf32>
      %swap3A_281 = arith.index_cast %add3A_263 : i32 to index
      %swap3A_282 = arith.constant 16 : index
      %swap3A_283 = tpu.vector_load %arg8[%swap3A_281, %swap3A_282] {strides = array<i32>} : memref<40x128xf32, #tpu.memory_space<vmem>>, vector<1x16xf32>,
      %swap3A_284 = vector.shape_cast %swap3A_283 : vector<1x16xf32> to vector<16xf32>
      %swap3A_285 = vector.shape_cast %get3A_280 : vector<16xf32> to vector<1x16xf32>
      tpu.vector_store %arg8[%swap3A_281, %swap3A_282], %swap3A_285 {strides = array<i32>} : memref<40x128xf32, #tpu.memory_space<vmem>>, vector<1x16xf32>,
      %add3A_286 = arith.constant 0 : i32
      %add3A_287 = arith.addi %add3A_286, %add3A_263 : i32
      %get3A_288 = arith.index_cast %add3A_287 : i32 to index
      %get3A_289 = arith.constant 32 : index
      %get3A_290 = tpu.vector_load %arg7[%get3A_288, %get3A_289] {strides = array<i32>} : memref<200x128xf32, #tpu.memory_space<vmem>>, vector<1x16xf32>,
      %get3A_291 = vector.shape_cast %get3A_290 : vector<1x16xf32> to vector<16xf32>
      %swap3A_292 = arith.index_cast %add3A_263 : i32 to index
      %swap3A_293 = arith.constant 32 : index
      %swap3A_294 = tpu.vector_load %arg8[%swap3A_292, %swap3A_293] {strides = array<i32>} : memref<40x128xf32, #tpu.memory_space<vmem>>, vector<1x16xf32>,
      %swap3A_295 = vector.shape_cast %swap3A_294 : vector<1x16xf32> to vector<16xf32>
      %swap3A_296 = vector.shape_cast %get3A_291 : vector<16xf32> to vector<1x16xf32>
      tpu.vector_store %arg8[%swap3A_292, %swap3A_293], %swap3A_296 {strides = array<i32>} : memref<40x128xf32, #tpu.memory_space<vmem>>, vector<1x16xf32>,
      %add3A_297 = arith.constant 0 : i32
      %add3A_298 = arith.addi %add3A_297, %add3A_263 : i32
      %get3A_299 = arith.index_cast %add3A_298 : i32 to index
      %get3A_300 = arith.constant 48 : index
      %get3A_301 = tpu.vector_load %arg7[%get3A_299, %get3A_300] {strides = array<i32>} : memref<200x128xf32, #tpu.memory_space<vmem>>, vector<1x16xf32>,
      %get3A_302 = vector.shape_cast %get3A_301 : vector<1x16xf32> to vector<16xf32>
      %swap3A_303 = arith.index_cast %add3A_263 : i32 to index
      %swap3A_304 = arith.constant 48 : index
      %swap3A_305 = tpu.vector_load %arg8[%swap3A_303, %swap3A_304] {strides = array<i32>} : memref<40x128xf32, #tpu.memory_space<vmem>>, vector<1x16xf32>,
      %swap3A_306 = vector.shape_cast %swap3A_305 : vector<1x16xf32> to vector<16xf32>
      %swap3A_307 = vector.shape_cast %get3A_302 : vector<16xf32> to vector<1x16xf32>
      tpu.vector_store %arg8[%swap3A_303, %swap3A_304], %swap3A_307 {strides = array<i32>} : memref<40x128xf32, #tpu.memory_space<vmem>>, vector<1x16xf32>,
      %add3A_308 = arith.constant 0 : i32
      %add3A_309 = arith.addi %add3A_308, %add3A_263 : i32
      %get3A_310 = arith.index_cast %add3A_309 : i32 to index
      %get3A_311 = arith.constant 64 : index
      %get3A_312 = tpu.vector_load %arg7[%get3A_310, %get3A_311] {strides = array<i32>} : memref<200x128xf32, #tpu.memory_space<vmem>>, vector<1x16xf32>,
      %get3A_313 = vector.shape_cast %get3A_312 : vector<1x16xf32> to vector<16xf32>
      %swap3A_314 = arith.index_cast %add3A_263 : i32 to index
      %swap3A_315 = arith.constant 64 : index
      %swap3A_316 = tpu.vector_load %arg8[%swap3A_314, %swap3A_315] {strides = array<i32>} : memref<40x128xf32, #tpu.memory_space<vmem>>, vector<1x16xf32>,
      %swap3A_317 = vector.shape_cast %swap3A_316 : vector<1x16xf32> to vector<16xf32>
      %swap3A_318 = vector.shape_cast %get3A_313 : vector<16xf32> to vector<1x16xf32>
      tpu.vector_store %arg8[%swap3A_314, %swap3A_315], %swap3A_318 {strides = array<i32>} : memref<40x128xf32, #tpu.memory_space<vmem>>, vector<1x16xf32>,
      %add3A_319 = arith.constant 0 : i32
      %add3A_320 = arith.addi %add3A_319, %add3A_263 : i32
      %get3A_321 = arith.index_cast %add3A_320 : i32 to index
      %get3A_322 = arith.constant 80 : index
      %get3A_323 = tpu.vector_load %arg7[%get3A_321, %get3A_322] {strides = array<i32>} : memref<200x128xf32, #tpu.memory_space<vmem>>, vector<1x16xf32>,
      %get3A_324 = vector.shape_cast %get3A_323 : vector<1x16xf32> to vector<16xf32>
      %swap3A_325 = arith.index_cast %add3A_263 : i32 to index
      %swap3A_326 = arith.constant 80 : index
      %swap3A_327 = tpu.vector_load %arg8[%swap3A_325, %swap3A_326] {strides = array<i32>} : memref<40x128xf32, #tpu.memory_space<vmem>>, vector<1x16xf32>,
      %swap3A_328 = vector.shape_cast %swap3A_327 : vector<1x16xf32> to vector<16xf32>
      %swap3A_329 = vector.shape_cast %get3A_324 : vector<16xf32> to vector<1x16xf32>
      tpu.vector_store %arg8[%swap3A_325, %swap3A_326], %swap3A_329 {strides = array<i32>} : memref<40x128xf32, #tpu.memory_space<vmem>>, vector<1x16xf32>,
      %add3A_330 = arith.constant 0 : i32
      %add3A_331 = arith.addi %add3A_330, %add3A_263 : i32
      %get3A_332 = arith.index_cast %add3A_331 : i32 to index
      %get3A_333 = arith.constant 96 : index
      %get3A_334 = tpu.vector_load %arg7[%get3A_332, %get3A_333] {strides = array<i32>} : memref<200x128xf32, #tpu.memory_space<vmem>>, vector<1x16xf32>,
      %get3A_335 = vector.shape_cast %get3A_334 : vector<1x16xf32> to vector<16xf32>
      %swap3A_336 = arith.index_cast %add3A_263 : i32 to index
      %swap3A_337 = arith.constant 96 : index
      %swap3A_338 = tpu.vector_load %arg8[%swap3A_336, %swap3A_337] {strides = array<i32>} : memref<40x128xf32, #tpu.memory_space<vmem>>, vector<1x16xf32>,
      %swap3A_339 = vector.shape_cast %swap3A_338 : vector<1x16xf32> to vector<16xf32>
      %swap3A_340 = vector.shape_cast %get3A_335 : vector<16xf32> to vector<1x16xf32>
      tpu.vector_store %arg8[%swap3A_336, %swap3A_337], %swap3A_340 {strides = array<i32>} : memref<40x128xf32, #tpu.memory_space<vmem>>, vector<1x16xf32>,
      %add3A_341 = arith.constant 0 : i32
      %add3A_342 = arith.addi %add3A_341, %add3A_263 : i32
      %get3A_343 = arith.index_cast %add3A_342 : i32 to index
      %get3A_344 = arith.constant 112 : index
      %get3A_345 = tpu.vector_load %arg7[%get3A_343, %get3A_344] {strides = array<i32>} : memref<200x128xf32, #tpu.memory_space<vmem>>, vector<1x16xf32>,
      %get3A_346 = vector.shape_cast %get3A_345 : vector<1x16xf32> to vector<16xf32>
      %swap3A_347 = arith.index_cast %add3A_263 : i32 to index
      %swap3A_348 = arith.constant 112 : index
      %swap3A_349 = tpu.vector_load %arg8[%swap3A_347, %swap3A_348] {strides = array<i32>} : memref<40x128xf32, #tpu.memory_space<vmem>>, vector<1x16xf32>,
      %swap3A_350 = vector.shape_cast %swap3A_349 : vector<1x16xf32> to vector<16xf32>
      %swap3A_351 = vector.shape_cast %get3A_346 : vector<16xf32> to vector<1x16xf32>
      tpu.vector_store %arg8[%swap3A_347, %swap3A_348], %swap3A_351 {strides = array<i32>} : memref<40x128xf32, #tpu.memory_space<vmem>>, vector<1x16xf32>,
    }
    %scan3A_9 = arith.constant 20 : i32
    %dma_start3A_10 = arith.constant 0 : i32
    %dma_start3A_11 = tpu.memref_slice %arg6[%dma_start3A_10] : memref<6400xi32, #tpu.memory_space<vmem>> -> memref<40xi32, #tpu.memory_space<vmem>>
    %dma_start3A_12 = arith.constant 0 : i32
    %dma_start3A_13 = arith.constant 0 : i32
    %dma_start3A_14 = tpu.memref_slice %arg2[%dma_start3A_12, %dma_start3A_13] : memref<100000x128xf32, #tpu.memory_space<hbm>> -> memref<100000x128xf32, #tpu.memory_space<hbm>>
    tpu.enqueue_indirect_dma source(%dma_start3A_14 : memref<100000x128xf32, #tpu.memory_space<hbm>>) target(%arg8 : memref<40x128xf32, #tpu.memory_space<vmem>>) offsets(%dma_start3A_11 : memref<40xi32, #tpu.memory_space<vmem>>) semaphore(%arg18 : memref<!tpu.dma_semaphore, #tpu.memory_space<semaphore_mem>>) {add = true}
    %scan3A_15 = arith.constant 0 : i32
    %scan3A_16 = arith.constant 0 : i32
    %scan3A_17 = arith.constant 20 : i32
    %scan3A_18 = arith.addi %scan3A_16, %scan3A_17 : i32
    %scan3A_19 = arith.constant 1 : i32
    scf.for %scan3A_169 = %scan3A_16 to %scan3A_18 step %scan3A_19  : i32 {
      %mul3A_170 = arith.constant 2 : i32
      %mul3A_171 = arith.muli %mul3A_170, %scan3A_169 : i32
      %add3A_172 = arith.constant 0 : i32
      %add3A_173 = arith.addi %mul3A_171, %add3A_172 : i32
      %add3A_174 = arith.constant 40 : i32
      %add3A_175 = arith.addi %add3A_174, %add3A_173 : i32
      %get3A = arith.index_cast %add3A_175 : i32 to index
      %get3A_176 = arith.constant 0 : index
      %get3A_177 = tpu.vector_load %arg7[%get3A, %get3A_176] {strides = array<i32>} : memref<200x128xf32, #tpu.memory_space<vmem>>, vector<1x16xf32>,
      %get3A_178 = vector.shape_cast %get3A_177 : vector<1x16xf32> to vector<16xf32>
      %swap3A = arith.index_cast %add3A_173 : i32 to index
      %swap3A_179 = arith.constant 0 : index
      %swap3A_180 = tpu.vector_load %arg9[%swap3A, %swap3A_179] {strides = array<i32>} : memref<40x128xf32, #tpu.memory_space<vmem>>, vector<1x16xf32>,
      %swap3A_181 = vector.shape_cast %swap3A_180 : vector<1x16xf32> to vector<16xf32>
      %swap3A_182 = vector.shape_cast %get3A_178 : vector<16xf32> to vector<1x16xf32>
      tpu.vector_store %arg9[%swap3A, %swap3A_179], %swap3A_182 {strides = array<i32>} : memref<40x128xf32, #tpu.memory_space<vmem>>, vector<1x16xf32>,
      %add3A_183 = arith.constant 40 : i32
      %add3A_184 = arith.addi %add3A_183, %add3A_173 : i32
      %get3A_185 = arith.index_cast %add3A_184 : i32 to index
      %get3A_186 = arith.constant 16 : index
      %get3A_187 = tpu.vector_load %arg7[%get3A_185, %get3A_186] {strides = array<i32>} : memref<200x128xf32, #tpu.memory_space<vmem>>, vector<1x16xf32>,
      %get3A_188 = vector.shape_cast %get3A_187 : vector<1x16xf32> to vector<16xf32>
      %swap3A_189 = arith.index_cast %add3A_173 : i32 to index
      %swap3A_190 = arith.constant 16 : index
      %swap3A_191 = tpu.vector_load %arg9[%swap3A_189, %swap3A_190] {strides = array<i32>} : memref<40x128xf32, #tpu.memory_space<vmem>>, vector<1x16xf32>,
      %swap3A_192 = vector.shape_cast %swap3A_191 : vector<1x16xf32> to vector<16xf32>
      %swap3A_193 = vector.shape_cast %get3A_188 : vector<16xf32> to vector<1x16xf32>
      tpu.vector_store %arg9[%swap3A_189, %swap3A_190], %swap3A_193 {strides = array<i32>} : memref<40x128xf32, #tpu.memory_space<vmem>>, vector<1x16xf32>,
      %add3A_194 = arith.constant 40 : i32
      %add3A_195 = arith.addi %add3A_194, %add3A_173 : i32
      %get3A_196 = arith.index_cast %add3A_195 : i32 to index
      %get3A_197 = arith.constant 32 : index
      %get3A_198 = tpu.vector_load %arg7[%get3A_196, %get3A_197] {strides = array<i32>} : memref<200x128xf32, #tpu.memory_space<vmem>>, vector<1x16xf32>,
      %get3A_199 = vector.shape_cast %get3A_198 : vector<1x16xf32> to vector<16xf32>
      %swap3A_200 = arith.index_cast %add3A_173 : i32 to index
      %swap3A_201 = arith.constant 32 : index
      %swap3A_202 = tpu.vector_load %arg9[%swap3A_200, %swap3A_201] {strides = array<i32>} : memref<40x128xf32, #tpu.memory_space<vmem>>, vector<1x16xf32>,
      %swap3A_203 = vector.shape_cast %swap3A_202 : vector<1x16xf32> to vector<16xf32>
      %swap3A_204 = vector.shape_cast %get3A_199 : vector<16xf32> to vector<1x16xf32>
      tpu.vector_store %arg9[%swap3A_200, %swap3A_201], %swap3A_204 {strides = array<i32>} : memref<40x128xf32, #tpu.memory_space<vmem>>, vector<1x16xf32>,
      %add3A_205 = arith.constant 40 : i32
      %add3A_206 = arith.addi %add3A_205, %add3A_173 : i32
      %get3A_207 = arith.index_cast %add3A_206 : i32 to index
      %get3A_208 = arith.constant 48 : index
      %get3A_209 = tpu.vector_load %arg7[%get3A_207, %get3A_208] {strides = array<i32>} : memref<200x128xf32, #tpu.memory_space<vmem>>, vector<1x16xf32>,
      %get3A_210 = vector.shape_cast %get3A_209 : vector<1x16xf32> to vector<16xf32>
      %swap3A_211 = arith.index_cast %add3A_173 : i32 to index
      %swap3A_212 = arith.constant 48 : index
      %swap3A_213 = tpu.vector_load %arg9[%swap3A_211, %swap3A_212] {strides = array<i32>} : memref<40x128xf32, #tpu.memory_space<vmem>>, vector<1x16xf32>,
      %swap3A_214 = vector.shape_cast %swap3A_213 : vector<1x16xf32> to vector<16xf32>
      %swap3A_215 = vector.shape_cast %get3A_210 : vector<16xf32> to vector<1x16xf32>
      tpu.vector_store %arg9[%swap3A_211, %swap3A_212], %swap3A_215 {strides = array<i32>} : memref<40x128xf32, #tpu.memory_space<vmem>>, vector<1x16xf32>,
      %add3A_216 = arith.constant 40 : i32
      %add3A_217 = arith.addi %add3A_216, %add3A_173 : i32
      %get3A_218 = arith.index_cast %add3A_217 : i32 to index
      %get3A_219 = arith.constant 64 : index
      %get3A_220 = tpu.vector_load %arg7[%get3A_218, %get3A_219] {strides = array<i32>} : memref<200x128xf32, #tpu.memory_space<vmem>>, vector<1x16xf32>,
      %get3A_221 = vector.shape_cast %get3A_220 : vector<1x16xf32> to vector<16xf32>
      %swap3A_222 = arith.index_cast %add3A_173 : i32 to index
      %swap3A_223 = arith.constant 64 : index
      %swap3A_224 = tpu.vector_load %arg9[%swap3A_222, %swap3A_223] {strides = array<i32>} : memref<40x128xf32, #tpu.memory_space<vmem>>, vector<1x16xf32>,
      %swap3A_225 = vector.shape_cast %swap3A_224 : vector<1x16xf32> to vector<16xf32>
      %swap3A_226 = vector.shape_cast %get3A_221 : vector<16xf32> to vector<1x16xf32>
      tpu.vector_store %arg9[%swap3A_222, %swap3A_223], %swap3A_226 {strides = array<i32>} : memref<40x128xf32, #tpu.memory_space<vmem>>, vector<1x16xf32>,
      %add3A_227 = arith.constant 40 : i32
      %add3A_228 = arith.addi %add3A_227, %add3A_173 : i32
      %get3A_229 = arith.index_cast %add3A_228 : i32 to index
      %get3A_230 = arith.constant 80 : index
      %get3A_231 = tpu.vector_load %arg7[%get3A_229, %get3A_230] {strides = array<i32>} : memref<200x128xf32, #tpu.memory_space<vmem>>, vector<1x16xf32>,
      %get3A_232 = vector.shape_cast %get3A_231 : vector<1x16xf32> to vector<16xf32>
      %swap3A_233 = arith.index_cast %add3A_173 : i32 to index
      %swap3A_234 = arith.constant 80 : index
      %swap3A_235 = tpu.vector_load %arg9[%swap3A_233, %swap3A_234] {strides = array<i32>} : memref<40x128xf32, #tpu.memory_space<vmem>>, vector<1x16xf32>,
      %swap3A_236 = vector.shape_cast %swap3A_235 : vector<1x16xf32> to vector<16xf32>
      %swap3A_237 = vector.shape_cast %get3A_232 : vector<16xf32> to vector<1x16xf32>
      tpu.vector_store %arg9[%swap3A_233, %swap3A_234], %swap3A_237 {strides = array<i32>} : memref<40x128xf32, #tpu.memory_space<vmem>>, vector<1x16xf32>,
      %add3A_238 = arith.constant 40 : i32
      %add3A_239 = arith.addi %add3A_238, %add3A_173 : i32
      %get3A_240 = arith.index_cast %add3A_239 : i32 to index
      %get3A_241 = arith.constant 96 : index
      %get3A_242 = tpu.vector_load %arg7[%get3A_240, %get3A_241] {strides = array<i32>} : memref<200x128xf32, #tpu.memory_space<vmem>>, vector<1x16xf32>,
      %get3A_243 = vector.shape_cast %get3A_242 : vector<1x16xf32> to vector<16xf32>
      %swap3A_244 = arith.index_cast %add3A_173 : i32 to index
      %swap3A_245 = arith.constant 96 : index
      %swap3A_246 = tpu.vector_load %arg9[%swap3A_244, %swap3A_245] {strides = array<i32>} : memref<40x128xf32, #tpu.memory_space<vmem>>, vector<1x16xf32>,
      %swap3A_247 = vector.shape_cast %swap3A_246 : vector<1x16xf32> to vector<16xf32>
      %swap3A_248 = vector.shape_cast %get3A_243 : vector<16xf32> to vector<1x16xf32>
      tpu.vector_store %arg9[%swap3A_244, %swap3A_245], %swap3A_248 {strides = array<i32>} : memref<40x128xf32, #tpu.memory_space<vmem>>, vector<1x16xf32>,
      %add3A_249 = arith.constant 40 : i32
      %add3A_250 = arith.addi %add3A_249, %add3A_173 : i32
      %get3A_251 = arith.index_cast %add3A_250 : i32 to index
      %get3A_252 = arith.constant 112 : index
      %get3A_253 = tpu.vector_load %arg7[%get3A_251, %get3A_252] {strides = array<i32>} : memref<200x128xf32, #tpu.memory_space<vmem>>, vector<1x16xf32>,
      %get3A_254 = vector.shape_cast %get3A_253 : vector<1x16xf32> to vector<16xf32>
      %swap3A_255 = arith.index_cast %add3A_173 : i32 to index
      %swap3A_256 = arith.constant 112 : index
      %swap3A_257 = tpu.vector_load %arg9[%swap3A_255, %swap3A_256] {strides = array<i32>} : memref<40x128xf32, #tpu.memory_space<vmem>>, vector<1x16xf32>,
      %swap3A_258 = vector.shape_cast %swap3A_257 : vector<1x16xf32> to vector<16xf32>
      %swap3A_259 = vector.shape_cast %get3A_254 : vector<16xf32> to vector<1x16xf32>
      tpu.vector_store %arg9[%swap3A_255, %swap3A_256], %swap3A_259 {strides = array<i32>} : memref<40x128xf32, #tpu.memory_space<vmem>>, vector<1x16xf32>,
      %mul3A_260 = arith.constant 2 : i32
      %mul3A_261 = arith.muli %mul3A_260, %scan3A_169 : i32
      %add3A_262 = arith.constant 1 : i32
      %add3A_263 = arith.addi %mul3A_261, %add3A_262 : i32
      %add3A_264 = arith.constant 40 : i32
      %add3A_265 = arith.addi %add3A_264, %add3A_263 : i32
      %get3A_266 = arith.index_cast %add3A_265 : i32 to index
      %get3A_267 = arith.constant 0 : index
      %get3A_268 = tpu.vector_load %arg7[%get3A_266, %get3A_267] {strides = array<i32>} : memref<200x128xf32, #tpu.memory_space<vmem>>, vector<1x16xf32>,
      %get3A_269 = vector.shape_cast %get3A_268 : vector<1x16xf32> to vector<16xf32>
      %swap3A_270 = arith.index_cast %add3A_263 : i32 to index
      %swap3A_271 = arith.constant 0 : index
      %swap3A_272 = tpu.vector_load %arg9[%swap3A_270, %swap3A_271] {strides = array<i32>} : memref<40x128xf32, #tpu.memory_space<vmem>>, vector<1x16xf32>,
      %swap3A_273 = vector.shape_cast %swap3A_272 : vector<1x16xf32> to vector<16xf32>
      %swap3A_274 = vector.shape_cast %get3A_269 : vector<16xf32> to vector<1x16xf32>
      tpu.vector_store %arg9[%swap3A_270, %swap3A_271], %swap3A_274 {strides = array<i32>} : memref<40x128xf32, #tpu.memory_space<vmem>>, vector<1x16xf32>,
      %add3A_275 = arith.constant 40 : i32
      %add3A_276 = arith.addi %add3A_275, %add3A_263 : i32
      %get3A_277 = arith.index_cast %add3A_276 : i32 to index
      %get3A_278 = arith.constant 16 : index
      %get3A_279 = tpu.vector_load %arg7[%get3A_277, %get3A_278] {strides = array<i32>} : memref<200x128xf32, #tpu.memory_space<vmem>>, vector<1x16xf32>,
      %get3A_280 = vector.shape_cast %get3A_279 : vector<1x16xf32> to vector<16xf32>
      %swap3A_281 = arith.index_cast %add3A_263 : i32 to index
      %swap3A_282 = arith.constant 16 : index
      %swap3A_283 = tpu.vector_load %arg9[%swap3A_281, %swap3A_282] {strides = array<i32>} : memref<40x128xf32, #tpu.memory_space<vmem>>, vector<1x16xf32>,
      %swap3A_284 = vector.shape_cast %swap3A_283 : vector<1x16xf32> to vector<16xf32>
      %swap3A_285 = vector.shape_cast %get3A_280 : vector<16xf32> to vector<1x16xf32>
      tpu.vector_store %arg9[%swap3A_281, %swap3A_282], %swap3A_285 {strides = array<i32>} : memref<40x128xf32, #tpu.memory_space<vmem>>, vector<1x16xf32>,
      %add3A_286 = arith.constant 40 : i32
      %add3A_287 = arith.addi %add3A_286, %add3A_263 : i32
      %get3A_288 = arith.index_cast %add3A_287 : i32 to index
      %get3A_289 = arith.constant 32 : index
      %get3A_290 = tpu.vector_load %arg7[%get3A_288, %get3A_289] {strides = array<i32>} : memref<200x128xf32, #tpu.memory_space<vmem>>, vector<1x16xf32>,
      %get3A_291 = vector.shape_cast %get3A_290 : vector<1x16xf32> to vector<16xf32>
      %swap3A_292 = arith.index_cast %add3A_263 : i32 to index
      %swap3A_293 = arith.constant 32 : index
      %swap3A_294 = tpu.vector_load %arg9[%swap3A_292, %swap3A_293] {strides = array<i32>} : memref<40x128xf32, #tpu.memory_space<vmem>>, vector<1x16xf32>,
      %swap3A_295 = vector.shape_cast %swap3A_294 : vector<1x16xf32> to vector<16xf32>
      %swap3A_296 = vector.shape_cast %get3A_291 : vector<16xf32> to vector<1x16xf32>
      tpu.vector_store %arg9[%swap3A_292, %swap3A_293], %swap3A_296 {strides = array<i32>} : memref<40x128xf32, #tpu.memory_space<vmem>>, vector<1x16xf32>,
      %add3A_297 = arith.constant 40 : i32
      %add3A_298 = arith.addi %add3A_297, %add3A_263 : i32
      %get3A_299 = arith.index_cast %add3A_298 : i32 to index
      %get3A_300 = arith.constant 48 : index
      %get3A_301 = tpu.vector_load %arg7[%get3A_299, %get3A_300] {strides = array<i32>} : memref<200x128xf32, #tpu.memory_space<vmem>>, vector<1x16xf32>,
      %get3A_302 = vector.shape_cast %get3A_301 : vector<1x16xf32> to vector<16xf32>
      %swap3A_303 = arith.index_cast %add3A_263 : i32 to index
      %swap3A_304 = arith.constant 48 : index
      %swap3A_305 = tpu.vector_load %arg9[%swap3A_303, %swap3A_304] {strides = array<i32>} : memref<40x128xf32, #tpu.memory_space<vmem>>, vector<1x16xf32>,
      %swap3A_306 = vector.shape_cast %swap3A_305 : vector<1x16xf32> to vector<16xf32>
      %swap3A_307 = vector.shape_cast %get3A_302 : vector<16xf32> to vector<1x16xf32>
      tpu.vector_store %arg9[%swap3A_303, %swap3A_304], %swap3A_307 {strides = array<i32>} : memref<40x128xf32, #tpu.memory_space<vmem>>, vector<1x16xf32>,
      %add3A_308 = arith.constant 40 : i32
      %add3A_309 = arith.addi %add3A_308, %add3A_263 : i32
      %get3A_310 = arith.index_cast %add3A_309 : i32 to index
      %get3A_311 = arith.constant 64 : index
      %get3A_312 = tpu.vector_load %arg7[%get3A_310, %get3A_311] {strides = array<i32>} : memref<200x128xf32, #tpu.memory_space<vmem>>, vector<1x16xf32>,
      %get3A_313 = vector.shape_cast %get3A_312 : vector<1x16xf32> to vector<16xf32>
      %swap3A_314 = arith.index_cast %add3A_263 : i32 to index
      %swap3A_315 = arith.constant 64 : index
      %swap3A_316 = tpu.vector_load %arg9[%swap3A_314, %swap3A_315] {strides = array<i32>} : memref<40x128xf32, #tpu.memory_space<vmem>>, vector<1x16xf32>,
      %swap3A_317 = vector.shape_cast %swap3A_316 : vector<1x16xf32> to vector<16xf32>
      %swap3A_318 = vector.shape_cast %get3A_313 : vector<16xf32> to vector<1x16xf32>
      tpu.vector_store %arg9[%swap3A_314, %swap3A_315], %swap3A_318 {strides = array<i32>} : memref<40x128xf32, #tpu.memory_space<vmem>>, vector<1x16xf32>,
      %add3A_319 = arith.constant 40 : i32
      %add3A_320 = arith.addi %add3A_319, %add3A_263 : i32
      %get3A_321 = arith.index_cast %add3A_320 : i32 to index
      %get3A_322 = arith.constant 80 : index
      %get3A_323 = tpu.vector_load %arg7[%get3A_321, %get3A_322] {strides = array<i32>} : memref<200x128xf32, #tpu.memory_space<vmem>>, vector<1x16xf32>,
      %get3A_324 = vector.shape_cast %get3A_323 : vector<1x16xf32> to vector<16xf32>
      %swap3A_325 = arith.index_cast %add3A_263 : i32 to index
      %swap3A_326 = arith.constant 80 : index
      %swap3A_327 = tpu.vector_load %arg9[%swap3A_325, %swap3A_326] {strides = array<i32>} : memref<40x128xf32, #tpu.memory_space<vmem>>, vector<1x16xf32>,
      %swap3A_328 = vector.shape_cast %swap3A_327 : vector<1x16xf32> to vector<16xf32>
      %swap3A_329 = vector.shape_cast %get3A_324 : vector<16xf32> to vector<1x16xf32>
      tpu.vector_store %arg9[%swap3A_325, %swap3A_326], %swap3A_329 {strides = array<i32>} : memref<40x128xf32, #tpu.memory_space<vmem>>, vector<1x16xf32>,
      %add3A_330 = arith.constant 40 : i32
      %add3A_331 = arith.addi %add3A_330, %add3A_263 : i32
      %get3A_332 = arith.index_cast %add3A_331 : i32 to index
      %get3A_333 = arith.constant 96 : index
      %get3A_334 = tpu.vector_load %arg7[%get3A_332, %get3A_333] {strides = array<i32>} : memref<200x128xf32, #tpu.memory_space<vmem>>, vector<1x16xf32>,
      %get3A_335 = vector.shape_cast %get3A_334 : vector<1x16xf32> to vector<16xf32>
      %swap3A_336 = arith.index_cast %add3A_263 : i32 to index
      %swap3A_337 = arith.constant 96 : index
      %swap3A_338 = tpu.vector_load %arg9[%swap3A_336, %swap3A_337] {strides = array<i32>} : memref<40x128xf32, #tpu.memory_space<vmem>>, vector<1x16xf32>,
      %swap3A_339 = vector.shape_cast %swap3A_338 : vector<1x16xf32> to vector<16xf32>
      %swap3A_340 = vector.shape_cast %get3A_335 : vector<16xf32> to vector<1x16xf32>
      tpu.vector_store %arg9[%swap3A_336, %swap3A_337], %swap3A_340 {strides = array<i32>} : memref<40x128xf32, #tpu.memory_space<vmem>>, vector<1x16xf32>,
      %add3A_341 = arith.constant 40 : i32
      %add3A_342 = arith.addi %add3A_341, %add3A_263 : i32
      %get3A_343 = arith.index_cast %add3A_342 : i32 to index
      %get3A_344 = arith.constant 112 : index
      %get3A_345 = tpu.vector_load %arg7[%get3A_343, %get3A_344] {strides = array<i32>} : memref<200x128xf32, #tpu.memory_space<vmem>>, vector<1x16xf32>,
      %get3A_346 = vector.shape_cast %get3A_345 : vector<1x16xf32> to vector<16xf32>
      %swap3A_347 = arith.index_cast %add3A_263 : i32 to index
      %swap3A_348 = arith.constant 112 : index
      %swap3A_349 = tpu.vector_load %arg9[%swap3A_347, %swap3A_348] {strides = array<i32>} : memref<40x128xf32, #tpu.memory_space<vmem>>, vector<1x16xf32>,
      %swap3A_350 = vector.shape_cast %swap3A_349 : vector<1x16xf32> to vector<16xf32>
      %swap3A_351 = vector.shape_cast %get3A_346 : vector<16xf32> to vector<1x16xf32>
      tpu.vector_store %arg9[%swap3A_347, %swap3A_348], %swap3A_351 {strides = array<i32>} : memref<40x128xf32, #tpu.memory_space<vmem>>, vector<1x16xf32>,
    }
    %scan3A_20 = arith.constant 20 : i32
    %dma_start3A_21 = arith.constant 40 : i32
    %dma_start3A_22 = tpu.memref_slice %arg6[%dma_start3A_21] : memref<6400xi32, #tpu.memory_space<vmem>> -> memref<40xi32, #tpu.memory_space<vmem>>
    %dma_start3A_23 = arith.constant 0 : i32
    %dma_start3A_24 = arith.constant 0 : i32
    %dma_start3A_25 = tpu.memref_slice %arg2[%dma_start3A_23, %dma_start3A_24] : memref<100000x128xf32, #tpu.memory_space<hbm>> -> memref<100000x128xf32, #tpu.memory_space<hbm>>
    tpu.enqueue_indirect_dma source(%dma_start3A_25 : memref<100000x128xf32, #tpu.memory_space<hbm>>) target(%arg9 : memref<40x128xf32, #tpu.memory_space<vmem>>) offsets(%dma_start3A_22 : memref<40xi32, #tpu.memory_space<vmem>>) semaphore(%arg19 : memref<!tpu.dma_semaphore, #tpu.memory_space<semaphore_mem>>) {add = true}
    %scan3A_26 = arith.constant 0 : i32
    %scan3A_27 = arith.constant 0 : i32
    %scan3A_28 = arith.constant 20 : i32
    %scan3A_29 = arith.addi %scan3A_27, %scan3A_28 : i32
    %scan3A_30 = arith.constant 1 : i32
    scf.for %scan3A_169 = %scan3A_27 to %scan3A_29 step %scan3A_30  : i32 {
      %mul3A_170 = arith.constant 2 : i32
      %mul3A_171 = arith.muli %mul3A_170, %scan3A_169 : i32
      %add3A_172 = arith.constant 0 : i32
      %add3A_173 = arith.addi %mul3A_171, %add3A_172 : i32
      %add3A_174 = arith.constant 80 : i32
      %add3A_175 = arith.addi %add3A_174, %add3A_173 : i32
      %get3A = arith.index_cast %add3A_175 : i32 to index
      %get3A_176 = arith.constant 0 : index
      %get3A_177 = tpu.vector_load %arg7[%get3A, %get3A_176] {strides = array<i32>} : memref<200x128xf32, #tpu.memory_space<vmem>>, vector<1x16xf32>,
      %get3A_178 = vector.shape_cast %get3A_177 : vector<1x16xf32> to vector<16xf32>
      %swap3A = arith.index_cast %add3A_173 : i32 to index
      %swap3A_179 = arith.constant 0 : index
      %swap3A_180 = tpu.vector_load %arg10[%swap3A, %swap3A_179] {strides = array<i32>} : memref<40x128xf32, #tpu.memory_space<vmem>>, vector<1x16xf32>,
      %swap3A_181 = vector.shape_cast %swap3A_180 : vector<1x16xf32> to vector<16xf32>
      %swap3A_182 = vector.shape_cast %get3A_178 : vector<16xf32> to vector<1x16xf32>
      tpu.vector_store %arg10[%swap3A, %swap3A_179], %swap3A_182 {strides = array<i32>} : memref<40x128xf32, #tpu.memory_space<vmem>>, vector<1x16xf32>,
      %add3A_183 = arith.constant 80 : i32
      %add3A_184 = arith.addi %add3A_183, %add3A_173 : i32
      %get3A_185 = arith.index_cast %add3A_184 : i32 to index
      %get3A_186 = arith.constant 16 : index
      %get3A_187 = tpu.vector_load %arg7[%get3A_185, %get3A_186] {strides = array<i32>} : memref<200x128xf32, #tpu.memory_space<vmem>>, vector<1x16xf32>,
      %get3A_188 = vector.shape_cast %get3A_187 : vector<1x16xf32> to vector<16xf32>
      %swap3A_189 = arith.index_cast %add3A_173 : i32 to index
      %swap3A_190 = arith.constant 16 : index
      %swap3A_191 = tpu.vector_load %arg10[%swap3A_189, %swap3A_190] {strides = array<i32>} : memref<40x128xf32, #tpu.memory_space<vmem>>, vector<1x16xf32>,
      %swap3A_192 = vector.shape_cast %swap3A_191 : vector<1x16xf32> to vector<16xf32>
      %swap3A_193 = vector.shape_cast %get3A_188 : vector<16xf32> to vector<1x16xf32>
      tpu.vector_store %arg10[%swap3A_189, %swap3A_190], %swap3A_193 {strides = array<i32>} : memref<40x128xf32, #tpu.memory_space<vmem>>, vector<1x16xf32>,
      %add3A_194 = arith.constant 80 : i32
      %add3A_195 = arith.addi %add3A_194, %add3A_173 : i32
      %get3A_196 = arith.index_cast %add3A_195 : i32 to index
      %get3A_197 = arith.constant 32 : index
      %get3A_198 = tpu.vector_load %arg7[%get3A_196, %get3A_197] {strides = array<i32>} : memref<200x128xf32, #tpu.memory_space<vmem>>, vector<1x16xf32>,
      %get3A_199 = vector.shape_cast %get3A_198 : vector<1x16xf32> to vector<16xf32>
      %swap3A_200 = arith.index_cast %add3A_173 : i32 to index
      %swap3A_201 = arith.constant 32 : index
      %swap3A_202 = tpu.vector_load %arg10[%swap3A_200, %swap3A_201] {strides = array<i32>} : memref<40x128xf32, #tpu.memory_space<vmem>>, vector<1x16xf32>,
      %swap3A_203 = vector.shape_cast %swap3A_202 : vector<1x16xf32> to vector<16xf32>
      %swap3A_204 = vector.shape_cast %get3A_199 : vector<16xf32> to vector<1x16xf32>
      tpu.vector_store %arg10[%swap3A_200, %swap3A_201], %swap3A_204 {strides = array<i32>} : memref<40x128xf32, #tpu.memory_space<vmem>>, vector<1x16xf32>,
      %add3A_205 = arith.constant 80 : i32
      %add3A_206 = arith.addi %add3A_205, %add3A_173 : i32
      %get3A_207 = arith.index_cast %add3A_206 : i32 to index
      %get3A_208 = arith.constant 48 : index
      %get3A_209 = tpu.vector_load %arg7[%get3A_207, %get3A_208] {strides = array<i32>} : memref<200x128xf32, #tpu.memory_space<vmem>>, vector<1x16xf32>,
      %get3A_210 = vector.shape_cast %get3A_209 : vector<1x16xf32> to vector<16xf32>
      %swap3A_211 = arith.index_cast %add3A_173 : i32 to index
      %swap3A_212 = arith.constant 48 : index
      %swap3A_213 = tpu.vector_load %arg10[%swap3A_211, %swap3A_212] {strides = array<i32>} : memref<40x128xf32, #tpu.memory_space<vmem>>, vector<1x16xf32>,
      %swap3A_214 = vector.shape_cast %swap3A_213 : vector<1x16xf32> to vector<16xf32>
      %swap3A_215 = vector.shape_cast %get3A_210 : vector<16xf32> to vector<1x16xf32>
      tpu.vector_store %arg10[%swap3A_211, %swap3A_212], %swap3A_215 {strides = array<i32>} : memref<40x128xf32, #tpu.memory_space<vmem>>, vector<1x16xf32>,
      %add3A_216 = arith.constant 80 : i32
      %add3A_217 = arith.addi %add3A_216, %add3A_173 : i32
      %get3A_218 = arith.index_cast %add3A_217 : i32 to index
      %get3A_219 = arith.constant 64 : index
      %get3A_220 = tpu.vector_load %arg7[%get3A_218, %get3A_219] {strides = array<i32>} : memref<200x128xf32, #tpu.memory_space<vmem>>, vector<1x16xf32>,
      %get3A_221 = vector.shape_cast %get3A_220 : vector<1x16xf32> to vector<16xf32>
      %swap3A_222 = arith.index_cast %add3A_173 : i32 to index
      %swap3A_223 = arith.constant 64 : index
      %swap3A_224 = tpu.vector_load %arg10[%swap3A_222, %swap3A_223] {strides = array<i32>} : memref<40x128xf32, #tpu.memory_space<vmem>>, vector<1x16xf32>,
      %swap3A_225 = vector.shape_cast %swap3A_224 : vector<1x16xf32> to vector<16xf32>
      %swap3A_226 = vector.shape_cast %get3A_221 : vector<16xf32> to vector<1x16xf32>
      tpu.vector_store %arg10[%swap3A_222, %swap3A_223], %swap3A_226 {strides = array<i32>} : memref<40x128xf32, #tpu.memory_space<vmem>>, vector<1x16xf32>,
      %add3A_227 = arith.constant 80 : i32
      %add3A_228 = arith.addi %add3A_227, %add3A_173 : i32
      %get3A_229 = arith.index_cast %add3A_228 : i32 to index
      %get3A_230 = arith.constant 80 : index
      %get3A_231 = tpu.vector_load %arg7[%get3A_229, %get3A_230] {strides = array<i32>} : memref<200x128xf32, #tpu.memory_space<vmem>>, vector<1x16xf32>,
      %get3A_232 = vector.shape_cast %get3A_231 : vector<1x16xf32> to vector<16xf32>
      %swap3A_233 = arith.index_cast %add3A_173 : i32 to index
      %swap3A_234 = arith.constant 80 : index
      %swap3A_235 = tpu.vector_load %arg10[%swap3A_233, %swap3A_234] {strides = array<i32>} : memref<40x128xf32, #tpu.memory_space<vmem>>, vector<1x16xf32>,
      %swap3A_236 = vector.shape_cast %swap3A_235 : vector<1x16xf32> to vector<16xf32>
      %swap3A_237 = vector.shape_cast %get3A_232 : vector<16xf32> to vector<1x16xf32>
      tpu.vector_store %arg10[%swap3A_233, %swap3A_234], %swap3A_237 {strides = array<i32>} : memref<40x128xf32, #tpu.memory_space<vmem>>, vector<1x16xf32>,
      %add3A_238 = arith.constant 80 : i32
      %add3A_239 = arith.addi %add3A_238, %add3A_173 : i32
      %get3A_240 = arith.index_cast %add3A_239 : i32 to index
      %get3A_241 = arith.constant 96 : index
      %get3A_242 = tpu.vector_load %arg7[%get3A_240, %get3A_241] {strides = array<i32>} : memref<200x128xf32, #tpu.memory_space<vmem>>, vector<1x16xf32>,
      %get3A_243 = vector.shape_cast %get3A_242 : vector<1x16xf32> to vector<16xf32>
      %swap3A_244 = arith.index_cast %add3A_173 : i32 to index
      %swap3A_245 = arith.constant 96 : index
      %swap3A_246 = tpu.vector_load %arg10[%swap3A_244, %swap3A_245] {strides = array<i32>} : memref<40x128xf32, #tpu.memory_space<vmem>>, vector<1x16xf32>,
      %swap3A_247 = vector.shape_cast %swap3A_246 : vector<1x16xf32> to vector<16xf32>
      %swap3A_248 = vector.shape_cast %get3A_243 : vector<16xf32> to vector<1x16xf32>
      tpu.vector_store %arg10[%swap3A_244, %swap3A_245], %swap3A_248 {strides = array<i32>} : memref<40x128xf32, #tpu.memory_space<vmem>>, vector<1x16xf32>,
      %add3A_249 = arith.constant 80 : i32
      %add3A_250 = arith.addi %add3A_249, %add3A_173 : i32
      %get3A_251 = arith.index_cast %add3A_250 : i32 to index
      %get3A_252 = arith.constant 112 : index
      %get3A_253 = tpu.vector_load %arg7[%get3A_251, %get3A_252] {strides = array<i32>} : memref<200x128xf32, #tpu.memory_space<vmem>>, vector<1x16xf32>,
      %get3A_254 = vector.shape_cast %get3A_253 : vector<1x16xf32> to vector<16xf32>
      %swap3A_255 = arith.index_cast %add3A_173 : i32 to index
      %swap3A_256 = arith.constant 112 : index
      %swap3A_257 = tpu.vector_load %arg10[%swap3A_255, %swap3A_256] {strides = array<i32>} : memref<40x128xf32, #tpu.memory_space<vmem>>, vector<1x16xf32>,
      %swap3A_258 = vector.shape_cast %swap3A_257 : vector<1x16xf32> to vector<16xf32>
      %swap3A_259 = vector.shape_cast %get3A_254 : vector<16xf32> to vector<1x16xf32>
      tpu.vector_store %arg10[%swap3A_255, %swap3A_256], %swap3A_259 {strides = array<i32>} : memref<40x128xf32, #tpu.memory_space<vmem>>, vector<1x16xf32>,
      %mul3A_260 = arith.constant 2 : i32
      %mul3A_261 = arith.muli %mul3A_260, %scan3A_169 : i32
      %add3A_262 = arith.constant 1 : i32
      %add3A_263 = arith.addi %mul3A_261, %add3A_262 : i32
      %add3A_264 = arith.constant 80 : i32
      %add3A_265 = arith.addi %add3A_264, %add3A_263 : i32
      %get3A_266 = arith.index_cast %add3A_265 : i32 to index
      %get3A_267 = arith.constant 0 : index
      %get3A_268 = tpu.vector_load %arg7[%get3A_266, %get3A_267] {strides = array<i32>} : memref<200x128xf32, #tpu.memory_space<vmem>>, vector<1x16xf32>,
      %get3A_269 = vector.shape_cast %get3A_268 : vector<1x16xf32> to vector<16xf32>
      %swap3A_270 = arith.index_cast %add3A_263 : i32 to index
      %swap3A_271 = arith.constant 0 : index
      %swap3A_272 = tpu.vector_load %arg10[%swap3A_270, %swap3A_271] {strides = array<i32>} : memref<40x128xf32, #tpu.memory_space<vmem>>, vector<1x16xf32>,
      %swap3A_273 = vector.shape_cast %swap3A_272 : vector<1x16xf32> to vector<16xf32>
      %swap3A_274 = vector.shape_cast %get3A_269 : vector<16xf32> to vector<1x16xf32>
      tpu.vector_store %arg10[%swap3A_270, %swap3A_271], %swap3A_274 {strides = array<i32>} : memref<40x128xf32, #tpu.memory_space<vmem>>, vector<1x16xf32>,
      %add3A_275 = arith.constant 80 : i32
      %add3A_276 = arith.addi %add3A_275, %add3A_263 : i32
      %get3A_277 = arith.index_cast %add3A_276 : i32 to index
      %get3A_278 = arith.constant 16 : index
      %get3A_279 = tpu.vector_load %arg7[%get3A_277, %get3A_278] {strides = array<i32>} : memref<200x128xf32, #tpu.memory_space<vmem>>, vector<1x16xf32>,
      %get3A_280 = vector.shape_cast %get3A_279 : vector<1x16xf32> to vector<16xf32>
      %swap3A_281 = arith.index_cast %add3A_263 : i32 to index
      %swap3A_282 = arith.constant 16 : index
      %swap3A_283 = tpu.vector_load %arg10[%swap3A_281, %swap3A_282] {strides = array<i32>} : memref<40x128xf32, #tpu.memory_space<vmem>>, vector<1x16xf32>,
      %swap3A_284 = vector.shape_cast %swap3A_283 : vector<1x16xf32> to vector<16xf32>
      %swap3A_285 = vector.shape_cast %get3A_280 : vector<16xf32> to vector<1x16xf32>
      tpu.vector_store %arg10[%swap3A_281, %swap3A_282], %swap3A_285 {strides = array<i32>} : memref<40x128xf32, #tpu.memory_space<vmem>>, vector<1x16xf32>,
      %add3A_286 = arith.constant 80 : i32
      %add3A_287 = arith.addi %add3A_286, %add3A_263 : i32
      %get3A_288 = arith.index_cast %add3A_287 : i32 to index
      %get3A_289 = arith.constant 32 : index
      %get3A_290 = tpu.vector_load %arg7[%get3A_288, %get3A_289] {strides = array<i32>} : memref<200x128xf32, #tpu.memory_space<vmem>>, vector<1x16xf32>,
      %get3A_291 = vector.shape_cast %get3A_290 : vector<1x16xf32> to vector<16xf32>
      %swap3A_292 = arith.index_cast %add3A_263 : i32 to index
      %swap3A_293 = arith.constant 32 : index
      %swap3A_294 = tpu.vector_load %arg10[%swap3A_292, %swap3A_293] {strides = array<i32>} : memref<40x128xf32, #tpu.memory_space<vmem>>, vector<1x16xf32>,
      %swap3A_295 = vector.shape_cast %swap3A_294 : vector<1x16xf32> to vector<16xf32>
      %swap3A_296 = vector.shape_cast %get3A_291 : vector<16xf32> to vector<1x16xf32>
      tpu.vector_store %arg10[%swap3A_292, %swap3A_293], %swap3A_296 {strides = array<i32>} : memref<40x128xf32, #tpu.memory_space<vmem>>, vector<1x16xf32>,
      %add3A_297 = arith.constant 80 : i32
      %add3A_298 = arith.addi %add3A_297, %add3A_263 : i32
      %get3A_299 = arith.index_cast %add3A_298 : i32 to index
      %get3A_300 = arith.constant 48 : index
      %get3A_301 = tpu.vector_load %arg7[%get3A_299, %get3A_300] {strides = array<i32>} : memref<200x128xf32, #tpu.memory_space<vmem>>, vector<1x16xf32>,
      %get3A_302 = vector.shape_cast %get3A_301 : vector<1x16xf32> to vector<16xf32>
      %swap3A_303 = arith.index_cast %add3A_263 : i32 to index
      %swap3A_304 = arith.constant 48 : index
      %swap3A_305 = tpu.vector_load %arg10[%swap3A_303, %swap3A_304] {strides = array<i32>} : memref<40x128xf32, #tpu.memory_space<vmem>>, vector<1x16xf32>,
      %swap3A_306 = vector.shape_cast %swap3A_305 : vector<1x16xf32> to vector<16xf32>
      %swap3A_307 = vector.shape_cast %get3A_302 : vector<16xf32> to vector<1x16xf32>
      tpu.vector_store %arg10[%swap3A_303, %swap3A_304], %swap3A_307 {strides = array<i32>} : memref<40x128xf32, #tpu.memory_space<vmem>>, vector<1x16xf32>,
      %add3A_308 = arith.constant 80 : i32
      %add3A_309 = arith.addi %add3A_308, %add3A_263 : i32
      %get3A_310 = arith.index_cast %add3A_309 : i32 to index
      %get3A_311 = arith.constant 64 : index
      %get3A_312 = tpu.vector_load %arg7[%get3A_310, %get3A_311] {strides = array<i32>} : memref<200x128xf32, #tpu.memory_space<vmem>>, vector<1x16xf32>,
      %get3A_313 = vector.shape_cast %get3A_312 : vector<1x16xf32> to vector<16xf32>
      %swap3A_314 = arith.index_cast %add3A_263 : i32 to index
      %swap3A_315 = arith.constant 64 : index
      %swap3A_316 = tpu.vector_load %arg10[%swap3A_314, %swap3A_315] {strides = array<i32>} : memref<40x128xf32, #tpu.memory_space<vmem>>, vector<1x16xf32>,
      %swap3A_317 = vector.shape_cast %swap3A_316 : vector<1x16xf32> to vector<16xf32>
      %swap3A_318 = vector.shape_cast %get3A_313 : vector<16xf32> to vector<1x16xf32>
      tpu.vector_store %arg10[%swap3A_314, %swap3A_315], %swap3A_318 {strides = array<i32>} : memref<40x128xf32, #tpu.memory_space<vmem>>, vector<1x16xf32>,
      %add3A_319 = arith.constant 80 : i32
      %add3A_320 = arith.addi %add3A_319, %add3A_263 : i32
      %get3A_321 = arith.index_cast %add3A_320 : i32 to index
      %get3A_322 = arith.constant 80 : index
      %get3A_323 = tpu.vector_load %arg7[%get3A_321, %get3A_322] {strides = array<i32>} : memref<200x128xf32, #tpu.memory_space<vmem>>, vector<1x16xf32>,
      %get3A_324 = vector.shape_cast %get3A_323 : vector<1x16xf32> to vector<16xf32>
      %swap3A_325 = arith.index_cast %add3A_263 : i32 to index
      %swap3A_326 = arith.constant 80 : index
      %swap3A_327 = tpu.vector_load %arg10[%swap3A_325, %swap3A_326] {strides = array<i32>} : memref<40x128xf32, #tpu.memory_space<vmem>>, vector<1x16xf32>,
      %swap3A_328 = vector.shape_cast %swap3A_327 : vector<1x16xf32> to vector<16xf32>
      %swap3A_329 = vector.shape_cast %get3A_324 : vector<16xf32> to vector<1x16xf32>
      tpu.vector_store %arg10[%swap3A_325, %swap3A_326], %swap3A_329 {strides = array<i32>} : memref<40x128xf32, #tpu.memory_space<vmem>>, vector<1x16xf32>,
      %add3A_330 = arith.constant 80 : i32
      %add3A_331 = arith.addi %add3A_330, %add3A_263 : i32
      %get3A_332 = arith.index_cast %add3A_331 : i32 to index
      %get3A_333 = arith.constant 96 : index
      %get3A_334 = tpu.vector_load %arg7[%get3A_332, %get3A_333] {strides = array<i32>} : memref<200x128xf32, #tpu.memory_space<vmem>>, vector<1x16xf32>,
      %get3A_335 = vector.shape_cast %get3A_334 : vector<1x16xf32> to vector<16xf32>
      %swap3A_336 = arith.index_cast %add3A_263 : i32 to index
      %swap3A_337 = arith.constant 96 : index
      %swap3A_338 = tpu.vector_load %arg10[%swap3A_336, %swap3A_337] {strides = array<i32>} : memref<40x128xf32, #tpu.memory_space<vmem>>, vector<1x16xf32>,
      %swap3A_339 = vector.shape_cast %swap3A_338 : vector<1x16xf32> to vector<16xf32>
      %swap3A_340 = vector.shape_cast %get3A_335 : vector<16xf32> to vector<1x16xf32>
      tpu.vector_store %arg10[%swap3A_336, %swap3A_337], %swap3A_340 {strides = array<i32>} : memref<40x128xf32, #tpu.memory_space<vmem>>, vector<1x16xf32>,
      %add3A_341 = arith.constant 80 : i32
      %add3A_342 = arith.addi %add3A_341, %add3A_263 : i32
      %get3A_343 = arith.index_cast %add3A_342 : i32 to index
      %get3A_344 = arith.constant 112 : index
      %get3A_345 = tpu.vector_load %arg7[%get3A_343, %get3A_344] {strides = array<i32>} : memref<200x128xf32, #tpu.memory_space<vmem>>, vector<1x16xf32>,
      %get3A_346 = vector.shape_cast %get3A_345 : vector<1x16xf32> to vector<16xf32>
      %swap3A_347 = arith.index_cast %add3A_263 : i32 to index
      %swap3A_348 = arith.constant 112 : index
      %swap3A_349 = tpu.vector_load %arg10[%swap3A_347, %swap3A_348] {strides = array<i32>} : memref<40x128xf32, #tpu.memory_space<vmem>>, vector<1x16xf32>,
      %swap3A_350 = vector.shape_cast %swap3A_349 : vector<1x16xf32> to vector<16xf32>
      %swap3A_351 = vector.shape_cast %get3A_346 : vector<16xf32> to vector<1x16xf32>
      tpu.vector_store %arg10[%swap3A_347, %swap3A_348], %swap3A_351 {strides = array<i32>} : memref<40x128xf32, #tpu.memory_space<vmem>>, vector<1x16xf32>,
    }
    %scan3A_31 = arith.constant 20 : i32
    %dma_start3A_32 = arith.constant 80 : i32
    %dma_start3A_33 = tpu.memref_slice %arg6[%dma_start3A_32] : memref<6400xi32, #tpu.memory_space<vmem>> -> memref<40xi32, #tpu.memory_space<vmem>>
    %dma_start3A_34 = arith.constant 0 : i32
    %dma_start3A_35 = arith.constant 0 : i32
    %dma_start3A_36 = tpu.memref_slice %arg2[%dma_start3A_34, %dma_start3A_35] : memref<100000x128xf32, #tpu.memory_space<hbm>> -> memref<100000x128xf32, #tpu.memory_space<hbm>>
    tpu.enqueue_indirect_dma source(%dma_start3A_36 : memref<100000x128xf32, #tpu.memory_space<hbm>>) target(%arg10 : memref<40x128xf32, #tpu.memory_space<vmem>>) offsets(%dma_start3A_33 : memref<40xi32, #tpu.memory_space<vmem>>) semaphore(%arg20 : memref<!tpu.dma_semaphore, #tpu.memory_space<semaphore_mem>>) {add = true}
    %scan3A_37 = arith.constant 0 : i32
    %scan3A_38 = arith.constant 0 : i32
    %scan3A_39 = arith.constant 20 : i32
    %scan3A_40 = arith.addi %scan3A_38, %scan3A_39 : i32
    %scan3A_41 = arith.constant 1 : i32
    scf.for %scan3A_169 = %scan3A_38 to %scan3A_40 step %scan3A_41  : i32 {
      %mul3A_170 = arith.constant 2 : i32
      %mul3A_171 = arith.muli %mul3A_170, %scan3A_169 : i32
      %add3A_172 = arith.constant 0 : i32
      %add3A_173 = arith.addi %mul3A_171, %add3A_172 : i32
      %add3A_174 = arith.constant 120 : i32
      %add3A_175 = arith.addi %add3A_174, %add3A_173 : i32
      %get3A = arith.index_cast %add3A_175 : i32 to index
      %get3A_176 = arith.constant 0 : index
      %get3A_177 = tpu.vector_load %arg7[%get3A, %get3A_176] {strides = array<i32>} : memref<200x128xf32, #tpu.memory_space<vmem>>, vector<1x16xf32>,
      %get3A_178 = vector.shape_cast %get3A_177 : vector<1x16xf32> to vector<16xf32>
      %swap3A = arith.index_cast %add3A_173 : i32 to index
      %swap3A_179 = arith.constant 0 : index
      %swap3A_180 = tpu.vector_load %arg11[%swap3A, %swap3A_179] {strides = array<i32>} : memref<40x128xf32, #tpu.memory_space<vmem>>, vector<1x16xf32>,
      %swap3A_181 = vector.shape_cast %swap3A_180 : vector<1x16xf32> to vector<16xf32>
      %swap3A_182 = vector.shape_cast %get3A_178 : vector<16xf32> to vector<1x16xf32>
      tpu.vector_store %arg11[%swap3A, %swap3A_179], %swap3A_182 {strides = array<i32>} : memref<40x128xf32, #tpu.memory_space<vmem>>, vector<1x16xf32>,
      %add3A_183 = arith.constant 120 : i32
      %add3A_184 = arith.addi %add3A_183, %add3A_173 : i32
      %get3A_185 = arith.index_cast %add3A_184 : i32 to index
      %get3A_186 = arith.constant 16 : index
      %get3A_187 = tpu.vector_load %arg7[%get3A_185, %get3A_186] {strides = array<i32>} : memref<200x128xf32, #tpu.memory_space<vmem>>, vector<1x16xf32>,
      %get3A_188 = vector.shape_cast %get3A_187 : vector<1x16xf32> to vector<16xf32>
      %swap3A_189 = arith.index_cast %add3A_173 : i32 to index
      %swap3A_190 = arith.constant 16 : index
      %swap3A_191 = tpu.vector_load %arg11[%swap3A_189, %swap3A_190] {strides = array<i32>} : memref<40x128xf32, #tpu.memory_space<vmem>>, vector<1x16xf32>,
      %swap3A_192 = vector.shape_cast %swap3A_191 : vector<1x16xf32> to vector<16xf32>
      %swap3A_193 = vector.shape_cast %get3A_188 : vector<16xf32> to vector<1x16xf32>
      tpu.vector_store %arg11[%swap3A_189, %swap3A_190], %swap3A_193 {strides = array<i32>} : memref<40x128xf32, #tpu.memory_space<vmem>>, vector<1x16xf32>,
      %add3A_194 = arith.constant 120 : i32
      %add3A_195 = arith.addi %add3A_194, %add3A_173 : i32
      %get3A_196 = arith.index_cast %add3A_195 : i32 to index
      %get3A_197 = arith.constant 32 : index
      %get3A_198 = tpu.vector_load %arg7[%get3A_196, %get3A_197] {strides = array<i32>} : memref<200x128xf32, #tpu.memory_space<vmem>>, vector<1x16xf32>,
      %get3A_199 = vector.shape_cast %get3A_198 : vector<1x16xf32> to vector<16xf32>
      %swap3A_200 = arith.index_cast %add3A_173 : i32 to index
      %swap3A_201 = arith.constant 32 : index
      %swap3A_202 = tpu.vector_load %arg11[%swap3A_200, %swap3A_201] {strides = array<i32>} : memref<40x128xf32, #tpu.memory_space<vmem>>, vector<1x16xf32>,
      %swap3A_203 = vector.shape_cast %swap3A_202 : vector<1x16xf32> to vector<16xf32>
      %swap3A_204 = vector.shape_cast %get3A_199 : vector<16xf32> to vector<1x16xf32>
      tpu.vector_store %arg11[%swap3A_200, %swap3A_201], %swap3A_204 {strides = array<i32>} : memref<40x128xf32, #tpu.memory_space<vmem>>, vector<1x16xf32>,
      %add3A_205 = arith.constant 120 : i32
      %add3A_206 = arith.addi %add3A_205, %add3A_173 : i32
      %get3A_207 = arith.index_cast %add3A_206 : i32 to index
      %get3A_208 = arith.constant 48 : index
      %get3A_209 = tpu.vector_load %arg7[%get3A_207, %get3A_208] {strides = array<i32>} : memref<200x128xf32, #tpu.memory_space<vmem>>, vector<1x16xf32>,
      %get3A_210 = vector.shape_cast %get3A_209 : vector<1x16xf32> to vector<16xf32>
      %swap3A_211 = arith.index_cast %add3A_173 : i32 to index
      %swap3A_212 = arith.constant 48 : index
      %swap3A_213 = tpu.vector_load %arg11[%swap3A_211, %swap3A_212] {strides = array<i32>} : memref<40x128xf32, #tpu.memory_space<vmem>>, vector<1x16xf32>,
      %swap3A_214 = vector.shape_cast %swap3A_213 : vector<1x16xf32> to vector<16xf32>
      %swap3A_215 = vector.shape_cast %get3A_210 : vector<16xf32> to vector<1x16xf32>
      tpu.vector_store %arg11[%swap3A_211, %swap3A_212], %swap3A_215 {strides = array<i32>} : memref<40x128xf32, #tpu.memory_space<vmem>>, vector<1x16xf32>,
      %add3A_216 = arith.constant 120 : i32
      %add3A_217 = arith.addi %add3A_216, %add3A_173 : i32
      %get3A_218 = arith.index_cast %add3A_217 : i32 to index
      %get3A_219 = arith.constant 64 : index
      %get3A_220 = tpu.vector_load %arg7[%get3A_218, %get3A_219] {strides = array<i32>} : memref<200x128xf32, #tpu.memory_space<vmem>>, vector<1x16xf32>,
      %get3A_221 = vector.shape_cast %get3A_220 : vector<1x16xf32> to vector<16xf32>
      %swap3A_222 = arith.index_cast %add3A_173 : i32 to index
      %swap3A_223 = arith.constant 64 : index
      %swap3A_224 = tpu.vector_load %arg11[%swap3A_222, %swap3A_223] {strides = array<i32>} : memref<40x128xf32, #tpu.memory_space<vmem>>, vector<1x16xf32>,
      %swap3A_225 = vector.shape_cast %swap3A_224 : vector<1x16xf32> to vector<16xf32>
      %swap3A_226 = vector.shape_cast %get3A_221 : vector<16xf32> to vector<1x16xf32>
      tpu.vector_store %arg11[%swap3A_222, %swap3A_223], %swap3A_226 {strides = array<i32>} : memref<40x128xf32, #tpu.memory_space<vmem>>, vector<1x16xf32>,
      %add3A_227 = arith.constant 120 : i32
      %add3A_228 = arith.addi %add3A_227, %add3A_173 : i32
      %get3A_229 = arith.index_cast %add3A_228 : i32 to index
      %get3A_230 = arith.constant 80 : index
      %get3A_231 = tpu.vector_load %arg7[%get3A_229, %get3A_230] {strides = array<i32>} : memref<200x128xf32, #tpu.memory_space<vmem>>, vector<1x16xf32>,
      %get3A_232 = vector.shape_cast %get3A_231 : vector<1x16xf32> to vector<16xf32>
      %swap3A_233 = arith.index_cast %add3A_173 : i32 to index
      %swap3A_234 = arith.constant 80 : index
      %swap3A_235 = tpu.vector_load %arg11[%swap3A_233, %swap3A_234] {strides = array<i32>} : memref<40x128xf32, #tpu.memory_space<vmem>>, vector<1x16xf32>,
      %swap3A_236 = vector.shape_cast %swap3A_235 : vector<1x16xf32> to vector<16xf32>
      %swap3A_237 = vector.shape_cast %get3A_232 : vector<16xf32> to vector<1x16xf32>
      tpu.vector_store %arg11[%swap3A_233, %swap3A_234], %swap3A_237 {strides = array<i32>} : memref<40x128xf32, #tpu.memory_space<vmem>>, vector<1x16xf32>,
      %add3A_238 = arith.constant 120 : i32
      %add3A_239 = arith.addi %add3A_238, %add3A_173 : i32
      %get3A_240 = arith.index_cast %add3A_239 : i32 to index
      %get3A_241 = arith.constant 96 : index
      %get3A_242 = tpu.vector_load %arg7[%get3A_240, %get3A_241] {strides = array<i32>} : memref<200x128xf32, #tpu.memory_space<vmem>>, vector<1x16xf32>,
      %get3A_243 = vector.shape_cast %get3A_242 : vector<1x16xf32> to vector<16xf32>
      %swap3A_244 = arith.index_cast %add3A_173 : i32 to index
      %swap3A_245 = arith.constant 96 : index
      %swap3A_246 = tpu.vector_load %arg11[%swap3A_244, %swap3A_245] {strides = array<i32>} : memref<40x128xf32, #tpu.memory_space<vmem>>, vector<1x16xf32>,
      %swap3A_247 = vector.shape_cast %swap3A_246 : vector<1x16xf32> to vector<16xf32>
      %swap3A_248 = vector.shape_cast %get3A_243 : vector<16xf32> to vector<1x16xf32>
      tpu.vector_store %arg11[%swap3A_244, %swap3A_245], %swap3A_248 {strides = array<i32>} : memref<40x128xf32, #tpu.memory_space<vmem>>, vector<1x16xf32>,
      %add3A_249 = arith.constant 120 : i32
      %add3A_250 = arith.addi %add3A_249, %add3A_173 : i32
      %get3A_251 = arith.index_cast %add3A_250 : i32 to index
      %get3A_252 = arith.constant 112 : index
      %get3A_253 = tpu.vector_load %arg7[%get3A_251, %get3A_252] {strides = array<i32>} : memref<200x128xf32, #tpu.memory_space<vmem>>, vector<1x16xf32>,
      %get3A_254 = vector.shape_cast %get3A_253 : vector<1x16xf32> to vector<16xf32>
      %swap3A_255 = arith.index_cast %add3A_173 : i32 to index
      %swap3A_256 = arith.constant 112 : index
      %swap3A_257 = tpu.vector_load %arg11[%swap3A_255, %swap3A_256] {strides = array<i32>} : memref<40x128xf32, #tpu.memory_space<vmem>>, vector<1x16xf32>,
      %swap3A_258 = vector.shape_cast %swap3A_257 : vector<1x16xf32> to vector<16xf32>
      %swap3A_259 = vector.shape_cast %get3A_254 : vector<16xf32> to vector<1x16xf32>
      tpu.vector_store %arg11[%swap3A_255, %swap3A_256], %swap3A_259 {strides = array<i32>} : memref<40x128xf32, #tpu.memory_space<vmem>>, vector<1x16xf32>,
      %mul3A_260 = arith.constant 2 : i32
      %mul3A_261 = arith.muli %mul3A_260, %scan3A_169 : i32
      %add3A_262 = arith.constant 1 : i32
      %add3A_263 = arith.addi %mul3A_261, %add3A_262 : i32
      %add3A_264 = arith.constant 120 : i32
      %add3A_265 = arith.addi %add3A_264, %add3A_263 : i32
      %get3A_266 = arith.index_cast %add3A_265 : i32 to index
      %get3A_267 = arith.constant 0 : index
      %get3A_268 = tpu.vector_load %arg7[%get3A_266, %get3A_267] {strides = array<i32>} : memref<200x128xf32, #tpu.memory_space<vmem>>, vector<1x16xf32>,
      %get3A_269 = vector.shape_cast %get3A_268 : vector<1x16xf32> to vector<16xf32>
      %swap3A_270 = arith.index_cast %add3A_263 : i32 to index
      %swap3A_271 = arith.constant 0 : index
      %swap3A_272 = tpu.vector_load %arg11[%swap3A_270, %swap3A_271] {strides = array<i32>} : memref<40x128xf32, #tpu.memory_space<vmem>>, vector<1x16xf32>,
      %swap3A_273 = vector.shape_cast %swap3A_272 : vector<1x16xf32> to vector<16xf32>
      %swap3A_274 = vector.shape_cast %get3A_269 : vector<16xf32> to vector<1x16xf32>
      tpu.vector_store %arg11[%swap3A_270, %swap3A_271], %swap3A_274 {strides = array<i32>} : memref<40x128xf32, #tpu.memory_space<vmem>>, vector<1x16xf32>,
      %add3A_275 = arith.constant 120 : i32
      %add3A_276 = arith.addi %add3A_275, %add3A_263 : i32
      %get3A_277 = arith.index_cast %add3A_276 : i32 to index
      %get3A_278 = arith.constant 16 : index
      %get3A_279 = tpu.vector_load %arg7[%get3A_277, %get3A_278] {strides = array<i32>} : memref<200x128xf32, #tpu.memory_space<vmem>>, vector<1x16xf32>,
      %get3A_280 = vector.shape_cast %get3A_279 : vector<1x16xf32> to vector<16xf32>
      %swap3A_281 = arith.index_cast %add3A_263 : i32 to index
      %swap3A_282 = arith.constant 16 : index
      %swap3A_283 = tpu.vector_load %arg11[%swap3A_281, %swap3A_282] {strides = array<i32>} : memref<40x128xf32, #tpu.memory_space<vmem>>, vector<1x16xf32>,
      %swap3A_284 = vector.shape_cast %swap3A_283 : vector<1x16xf32> to vector<16xf32>
      %swap3A_285 = vector.shape_cast %get3A_280 : vector<16xf32> to vector<1x16xf32>
      tpu.vector_store %arg11[%swap3A_281, %swap3A_282], %swap3A_285 {strides = array<i32>} : memref<40x128xf32, #tpu.memory_space<vmem>>, vector<1x16xf32>,
      %add3A_286 = arith.constant 120 : i32
      %add3A_287 = arith.addi %add3A_286, %add3A_263 : i32
      %get3A_288 = arith.index_cast %add3A_287 : i32 to index
      %get3A_289 = arith.constant 32 : index
      %get3A_290 = tpu.vector_load %arg7[%get3A_288, %get3A_289] {strides = array<i32>} : memref<200x128xf32, #tpu.memory_space<vmem>>, vector<1x16xf32>,
      %get3A_291 = vector.shape_cast %get3A_290 : vector<1x16xf32> to vector<16xf32>
      %swap3A_292 = arith.index_cast %add3A_263 : i32 to index
      %swap3A_293 = arith.constant 32 : index
      %swap3A_294 = tpu.vector_load %arg11[%swap3A_292, %swap3A_293] {strides = array<i32>} : memref<40x128xf32, #tpu.memory_space<vmem>>, vector<1x16xf32>,
      %swap3A_295 = vector.shape_cast %swap3A_294 : vector<1x16xf32> to vector<16xf32>
      %swap3A_296 = vector.shape_cast %get3A_291 : vector<16xf32> to vector<1x16xf32>
      tpu.vector_store %arg11[%swap3A_292, %swap3A_293], %swap3A_296 {strides = array<i32>} : memref<40x128xf32, #tpu.memory_space<vmem>>, vector<1x16xf32>,
      %add3A_297 = arith.constant 120 : i32
      %add3A_298 = arith.addi %add3A_297, %add3A_263 : i32
      %get3A_299 = arith.index_cast %add3A_298 : i32 to index
      %get3A_300 = arith.constant 48 : index
      %get3A_301 = tpu.vector_load %arg7[%get3A_299, %get3A_300] {strides = array<i32>} : memref<200x128xf32, #tpu.memory_space<vmem>>, vector<1x16xf32>,
      %get3A_302 = vector.shape_cast %get3A_301 : vector<1x16xf32> to vector<16xf32>
      %swap3A_303 = arith.index_cast %add3A_263 : i32 to index
      %swap3A_304 = arith.constant 48 : index
      %swap3A_305 = tpu.vector_load %arg11[%swap3A_303, %swap3A_304] {strides = array<i32>} : memref<40x128xf32, #tpu.memory_space<vmem>>, vector<1x16xf32>,
      %swap3A_306 = vector.shape_cast %swap3A_305 : vector<1x16xf32> to vector<16xf32>
      %swap3A_307 = vector.shape_cast %get3A_302 : vector<16xf32> to vector<1x16xf32>
      tpu.vector_store %arg11[%swap3A_303, %swap3A_304], %swap3A_307 {strides = array<i32>} : memref<40x128xf32, #tpu.memory_space<vmem>>, vector<1x16xf32>,
      %add3A_308 = arith.constant 120 : i32
      %add3A_309 = arith.addi %add3A_308, %add3A_263 : i32
      %get3A_310 = arith.index_cast %add3A_309 : i32 to index
      %get3A_311 = arith.constant 64 : index
      %get3A_312 = tpu.vector_load %arg7[%get3A_310, %get3A_311] {strides = array<i32>} : memref<200x128xf32, #tpu.memory_space<vmem>>, vector<1x16xf32>,
      %get3A_313 = vector.shape_cast %get3A_312 : vector<1x16xf32> to vector<16xf32>
      %swap3A_314 = arith.index_cast %add3A_263 : i32 to index
      %swap3A_315 = arith.constant 64 : index
      %swap3A_316 = tpu.vector_load %arg11[%swap3A_314, %swap3A_315] {strides = array<i32>} : memref<40x128xf32, #tpu.memory_space<vmem>>, vector<1x16xf32>,
      %swap3A_317 = vector.shape_cast %swap3A_316 : vector<1x16xf32> to vector<16xf32>
      %swap3A_318 = vector.shape_cast %get3A_313 : vector<16xf32> to vector<1x16xf32>
      tpu.vector_store %arg11[%swap3A_314, %swap3A_315], %swap3A_318 {strides = array<i32>} : memref<40x128xf32, #tpu.memory_space<vmem>>, vector<1x16xf32>,
      %add3A_319 = arith.constant 120 : i32
      %add3A_320 = arith.addi %add3A_319, %add3A_263 : i32
      %get3A_321 = arith.index_cast %add3A_320 : i32 to index
      %get3A_322 = arith.constant 80 : index
      %get3A_323 = tpu.vector_load %arg7[%get3A_321, %get3A_322] {strides = array<i32>} : memref<200x128xf32, #tpu.memory_space<vmem>>, vector<1x16xf32>,
      %get3A_324 = vector.shape_cast %get3A_323 : vector<1x16xf32> to vector<16xf32>
      %swap3A_325 = arith.index_cast %add3A_263 : i32 to index
      %swap3A_326 = arith.constant 80 : index
      %swap3A_327 = tpu.vector_load %arg11[%swap3A_325, %swap3A_326] {strides = array<i32>} : memref<40x128xf32, #tpu.memory_space<vmem>>, vector<1x16xf32>,
      %swap3A_328 = vector.shape_cast %swap3A_327 : vector<1x16xf32> to vector<16xf32>
      %swap3A_329 = vector.shape_cast %get3A_324 : vector<16xf32> to vector<1x16xf32>
      tpu.vector_store %arg11[%swap3A_325, %swap3A_326], %swap3A_329 {strides = array<i32>} : memref<40x128xf32, #tpu.memory_space<vmem>>, vector<1x16xf32>,
      %add3A_330 = arith.constant 120 : i32
      %add3A_331 = arith.addi %add3A_330, %add3A_263 : i32
      %get3A_332 = arith.index_cast %add3A_331 : i32 to index
      %get3A_333 = arith.constant 96 : index
      %get3A_334 = tpu.vector_load %arg7[%get3A_332, %get3A_333] {strides = array<i32>} : memref<200x128xf32, #tpu.memory_space<vmem>>, vector<1x16xf32>,
      %get3A_335 = vector.shape_cast %get3A_334 : vector<1x16xf32> to vector<16xf32>
      %swap3A_336 = arith.index_cast %add3A_263 : i32 to index
      %swap3A_337 = arith.constant 96 : index
      %swap3A_338 = tpu.vector_load %arg11[%swap3A_336, %swap3A_337] {strides = array<i32>} : memref<40x128xf32, #tpu.memory_space<vmem>>, vector<1x16xf32>,
      %swap3A_339 = vector.shape_cast %swap3A_338 : vector<1x16xf32> to vector<16xf32>
      %swap3A_340 = vector.shape_cast %get3A_335 : vector<16xf32> to vector<1x16xf32>
      tpu.vector_store %arg11[%swap3A_336, %swap3A_337], %swap3A_340 {strides = array<i32>} : memref<40x128xf32, #tpu.memory_space<vmem>>, vector<1x16xf32>,
      %add3A_341 = arith.constant 120 : i32
      %add3A_342 = arith.addi %add3A_341, %add3A_263 : i32
      %get3A_343 = arith.index_cast %add3A_342 : i32 to index
      %get3A_344 = arith.constant 112 : index
      %get3A_345 = tpu.vector_load %arg7[%get3A_343, %get3A_344] {strides = array<i32>} : memref<200x128xf32, #tpu.memory_space<vmem>>, vector<1x16xf32>,
      %get3A_346 = vector.shape_cast %get3A_345 : vector<1x16xf32> to vector<16xf32>
      %swap3A_347 = arith.index_cast %add3A_263 : i32 to index
      %swap3A_348 = arith.constant 112 : index
      %swap3A_349 = tpu.vector_load %arg11[%swap3A_347, %swap3A_348] {strides = array<i32>} : memref<40x128xf32, #tpu.memory_space<vmem>>, vector<1x16xf32>,
      %swap3A_350 = vector.shape_cast %swap3A_349 : vector<1x16xf32> to vector<16xf32>
      %swap3A_351 = vector.shape_cast %get3A_346 : vector<16xf32> to vector<1x16xf32>
      tpu.vector_store %arg11[%swap3A_347, %swap3A_348], %swap3A_351 {strides = array<i32>} : memref<40x128xf32, #tpu.memory_space<vmem>>, vector<1x16xf32>,
    }
    %scan3A_42 = arith.constant 20 : i32
    %dma_start3A_43 = arith.constant 120 : i32
    %dma_start3A_44 = tpu.memref_slice %arg6[%dma_start3A_43] : memref<6400xi32, #tpu.memory_space<vmem>> -> memref<40xi32, #tpu.memory_space<vmem>>
    %dma_start3A_45 = arith.constant 0 : i32
    %dma_start3A_46 = arith.constant 0 : i32
    %dma_start3A_47 = tpu.memref_slice %arg2[%dma_start3A_45, %dma_start3A_46] : memref<100000x128xf32, #tpu.memory_space<hbm>> -> memref<100000x128xf32, #tpu.memory_space<hbm>>
    tpu.enqueue_indirect_dma source(%dma_start3A_47 : memref<100000x128xf32, #tpu.memory_space<hbm>>) target(%arg11 : memref<40x128xf32, #tpu.memory_space<vmem>>) offsets(%dma_start3A_44 : memref<40xi32, #tpu.memory_space<vmem>>) semaphore(%arg21 : memref<!tpu.dma_semaphore, #tpu.memory_space<semaphore_mem>>) {add = true}
    %scan3A_48 = arith.constant 0 : i32
    %scan3A_49 = arith.constant 0 : i32
    %scan3A_50 = arith.constant 20 : i32
    %scan3A_51 = arith.addi %scan3A_49, %scan3A_50 : i32
    %scan3A_52 = arith.constant 1 : i32
    scf.for %scan3A_169 = %scan3A_49 to %scan3A_51 step %scan3A_52  : i32 {
      %mul3A_170 = arith.constant 2 : i32
      %mul3A_171 = arith.muli %mul3A_170, %scan3A_169 : i32
      %add3A_172 = arith.constant 0 : i32
      %add3A_173 = arith.addi %mul3A_171, %add3A_172 : i32
      %add3A_174 = arith.constant 160 : i32
      %add3A_175 = arith.addi %add3A_174, %add3A_173 : i32
      %get3A = arith.index_cast %add3A_175 : i32 to index
      %get3A_176 = arith.constant 0 : index
      %get3A_177 = tpu.vector_load %arg7[%get3A, %get3A_176] {strides = array<i32>} : memref<200x128xf32, #tpu.memory_space<vmem>>, vector<1x16xf32>,
      %get3A_178 = vector.shape_cast %get3A_177 : vector<1x16xf32> to vector<16xf32>
      %swap3A = arith.index_cast %add3A_173 : i32 to index
      %swap3A_179 = arith.constant 0 : index
      %swap3A_180 = tpu.vector_load %arg12[%swap3A, %swap3A_179] {strides = array<i32>} : memref<40x128xf32, #tpu.memory_space<vmem>>, vector<1x16xf32>,
      %swap3A_181 = vector.shape_cast %swap3A_180 : vector<1x16xf32> to vector<16xf32>
      %swap3A_182 = vector.shape_cast %get3A_178 : vector<16xf32> to vector<1x16xf32>
      tpu.vector_store %arg12[%swap3A, %swap3A_179], %swap3A_182 {strides = array<i32>} : memref<40x128xf32, #tpu.memory_space<vmem>>, vector<1x16xf32>,
      %add3A_183 = arith.constant 160 : i32
      %add3A_184 = arith.addi %add3A_183, %add3A_173 : i32
      %get3A_185 = arith.index_cast %add3A_184 : i32 to index
      %get3A_186 = arith.constant 16 : index
      %get3A_187 = tpu.vector_load %arg7[%get3A_185, %get3A_186] {strides = array<i32>} : memref<200x128xf32, #tpu.memory_space<vmem>>, vector<1x16xf32>,
      %get3A_188 = vector.shape_cast %get3A_187 : vector<1x16xf32> to vector<16xf32>
      %swap3A_189 = arith.index_cast %add3A_173 : i32 to index
      %swap3A_190 = arith.constant 16 : index
      %swap3A_191 = tpu.vector_load %arg12[%swap3A_189, %swap3A_190] {strides = array<i32>} : memref<40x128xf32, #tpu.memory_space<vmem>>, vector<1x16xf32>,
      %swap3A_192 = vector.shape_cast %swap3A_191 : vector<1x16xf32> to vector<16xf32>
      %swap3A_193 = vector.shape_cast %get3A_188 : vector<16xf32> to vector<1x16xf32>
      tpu.vector_store %arg12[%swap3A_189, %swap3A_190], %swap3A_193 {strides = array<i32>} : memref<40x128xf32, #tpu.memory_space<vmem>>, vector<1x16xf32>,
      %add3A_194 = arith.constant 160 : i32
      %add3A_195 = arith.addi %add3A_194, %add3A_173 : i32
      %get3A_196 = arith.index_cast %add3A_195 : i32 to index
      %get3A_197 = arith.constant 32 : index
      %get3A_198 = tpu.vector_load %arg7[%get3A_196, %get3A_197] {strides = array<i32>} : memref<200x128xf32, #tpu.memory_space<vmem>>, vector<1x16xf32>,
      %get3A_199 = vector.shape_cast %get3A_198 : vector<1x16xf32> to vector<16xf32>
      %swap3A_200 = arith.index_cast %add3A_173 : i32 to index
      %swap3A_201 = arith.constant 32 : index
      %swap3A_202 = tpu.vector_load %arg12[%swap3A_200, %swap3A_201] {strides = array<i32>} : memref<40x128xf32, #tpu.memory_space<vmem>>, vector<1x16xf32>,
      %swap3A_203 = vector.shape_cast %swap3A_202 : vector<1x16xf32> to vector<16xf32>
      %swap3A_204 = vector.shape_cast %get3A_199 : vector<16xf32> to vector<1x16xf32>
      tpu.vector_store %arg12[%swap3A_200, %swap3A_201], %swap3A_204 {strides = array<i32>} : memref<40x128xf32, #tpu.memory_space<vmem>>, vector<1x16xf32>,
      %add3A_205 = arith.constant 160 : i32
      %add3A_206 = arith.addi %add3A_205, %add3A_173 : i32
      %get3A_207 = arith.index_cast %add3A_206 : i32 to index
      %get3A_208 = arith.constant 48 : index
      %get3A_209 = tpu.vector_load %arg7[%get3A_207, %get3A_208] {strides = array<i32>} : memref<200x128xf32, #tpu.memory_space<vmem>>, vector<1x16xf32>,
      %get3A_210 = vector.shape_cast %get3A_209 : vector<1x16xf32> to vector<16xf32>
      %swap3A_211 = arith.index_cast %add3A_173 : i32 to index
      %swap3A_212 = arith.constant 48 : index
      %swap3A_213 = tpu.vector_load %arg12[%swap3A_211, %swap3A_212] {strides = array<i32>} : memref<40x128xf32, #tpu.memory_space<vmem>>, vector<1x16xf32>,
      %swap3A_214 = vector.shape_cast %swap3A_213 : vector<1x16xf32> to vector<16xf32>
      %swap3A_215 = vector.shape_cast %get3A_210 : vector<16xf32> to vector<1x16xf32>
      tpu.vector_store %arg12[%swap3A_211, %swap3A_212], %swap3A_215 {strides = array<i32>} : memref<40x128xf32, #tpu.memory_space<vmem>>, vector<1x16xf32>,
      %add3A_216 = arith.constant 160 : i32
      %add3A_217 = arith.addi %add3A_216, %add3A_173 : i32
      %get3A_218 = arith.index_cast %add3A_217 : i32 to index
      %get3A_219 = arith.constant 64 : index
      %get3A_220 = tpu.vector_load %arg7[%get3A_218, %get3A_219] {strides = array<i32>} : memref<200x128xf32, #tpu.memory_space<vmem>>, vector<1x16xf32>,
      %get3A_221 = vector.shape_cast %get3A_220 : vector<1x16xf32> to vector<16xf32>
      %swap3A_222 = arith.index_cast %add3A_173 : i32 to index
      %swap3A_223 = arith.constant 64 : index
      %swap3A_224 = tpu.vector_load %arg12[%swap3A_222, %swap3A_223] {strides = array<i32>} : memref<40x128xf32, #tpu.memory_space<vmem>>, vector<1x16xf32>,
      %swap3A_225 = vector.shape_cast %swap3A_224 : vector<1x16xf32> to vector<16xf32>
      %swap3A_226 = vector.shape_cast %get3A_221 : vector<16xf32> to vector<1x16xf32>
      tpu.vector_store %arg12[%swap3A_222, %swap3A_223], %swap3A_226 {strides = array<i32>} : memref<40x128xf32, #tpu.memory_space<vmem>>, vector<1x16xf32>,
      %add3A_227 = arith.constant 160 : i32
      %add3A_228 = arith.addi %add3A_227, %add3A_173 : i32
      %get3A_229 = arith.index_cast %add3A_228 : i32 to index
      %get3A_230 = arith.constant 80 : index
      %get3A_231 = tpu.vector_load %arg7[%get3A_229, %get3A_230] {strides = array<i32>} : memref<200x128xf32, #tpu.memory_space<vmem>>, vector<1x16xf32>,
      %get3A_232 = vector.shape_cast %get3A_231 : vector<1x16xf32> to vector<16xf32>
      %swap3A_233 = arith.index_cast %add3A_173 : i32 to index
      %swap3A_234 = arith.constant 80 : index
      %swap3A_235 = tpu.vector_load %arg12[%swap3A_233, %swap3A_234] {strides = array<i32>} : memref<40x128xf32, #tpu.memory_space<vmem>>, vector<1x16xf32>,
      %swap3A_236 = vector.shape_cast %swap3A_235 : vector<1x16xf32> to vector<16xf32>
      %swap3A_237 = vector.shape_cast %get3A_232 : vector<16xf32> to vector<1x16xf32>
      tpu.vector_store %arg12[%swap3A_233, %swap3A_234], %swap3A_237 {strides = array<i32>} : memref<40x128xf32, #tpu.memory_space<vmem>>, vector<1x16xf32>,
      %add3A_238 = arith.constant 160 : i32
      %add3A_239 = arith.addi %add3A_238, %add3A_173 : i32
      %get3A_240 = arith.index_cast %add3A_239 : i32 to index
      %get3A_241 = arith.constant 96 : index
      %get3A_242 = tpu.vector_load %arg7[%get3A_240, %get3A_241] {strides = array<i32>} : memref<200x128xf32, #tpu.memory_space<vmem>>, vector<1x16xf32>,
      %get3A_243 = vector.shape_cast %get3A_242 : vector<1x16xf32> to vector<16xf32>
      %swap3A_244 = arith.index_cast %add3A_173 : i32 to index
      %swap3A_245 = arith.constant 96 : index
      %swap3A_246 = tpu.vector_load %arg12[%swap3A_244, %swap3A_245] {strides = array<i32>} : memref<40x128xf32, #tpu.memory_space<vmem>>, vector<1x16xf32>,
      %swap3A_247 = vector.shape_cast %swap3A_246 : vector<1x16xf32> to vector<16xf32>
      %swap3A_248 = vector.shape_cast %get3A_243 : vector<16xf32> to vector<1x16xf32>
      tpu.vector_store %arg12[%swap3A_244, %swap3A_245], %swap3A_248 {strides = array<i32>} : memref<40x128xf32, #tpu.memory_space<vmem>>, vector<1x16xf32>,
      %add3A_249 = arith.constant 160 : i32
      %add3A_250 = arith.addi %add3A_249, %add3A_173 : i32
      %get3A_251 = arith.index_cast %add3A_250 : i32 to index
      %get3A_252 = arith.constant 112 : index
      %get3A_253 = tpu.vector_load %arg7[%get3A_251, %get3A_252] {strides = array<i32>} : memref<200x128xf32, #tpu.memory_space<vmem>>, vector<1x16xf32>,
      %get3A_254 = vector.shape_cast %get3A_253 : vector<1x16xf32> to vector<16xf32>
      %swap3A_255 = arith.index_cast %add3A_173 : i32 to index
      %swap3A_256 = arith.constant 112 : index
      %swap3A_257 = tpu.vector_load %arg12[%swap3A_255, %swap3A_256] {strides = array<i32>} : memref<40x128xf32, #tpu.memory_space<vmem>>, vector<1x16xf32>,
      %swap3A_258 = vector.shape_cast %swap3A_257 : vector<1x16xf32> to vector<16xf32>
      %swap3A_259 = vector.shape_cast %get3A_254 : vector<16xf32> to vector<1x16xf32>
      tpu.vector_store %arg12[%swap3A_255, %swap3A_256], %swap3A_259 {strides = array<i32>} : memref<40x128xf32, #tpu.memory_space<vmem>>, vector<1x16xf32>,
      %mul3A_260 = arith.constant 2 : i32
      %mul3A_261 = arith.muli %mul3A_260, %scan3A_169 : i32
      %add3A_262 = arith.constant 1 : i32
      %add3A_263 = arith.addi %mul3A_261, %add3A_262 : i32
      %add3A_264 = arith.constant 160 : i32
      %add3A_265 = arith.addi %add3A_264, %add3A_263 : i32
      %get3A_266 = arith.index_cast %add3A_265 : i32 to index
      %get3A_267 = arith.constant 0 : index
      %get3A_268 = tpu.vector_load %arg7[%get3A_266, %get3A_267] {strides = array<i32>} : memref<200x128xf32, #tpu.memory_space<vmem>>, vector<1x16xf32>,
      %get3A_269 = vector.shape_cast %get3A_268 : vector<1x16xf32> to vector<16xf32>
      %swap3A_270 = arith.index_cast %add3A_263 : i32 to index
      %swap3A_271 = arith.constant 0 : index
      %swap3A_272 = tpu.vector_load %arg12[%swap3A_270, %swap3A_271] {strides = array<i32>} : memref<40x128xf32, #tpu.memory_space<vmem>>, vector<1x16xf32>,
      %swap3A_273 = vector.shape_cast %swap3A_272 : vector<1x16xf32> to vector<16xf32>
      %swap3A_274 = vector.shape_cast %get3A_269 : vector<16xf32> to vector<1x16xf32>
      tpu.vector_store %arg12[%swap3A_270, %swap3A_271], %swap3A_274 {strides = array<i32>} : memref<40x128xf32, #tpu.memory_space<vmem>>, vector<1x16xf32>,
      %add3A_275 = arith.constant 160 : i32
      %add3A_276 = arith.addi %add3A_275, %add3A_263 : i32
      %get3A_277 = arith.index_cast %add3A_276 : i32 to index
      %get3A_278 = arith.constant 16 : index
      %get3A_279 = tpu.vector_load %arg7[%get3A_277, %get3A_278] {strides = array<i32>} : memref<200x128xf32, #tpu.memory_space<vmem>>, vector<1x16xf32>,
      %get3A_280 = vector.shape_cast %get3A_279 : vector<1x16xf32> to vector<16xf32>
      %swap3A_281 = arith.index_cast %add3A_263 : i32 to index
      %swap3A_282 = arith.constant 16 : index
      %swap3A_283 = tpu.vector_load %arg12[%swap3A_281, %swap3A_282] {strides = array<i32>} : memref<40x128xf32, #tpu.memory_space<vmem>>, vector<1x16xf32>,
      %swap3A_284 = vector.shape_cast %swap3A_283 : vector<1x16xf32> to vector<16xf32>
      %swap3A_285 = vector.shape_cast %get3A_280 : vector<16xf32> to vector<1x16xf32>
      tpu.vector_store %arg12[%swap3A_281, %swap3A_282], %swap3A_285 {strides = array<i32>} : memref<40x128xf32, #tpu.memory_space<vmem>>, vector<1x16xf32>,
      %add3A_286 = arith.constant 160 : i32
      %add3A_287 = arith.addi %add3A_286, %add3A_263 : i32
      %get3A_288 = arith.index_cast %add3A_287 : i32 to index
      %get3A_289 = arith.constant 32 : index
      %get3A_290 = tpu.vector_load %arg7[%get3A_288, %get3A_289] {strides = array<i32>} : memref<200x128xf32, #tpu.memory_space<vmem>>, vector<1x16xf32>,
      %get3A_291 = vector.shape_cast %get3A_290 : vector<1x16xf32> to vector<16xf32>
      %swap3A_292 = arith.index_cast %add3A_263 : i32 to index
      %swap3A_293 = arith.constant 32 : index
      %swap3A_294 = tpu.vector_load %arg12[%swap3A_292, %swap3A_293] {strides = array<i32>} : memref<40x128xf32, #tpu.memory_space<vmem>>, vector<1x16xf32>,
      %swap3A_295 = vector.shape_cast %swap3A_294 : vector<1x16xf32> to vector<16xf32>
      %swap3A_296 = vector.shape_cast %get3A_291 : vector<16xf32> to vector<1x16xf32>
      tpu.vector_store %arg12[%swap3A_292, %swap3A_293], %swap3A_296 {strides = array<i32>} : memref<40x128xf32, #tpu.memory_space<vmem>>, vector<1x16xf32>,
      %add3A_297 = arith.constant 160 : i32
      %add3A_298 = arith.addi %add3A_297, %add3A_263 : i32
      %get3A_299 = arith.index_cast %add3A_298 : i32 to index
      %get3A_300 = arith.constant 48 : index
      %get3A_301 = tpu.vector_load %arg7[%get3A_299, %get3A_300] {strides = array<i32>} : memref<200x128xf32, #tpu.memory_space<vmem>>, vector<1x16xf32>,
      %get3A_302 = vector.shape_cast %get3A_301 : vector<1x16xf32> to vector<16xf32>
      %swap3A_303 = arith.index_cast %add3A_263 : i32 to index
      %swap3A_304 = arith.constant 48 : index
      %swap3A_305 = tpu.vector_load %arg12[%swap3A_303, %swap3A_304] {strides = array<i32>} : memref<40x128xf32, #tpu.memory_space<vmem>>, vector<1x16xf32>,
      %swap3A_306 = vector.shape_cast %swap3A_305 : vector<1x16xf32> to vector<16xf32>
      %swap3A_307 = vector.shape_cast %get3A_302 : vector<16xf32> to vector<1x16xf32>
      tpu.vector_store %arg12[%swap3A_303, %swap3A_304], %swap3A_307 {strides = array<i32>} : memref<40x128xf32, #tpu.memory_space<vmem>>, vector<1x16xf32>,
      %add3A_308 = arith.constant 160 : i32
      %add3A_309 = arith.addi %add3A_308, %add3A_263 : i32
      %get3A_310 = arith.index_cast %add3A_309 : i32 to index
      %get3A_311 = arith.constant 64 : index
      %get3A_312 = tpu.vector_load %arg7[%get3A_310, %get3A_311] {strides = array<i32>} : memref<200x128xf32, #tpu.memory_space<vmem>>, vector<1x16xf32>,
      %get3A_313 = vector.shape_cast %get3A_312 : vector<1x16xf32> to vector<16xf32>
      %swap3A_314 = arith.index_cast %add3A_263 : i32 to index
      %swap3A_315 = arith.constant 64 : index
      %swap3A_316 = tpu.vector_load %arg12[%swap3A_314, %swap3A_315] {strides = array<i32>} : memref<40x128xf32, #tpu.memory_space<vmem>>, vector<1x16xf32>,
      %swap3A_317 = vector.shape_cast %swap3A_316 : vector<1x16xf32> to vector<16xf32>
      %swap3A_318 = vector.shape_cast %get3A_313 : vector<16xf32> to vector<1x16xf32>
      tpu.vector_store %arg12[%swap3A_314, %swap3A_315], %swap3A_318 {strides = array<i32>} : memref<40x128xf32, #tpu.memory_space<vmem>>, vector<1x16xf32>,
      %add3A_319 = arith.constant 160 : i32
      %add3A_320 = arith.addi %add3A_319, %add3A_263 : i32
      %get3A_321 = arith.index_cast %add3A_320 : i32 to index
      %get3A_322 = arith.constant 80 : index
      %get3A_323 = tpu.vector_load %arg7[%get3A_321, %get3A_322] {strides = array<i32>} : memref<200x128xf32, #tpu.memory_space<vmem>>, vector<1x16xf32>,
      %get3A_324 = vector.shape_cast %get3A_323 : vector<1x16xf32> to vector<16xf32>
      %swap3A_325 = arith.index_cast %add3A_263 : i32 to index
      %swap3A_326 = arith.constant 80 : index
      %swap3A_327 = tpu.vector_load %arg12[%swap3A_325, %swap3A_326] {strides = array<i32>} : memref<40x128xf32, #tpu.memory_space<vmem>>, vector<1x16xf32>,
      %swap3A_328 = vector.shape_cast %swap3A_327 : vector<1x16xf32> to vector<16xf32>
      %swap3A_329 = vector.shape_cast %get3A_324 : vector<16xf32> to vector<1x16xf32>
      tpu.vector_store %arg12[%swap3A_325, %swap3A_326], %swap3A_329 {strides = array<i32>} : memref<40x128xf32, #tpu.memory_space<vmem>>, vector<1x16xf32>,
      %add3A_330 = arith.constant 160 : i32
      %add3A_331 = arith.addi %add3A_330, %add3A_263 : i32
      %get3A_332 = arith.index_cast %add3A_331 : i32 to index
      %get3A_333 = arith.constant 96 : index
      %get3A_334 = tpu.vector_load %arg7[%get3A_332, %get3A_333] {strides = array<i32>} : memref<200x128xf32, #tpu.memory_space<vmem>>, vector<1x16xf32>,
      %get3A_335 = vector.shape_cast %get3A_334 : vector<1x16xf32> to vector<16xf32>
      %swap3A_336 = arith.index_cast %add3A_263 : i32 to index
      %swap3A_337 = arith.constant 96 : index
      %swap3A_338 = tpu.vector_load %arg12[%swap3A_336, %swap3A_337] {strides = array<i32>} : memref<40x128xf32, #tpu.memory_space<vmem>>, vector<1x16xf32>,
      %swap3A_339 = vector.shape_cast %swap3A_338 : vector<1x16xf32> to vector<16xf32>
      %swap3A_340 = vector.shape_cast %get3A_335 : vector<16xf32> to vector<1x16xf32>
      tpu.vector_store %arg12[%swap3A_336, %swap3A_337], %swap3A_340 {strides = array<i32>} : memref<40x128xf32, #tpu.memory_space<vmem>>, vector<1x16xf32>,
      %add3A_341 = arith.constant 160 : i32
      %add3A_342 = arith.addi %add3A_341, %add3A_263 : i32
      %get3A_343 = arith.index_cast %add3A_342 : i32 to index
      %get3A_344 = arith.constant 112 : index
      %get3A_345 = tpu.vector_load %arg7[%get3A_343, %get3A_344] {strides = array<i32>} : memref<200x128xf32, #tpu.memory_space<vmem>>, vector<1x16xf32>,
      %get3A_346 = vector.shape_cast %get3A_345 : vector<1x16xf32> to vector<16xf32>
      %swap3A_347 = arith.index_cast %add3A_263 : i32 to index
      %swap3A_348 = arith.constant 112 : index
      %swap3A_349 = tpu.vector_load %arg12[%swap3A_347, %swap3A_348] {strides = array<i32>} : memref<40x128xf32, #tpu.memory_space<vmem>>, vector<1x16xf32>,
      %swap3A_350 = vector.shape_cast %swap3A_349 : vector<1x16xf32> to vector<16xf32>
      %swap3A_351 = vector.shape_cast %get3A_346 : vector<16xf32> to vector<1x16xf32>
      tpu.vector_store %arg12[%swap3A_347, %swap3A_348], %swap3A_351 {strides = array<i32>} : memref<40x128xf32, #tpu.memory_space<vmem>>, vector<1x16xf32>,
    }
    %scan3A_53 = arith.constant 20 : i32
    %dma_start3A_54 = arith.constant 160 : i32
    %dma_start3A_55 = tpu.memref_slice %arg6[%dma_start3A_54] : memref<6400xi32, #tpu.memory_space<vmem>> -> memref<40xi32, #tpu.memory_space<vmem>>
    %dma_start3A_56 = arith.constant 0 : i32
    %dma_start3A_57 = arith.constant 0 : i32
    %dma_start3A_58 = tpu.memref_slice %arg2[%dma_start3A_56, %dma_start3A_57] : memref<100000x128xf32, #tpu.memory_space<hbm>> -> memref<100000x128xf32, #tpu.memory_space<hbm>>
    tpu.enqueue_indirect_dma source(%dma_start3A_58 : memref<100000x128xf32, #tpu.memory_space<hbm>>) target(%arg12 : memref<40x128xf32, #tpu.memory_space<vmem>>) offsets(%dma_start3A_55 : memref<40xi32, #tpu.memory_space<vmem>>) semaphore(%arg22 : memref<!tpu.dma_semaphore, #tpu.memory_space<semaphore_mem>>) {add = true}
    %scan3A_59 = arith.constant 0 : i32
    %scan3A_60 = arith.constant 0 : i32
    %scan3A_61 = arith.constant 20 : i32
    %scan3A_62 = arith.addi %scan3A_60, %scan3A_61 : i32
    %scan3A_63 = arith.constant 1 : i32
    scf.for %scan3A_169 = %scan3A_60 to %scan3A_62 step %scan3A_63  : i32 {
      %mul3A_170 = arith.constant 2 : i32
      %mul3A_171 = arith.muli %mul3A_170, %scan3A_169 : i32
      %add3A_172 = arith.constant 0 : i32
      %add3A_173 = arith.addi %mul3A_171, %add3A_172 : i32
      %add3A_174 = arith.constant 0 : i32
      %add3A_175 = arith.addi %add3A_174, %add3A_173 : i32
      %get3A = arith.index_cast %add3A_175 : i32 to index
      %get3A_176 = arith.constant 0 : index
      %get3A_177 = tpu.vector_load %arg7[%get3A, %get3A_176] {strides = array<i32>} : memref<200x128xf32, #tpu.memory_space<vmem>>, vector<1x16xf32>,
      %get3A_178 = vector.shape_cast %get3A_177 : vector<1x16xf32> to vector<16xf32>
      %swap3A = arith.index_cast %add3A_173 : i32 to index
      %swap3A_179 = arith.constant 0 : index
      %swap3A_180 = tpu.vector_load %arg13[%swap3A, %swap3A_179] {strides = array<i32>} : memref<40x128xf32, #tpu.memory_space<vmem>>, vector<1x16xf32>,
      %swap3A_181 = vector.shape_cast %swap3A_180 : vector<1x16xf32> to vector<16xf32>
      %swap3A_182 = vector.shape_cast %get3A_178 : vector<16xf32> to vector<1x16xf32>
      tpu.vector_store %arg13[%swap3A, %swap3A_179], %swap3A_182 {strides = array<i32>} : memref<40x128xf32, #tpu.memory_space<vmem>>, vector<1x16xf32>,
      %add3A_183 = arith.constant 0 : i32
      %add3A_184 = arith.addi %add3A_183, %add3A_173 : i32
      %get3A_185 = arith.index_cast %add3A_184 : i32 to index
      %get3A_186 = arith.constant 16 : index
      %get3A_187 = tpu.vector_load %arg7[%get3A_185, %get3A_186] {strides = array<i32>} : memref<200x128xf32, #tpu.memory_space<vmem>>, vector<1x16xf32>,
      %get3A_188 = vector.shape_cast %get3A_187 : vector<1x16xf32> to vector<16xf32>
      %swap3A_189 = arith.index_cast %add3A_173 : i32 to index
      %swap3A_190 = arith.constant 16 : index
      %swap3A_191 = tpu.vector_load %arg13[%swap3A_189, %swap3A_190] {strides = array<i32>} : memref<40x128xf32, #tpu.memory_space<vmem>>, vector<1x16xf32>,
      %swap3A_192 = vector.shape_cast %swap3A_191 : vector<1x16xf32> to vector<16xf32>
      %swap3A_193 = vector.shape_cast %get3A_188 : vector<16xf32> to vector<1x16xf32>
      tpu.vector_store %arg13[%swap3A_189, %swap3A_190], %swap3A_193 {strides = array<i32>} : memref<40x128xf32, #tpu.memory_space<vmem>>, vector<1x16xf32>,
      %add3A_194 = arith.constant 0 : i32
      %add3A_195 = arith.addi %add3A_194, %add3A_173 : i32
      %get3A_196 = arith.index_cast %add3A_195 : i32 to index
      %get3A_197 = arith.constant 32 : index
      %get3A_198 = tpu.vector_load %arg7[%get3A_196, %get3A_197] {strides = array<i32>} : memref<200x128xf32, #tpu.memory_space<vmem>>, vector<1x16xf32>,
      %get3A_199 = vector.shape_cast %get3A_198 : vector<1x16xf32> to vector<16xf32>
      %swap3A_200 = arith.index_cast %add3A_173 : i32 to index
      %swap3A_201 = arith.constant 32 : index
      %swap3A_202 = tpu.vector_load %arg13[%swap3A_200, %swap3A_201] {strides = array<i32>} : memref<40x128xf32, #tpu.memory_space<vmem>>, vector<1x16xf32>,
      %swap3A_203 = vector.shape_cast %swap3A_202 : vector<1x16xf32> to vector<16xf32>
      %swap3A_204 = vector.shape_cast %get3A_199 : vector<16xf32> to vector<1x16xf32>
      tpu.vector_store %arg13[%swap3A_200, %swap3A_201], %swap3A_204 {strides = array<i32>} : memref<40x128xf32, #tpu.memory_space<vmem>>, vector<1x16xf32>,
      %add3A_205 = arith.constant 0 : i32
      %add3A_206 = arith.addi %add3A_205, %add3A_173 : i32
      %get3A_207 = arith.index_cast %add3A_206 : i32 to index
      %get3A_208 = arith.constant 48 : index
      %get3A_209 = tpu.vector_load %arg7[%get3A_207, %get3A_208] {strides = array<i32>} : memref<200x128xf32, #tpu.memory_space<vmem>>, vector<1x16xf32>,
      %get3A_210 = vector.shape_cast %get3A_209 : vector<1x16xf32> to vector<16xf32>
      %swap3A_211 = arith.index_cast %add3A_173 : i32 to index
      %swap3A_212 = arith.constant 48 : index
      %swap3A_213 = tpu.vector_load %arg13[%swap3A_211, %swap3A_212] {strides = array<i32>} : memref<40x128xf32, #tpu.memory_space<vmem>>, vector<1x16xf32>,
      %swap3A_214 = vector.shape_cast %swap3A_213 : vector<1x16xf32> to vector<16xf32>
      %swap3A_215 = vector.shape_cast %get3A_210 : vector<16xf32> to vector<1x16xf32>
      tpu.vector_store %arg13[%swap3A_211, %swap3A_212], %swap3A_215 {strides = array<i32>} : memref<40x128xf32, #tpu.memory_space<vmem>>, vector<1x16xf32>,
      %add3A_216 = arith.constant 0 : i32
      %add3A_217 = arith.addi %add3A_216, %add3A_173 : i32
      %get3A_218 = arith.index_cast %add3A_217 : i32 to index
      %get3A_219 = arith.constant 64 : index
      %get3A_220 = tpu.vector_load %arg7[%get3A_218, %get3A_219] {strides = array<i32>} : memref<200x128xf32, #tpu.memory_space<vmem>>, vector<1x16xf32>,
      %get3A_221 = vector.shape_cast %get3A_220 : vector<1x16xf32> to vector<16xf32>
      %swap3A_222 = arith.index_cast %add3A_173 : i32 to index
      %swap3A_223 = arith.constant 64 : index
      %swap3A_224 = tpu.vector_load %arg13[%swap3A_222, %swap3A_223] {strides = array<i32>} : memref<40x128xf32, #tpu.memory_space<vmem>>, vector<1x16xf32>,
      %swap3A_225 = vector.shape_cast %swap3A_224 : vector<1x16xf32> to vector<16xf32>
      %swap3A_226 = vector.shape_cast %get3A_221 : vector<16xf32> to vector<1x16xf32>
      tpu.vector_store %arg13[%swap3A_222, %swap3A_223], %swap3A_226 {strides = array<i32>} : memref<40x128xf32, #tpu.memory_space<vmem>>, vector<1x16xf32>,
      %add3A_227 = arith.constant 0 : i32
      %add3A_228 = arith.addi %add3A_227, %add3A_173 : i32
      %get3A_229 = arith.index_cast %add3A_228 : i32 to index
      %get3A_230 = arith.constant 80 : index
      %get3A_231 = tpu.vector_load %arg7[%get3A_229, %get3A_230] {strides = array<i32>} : memref<200x128xf32, #tpu.memory_space<vmem>>, vector<1x16xf32>,
      %get3A_232 = vector.shape_cast %get3A_231 : vector<1x16xf32> to vector<16xf32>
      %swap3A_233 = arith.index_cast %add3A_173 : i32 to index
      %swap3A_234 = arith.constant 80 : index
      %swap3A_235 = tpu.vector_load %arg13[%swap3A_233, %swap3A_234] {strides = array<i32>} : memref<40x128xf32, #tpu.memory_space<vmem>>, vector<1x16xf32>,
      %swap3A_236 = vector.shape_cast %swap3A_235 : vector<1x16xf32> to vector<16xf32>
      %swap3A_237 = vector.shape_cast %get3A_232 : vector<16xf32> to vector<1x16xf32>
      tpu.vector_store %arg13[%swap3A_233, %swap3A_234], %swap3A_237 {strides = array<i32>} : memref<40x128xf32, #tpu.memory_space<vmem>>, vector<1x16xf32>,
      %add3A_238 = arith.constant 0 : i32
      %add3A_239 = arith.addi %add3A_238, %add3A_173 : i32
      %get3A_240 = arith.index_cast %add3A_239 : i32 to index
      %get3A_241 = arith.constant 96 : index
      %get3A_242 = tpu.vector_load %arg7[%get3A_240, %get3A_241] {strides = array<i32>} : memref<200x128xf32, #tpu.memory_space<vmem>>, vector<1x16xf32>,
      %get3A_243 = vector.shape_cast %get3A_242 : vector<1x16xf32> to vector<16xf32>
      %swap3A_244 = arith.index_cast %add3A_173 : i32 to index
      %swap3A_245 = arith.constant 96 : index
      %swap3A_246 = tpu.vector_load %arg13[%swap3A_244, %swap3A_245] {strides = array<i32>} : memref<40x128xf32, #tpu.memory_space<vmem>>, vector<1x16xf32>,
      %swap3A_247 = vector.shape_cast %swap3A_246 : vector<1x16xf32> to vector<16xf32>
      %swap3A_248 = vector.shape_cast %get3A_243 : vector<16xf32> to vector<1x16xf32>
      tpu.vector_store %arg13[%swap3A_244, %swap3A_245], %swap3A_248 {strides = array<i32>} : memref<40x128xf32, #tpu.memory_space<vmem>>, vector<1x16xf32>,
      %add3A_249 = arith.constant 0 : i32
      %add3A_250 = arith.addi %add3A_249, %add3A_173 : i32
      %get3A_251 = arith.index_cast %add3A_250 : i32 to index
      %get3A_252 = arith.constant 112 : index
      %get3A_253 = tpu.vector_load %arg7[%get3A_251, %get3A_252] {strides = array<i32>} : memref<200x128xf32, #tpu.memory_space<vmem>>, vector<1x16xf32>,
      %get3A_254 = vector.shape_cast %get3A_253 : vector<1x16xf32> to vector<16xf32>
      %swap3A_255 = arith.index_cast %add3A_173 : i32 to index
      %swap3A_256 = arith.constant 112 : index
      %swap3A_257 = tpu.vector_load %arg13[%swap3A_255, %swap3A_256] {strides = array<i32>} : memref<40x128xf32, #tpu.memory_space<vmem>>, vector<1x16xf32>,
      %swap3A_258 = vector.shape_cast %swap3A_257 : vector<1x16xf32> to vector<16xf32>
      %swap3A_259 = vector.shape_cast %get3A_254 : vector<16xf32> to vector<1x16xf32>
      tpu.vector_store %arg13[%swap3A_255, %swap3A_256], %swap3A_259 {strides = array<i32>} : memref<40x128xf32, #tpu.memory_space<vmem>>, vector<1x16xf32>,
      %mul3A_260 = arith.constant 2 : i32
      %mul3A_261 = arith.muli %mul3A_260, %scan3A_169 : i32
      %add3A_262 = arith.constant 1 : i32
      %add3A_263 = arith.addi %mul3A_261, %add3A_262 : i32
      %add3A_264 = arith.constant 0 : i32
      %add3A_265 = arith.addi %add3A_264, %add3A_263 : i32
      %get3A_266 = arith.index_cast %add3A_265 : i32 to index
      %get3A_267 = arith.constant 0 : index
      %get3A_268 = tpu.vector_load %arg7[%get3A_266, %get3A_267] {strides = array<i32>} : memref<200x128xf32, #tpu.memory_space<vmem>>, vector<1x16xf32>,
      %get3A_269 = vector.shape_cast %get3A_268 : vector<1x16xf32> to vector<16xf32>
      %swap3A_270 = arith.index_cast %add3A_263 : i32 to index
      %swap3A_271 = arith.constant 0 : index
      %swap3A_272 = tpu.vector_load %arg13[%swap3A_270, %swap3A_271] {strides = array<i32>} : memref<40x128xf32, #tpu.memory_space<vmem>>, vector<1x16xf32>,
      %swap3A_273 = vector.shape_cast %swap3A_272 : vector<1x16xf32> to vector<16xf32>
      %swap3A_274 = vector.shape_cast %get3A_269 : vector<16xf32> to vector<1x16xf32>
      tpu.vector_store %arg13[%swap3A_270, %swap3A_271], %swap3A_274 {strides = array<i32>} : memref<40x128xf32, #tpu.memory_space<vmem>>, vector<1x16xf32>,
      %add3A_275 = arith.constant 0 : i32
      %add3A_276 = arith.addi %add3A_275, %add3A_263 : i32
      %get3A_277 = arith.index_cast %add3A_276 : i32 to index
      %get3A_278 = arith.constant 16 : index
      %get3A_279 = tpu.vector_load %arg7[%get3A_277, %get3A_278] {strides = array<i32>} : memref<200x128xf32, #tpu.memory_space<vmem>>, vector<1x16xf32>,
      %get3A_280 = vector.shape_cast %get3A_279 : vector<1x16xf32> to vector<16xf32>
      %swap3A_281 = arith.index_cast %add3A_263 : i32 to index
      %swap3A_282 = arith.constant 16 : index
      %swap3A_283 = tpu.vector_load %arg13[%swap3A_281, %swap3A_282] {strides = array<i32>} : memref<40x128xf32, #tpu.memory_space<vmem>>, vector<1x16xf32>,
      %swap3A_284 = vector.shape_cast %swap3A_283 : vector<1x16xf32> to vector<16xf32>
      %swap3A_285 = vector.shape_cast %get3A_280 : vector<16xf32> to vector<1x16xf32>
      tpu.vector_store %arg13[%swap3A_281, %swap3A_282], %swap3A_285 {strides = array<i32>} : memref<40x128xf32, #tpu.memory_space<vmem>>, vector<1x16xf32>,
      %add3A_286 = arith.constant 0 : i32
      %add3A_287 = arith.addi %add3A_286, %add3A_263 : i32
      %get3A_288 = arith.index_cast %add3A_287 : i32 to index
      %get3A_289 = arith.constant 32 : index
      %get3A_290 = tpu.vector_load %arg7[%get3A_288, %get3A_289] {strides = array<i32>} : memref<200x128xf32, #tpu.memory_space<vmem>>, vector<1x16xf32>,
      %get3A_291 = vector.shape_cast %get3A_290 : vector<1x16xf32> to vector<16xf32>
      %swap3A_292 = arith.index_cast %add3A_263 : i32 to index
      %swap3A_293 = arith.constant 32 : index
      %swap3A_294 = tpu.vector_load %arg13[%swap3A_292, %swap3A_293] {strides = array<i32>} : memref<40x128xf32, #tpu.memory_space<vmem>>, vector<1x16xf32>,
      %swap3A_295 = vector.shape_cast %swap3A_294 : vector<1x16xf32> to vector<16xf32>
      %swap3A_296 = vector.shape_cast %get3A_291 : vector<16xf32> to vector<1x16xf32>
      tpu.vector_store %arg13[%swap3A_292, %swap3A_293], %swap3A_296 {strides = array<i32>} : memref<40x128xf32, #tpu.memory_space<vmem>>, vector<1x16xf32>,
      %add3A_297 = arith.constant 0 : i32
      %add3A_298 = arith.addi %add3A_297, %add3A_263 : i32
      %get3A_299 = arith.index_cast %add3A_298 : i32 to index
      %get3A_300 = arith.constant 48 : index
      %get3A_301 = tpu.vector_load %arg7[%get3A_299, %get3A_300] {strides = array<i32>} : memref<200x128xf32, #tpu.memory_space<vmem>>, vector<1x16xf32>,
      %get3A_302 = vector.shape_cast %get3A_301 : vector<1x16xf32> to vector<16xf32>
      %swap3A_303 = arith.index_cast %add3A_263 : i32 to index
      %swap3A_304 = arith.constant 48 : index
      %swap3A_305 = tpu.vector_load %arg13[%swap3A_303, %swap3A_304] {strides = array<i32>} : memref<40x128xf32, #tpu.memory_space<vmem>>, vector<1x16xf32>,
      %swap3A_306 = vector.shape_cast %swap3A_305 : vector<1x16xf32> to vector<16xf32>
      %swap3A_307 = vector.shape_cast %get3A_302 : vector<16xf32> to vector<1x16xf32>
      tpu.vector_store %arg13[%swap3A_303, %swap3A_304], %swap3A_307 {strides = array<i32>} : memref<40x128xf32, #tpu.memory_space<vmem>>, vector<1x16xf32>,
      %add3A_308 = arith.constant 0 : i32
      %add3A_309 = arith.addi %add3A_308, %add3A_263 : i32
      %get3A_310 = arith.index_cast %add3A_309 : i32 to index
      %get3A_311 = arith.constant 64 : index
      %get3A_312 = tpu.vector_load %arg7[%get3A_310, %get3A_311] {strides = array<i32>} : memref<200x128xf32, #tpu.memory_space<vmem>>, vector<1x16xf32>,
      %get3A_313 = vector.shape_cast %get3A_312 : vector<1x16xf32> to vector<16xf32>
      %swap3A_314 = arith.index_cast %add3A_263 : i32 to index
      %swap3A_315 = arith.constant 64 : index
      %swap3A_316 = tpu.vector_load %arg13[%swap3A_314, %swap3A_315] {strides = array<i32>} : memref<40x128xf32, #tpu.memory_space<vmem>>, vector<1x16xf32>,
      %swap3A_317 = vector.shape_cast %swap3A_316 : vector<1x16xf32> to vector<16xf32>
      %swap3A_318 = vector.shape_cast %get3A_313 : vector<16xf32> to vector<1x16xf32>
      tpu.vector_store %arg13[%swap3A_314, %swap3A_315], %swap3A_318 {strides = array<i32>} : memref<40x128xf32, #tpu.memory_space<vmem>>, vector<1x16xf32>,
      %add3A_319 = arith.constant 0 : i32
      %add3A_320 = arith.addi %add3A_319, %add3A_263 : i32
      %get3A_321 = arith.index_cast %add3A_320 : i32 to index
      %get3A_322 = arith.constant 80 : index
      %get3A_323 = tpu.vector_load %arg7[%get3A_321, %get3A_322] {strides = array<i32>} : memref<200x128xf32, #tpu.memory_space<vmem>>, vector<1x16xf32>,
      %get3A_324 = vector.shape_cast %get3A_323 : vector<1x16xf32> to vector<16xf32>
      %swap3A_325 = arith.index_cast %add3A_263 : i32 to index
      %swap3A_326 = arith.constant 80 : index
      %swap3A_327 = tpu.vector_load %arg13[%swap3A_325, %swap3A_326] {strides = array<i32>} : memref<40x128xf32, #tpu.memory_space<vmem>>, vector<1x16xf32>,
      %swap3A_328 = vector.shape_cast %swap3A_327 : vector<1x16xf32> to vector<16xf32>
      %swap3A_329 = vector.shape_cast %get3A_324 : vector<16xf32> to vector<1x16xf32>
      tpu.vector_store %arg13[%swap3A_325, %swap3A_326], %swap3A_329 {strides = array<i32>} : memref<40x128xf32, #tpu.memory_space<vmem>>, vector<1x16xf32>,
      %add3A_330 = arith.constant 0 : i32
      %add3A_331 = arith.addi %add3A_330, %add3A_263 : i32
      %get3A_332 = arith.index_cast %add3A_331 : i32 to index
      %get3A_333 = arith.constant 96 : index
      %get3A_334 = tpu.vector_load %arg7[%get3A_332, %get3A_333] {strides = array<i32>} : memref<200x128xf32, #tpu.memory_space<vmem>>, vector<1x16xf32>,
      %get3A_335 = vector.shape_cast %get3A_334 : vector<1x16xf32> to vector<16xf32>
      %swap3A_336 = arith.index_cast %add3A_263 : i32 to index
      %swap3A_337 = arith.constant 96 : index
      %swap3A_338 = tpu.vector_load %arg13[%swap3A_336, %swap3A_337] {strides = array<i32>} : memref<40x128xf32, #tpu.memory_space<vmem>>, vector<1x16xf32>,
      %swap3A_339 = vector.shape_cast %swap3A_338 : vector<1x16xf32> to vector<16xf32>
      %swap3A_340 = vector.shape_cast %get3A_335 : vector<16xf32> to vector<1x16xf32>
      tpu.vector_store %arg13[%swap3A_336, %swap3A_337], %swap3A_340 {strides = array<i32>} : memref<40x128xf32, #tpu.memory_space<vmem>>, vector<1x16xf32>,
      %add3A_341 = arith.constant 0 : i32
      %add3A_342 = arith.addi %add3A_341, %add3A_263 : i32
      %get3A_343 = arith.index_cast %add3A_342 : i32 to index
      %get3A_344 = arith.constant 112 : index
      %get3A_345 = tpu.vector_load %arg7[%get3A_343, %get3A_344] {strides = array<i32>} : memref<200x128xf32, #tpu.memory_space<vmem>>, vector<1x16xf32>,
      %get3A_346 = vector.shape_cast %get3A_345 : vector<1x16xf32> to vector<16xf32>
      %swap3A_347 = arith.index_cast %add3A_263 : i32 to index
      %swap3A_348 = arith.constant 112 : index
      %swap3A_349 = tpu.vector_load %arg13[%swap3A_347, %swap3A_348] {strides = array<i32>} : memref<40x128xf32, #tpu.memory_space<vmem>>, vector<1x16xf32>,
      %swap3A_350 = vector.shape_cast %swap3A_349 : vector<1x16xf32> to vector<16xf32>
      %swap3A_351 = vector.shape_cast %get3A_346 : vector<16xf32> to vector<1x16xf32>
      tpu.vector_store %arg13[%swap3A_347, %swap3A_348], %swap3A_351 {strides = array<i32>} : memref<40x128xf32, #tpu.memory_space<vmem>>, vector<1x16xf32>,
    }
    %scan3A_64 = arith.constant 20 : i32
    %dma_start3A_65 = arith.constant 200 : i32
    %dma_start3A_66 = tpu.memref_slice %arg6[%dma_start3A_65] : memref<6400xi32, #tpu.memory_space<vmem>> -> memref<40xi32, #tpu.memory_space<vmem>>
    %dma_start3A_67 = arith.constant 0 : i32
    %dma_start3A_68 = arith.constant 0 : i32
    %dma_start3A_69 = tpu.memref_slice %arg2[%dma_start3A_67, %dma_start3A_68] : memref<100000x128xf32, #tpu.memory_space<hbm>> -> memref<100000x128xf32, #tpu.memory_space<hbm>>
    tpu.enqueue_indirect_dma source(%dma_start3A_69 : memref<100000x128xf32, #tpu.memory_space<hbm>>) target(%arg13 : memref<40x128xf32, #tpu.memory_space<vmem>>) offsets(%dma_start3A_66 : memref<40xi32, #tpu.memory_space<vmem>>) semaphore(%arg23 : memref<!tpu.dma_semaphore, #tpu.memory_space<semaphore_mem>>) {add = true}
    %scan3A_70 = arith.constant 0 : i32
    %scan3A_71 = arith.constant 0 : i32
    %scan3A_72 = arith.constant 20 : i32
    %scan3A_73 = arith.addi %scan3A_71, %scan3A_72 : i32
    %scan3A_74 = arith.constant 1 : i32
    scf.for %scan3A_169 = %scan3A_71 to %scan3A_73 step %scan3A_74  : i32 {
      %mul3A_170 = arith.constant 2 : i32
      %mul3A_171 = arith.muli %mul3A_170, %scan3A_169 : i32
      %add3A_172 = arith.constant 0 : i32
      %add3A_173 = arith.addi %mul3A_171, %add3A_172 : i32
      %add3A_174 = arith.constant 40 : i32
      %add3A_175 = arith.addi %add3A_174, %add3A_173 : i32
      %get3A = arith.index_cast %add3A_175 : i32 to index
      %get3A_176 = arith.constant 0 : index
      %get3A_177 = tpu.vector_load %arg7[%get3A, %get3A_176] {strides = array<i32>} : memref<200x128xf32, #tpu.memory_space<vmem>>, vector<1x16xf32>,
      %get3A_178 = vector.shape_cast %get3A_177 : vector<1x16xf32> to vector<16xf32>
      %swap3A = arith.index_cast %add3A_173 : i32 to index
      %swap3A_179 = arith.constant 0 : index
      %swap3A_180 = tpu.vector_load %arg14[%swap3A, %swap3A_179] {strides = array<i32>} : memref<40x128xf32, #tpu.memory_space<vmem>>, vector<1x16xf32>,
      %swap3A_181 = vector.shape_cast %swap3A_180 : vector<1x16xf32> to vector<16xf32>
      %swap3A_182 = vector.shape_cast %get3A_178 : vector<16xf32> to vector<1x16xf32>
      tpu.vector_store %arg14[%swap3A, %swap3A_179], %swap3A_182 {strides = array<i32>} : memref<40x128xf32, #tpu.memory_space<vmem>>, vector<1x16xf32>,
      %add3A_183 = arith.constant 40 : i32
      %add3A_184 = arith.addi %add3A_183, %add3A_173 : i32
      %get3A_185 = arith.index_cast %add3A_184 : i32 to index
      %get3A_186 = arith.constant 16 : index
      %get3A_187 = tpu.vector_load %arg7[%get3A_185, %get3A_186] {strides = array<i32>} : memref<200x128xf32, #tpu.memory_space<vmem>>, vector<1x16xf32>,
      %get3A_188 = vector.shape_cast %get3A_187 : vector<1x16xf32> to vector<16xf32>
      %swap3A_189 = arith.index_cast %add3A_173 : i32 to index
      %swap3A_190 = arith.constant 16 : index
      %swap3A_191 = tpu.vector_load %arg14[%swap3A_189, %swap3A_190] {strides = array<i32>} : memref<40x128xf32, #tpu.memory_space<vmem>>, vector<1x16xf32>,
      %swap3A_192 = vector.shape_cast %swap3A_191 : vector<1x16xf32> to vector<16xf32>
      %swap3A_193 = vector.shape_cast %get3A_188 : vector<16xf32> to vector<1x16xf32>
      tpu.vector_store %arg14[%swap3A_189, %swap3A_190], %swap3A_193 {strides = array<i32>} : memref<40x128xf32, #tpu.memory_space<vmem>>, vector<1x16xf32>,
      %add3A_194 = arith.constant 40 : i32
      %add3A_195 = arith.addi %add3A_194, %add3A_173 : i32
      %get3A_196 = arith.index_cast %add3A_195 : i32 to index
      %get3A_197 = arith.constant 32 : index
      %get3A_198 = tpu.vector_load %arg7[%get3A_196, %get3A_197] {strides = array<i32>} : memref<200x128xf32, #tpu.memory_space<vmem>>, vector<1x16xf32>,
      %get3A_199 = vector.shape_cast %get3A_198 : vector<1x16xf32> to vector<16xf32>
      %swap3A_200 = arith.index_cast %add3A_173 : i32 to index
      %swap3A_201 = arith.constant 32 : index
      %swap3A_202 = tpu.vector_load %arg14[%swap3A_200, %swap3A_201] {strides = array<i32>} : memref<40x128xf32, #tpu.memory_space<vmem>>, vector<1x16xf32>,
      %swap3A_203 = vector.shape_cast %swap3A_202 : vector<1x16xf32> to vector<16xf32>
      %swap3A_204 = vector.shape_cast %get3A_199 : vector<16xf32> to vector<1x16xf32>
      tpu.vector_store %arg14[%swap3A_200, %swap3A_201], %swap3A_204 {strides = array<i32>} : memref<40x128xf32, #tpu.memory_space<vmem>>, vector<1x16xf32>,
      %add3A_205 = arith.constant 40 : i32
      %add3A_206 = arith.addi %add3A_205, %add3A_173 : i32
      %get3A_207 = arith.index_cast %add3A_206 : i32 to index
      %get3A_208 = arith.constant 48 : index
      %get3A_209 = tpu.vector_load %arg7[%get3A_207, %get3A_208] {strides = array<i32>} : memref<200x128xf32, #tpu.memory_space<vmem>>, vector<1x16xf32>,
      %get3A_210 = vector.shape_cast %get3A_209 : vector<1x16xf32> to vector<16xf32>
      %swap3A_211 = arith.index_cast %add3A_173 : i32 to index
      %swap3A_212 = arith.constant 48 : index
      %swap3A_213 = tpu.vector_load %arg14[%swap3A_211, %swap3A_212] {strides = array<i32>} : memref<40x128xf32, #tpu.memory_space<vmem>>, vector<1x16xf32>,
      %swap3A_214 = vector.shape_cast %swap3A_213 : vector<1x16xf32> to vector<16xf32>
      %swap3A_215 = vector.shape_cast %get3A_210 : vector<16xf32> to vector<1x16xf32>
      tpu.vector_store %arg14[%swap3A_211, %swap3A_212], %swap3A_215 {strides = array<i32>} : memref<40x128xf32, #tpu.memory_space<vmem>>, vector<1x16xf32>,
      %add3A_216 = arith.constant 40 : i32
      %add3A_217 = arith.addi %add3A_216, %add3A_173 : i32
      %get3A_218 = arith.index_cast %add3A_217 : i32 to index
      %get3A_219 = arith.constant 64 : index
      %get3A_220 = tpu.vector_load %arg7[%get3A_218, %get3A_219] {strides = array<i32>} : memref<200x128xf32, #tpu.memory_space<vmem>>, vector<1x16xf32>,
      %get3A_221 = vector.shape_cast %get3A_220 : vector<1x16xf32> to vector<16xf32>
      %swap3A_222 = arith.index_cast %add3A_173 : i32 to index
      %swap3A_223 = arith.constant 64 : index
      %swap3A_224 = tpu.vector_load %arg14[%swap3A_222, %swap3A_223] {strides = array<i32>} : memref<40x128xf32, #tpu.memory_space<vmem>>, vector<1x16xf32>,
      %swap3A_225 = vector.shape_cast %swap3A_224 : vector<1x16xf32> to vector<16xf32>
      %swap3A_226 = vector.shape_cast %get3A_221 : vector<16xf32> to vector<1x16xf32>
      tpu.vector_store %arg14[%swap3A_222, %swap3A_223], %swap3A_226 {strides = array<i32>} : memref<40x128xf32, #tpu.memory_space<vmem>>, vector<1x16xf32>,
      %add3A_227 = arith.constant 40 : i32
      %add3A_228 = arith.addi %add3A_227, %add3A_173 : i32
      %get3A_229 = arith.index_cast %add3A_228 : i32 to index
      %get3A_230 = arith.constant 80 : index
      %get3A_231 = tpu.vector_load %arg7[%get3A_229, %get3A_230] {strides = array<i32>} : memref<200x128xf32, #tpu.memory_space<vmem>>, vector<1x16xf32>,
      %get3A_232 = vector.shape_cast %get3A_231 : vector<1x16xf32> to vector<16xf32>
      %swap3A_233 = arith.index_cast %add3A_173 : i32 to index
      %swap3A_234 = arith.constant 80 : index
      %swap3A_235 = tpu.vector_load %arg14[%swap3A_233, %swap3A_234] {strides = array<i32>} : memref<40x128xf32, #tpu.memory_space<vmem>>, vector<1x16xf32>,
      %swap3A_236 = vector.shape_cast %swap3A_235 : vector<1x16xf32> to vector<16xf32>
      %swap3A_237 = vector.shape_cast %get3A_232 : vector<16xf32> to vector<1x16xf32>
      tpu.vector_store %arg14[%swap3A_233, %swap3A_234], %swap3A_237 {strides = array<i32>} : memref<40x128xf32, #tpu.memory_space<vmem>>, vector<1x16xf32>,
      %add3A_238 = arith.constant 40 : i32
      %add3A_239 = arith.addi %add3A_238, %add3A_173 : i32
      %get3A_240 = arith.index_cast %add3A_239 : i32 to index
      %get3A_241 = arith.constant 96 : index
      %get3A_242 = tpu.vector_load %arg7[%get3A_240, %get3A_241] {strides = array<i32>} : memref<200x128xf32, #tpu.memory_space<vmem>>, vector<1x16xf32>,
      %get3A_243 = vector.shape_cast %get3A_242 : vector<1x16xf32> to vector<16xf32>
      %swap3A_244 = arith.index_cast %add3A_173 : i32 to index
      %swap3A_245 = arith.constant 96 : index
      %swap3A_246 = tpu.vector_load %arg14[%swap3A_244, %swap3A_245] {strides = array<i32>} : memref<40x128xf32, #tpu.memory_space<vmem>>, vector<1x16xf32>,
      %swap3A_247 = vector.shape_cast %swap3A_246 : vector<1x16xf32> to vector<16xf32>
      %swap3A_248 = vector.shape_cast %get3A_243 : vector<16xf32> to vector<1x16xf32>
      tpu.vector_store %arg14[%swap3A_244, %swap3A_245], %swap3A_248 {strides = array<i32>} : memref<40x128xf32, #tpu.memory_space<vmem>>, vector<1x16xf32>,
      %add3A_249 = arith.constant 40 : i32
      %add3A_250 = arith.addi %add3A_249, %add3A_173 : i32
      %get3A_251 = arith.index_cast %add3A_250 : i32 to index
      %get3A_252 = arith.constant 112 : index
      %get3A_253 = tpu.vector_load %arg7[%get3A_251, %get3A_252] {strides = array<i32>} : memref<200x128xf32, #tpu.memory_space<vmem>>, vector<1x16xf32>,
      %get3A_254 = vector.shape_cast %get3A_253 : vector<1x16xf32> to vector<16xf32>
      %swap3A_255 = arith.index_cast %add3A_173 : i32 to index
      %swap3A_256 = arith.constant 112 : index
      %swap3A_257 = tpu.vector_load %arg14[%swap3A_255, %swap3A_256] {strides = array<i32>} : memref<40x128xf32, #tpu.memory_space<vmem>>, vector<1x16xf32>,
      %swap3A_258 = vector.shape_cast %swap3A_257 : vector<1x16xf32> to vector<16xf32>
      %swap3A_259 = vector.shape_cast %get3A_254 : vector<16xf32> to vector<1x16xf32>
      tpu.vector_store %arg14[%swap3A_255, %swap3A_256], %swap3A_259 {strides = array<i32>} : memref<40x128xf32, #tpu.memory_space<vmem>>, vector<1x16xf32>,
      %mul3A_260 = arith.constant 2 : i32
      %mul3A_261 = arith.muli %mul3A_260, %scan3A_169 : i32
      %add3A_262 = arith.constant 1 : i32
      %add3A_263 = arith.addi %mul3A_261, %add3A_262 : i32
      %add3A_264 = arith.constant 40 : i32
      %add3A_265 = arith.addi %add3A_264, %add3A_263 : i32
      %get3A_266 = arith.index_cast %add3A_265 : i32 to index
      %get3A_267 = arith.constant 0 : index
      %get3A_268 = tpu.vector_load %arg7[%get3A_266, %get3A_267] {strides = array<i32>} : memref<200x128xf32, #tpu.memory_space<vmem>>, vector<1x16xf32>,
      %get3A_269 = vector.shape_cast %get3A_268 : vector<1x16xf32> to vector<16xf32>
      %swap3A_270 = arith.index_cast %add3A_263 : i32 to index
      %swap3A_271 = arith.constant 0 : index
      %swap3A_272 = tpu.vector_load %arg14[%swap3A_270, %swap3A_271] {strides = array<i32>} : memref<40x128xf32, #tpu.memory_space<vmem>>, vector<1x16xf32>,
      %swap3A_273 = vector.shape_cast %swap3A_272 : vector<1x16xf32> to vector<16xf32>
      %swap3A_274 = vector.shape_cast %get3A_269 : vector<16xf32> to vector<1x16xf32>
      tpu.vector_store %arg14[%swap3A_270, %swap3A_271], %swap3A_274 {strides = array<i32>} : memref<40x128xf32, #tpu.memory_space<vmem>>, vector<1x16xf32>,
      %add3A_275 = arith.constant 40 : i32
      %add3A_276 = arith.addi %add3A_275, %add3A_263 : i32
      %get3A_277 = arith.index_cast %add3A_276 : i32 to index
      %get3A_278 = arith.constant 16 : index
      %get3A_279 = tpu.vector_load %arg7[%get3A_277, %get3A_278] {strides = array<i32>} : memref<200x128xf32, #tpu.memory_space<vmem>>, vector<1x16xf32>,
      %get3A_280 = vector.shape_cast %get3A_279 : vector<1x16xf32> to vector<16xf32>
      %swap3A_281 = arith.index_cast %add3A_263 : i32 to index
      %swap3A_282 = arith.constant 16 : index
      %swap3A_283 = tpu.vector_load %arg14[%swap3A_281, %swap3A_282] {strides = array<i32>} : memref<40x128xf32, #tpu.memory_space<vmem>>, vector<1x16xf32>,
      %swap3A_284 = vector.shape_cast %swap3A_283 : vector<1x16xf32> to vector<16xf32>
      %swap3A_285 = vector.shape_cast %get3A_280 : vector<16xf32> to vector<1x16xf32>
      tpu.vector_store %arg14[%swap3A_281, %swap3A_282], %swap3A_285 {strides = array<i32>} : memref<40x128xf32, #tpu.memory_space<vmem>>, vector<1x16xf32>,
      %add3A_286 = arith.constant 40 : i32
      %add3A_287 = arith.addi %add3A_286, %add3A_263 : i32
      %get3A_288 = arith.index_cast %add3A_287 : i32 to index
      %get3A_289 = arith.constant 32 : index
      %get3A_290 = tpu.vector_load %arg7[%get3A_288, %get3A_289] {strides = array<i32>} : memref<200x128xf32, #tpu.memory_space<vmem>>, vector<1x16xf32>,
      %get3A_291 = vector.shape_cast %get3A_290 : vector<1x16xf32> to vector<16xf32>
      %swap3A_292 = arith.index_cast %add3A_263 : i32 to index
      %swap3A_293 = arith.constant 32 : index
      %swap3A_294 = tpu.vector_load %arg14[%swap3A_292, %swap3A_293] {strides = array<i32>} : memref<40x128xf32, #tpu.memory_space<vmem>>, vector<1x16xf32>,
      %swap3A_295 = vector.shape_cast %swap3A_294 : vector<1x16xf32> to vector<16xf32>
      %swap3A_296 = vector.shape_cast %get3A_291 : vector<16xf32> to vector<1x16xf32>
      tpu.vector_store %arg14[%swap3A_292, %swap3A_293], %swap3A_296 {strides = array<i32>} : memref<40x128xf32, #tpu.memory_space<vmem>>, vector<1x16xf32>,
      %add3A_297 = arith.constant 40 : i32
      %add3A_298 = arith.addi %add3A_297, %add3A_263 : i32
      %get3A_299 = arith.index_cast %add3A_298 : i32 to index
      %get3A_300 = arith.constant 48 : index
      %get3A_301 = tpu.vector_load %arg7[%get3A_299, %get3A_300] {strides = array<i32>} : memref<200x128xf32, #tpu.memory_space<vmem>>, vector<1x16xf32>,
      %get3A_302 = vector.shape_cast %get3A_301 : vector<1x16xf32> to vector<16xf32>
      %swap3A_303 = arith.index_cast %add3A_263 : i32 to index
      %swap3A_304 = arith.constant 48 : index
      %swap3A_305 = tpu.vector_load %arg14[%swap3A_303, %swap3A_304] {strides = array<i32>} : memref<40x128xf32, #tpu.memory_space<vmem>>, vector<1x16xf32>,
      %swap3A_306 = vector.shape_cast %swap3A_305 : vector<1x16xf32> to vector<16xf32>
      %swap3A_307 = vector.shape_cast %get3A_302 : vector<16xf32> to vector<1x16xf32>
      tpu.vector_store %arg14[%swap3A_303, %swap3A_304], %swap3A_307 {strides = array<i32>} : memref<40x128xf32, #tpu.memory_space<vmem>>, vector<1x16xf32>,
      %add3A_308 = arith.constant 40 : i32
      %add3A_309 = arith.addi %add3A_308, %add3A_263 : i32
      %get3A_310 = arith.index_cast %add3A_309 : i32 to index
      %get3A_311 = arith.constant 64 : index
      %get3A_312 = tpu.vector_load %arg7[%get3A_310, %get3A_311] {strides = array<i32>} : memref<200x128xf32, #tpu.memory_space<vmem>>, vector<1x16xf32>,
      %get3A_313 = vector.shape_cast %get3A_312 : vector<1x16xf32> to vector<16xf32>
      %swap3A_314 = arith.index_cast %add3A_263 : i32 to index
      %swap3A_315 = arith.constant 64 : index
      %swap3A_316 = tpu.vector_load %arg14[%swap3A_314, %swap3A_315] {strides = array<i32>} : memref<40x128xf32, #tpu.memory_space<vmem>>, vector<1x16xf32>,
      %swap3A_317 = vector.shape_cast %swap3A_316 : vector<1x16xf32> to vector<16xf32>
      %swap3A_318 = vector.shape_cast %get3A_313 : vector<16xf32> to vector<1x16xf32>
      tpu.vector_store %arg14[%swap3A_314, %swap3A_315], %swap3A_318 {strides = array<i32>} : memref<40x128xf32, #tpu.memory_space<vmem>>, vector<1x16xf32>,
      %add3A_319 = arith.constant 40 : i32
      %add3A_320 = arith.addi %add3A_319, %add3A_263 : i32
      %get3A_321 = arith.index_cast %add3A_320 : i32 to index
      %get3A_322 = arith.constant 80 : index
      %get3A_323 = tpu.vector_load %arg7[%get3A_321, %get3A_322] {strides = array<i32>} : memref<200x128xf32, #tpu.memory_space<vmem>>, vector<1x16xf32>,
      %get3A_324 = vector.shape_cast %get3A_323 : vector<1x16xf32> to vector<16xf32>
      %swap3A_325 = arith.index_cast %add3A_263 : i32 to index
      %swap3A_326 = arith.constant 80 : index
      %swap3A_327 = tpu.vector_load %arg14[%swap3A_325, %swap3A_326] {strides = array<i32>} : memref<40x128xf32, #tpu.memory_space<vmem>>, vector<1x16xf32>,
      %swap3A_328 = vector.shape_cast %swap3A_327 : vector<1x16xf32> to vector<16xf32>
      %swap3A_329 = vector.shape_cast %get3A_324 : vector<16xf32> to vector<1x16xf32>
      tpu.vector_store %arg14[%swap3A_325, %swap3A_326], %swap3A_329 {strides = array<i32>} : memref<40x128xf32, #tpu.memory_space<vmem>>, vector<1x16xf32>,
      %add3A_330 = arith.constant 40 : i32
      %add3A_331 = arith.addi %add3A_330, %add3A_263 : i32
      %get3A_332 = arith.index_cast %add3A_331 : i32 to index
      %get3A_333 = arith.constant 96 : index
      %get3A_334 = tpu.vector_load %arg7[%get3A_332, %get3A_333] {strides = array<i32>} : memref<200x128xf32, #tpu.memory_space<vmem>>, vector<1x16xf32>,
      %get3A_335 = vector.shape_cast %get3A_334 : vector<1x16xf32> to vector<16xf32>
      %swap3A_336 = arith.index_cast %add3A_263 : i32 to index
      %swap3A_337 = arith.constant 96 : index
      %swap3A_338 = tpu.vector_load %arg14[%swap3A_336, %swap3A_337] {strides = array<i32>} : memref<40x128xf32, #tpu.memory_space<vmem>>, vector<1x16xf32>,
      %swap3A_339 = vector.shape_cast %swap3A_338 : vector<1x16xf32> to vector<16xf32>
      %swap3A_340 = vector.shape_cast %get3A_335 : vector<16xf32> to vector<1x16xf32>
      tpu.vector_store %arg14[%swap3A_336, %swap3A_337], %swap3A_340 {strides = array<i32>} : memref<40x128xf32, #tpu.memory_space<vmem>>, vector<1x16xf32>,
      %add3A_341 = arith.constant 40 : i32
      %add3A_342 = arith.addi %add3A_341, %add3A_263 : i32
      %get3A_343 = arith.index_cast %add3A_342 : i32 to index
      %get3A_344 = arith.constant 112 : index
      %get3A_345 = tpu.vector_load %arg7[%get3A_343, %get3A_344] {strides = array<i32>} : memref<200x128xf32, #tpu.memory_space<vmem>>, vector<1x16xf32>,
      %get3A_346 = vector.shape_cast %get3A_345 : vector<1x16xf32> to vector<16xf32>
      %swap3A_347 = arith.index_cast %add3A_263 : i32 to index
      %swap3A_348 = arith.constant 112 : index
      %swap3A_349 = tpu.vector_load %arg14[%swap3A_347, %swap3A_348] {strides = array<i32>} : memref<40x128xf32, #tpu.memory_space<vmem>>, vector<1x16xf32>,
      %swap3A_350 = vector.shape_cast %swap3A_349 : vector<1x16xf32> to vector<16xf32>
      %swap3A_351 = vector.shape_cast %get3A_346 : vector<16xf32> to vector<1x16xf32>
      tpu.vector_store %arg14[%swap3A_347, %swap3A_348], %swap3A_351 {strides = array<i32>} : memref<40x128xf32, #tpu.memory_space<vmem>>, vector<1x16xf32>,
    }
    %scan3A_75 = arith.constant 20 : i32
    %dma_start3A_76 = arith.constant 240 : i32
    %dma_start3A_77 = tpu.memref_slice %arg6[%dma_start3A_76] : memref<6400xi32, #tpu.memory_space<vmem>> -> memref<40xi32, #tpu.memory_space<vmem>>
    %dma_start3A_78 = arith.constant 0 : i32
    %dma_start3A_79 = arith.constant 0 : i32
    %dma_start3A_80 = tpu.memref_slice %arg2[%dma_start3A_78, %dma_start3A_79] : memref<100000x128xf32, #tpu.memory_space<hbm>> -> memref<100000x128xf32, #tpu.memory_space<hbm>>
    tpu.enqueue_indirect_dma source(%dma_start3A_80 : memref<100000x128xf32, #tpu.memory_space<hbm>>) target(%arg14 : memref<40x128xf32, #tpu.memory_space<vmem>>) offsets(%dma_start3A_77 : memref<40xi32, #tpu.memory_space<vmem>>) semaphore(%arg24 : memref<!tpu.dma_semaphore, #tpu.memory_space<semaphore_mem>>) {add = true}
    %scan3A_81 = arith.constant 0 : i32
    %scan3A_82 = arith.constant 0 : i32
    %scan3A_83 = arith.constant 20 : i32
    %scan3A_84 = arith.addi %scan3A_82, %scan3A_83 : i32
    %scan3A_85 = arith.constant 1 : i32
    scf.for %scan3A_169 = %scan3A_82 to %scan3A_84 step %scan3A_85  : i32 {
      %mul3A_170 = arith.constant 2 : i32
      %mul3A_171 = arith.muli %mul3A_170, %scan3A_169 : i32
      %add3A_172 = arith.constant 0 : i32
      %add3A_173 = arith.addi %mul3A_171, %add3A_172 : i32
      %add3A_174 = arith.constant 80 : i32
      %add3A_175 = arith.addi %add3A_174, %add3A_173 : i32
      %get3A = arith.index_cast %add3A_175 : i32 to index
      %get3A_176 = arith.constant 0 : index
      %get3A_177 = tpu.vector_load %arg7[%get3A, %get3A_176] {strides = array<i32>} : memref<200x128xf32, #tpu.memory_space<vmem>>, vector<1x16xf32>,
      %get3A_178 = vector.shape_cast %get3A_177 : vector<1x16xf32> to vector<16xf32>
      %swap3A = arith.index_cast %add3A_173 : i32 to index
      %swap3A_179 = arith.constant 0 : index
      %swap3A_180 = tpu.vector_load %arg15[%swap3A, %swap3A_179] {strides = array<i32>} : memref<40x128xf32, #tpu.memory_space<vmem>>, vector<1x16xf32>,
      %swap3A_181 = vector.shape_cast %swap3A_180 : vector<1x16xf32> to vector<16xf32>
      %swap3A_182 = vector.shape_cast %get3A_178 : vector<16xf32> to vector<1x16xf32>
      tpu.vector_store %arg15[%swap3A, %swap3A_179], %swap3A_182 {strides = array<i32>} : memref<40x128xf32, #tpu.memory_space<vmem>>, vector<1x16xf32>,
      %add3A_183 = arith.constant 80 : i32
      %add3A_184 = arith.addi %add3A_183, %add3A_173 : i32
      %get3A_185 = arith.index_cast %add3A_184 : i32 to index
      %get3A_186 = arith.constant 16 : index
      %get3A_187 = tpu.vector_load %arg7[%get3A_185, %get3A_186] {strides = array<i32>} : memref<200x128xf32, #tpu.memory_space<vmem>>, vector<1x16xf32>,
      %get3A_188 = vector.shape_cast %get3A_187 : vector<1x16xf32> to vector<16xf32>
      %swap3A_189 = arith.index_cast %add3A_173 : i32 to index
      %swap3A_190 = arith.constant 16 : index
      %swap3A_191 = tpu.vector_load %arg15[%swap3A_189, %swap3A_190] {strides = array<i32>} : memref<40x128xf32, #tpu.memory_space<vmem>>, vector<1x16xf32>,
      %swap3A_192 = vector.shape_cast %swap3A_191 : vector<1x16xf32> to vector<16xf32>
      %swap3A_193 = vector.shape_cast %get3A_188 : vector<16xf32> to vector<1x16xf32>
      tpu.vector_store %arg15[%swap3A_189, %swap3A_190], %swap3A_193 {strides = array<i32>} : memref<40x128xf32, #tpu.memory_space<vmem>>, vector<1x16xf32>,
      %add3A_194 = arith.constant 80 : i32
      %add3A_195 = arith.addi %add3A_194, %add3A_173 : i32
      %get3A_196 = arith.index_cast %add3A_195 : i32 to index
      %get3A_197 = arith.constant 32 : index
      %get3A_198 = tpu.vector_load %arg7[%get3A_196, %get3A_197] {strides = array<i32>} : memref<200x128xf32, #tpu.memory_space<vmem>>, vector<1x16xf32>,
      %get3A_199 = vector.shape_cast %get3A_198 : vector<1x16xf32> to vector<16xf32>
      %swap3A_200 = arith.index_cast %add3A_173 : i32 to index
      %swap3A_201 = arith.constant 32 : index
      %swap3A_202 = tpu.vector_load %arg15[%swap3A_200, %swap3A_201] {strides = array<i32>} : memref<40x128xf32, #tpu.memory_space<vmem>>, vector<1x16xf32>,
      %swap3A_203 = vector.shape_cast %swap3A_202 : vector<1x16xf32> to vector<16xf32>
      %swap3A_204 = vector.shape_cast %get3A_199 : vector<16xf32> to vector<1x16xf32>
      tpu.vector_store %arg15[%swap3A_200, %swap3A_201], %swap3A_204 {strides = array<i32>} : memref<40x128xf32, #tpu.memory_space<vmem>>, vector<1x16xf32>,
      %add3A_205 = arith.constant 80 : i32
      %add3A_206 = arith.addi %add3A_205, %add3A_173 : i32
      %get3A_207 = arith.index_cast %add3A_206 : i32 to index
      %get3A_208 = arith.constant 48 : index
      %get3A_209 = tpu.vector_load %arg7[%get3A_207, %get3A_208] {strides = array<i32>} : memref<200x128xf32, #tpu.memory_space<vmem>>, vector<1x16xf32>,
      %get3A_210 = vector.shape_cast %get3A_209 : vector<1x16xf32> to vector<16xf32>
      %swap3A_211 = arith.index_cast %add3A_173 : i32 to index
      %swap3A_212 = arith.constant 48 : index
      %swap3A_213 = tpu.vector_load %arg15[%swap3A_211, %swap3A_212] {strides = array<i32>} : memref<40x128xf32, #tpu.memory_space<vmem>>, vector<1x16xf32>,
      %swap3A_214 = vector.shape_cast %swap3A_213 : vector<1x16xf32> to vector<16xf32>
      %swap3A_215 = vector.shape_cast %get3A_210 : vector<16xf32> to vector<1x16xf32>
      tpu.vector_store %arg15[%swap3A_211, %swap3A_212], %swap3A_215 {strides = array<i32>} : memref<40x128xf32, #tpu.memory_space<vmem>>, vector<1x16xf32>,
      %add3A_216 = arith.constant 80 : i32
      %add3A_217 = arith.addi %add3A_216, %add3A_173 : i32
      %get3A_218 = arith.index_cast %add3A_217 : i32 to index
      %get3A_219 = arith.constant 64 : index
      %get3A_220 = tpu.vector_load %arg7[%get3A_218, %get3A_219] {strides = array<i32>} : memref<200x128xf32, #tpu.memory_space<vmem>>, vector<1x16xf32>,
      %get3A_221 = vector.shape_cast %get3A_220 : vector<1x16xf32> to vector<16xf32>
      %swap3A_222 = arith.index_cast %add3A_173 : i32 to index
      %swap3A_223 = arith.constant 64 : index
      %swap3A_224 = tpu.vector_load %arg15[%swap3A_222, %swap3A_223] {strides = array<i32>} : memref<40x128xf32, #tpu.memory_space<vmem>>, vector<1x16xf32>,
      %swap3A_225 = vector.shape_cast %swap3A_224 : vector<1x16xf32> to vector<16xf32>
      %swap3A_226 = vector.shape_cast %get3A_221 : vector<16xf32> to vector<1x16xf32>
      tpu.vector_store %arg15[%swap3A_222, %swap3A_223], %swap3A_226 {strides = array<i32>} : memref<40x128xf32, #tpu.memory_space<vmem>>, vector<1x16xf32>,
      %add3A_227 = arith.constant 80 : i32
      %add3A_228 = arith.addi %add3A_227, %add3A_173 : i32
      %get3A_229 = arith.index_cast %add3A_228 : i32 to index
      %get3A_230 = arith.constant 80 : index
      %get3A_231 = tpu.vector_load %arg7[%get3A_229, %get3A_230] {strides = array<i32>} : memref<200x128xf32, #tpu.memory_space<vmem>>, vector<1x16xf32>,
      %get3A_232 = vector.shape_cast %get3A_231 : vector<1x16xf32> to vector<16xf32>
      %swap3A_233 = arith.index_cast %add3A_173 : i32 to index
      %swap3A_234 = arith.constant 80 : index
      %swap3A_235 = tpu.vector_load %arg15[%swap3A_233, %swap3A_234] {strides = array<i32>} : memref<40x128xf32, #tpu.memory_space<vmem>>, vector<1x16xf32>,
      %swap3A_236 = vector.shape_cast %swap3A_235 : vector<1x16xf32> to vector<16xf32>
      %swap3A_237 = vector.shape_cast %get3A_232 : vector<16xf32> to vector<1x16xf32>
      tpu.vector_store %arg15[%swap3A_233, %swap3A_234], %swap3A_237 {strides = array<i32>} : memref<40x128xf32, #tpu.memory_space<vmem>>, vector<1x16xf32>,
      %add3A_238 = arith.constant 80 : i32
      %add3A_239 = arith.addi %add3A_238, %add3A_173 : i32
      %get3A_240 = arith.index_cast %add3A_239 : i32 to index
      %get3A_241 = arith.constant 96 : index
      %get3A_242 = tpu.vector_load %arg7[%get3A_240, %get3A_241] {strides = array<i32>} : memref<200x128xf32, #tpu.memory_space<vmem>>, vector<1x16xf32>,
      %get3A_243 = vector.shape_cast %get3A_242 : vector<1x16xf32> to vector<16xf32>
      %swap3A_244 = arith.index_cast %add3A_173 : i32 to index
      %swap3A_245 = arith.constant 96 : index
      %swap3A_246 = tpu.vector_load %arg15[%swap3A_244, %swap3A_245] {strides = array<i32>} : memref<40x128xf32, #tpu.memory_space<vmem>>, vector<1x16xf32>,
      %swap3A_247 = vector.shape_cast %swap3A_246 : vector<1x16xf32> to vector<16xf32>
      %swap3A_248 = vector.shape_cast %get3A_243 : vector<16xf32> to vector<1x16xf32>
      tpu.vector_store %arg15[%swap3A_244, %swap3A_245], %swap3A_248 {strides = array<i32>} : memref<40x128xf32, #tpu.memory_space<vmem>>, vector<1x16xf32>,
      %add3A_249 = arith.constant 80 : i32
      %add3A_250 = arith.addi %add3A_249, %add3A_173 : i32
      %get3A_251 = arith.index_cast %add3A_250 : i32 to index
      %get3A_252 = arith.constant 112 : index
      %get3A_253 = tpu.vector_load %arg7[%get3A_251, %get3A_252] {strides = array<i32>} : memref<200x128xf32, #tpu.memory_space<vmem>>, vector<1x16xf32>,
      %get3A_254 = vector.shape_cast %get3A_253 : vector<1x16xf32> to vector<16xf32>
      %swap3A_255 = arith.index_cast %add3A_173 : i32 to index
      %swap3A_256 = arith.constant 112 : index
      %swap3A_257 = tpu.vector_load %arg15[%swap3A_255, %swap3A_256] {strides = array<i32>} : memref<40x128xf32, #tpu.memory_space<vmem>>, vector<1x16xf32>,
      %swap3A_258 = vector.shape_cast %swap3A_257 : vector<1x16xf32> to vector<16xf32>
      %swap3A_259 = vector.shape_cast %get3A_254 : vector<16xf32> to vector<1x16xf32>
      tpu.vector_store %arg15[%swap3A_255, %swap3A_256], %swap3A_259 {strides = array<i32>} : memref<40x128xf32, #tpu.memory_space<vmem>>, vector<1x16xf32>,
      %mul3A_260 = arith.constant 2 : i32
      %mul3A_261 = arith.muli %mul3A_260, %scan3A_169 : i32
      %add3A_262 = arith.constant 1 : i32
      %add3A_263 = arith.addi %mul3A_261, %add3A_262 : i32
      %add3A_264 = arith.constant 80 : i32
      %add3A_265 = arith.addi %add3A_264, %add3A_263 : i32
      %get3A_266 = arith.index_cast %add3A_265 : i32 to index
      %get3A_267 = arith.constant 0 : index
      %get3A_268 = tpu.vector_load %arg7[%get3A_266, %get3A_267] {strides = array<i32>} : memref<200x128xf32, #tpu.memory_space<vmem>>, vector<1x16xf32>,
      %get3A_269 = vector.shape_cast %get3A_268 : vector<1x16xf32> to vector<16xf32>
      %swap3A_270 = arith.index_cast %add3A_263 : i32 to index
      %swap3A_271 = arith.constant 0 : index
      %swap3A_272 = tpu.vector_load %arg15[%swap3A_270, %swap3A_271] {strides = array<i32>} : memref<40x128xf32, #tpu.memory_space<vmem>>, vector<1x16xf32>,
      %swap3A_273 = vector.shape_cast %swap3A_272 : vector<1x16xf32> to vector<16xf32>
      %swap3A_274 = vector.shape_cast %get3A_269 : vector<16xf32> to vector<1x16xf32>
      tpu.vector_store %arg15[%swap3A_270, %swap3A_271], %swap3A_274 {strides = array<i32>} : memref<40x128xf32, #tpu.memory_space<vmem>>, vector<1x16xf32>,
      %add3A_275 = arith.constant 80 : i32
      %add3A_276 = arith.addi %add3A_275, %add3A_263 : i32
      %get3A_277 = arith.index_cast %add3A_276 : i32 to index
      %get3A_278 = arith.constant 16 : index
      %get3A_279 = tpu.vector_load %arg7[%get3A_277, %get3A_278] {strides = array<i32>} : memref<200x128xf32, #tpu.memory_space<vmem>>, vector<1x16xf32>,
      %get3A_280 = vector.shape_cast %get3A_279 : vector<1x16xf32> to vector<16xf32>
      %swap3A_281 = arith.index_cast %add3A_263 : i32 to index
      %swap3A_282 = arith.constant 16 : index
      %swap3A_283 = tpu.vector_load %arg15[%swap3A_281, %swap3A_282] {strides = array<i32>} : memref<40x128xf32, #tpu.memory_space<vmem>>, vector<1x16xf32>,
      %swap3A_284 = vector.shape_cast %swap3A_283 : vector<1x16xf32> to vector<16xf32>
      %swap3A_285 = vector.shape_cast %get3A_280 : vector<16xf32> to vector<1x16xf32>
      tpu.vector_store %arg15[%swap3A_281, %swap3A_282], %swap3A_285 {strides = array<i32>} : memref<40x128xf32, #tpu.memory_space<vmem>>, vector<1x16xf32>,
      %add3A_286 = arith.constant 80 : i32
      %add3A_287 = arith.addi %add3A_286, %add3A_263 : i32
      %get3A_288 = arith.index_cast %add3A_287 : i32 to index
      %get3A_289 = arith.constant 32 : index
      %get3A_290 = tpu.vector_load %arg7[%get3A_288, %get3A_289] {strides = array<i32>} : memref<200x128xf32, #tpu.memory_space<vmem>>, vector<1x16xf32>,
      %get3A_291 = vector.shape_cast %get3A_290 : vector<1x16xf32> to vector<16xf32>
      %swap3A_292 = arith.index_cast %add3A_263 : i32 to index
      %swap3A_293 = arith.constant 32 : index
      %swap3A_294 = tpu.vector_load %arg15[%swap3A_292, %swap3A_293] {strides = array<i32>} : memref<40x128xf32, #tpu.memory_space<vmem>>, vector<1x16xf32>,
      %swap3A_295 = vector.shape_cast %swap3A_294 : vector<1x16xf32> to vector<16xf32>
      %swap3A_296 = vector.shape_cast %get3A_291 : vector<16xf32> to vector<1x16xf32>
      tpu.vector_store %arg15[%swap3A_292, %swap3A_293], %swap3A_296 {strides = array<i32>} : memref<40x128xf32, #tpu.memory_space<vmem>>, vector<1x16xf32>,
      %add3A_297 = arith.constant 80 : i32
      %add3A_298 = arith.addi %add3A_297, %add3A_263 : i32
      %get3A_299 = arith.index_cast %add3A_298 : i32 to index
      %get3A_300 = arith.constant 48 : index
      %get3A_301 = tpu.vector_load %arg7[%get3A_299, %get3A_300] {strides = array<i32>} : memref<200x128xf32, #tpu.memory_space<vmem>>, vector<1x16xf32>,
      %get3A_302 = vector.shape_cast %get3A_301 : vector<1x16xf32> to vector<16xf32>
      %swap3A_303 = arith.index_cast %add3A_263 : i32 to index
      %swap3A_304 = arith.constant 48 : index
      %swap3A_305 = tpu.vector_load %arg15[%swap3A_303, %swap3A_304] {strides = array<i32>} : memref<40x128xf32, #tpu.memory_space<vmem>>, vector<1x16xf32>,
      %swap3A_306 = vector.shape_cast %swap3A_305 : vector<1x16xf32> to vector<16xf32>
      %swap3A_307 = vector.shape_cast %get3A_302 : vector<16xf32> to vector<1x16xf32>
      tpu.vector_store %arg15[%swap3A_303, %swap3A_304], %swap3A_307 {strides = array<i32>} : memref<40x128xf32, #tpu.memory_space<vmem>>, vector<1x16xf32>,
      %add3A_308 = arith.constant 80 : i32
      %add3A_309 = arith.addi %add3A_308, %add3A_263 : i32
      %get3A_310 = arith.index_cast %add3A_309 : i32 to index
      %get3A_311 = arith.constant 64 : index
      %get3A_312 = tpu.vector_load %arg7[%get3A_310, %get3A_311] {strides = array<i32>} : memref<200x128xf32, #tpu.memory_space<vmem>>, vector<1x16xf32>,
      %get3A_313 = vector.shape_cast %get3A_312 : vector<1x16xf32> to vector<16xf32>
      %swap3A_314 = arith.index_cast %add3A_263 : i32 to index
      %swap3A_315 = arith.constant 64 : index
      %swap3A_316 = tpu.vector_load %arg15[%swap3A_314, %swap3A_315] {strides = array<i32>} : memref<40x128xf32, #tpu.memory_space<vmem>>, vector<1x16xf32>,
      %swap3A_317 = vector.shape_cast %swap3A_316 : vector<1x16xf32> to vector<16xf32>
      %swap3A_318 = vector.shape_cast %get3A_313 : vector<16xf32> to vector<1x16xf32>
      tpu.vector_store %arg15[%swap3A_314, %swap3A_315], %swap3A_318 {strides = array<i32>} : memref<40x128xf32, #tpu.memory_space<vmem>>, vector<1x16xf32>,
      %add3A_319 = arith.constant 80 : i32
      %add3A_320 = arith.addi %add3A_319, %add3A_263 : i32
      %get3A_321 = arith.index_cast %add3A_320 : i32 to index
      %get3A_322 = arith.constant 80 : index
      %get3A_323 = tpu.vector_load %arg7[%get3A_321, %get3A_322] {strides = array<i32>} : memref<200x128xf32, #tpu.memory_space<vmem>>, vector<1x16xf32>,
      %get3A_324 = vector.shape_cast %get3A_323 : vector<1x16xf32> to vector<16xf32>
      %swap3A_325 = arith.index_cast %add3A_263 : i32 to index
      %swap3A_326 = arith.constant 80 : index
      %swap3A_327 = tpu.vector_load %arg15[%swap3A_325, %swap3A_326] {strides = array<i32>} : memref<40x128xf32, #tpu.memory_space<vmem>>, vector<1x16xf32>,
      %swap3A_328 = vector.shape_cast %swap3A_327 : vector<1x16xf32> to vector<16xf32>
      %swap3A_329 = vector.shape_cast %get3A_324 : vector<16xf32> to vector<1x16xf32>
      tpu.vector_store %arg15[%swap3A_325, %swap3A_326], %swap3A_329 {strides = array<i32>} : memref<40x128xf32, #tpu.memory_space<vmem>>, vector<1x16xf32>,
      %add3A_330 = arith.constant 80 : i32
      %add3A_331 = arith.addi %add3A_330, %add3A_263 : i32
      %get3A_332 = arith.index_cast %add3A_331 : i32 to index
      %get3A_333 = arith.constant 96 : index
      %get3A_334 = tpu.vector_load %arg7[%get3A_332, %get3A_333] {strides = array<i32>} : memref<200x128xf32, #tpu.memory_space<vmem>>, vector<1x16xf32>,
      %get3A_335 = vector.shape_cast %get3A_334 : vector<1x16xf32> to vector<16xf32>
      %swap3A_336 = arith.index_cast %add3A_263 : i32 to index
      %swap3A_337 = arith.constant 96 : index
      %swap3A_338 = tpu.vector_load %arg15[%swap3A_336, %swap3A_337] {strides = array<i32>} : memref<40x128xf32, #tpu.memory_space<vmem>>, vector<1x16xf32>,
      %swap3A_339 = vector.shape_cast %swap3A_338 : vector<1x16xf32> to vector<16xf32>
      %swap3A_340 = vector.shape_cast %get3A_335 : vector<16xf32> to vector<1x16xf32>
      tpu.vector_store %arg15[%swap3A_336, %swap3A_337], %swap3A_340 {strides = array<i32>} : memref<40x128xf32, #tpu.memory_space<vmem>>, vector<1x16xf32>,
      %add3A_341 = arith.constant 80 : i32
      %add3A_342 = arith.addi %add3A_341, %add3A_263 : i32
      %get3A_343 = arith.index_cast %add3A_342 : i32 to index
      %get3A_344 = arith.constant 112 : index
      %get3A_345 = tpu.vector_load %arg7[%get3A_343, %get3A_344] {strides = array<i32>} : memref<200x128xf32, #tpu.memory_space<vmem>>, vector<1x16xf32>,
      %get3A_346 = vector.shape_cast %get3A_345 : vector<1x16xf32> to vector<16xf32>
      %swap3A_347 = arith.index_cast %add3A_263 : i32 to index
      %swap3A_348 = arith.constant 112 : index
      %swap3A_349 = tpu.vector_load %arg15[%swap3A_347, %swap3A_348] {strides = array<i32>} : memref<40x128xf32, #tpu.memory_space<vmem>>, vector<1x16xf32>,
      %swap3A_350 = vector.shape_cast %swap3A_349 : vector<1x16xf32> to vector<16xf32>
      %swap3A_351 = vector.shape_cast %get3A_346 : vector<16xf32> to vector<1x16xf32>
      tpu.vector_store %arg15[%swap3A_347, %swap3A_348], %swap3A_351 {strides = array<i32>} : memref<40x128xf32, #tpu.memory_space<vmem>>, vector<1x16xf32>,
    }
    %scan3A_86 = arith.constant 20 : i32
    %dma_start3A_87 = arith.constant 280 : i32
    %dma_start3A_88 = tpu.memref_slice %arg6[%dma_start3A_87] : memref<6400xi32, #tpu.memory_space<vmem>> -> memref<40xi32, #tpu.memory_space<vmem>>
    %dma_start3A_89 = arith.constant 0 : i32
    %dma_start3A_90 = arith.constant 0 : i32
    %dma_start3A_91 = tpu.memref_slice %arg2[%dma_start3A_89, %dma_start3A_90] : memref<100000x128xf32, #tpu.memory_space<hbm>> -> memref<100000x128xf32, #tpu.memory_space<hbm>>
    tpu.enqueue_indirect_dma source(%dma_start3A_91 : memref<100000x128xf32, #tpu.memory_space<hbm>>) target(%arg15 : memref<40x128xf32, #tpu.memory_space<vmem>>) offsets(%dma_start3A_88 : memref<40xi32, #tpu.memory_space<vmem>>) semaphore(%arg25 : memref<!tpu.dma_semaphore, #tpu.memory_space<semaphore_mem>>) {add = true}
    %scan3A_92 = arith.constant 0 : i32
    %scan3A_93 = arith.constant 0 : i32
    %scan3A_94 = arith.constant 20 : i32
    %scan3A_95 = arith.addi %scan3A_93, %scan3A_94 : i32
    %scan3A_96 = arith.constant 1 : i32
    scf.for %scan3A_169 = %scan3A_93 to %scan3A_95 step %scan3A_96  : i32 {
      %mul3A_170 = arith.constant 2 : i32
      %mul3A_171 = arith.muli %mul3A_170, %scan3A_169 : i32
      %add3A_172 = arith.constant 0 : i32
      %add3A_173 = arith.addi %mul3A_171, %add3A_172 : i32
      %add3A_174 = arith.constant 120 : i32
      %add3A_175 = arith.addi %add3A_174, %add3A_173 : i32
      %get3A = arith.index_cast %add3A_175 : i32 to index
      %get3A_176 = arith.constant 0 : index
      %get3A_177 = tpu.vector_load %arg7[%get3A, %get3A_176] {strides = array<i32>} : memref<200x128xf32, #tpu.memory_space<vmem>>, vector<1x16xf32>,
      %get3A_178 = vector.shape_cast %get3A_177 : vector<1x16xf32> to vector<16xf32>
      %swap3A = arith.index_cast %add3A_173 : i32 to index
      %swap3A_179 = arith.constant 0 : index
      %swap3A_180 = tpu.vector_load %arg16[%swap3A, %swap3A_179] {strides = array<i32>} : memref<40x128xf32, #tpu.memory_space<vmem>>, vector<1x16xf32>,
      %swap3A_181 = vector.shape_cast %swap3A_180 : vector<1x16xf32> to vector<16xf32>
      %swap3A_182 = vector.shape_cast %get3A_178 : vector<16xf32> to vector<1x16xf32>
      tpu.vector_store %arg16[%swap3A, %swap3A_179], %swap3A_182 {strides = array<i32>} : memref<40x128xf32, #tpu.memory_space<vmem>>, vector<1x16xf32>,
      %add3A_183 = arith.constant 120 : i32
      %add3A_184 = arith.addi %add3A_183, %add3A_173 : i32
      %get3A_185 = arith.index_cast %add3A_184 : i32 to index
      %get3A_186 = arith.constant 16 : index
      %get3A_187 = tpu.vector_load %arg7[%get3A_185, %get3A_186] {strides = array<i32>} : memref<200x128xf32, #tpu.memory_space<vmem>>, vector<1x16xf32>,
      %get3A_188 = vector.shape_cast %get3A_187 : vector<1x16xf32> to vector<16xf32>
      %swap3A_189 = arith.index_cast %add3A_173 : i32 to index
      %swap3A_190 = arith.constant 16 : index
      %swap3A_191 = tpu.vector_load %arg16[%swap3A_189, %swap3A_190] {strides = array<i32>} : memref<40x128xf32, #tpu.memory_space<vmem>>, vector<1x16xf32>,
      %swap3A_192 = vector.shape_cast %swap3A_191 : vector<1x16xf32> to vector<16xf32>
      %swap3A_193 = vector.shape_cast %get3A_188 : vector<16xf32> to vector<1x16xf32>
      tpu.vector_store %arg16[%swap3A_189, %swap3A_190], %swap3A_193 {strides = array<i32>} : memref<40x128xf32, #tpu.memory_space<vmem>>, vector<1x16xf32>,
      %add3A_194 = arith.constant 120 : i32
      %add3A_195 = arith.addi %add3A_194, %add3A_173 : i32
      %get3A_196 = arith.index_cast %add3A_195 : i32 to index
      %get3A_197 = arith.constant 32 : index
      %get3A_198 = tpu.vector_load %arg7[%get3A_196, %get3A_197] {strides = array<i32>} : memref<200x128xf32, #tpu.memory_space<vmem>>, vector<1x16xf32>,
      %get3A_199 = vector.shape_cast %get3A_198 : vector<1x16xf32> to vector<16xf32>
      %swap3A_200 = arith.index_cast %add3A_173 : i32 to index
      %swap3A_201 = arith.constant 32 : index
      %swap3A_202 = tpu.vector_load %arg16[%swap3A_200, %swap3A_201] {strides = array<i32>} : memref<40x128xf32, #tpu.memory_space<vmem>>, vector<1x16xf32>,
      %swap3A_203 = vector.shape_cast %swap3A_202 : vector<1x16xf32> to vector<16xf32>
      %swap3A_204 = vector.shape_cast %get3A_199 : vector<16xf32> to vector<1x16xf32>
      tpu.vector_store %arg16[%swap3A_200, %swap3A_201], %swap3A_204 {strides = array<i32>} : memref<40x128xf32, #tpu.memory_space<vmem>>, vector<1x16xf32>,
      %add3A_205 = arith.constant 120 : i32
      %add3A_206 = arith.addi %add3A_205, %add3A_173 : i32
      %get3A_207 = arith.index_cast %add3A_206 : i32 to index
      %get3A_208 = arith.constant 48 : index
      %get3A_209 = tpu.vector_load %arg7[%get3A_207, %get3A_208] {strides = array<i32>} : memref<200x128xf32, #tpu.memory_space<vmem>>, vector<1x16xf32>,
      %get3A_210 = vector.shape_cast %get3A_209 : vector<1x16xf32> to vector<16xf32>
      %swap3A_211 = arith.index_cast %add3A_173 : i32 to index
      %swap3A_212 = arith.constant 48 : index
      %swap3A_213 = tpu.vector_load %arg16[%swap3A_211, %swap3A_212] {strides = array<i32>} : memref<40x128xf32, #tpu.memory_space<vmem>>, vector<1x16xf32>,
      %swap3A_214 = vector.shape_cast %swap3A_213 : vector<1x16xf32> to vector<16xf32>
      %swap3A_215 = vector.shape_cast %get3A_210 : vector<16xf32> to vector<1x16xf32>
      tpu.vector_store %arg16[%swap3A_211, %swap3A_212], %swap3A_215 {strides = array<i32>} : memref<40x128xf32, #tpu.memory_space<vmem>>, vector<1x16xf32>,
      %add3A_216 = arith.constant 120 : i32
      %add3A_217 = arith.addi %add3A_216, %add3A_173 : i32
      %get3A_218 = arith.index_cast %add3A_217 : i32 to index
      %get3A_219 = arith.constant 64 : index
      %get3A_220 = tpu.vector_load %arg7[%get3A_218, %get3A_219] {strides = array<i32>} : memref<200x128xf32, #tpu.memory_space<vmem>>, vector<1x16xf32>,
      %get3A_221 = vector.shape_cast %get3A_220 : vector<1x16xf32> to vector<16xf32>
      %swap3A_222 = arith.index_cast %add3A_173 : i32 to index
      %swap3A_223 = arith.constant 64 : index
      %swap3A_224 = tpu.vector_load %arg16[%swap3A_222, %swap3A_223] {strides = array<i32>} : memref<40x128xf32, #tpu.memory_space<vmem>>, vector<1x16xf32>,
      %swap3A_225 = vector.shape_cast %swap3A_224 : vector<1x16xf32> to vector<16xf32>
      %swap3A_226 = vector.shape_cast %get3A_221 : vector<16xf32> to vector<1x16xf32>
      tpu.vector_store %arg16[%swap3A_222, %swap3A_223], %swap3A_226 {strides = array<i32>} : memref<40x128xf32, #tpu.memory_space<vmem>>, vector<1x16xf32>,
      %add3A_227 = arith.constant 120 : i32
      %add3A_228 = arith.addi %add3A_227, %add3A_173 : i32
      %get3A_229 = arith.index_cast %add3A_228 : i32 to index
      %get3A_230 = arith.constant 80 : index
      %get3A_231 = tpu.vector_load %arg7[%get3A_229, %get3A_230] {strides = array<i32>} : memref<200x128xf32, #tpu.memory_space<vmem>>, vector<1x16xf32>,
      %get3A_232 = vector.shape_cast %get3A_231 : vector<1x16xf32> to vector<16xf32>
      %swap3A_233 = arith.index_cast %add3A_173 : i32 to index
      %swap3A_234 = arith.constant 80 : index
      %swap3A_235 = tpu.vector_load %arg16[%swap3A_233, %swap3A_234] {strides = array<i32>} : memref<40x128xf32, #tpu.memory_space<vmem>>, vector<1x16xf32>,
      %swap3A_236 = vector.shape_cast %swap3A_235 : vector<1x16xf32> to vector<16xf32>
      %swap3A_237 = vector.shape_cast %get3A_232 : vector<16xf32> to vector<1x16xf32>
      tpu.vector_store %arg16[%swap3A_233, %swap3A_234], %swap3A_237 {strides = array<i32>} : memref<40x128xf32, #tpu.memory_space<vmem>>, vector<1x16xf32>,
      %add3A_238 = arith.constant 120 : i32
      %add3A_239 = arith.addi %add3A_238, %add3A_173 : i32
      %get3A_240 = arith.index_cast %add3A_239 : i32 to index
      %get3A_241 = arith.constant 96 : index
      %get3A_242 = tpu.vector_load %arg7[%get3A_240, %get3A_241] {strides = array<i32>} : memref<200x128xf32, #tpu.memory_space<vmem>>, vector<1x16xf32>,
      %get3A_243 = vector.shape_cast %get3A_242 : vector<1x16xf32> to vector<16xf32>
      %swap3A_244 = arith.index_cast %add3A_173 : i32 to index
      %swap3A_245 = arith.constant 96 : index
      %swap3A_246 = tpu.vector_load %arg16[%swap3A_244, %swap3A_245] {strides = array<i32>} : memref<40x128xf32, #tpu.memory_space<vmem>>, vector<1x16xf32>,
      %swap3A_247 = vector.shape_cast %swap3A_246 : vector<1x16xf32> to vector<16xf32>
      %swap3A_248 = vector.shape_cast %get3A_243 : vector<16xf32> to vector<1x16xf32>
      tpu.vector_store %arg16[%swap3A_244, %swap3A_245], %swap3A_248 {strides = array<i32>} : memref<40x128xf32, #tpu.memory_space<vmem>>, vector<1x16xf32>,
      %add3A_249 = arith.constant 120 : i32
      %add3A_250 = arith.addi %add3A_249, %add3A_173 : i32
      %get3A_251 = arith.index_cast %add3A_250 : i32 to index
      %get3A_252 = arith.constant 112 : index
      %get3A_253 = tpu.vector_load %arg7[%get3A_251, %get3A_252] {strides = array<i32>} : memref<200x128xf32, #tpu.memory_space<vmem>>, vector<1x16xf32>,
      %get3A_254 = vector.shape_cast %get3A_253 : vector<1x16xf32> to vector<16xf32>
      %swap3A_255 = arith.index_cast %add3A_173 : i32 to index
      %swap3A_256 = arith.constant 112 : index
      %swap3A_257 = tpu.vector_load %arg16[%swap3A_255, %swap3A_256] {strides = array<i32>} : memref<40x128xf32, #tpu.memory_space<vmem>>, vector<1x16xf32>,
      %swap3A_258 = vector.shape_cast %swap3A_257 : vector<1x16xf32> to vector<16xf32>
      %swap3A_259 = vector.shape_cast %get3A_254 : vector<16xf32> to vector<1x16xf32>
      tpu.vector_store %arg16[%swap3A_255, %swap3A_256], %swap3A_259 {strides = array<i32>} : memref<40x128xf32, #tpu.memory_space<vmem>>, vector<1x16xf32>,
      %mul3A_260 = arith.constant 2 : i32
      %mul3A_261 = arith.muli %mul3A_260, %scan3A_169 : i32
      %add3A_262 = arith.constant 1 : i32
      %add3A_263 = arith.addi %mul3A_261, %add3A_262 : i32
      %add3A_264 = arith.constant 120 : i32
      %add3A_265 = arith.addi %add3A_264, %add3A_263 : i32
      %get3A_266 = arith.index_cast %add3A_265 : i32 to index
      %get3A_267 = arith.constant 0 : index
      %get3A_268 = tpu.vector_load %arg7[%get3A_266, %get3A_267] {strides = array<i32>} : memref<200x128xf32, #tpu.memory_space<vmem>>, vector<1x16xf32>,
      %get3A_269 = vector.shape_cast %get3A_268 : vector<1x16xf32> to vector<16xf32>
      %swap3A_270 = arith.index_cast %add3A_263 : i32 to index
      %swap3A_271 = arith.constant 0 : index
      %swap3A_272 = tpu.vector_load %arg16[%swap3A_270, %swap3A_271] {strides = array<i32>} : memref<40x128xf32, #tpu.memory_space<vmem>>, vector<1x16xf32>,
      %swap3A_273 = vector.shape_cast %swap3A_272 : vector<1x16xf32> to vector<16xf32>
      %swap3A_274 = vector.shape_cast %get3A_269 : vector<16xf32> to vector<1x16xf32>
      tpu.vector_store %arg16[%swap3A_270, %swap3A_271], %swap3A_274 {strides = array<i32>} : memref<40x128xf32, #tpu.memory_space<vmem>>, vector<1x16xf32>,
      %add3A_275 = arith.constant 120 : i32
      %add3A_276 = arith.addi %add3A_275, %add3A_263 : i32
      %get3A_277 = arith.index_cast %add3A_276 : i32 to index
      %get3A_278 = arith.constant 16 : index
      %get3A_279 = tpu.vector_load %arg7[%get3A_277, %get3A_278] {strides = array<i32>} : memref<200x128xf32, #tpu.memory_space<vmem>>, vector<1x16xf32>,
      %get3A_280 = vector.shape_cast %get3A_279 : vector<1x16xf32> to vector<16xf32>
      %swap3A_281 = arith.index_cast %add3A_263 : i32 to index
      %swap3A_282 = arith.constant 16 : index
      %swap3A_283 = tpu.vector_load %arg16[%swap3A_281, %swap3A_282] {strides = array<i32>} : memref<40x128xf32, #tpu.memory_space<vmem>>, vector<1x16xf32>,
      %swap3A_284 = vector.shape_cast %swap3A_283 : vector<1x16xf32> to vector<16xf32>
      %swap3A_285 = vector.shape_cast %get3A_280 : vector<16xf32> to vector<1x16xf32>
      tpu.vector_store %arg16[%swap3A_281, %swap3A_282], %swap3A_285 {strides = array<i32>} : memref<40x128xf32, #tpu.memory_space<vmem>>, vector<1x16xf32>,
      %add3A_286 = arith.constant 120 : i32
      %add3A_287 = arith.addi %add3A_286, %add3A_263 : i32
      %get3A_288 = arith.index_cast %add3A_287 : i32 to index
      %get3A_289 = arith.constant 32 : index
      %get3A_290 = tpu.vector_load %arg7[%get3A_288, %get3A_289] {strides = array<i32>} : memref<200x128xf32, #tpu.memory_space<vmem>>, vector<1x16xf32>,
      %get3A_291 = vector.shape_cast %get3A_290 : vector<1x16xf32> to vector<16xf32>
      %swap3A_292 = arith.index_cast %add3A_263 : i32 to index
      %swap3A_293 = arith.constant 32 : index
      %swap3A_294 = tpu.vector_load %arg16[%swap3A_292, %swap3A_293] {strides = array<i32>} : memref<40x128xf32, #tpu.memory_space<vmem>>, vector<1x16xf32>,
      %swap3A_295 = vector.shape_cast %swap3A_294 : vector<1x16xf32> to vector<16xf32>
      %swap3A_296 = vector.shape_cast %get3A_291 : vector<16xf32> to vector<1x16xf32>
      tpu.vector_store %arg16[%swap3A_292, %swap3A_293], %swap3A_296 {strides = array<i32>} : memref<40x128xf32, #tpu.memory_space<vmem>>, vector<1x16xf32>,
      %add3A_297 = arith.constant 120 : i32
      %add3A_298 = arith.addi %add3A_297, %add3A_263 : i32
      %get3A_299 = arith.index_cast %add3A_298 : i32 to index
      %get3A_300 = arith.constant 48 : index
      %get3A_301 = tpu.vector_load %arg7[%get3A_299, %get3A_300] {strides = array<i32>} : memref<200x128xf32, #tpu.memory_space<vmem>>, vector<1x16xf32>,
      %get3A_302 = vector.shape_cast %get3A_301 : vector<1x16xf32> to vector<16xf32>
      %swap3A_303 = arith.index_cast %add3A_263 : i32 to index
      %swap3A_304 = arith.constant 48 : index
      %swap3A_305 = tpu.vector_load %arg16[%swap3A_303, %swap3A_304] {strides = array<i32>} : memref<40x128xf32, #tpu.memory_space<vmem>>, vector<1x16xf32>,
      %swap3A_306 = vector.shape_cast %swap3A_305 : vector<1x16xf32> to vector<16xf32>
      %swap3A_307 = vector.shape_cast %get3A_302 : vector<16xf32> to vector<1x16xf32>
      tpu.vector_store %arg16[%swap3A_303, %swap3A_304], %swap3A_307 {strides = array<i32>} : memref<40x128xf32, #tpu.memory_space<vmem>>, vector<1x16xf32>,
      %add3A_308 = arith.constant 120 : i32
      %add3A_309 = arith.addi %add3A_308, %add3A_263 : i32
      %get3A_310 = arith.index_cast %add3A_309 : i32 to index
      %get3A_311 = arith.constant 64 : index
      %get3A_312 = tpu.vector_load %arg7[%get3A_310, %get3A_311] {strides = array<i32>} : memref<200x128xf32, #tpu.memory_space<vmem>>, vector<1x16xf32>,
      %get3A_313 = vector.shape_cast %get3A_312 : vector<1x16xf32> to vector<16xf32>
      %swap3A_314 = arith.index_cast %add3A_263 : i32 to index
      %swap3A_315 = arith.constant 64 : index
      %swap3A_316 = tpu.vector_load %arg16[%swap3A_314, %swap3A_315] {strides = array<i32>} : memref<40x128xf32, #tpu.memory_space<vmem>>, vector<1x16xf32>,
      %swap3A_317 = vector.shape_cast %swap3A_316 : vector<1x16xf32> to vector<16xf32>
      %swap3A_318 = vector.shape_cast %get3A_313 : vector<16xf32> to vector<1x16xf32>
      tpu.vector_store %arg16[%swap3A_314, %swap3A_315], %swap3A_318 {strides = array<i32>} : memref<40x128xf32, #tpu.memory_space<vmem>>, vector<1x16xf32>,
      %add3A_319 = arith.constant 120 : i32
      %add3A_320 = arith.addi %add3A_319, %add3A_263 : i32
      %get3A_321 = arith.index_cast %add3A_320 : i32 to index
      %get3A_322 = arith.constant 80 : index
      %get3A_323 = tpu.vector_load %arg7[%get3A_321, %get3A_322] {strides = array<i32>} : memref<200x128xf32, #tpu.memory_space<vmem>>, vector<1x16xf32>,
      %get3A_324 = vector.shape_cast %get3A_323 : vector<1x16xf32> to vector<16xf32>
      %swap3A_325 = arith.index_cast %add3A_263 : i32 to index
      %swap3A_326 = arith.constant 80 : index
      %swap3A_327 = tpu.vector_load %arg16[%swap3A_325, %swap3A_326] {strides = array<i32>} : memref<40x128xf32, #tpu.memory_space<vmem>>, vector<1x16xf32>,
      %swap3A_328 = vector.shape_cast %swap3A_327 : vector<1x16xf32> to vector<16xf32>
      %swap3A_329 = vector.shape_cast %get3A_324 : vector<16xf32> to vector<1x16xf32>
      tpu.vector_store %arg16[%swap3A_325, %swap3A_326], %swap3A_329 {strides = array<i32>} : memref<40x128xf32, #tpu.memory_space<vmem>>, vector<1x16xf32>,
      %add3A_330 = arith.constant 120 : i32
      %add3A_331 = arith.addi %add3A_330, %add3A_263 : i32
      %get3A_332 = arith.index_cast %add3A_331 : i32 to index
      %get3A_333 = arith.constant 96 : index
      %get3A_334 = tpu.vector_load %arg7[%get3A_332, %get3A_333] {strides = array<i32>} : memref<200x128xf32, #tpu.memory_space<vmem>>, vector<1x16xf32>,
      %get3A_335 = vector.shape_cast %get3A_334 : vector<1x16xf32> to vector<16xf32>
      %swap3A_336 = arith.index_cast %add3A_263 : i32 to index
      %swap3A_337 = arith.constant 96 : index
      %swap3A_338 = tpu.vector_load %arg16[%swap3A_336, %swap3A_337] {strides = array<i32>} : memref<40x128xf32, #tpu.memory_space<vmem>>, vector<1x16xf32>,
      %swap3A_339 = vector.shape_cast %swap3A_338 : vector<1x16xf32> to vector<16xf32>
      %swap3A_340 = vector.shape_cast %get3A_335 : vector<16xf32> to vector<1x16xf32>
      tpu.vector_store %arg16[%swap3A_336, %swap3A_337], %swap3A_340 {strides = array<i32>} : memref<40x128xf32, #tpu.memory_space<vmem>>, vector<1x16xf32>,
      %add3A_341 = arith.constant 120 : i32
      %add3A_342 = arith.addi %add3A_341, %add3A_263 : i32
      %get3A_343 = arith.index_cast %add3A_342 : i32 to index
      %get3A_344 = arith.constant 112 : index
      %get3A_345 = tpu.vector_load %arg7[%get3A_343, %get3A_344] {strides = array<i32>} : memref<200x128xf32, #tpu.memory_space<vmem>>, vector<1x16xf32>,
      %get3A_346 = vector.shape_cast %get3A_345 : vector<1x16xf32> to vector<16xf32>
      %swap3A_347 = arith.index_cast %add3A_263 : i32 to index
      %swap3A_348 = arith.constant 112 : index
      %swap3A_349 = tpu.vector_load %arg16[%swap3A_347, %swap3A_348] {strides = array<i32>} : memref<40x128xf32, #tpu.memory_space<vmem>>, vector<1x16xf32>,
      %swap3A_350 = vector.shape_cast %swap3A_349 : vector<1x16xf32> to vector<16xf32>
      %swap3A_351 = vector.shape_cast %get3A_346 : vector<16xf32> to vector<1x16xf32>
      tpu.vector_store %arg16[%swap3A_347, %swap3A_348], %swap3A_351 {strides = array<i32>} : memref<40x128xf32, #tpu.memory_space<vmem>>, vector<1x16xf32>,
    }
    %scan3A_97 = arith.constant 20 : i32
    %dma_start3A_98 = arith.constant 320 : i32
    %dma_start3A_99 = tpu.memref_slice %arg6[%dma_start3A_98] : memref<6400xi32, #tpu.memory_space<vmem>> -> memref<40xi32, #tpu.memory_space<vmem>>
    %dma_start3A_100 = arith.constant 0 : i32
    %dma_start3A_101 = arith.constant 0 : i32
    %dma_start3A_102 = tpu.memref_slice %arg2[%dma_start3A_100, %dma_start3A_101] : memref<100000x128xf32, #tpu.memory_space<hbm>> -> memref<100000x128xf32, #tpu.memory_space<hbm>>
    tpu.enqueue_indirect_dma source(%dma_start3A_102 : memref<100000x128xf32, #tpu.memory_space<hbm>>) target(%arg16 : memref<40x128xf32, #tpu.memory_space<vmem>>) offsets(%dma_start3A_99 : memref<40xi32, #tpu.memory_space<vmem>>) semaphore(%arg26 : memref<!tpu.dma_semaphore, #tpu.memory_space<semaphore_mem>>) {add = true}
    %scan3A_103 = arith.constant 0 : i32
    %scan3A_104 = arith.constant 0 : i32
    %scan3A_105 = arith.constant 16 : i32
    %scan3A_106 = arith.addi %scan3A_104, %scan3A_105 : i32
    %scan3A_107 = arith.constant 1 : i32
    scf.for %scan3A_169 = %scan3A_104 to %scan3A_106 step %scan3A_107  : i32 {
      %mul3A_170 = arith.constant 10 : i32
      %mul3A_171 = arith.muli %mul3A_170, %scan3A_169 : i32
      %add3A_172 = arith.constant 0 : i32
      %add3A_173 = arith.addi %mul3A_171, %add3A_172 : i32
      %mul3A_174 = arith.constant 40 : i32
      %mul3A_175 = arith.muli %add3A_173, %mul3A_174 : i32
      %dma_wait3A_176 = tpu.memref_slice %arg6[%mul3A_175] : memref<6400xi32, #tpu.memory_space<vmem>> -> memref<40xi32, #tpu.memory_space<vmem>>
      %dma_wait3A_177 = arith.constant 0 : i32
      %dma_wait3A_178 = arith.constant 0 : i32
      %dma_wait3A_179 = tpu.memref_slice %arg2[%dma_wait3A_177, %dma_wait3A_178] : memref<100000x128xf32, #tpu.memory_space<hbm>> -> memref<100000x128xf32, #tpu.memory_space<hbm>>
      tpu.wait_indirect_dma semaphore(%arg18 : memref<!tpu.dma_semaphore, #tpu.memory_space<semaphore_mem>>) src(%dma_wait3A_179 : memref<100000x128xf32, #tpu.memory_space<hbm>>) dst(%arg8 : memref<40x128xf32, #tpu.memory_space<vmem>>)
      %mul3A_180 = arith.constant 40 : i32
      %mul3A_181 = arith.muli %add3A_173, %mul3A_180 : i32
      %add3A_182 = arith.addi %mul3A_2, %mul3A_181 : i32
      %dma_start3A_183 = arith.constant 0 : i32
      %dma_start3A_184 = tpu.memref_slice %arg5[%add3A_182, %dma_start3A_183] : memref<204800x128xf32, #tpu.memory_space<hbm>> -> memref<40x128xf32, #tpu.memory_space<hbm>>
      %dma_start3A_185 = arith.constant 0 : i32
      %dma_start3A_186 = tpu.memref_slice %arg5[%add3A_182, %dma_start3A_185] : memref<204800x128xf32, #tpu.memory_space<hbm>> -> memref<40x128xf32, #tpu.memory_space<hbm>>
      tpu.enqueue_dma source(%arg8 : memref<40x128xf32, #tpu.memory_space<vmem>>) target(%dma_start3A_186 : memref<40x128xf32, #tpu.memory_space<hbm>>) target_semaphore(%arg28 : memref<!tpu.dma_semaphore, #tpu.memory_space<semaphore_mem>>)
      %gt3A = arith.constant 0 : i32
      %gt3A_187 = arith.cmpi sgt, %scan3A_169, %gt3A : i32
      %convert_element_type3A = arith.extui %gt3A_187 : i1 to i32
      %cond3A = arith.constant 0 : i32
      %cond3A_188 = arith.cmpi ne, %convert_element_type3A, %cond3A : i32
      scf.if %cond3A_188 {
        %sub3A = arith.constant 1 : i32
        %sub3A_390 = arith.subi %add3A_173, %sub3A : i32
        %mul3A_391 = arith.constant 40 : i32
        %mul3A_392 = arith.muli %sub3A_390, %mul3A_391 : i32
        %add3A_393 = arith.addi %mul3A_2, %mul3A_392 : i32
        %dma_wait3A_394 = arith.constant 0 : i32
        %dma_wait3A_395 = tpu.memref_slice %arg5[%add3A_393, %dma_wait3A_394] : memref<204800x128xf32, #tpu.memory_space<hbm>> -> memref<40x128xf32, #tpu.memory_space<hbm>>
        %dma_wait3A_396 = arith.constant 0 : i32
        %dma_wait3A_397 = tpu.memref_slice %arg5[%add3A_393, %dma_wait3A_396] : memref<204800x128xf32, #tpu.memory_space<hbm>> -> memref<40x128xf32, #tpu.memory_space<hbm>>
        tpu.wait_dma2 semaphore(%arg37 : memref<!tpu.dma_semaphore, #tpu.memory_space<semaphore_mem>>) src(%arg17 : memref<40x128xf32, #tpu.memory_space<vmem>>) dst(%dma_wait3A_397 : memref<40x128xf32, #tpu.memory_space<hbm>>)
        %add3A_398 = arith.constant 10 : i32
        %add3A_399 = arith.addi %add3A_173, %add3A_398 : i32
        %sub3A_400 = arith.constant 1 : i32
        %sub3A_401 = arith.subi %add3A_399, %sub3A_400 : i32
        %scan3A_402 = arith.constant 0 : i32
        %scan3A_403 = arith.constant 0 : i32
        %scan3A_404 = arith.constant 20 : i32
        %scan3A_405 = arith.addi %scan3A_403, %scan3A_404 : i32
        %scan3A_406 = arith.constant 1 : i32
        scf.for %scan3A_414 = %scan3A_403 to %scan3A_405 step %scan3A_406  : i32 {
          %mul3A_415 = arith.constant 2 : i32
          %mul3A_416 = arith.muli %mul3A_415, %scan3A_414 : i32
          %add3A_417 = arith.constant 0 : i32
          %add3A_418 = arith.addi %mul3A_416, %add3A_417 : i32
          %add3A_419 = arith.constant 160 : i32
          %add3A_420 = arith.addi %add3A_419, %add3A_418 : i32
          %get3A = arith.index_cast %add3A_420 : i32 to index
          %get3A_421 = arith.constant 0 : index
          %get3A_422 = tpu.vector_load %arg7[%get3A, %get3A_421] {strides = array<i32>} : memref<200x128xf32, #tpu.memory_space<vmem>>, vector<1x16xf32>,
          %get3A_423 = vector.shape_cast %get3A_422 : vector<1x16xf32> to vector<16xf32>
          %swap3A = arith.index_cast %add3A_418 : i32 to index
          %swap3A_424 = arith.constant 0 : index
          %swap3A_425 = tpu.vector_load %arg17[%swap3A, %swap3A_424] {strides = array<i32>} : memref<40x128xf32, #tpu.memory_space<vmem>>, vector<1x16xf32>,
          %swap3A_426 = vector.shape_cast %swap3A_425 : vector<1x16xf32> to vector<16xf32>
          %swap3A_427 = vector.shape_cast %get3A_423 : vector<16xf32> to vector<1x16xf32>
          tpu.vector_store %arg17[%swap3A, %swap3A_424], %swap3A_427 {strides = array<i32>} : memref<40x128xf32, #tpu.memory_space<vmem>>, vector<1x16xf32>,
          %add3A_428 = arith.constant 160 : i32
          %add3A_429 = arith.addi %add3A_428, %add3A_418 : i32
          %get3A_430 = arith.index_cast %add3A_429 : i32 to index
          %get3A_431 = arith.constant 16 : index
          %get3A_432 = tpu.vector_load %arg7[%get3A_430, %get3A_431] {strides = array<i32>} : memref<200x128xf32, #tpu.memory_space<vmem>>, vector<1x16xf32>,
          %get3A_433 = vector.shape_cast %get3A_432 : vector<1x16xf32> to vector<16xf32>
          %swap3A_434 = arith.index_cast %add3A_418 : i32 to index
          %swap3A_435 = arith.constant 16 : index
          %swap3A_436 = tpu.vector_load %arg17[%swap3A_434, %swap3A_435] {strides = array<i32>} : memref<40x128xf32, #tpu.memory_space<vmem>>, vector<1x16xf32>,
          %swap3A_437 = vector.shape_cast %swap3A_436 : vector<1x16xf32> to vector<16xf32>
          %swap3A_438 = vector.shape_cast %get3A_433 : vector<16xf32> to vector<1x16xf32>
          tpu.vector_store %arg17[%swap3A_434, %swap3A_435], %swap3A_438 {strides = array<i32>} : memref<40x128xf32, #tpu.memory_space<vmem>>, vector<1x16xf32>,
          %add3A_439 = arith.constant 160 : i32
          %add3A_440 = arith.addi %add3A_439, %add3A_418 : i32
          %get3A_441 = arith.index_cast %add3A_440 : i32 to index
          %get3A_442 = arith.constant 32 : index
          %get3A_443 = tpu.vector_load %arg7[%get3A_441, %get3A_442] {strides = array<i32>} : memref<200x128xf32, #tpu.memory_space<vmem>>, vector<1x16xf32>,
          %get3A_444 = vector.shape_cast %get3A_443 : vector<1x16xf32> to vector<16xf32>
          %swap3A_445 = arith.index_cast %add3A_418 : i32 to index
          %swap3A_446 = arith.constant 32 : index
          %swap3A_447 = tpu.vector_load %arg17[%swap3A_445, %swap3A_446] {strides = array<i32>} : memref<40x128xf32, #tpu.memory_space<vmem>>, vector<1x16xf32>,
          %swap3A_448 = vector.shape_cast %swap3A_447 : vector<1x16xf32> to vector<16xf32>
          %swap3A_449 = vector.shape_cast %get3A_444 : vector<16xf32> to vector<1x16xf32>
          tpu.vector_store %arg17[%swap3A_445, %swap3A_446], %swap3A_449 {strides = array<i32>} : memref<40x128xf32, #tpu.memory_space<vmem>>, vector<1x16xf32>,
          %add3A_450 = arith.constant 160 : i32
          %add3A_451 = arith.addi %add3A_450, %add3A_418 : i32
          %get3A_452 = arith.index_cast %add3A_451 : i32 to index
          %get3A_453 = arith.constant 48 : index
          %get3A_454 = tpu.vector_load %arg7[%get3A_452, %get3A_453] {strides = array<i32>} : memref<200x128xf32, #tpu.memory_space<vmem>>, vector<1x16xf32>,
          %get3A_455 = vector.shape_cast %get3A_454 : vector<1x16xf32> to vector<16xf32>
          %swap3A_456 = arith.index_cast %add3A_418 : i32 to index
          %swap3A_457 = arith.constant 48 : index
          %swap3A_458 = tpu.vector_load %arg17[%swap3A_456, %swap3A_457] {strides = array<i32>} : memref<40x128xf32, #tpu.memory_space<vmem>>, vector<1x16xf32>,
          %swap3A_459 = vector.shape_cast %swap3A_458 : vector<1x16xf32> to vector<16xf32>
          %swap3A_460 = vector.shape_cast %get3A_455 : vector<16xf32> to vector<1x16xf32>
          tpu.vector_store %arg17[%swap3A_456, %swap3A_457], %swap3A_460 {strides = array<i32>} : memref<40x128xf32, #tpu.memory_space<vmem>>, vector<1x16xf32>,
          %add3A_461 = arith.constant 160 : i32
          %add3A_462 = arith.addi %add3A_461, %add3A_418 : i32
          %get3A_463 = arith.index_cast %add3A_462 : i32 to index
          %get3A_464 = arith.constant 64 : index
          %get3A_465 = tpu.vector_load %arg7[%get3A_463, %get3A_464] {strides = array<i32>} : memref<200x128xf32, #tpu.memory_space<vmem>>, vector<1x16xf32>,
          %get3A_466 = vector.shape_cast %get3A_465 : vector<1x16xf32> to vector<16xf32>
          %swap3A_467 = arith.index_cast %add3A_418 : i32 to index
          %swap3A_468 = arith.constant 64 : index
          %swap3A_469 = tpu.vector_load %arg17[%swap3A_467, %swap3A_468] {strides = array<i32>} : memref<40x128xf32, #tpu.memory_space<vmem>>, vector<1x16xf32>,
          %swap3A_470 = vector.shape_cast %swap3A_469 : vector<1x16xf32> to vector<16xf32>
          %swap3A_471 = vector.shape_cast %get3A_466 : vector<16xf32> to vector<1x16xf32>
          tpu.vector_store %arg17[%swap3A_467, %swap3A_468], %swap3A_471 {strides = array<i32>} : memref<40x128xf32, #tpu.memory_space<vmem>>, vector<1x16xf32>,
          %add3A_472 = arith.constant 160 : i32
          %add3A_473 = arith.addi %add3A_472, %add3A_418 : i32
          %get3A_474 = arith.index_cast %add3A_473 : i32 to index
          %get3A_475 = arith.constant 80 : index
          %get3A_476 = tpu.vector_load %arg7[%get3A_474, %get3A_475] {strides = array<i32>} : memref<200x128xf32, #tpu.memory_space<vmem>>, vector<1x16xf32>,
          %get3A_477 = vector.shape_cast %get3A_476 : vector<1x16xf32> to vector<16xf32>
          %swap3A_478 = arith.index_cast %add3A_418 : i32 to index
          %swap3A_479 = arith.constant 80 : index
          %swap3A_480 = tpu.vector_load %arg17[%swap3A_478, %swap3A_479] {strides = array<i32>} : memref<40x128xf32, #tpu.memory_space<vmem>>, vector<1x16xf32>,
          %swap3A_481 = vector.shape_cast %swap3A_480 : vector<1x16xf32> to vector<16xf32>
          %swap3A_482 = vector.shape_cast %get3A_477 : vector<16xf32> to vector<1x16xf32>
          tpu.vector_store %arg17[%swap3A_478, %swap3A_479], %swap3A_482 {strides = array<i32>} : memref<40x128xf32, #tpu.memory_space<vmem>>, vector<1x16xf32>,
          %add3A_483 = arith.constant 160 : i32
          %add3A_484 = arith.addi %add3A_483, %add3A_418 : i32
          %get3A_485 = arith.index_cast %add3A_484 : i32 to index
          %get3A_486 = arith.constant 96 : index
          %get3A_487 = tpu.vector_load %arg7[%get3A_485, %get3A_486] {strides = array<i32>} : memref<200x128xf32, #tpu.memory_space<vmem>>, vector<1x16xf32>,
          %get3A_488 = vector.shape_cast %get3A_487 : vector<1x16xf32> to vector<16xf32>
          %swap3A_489 = arith.index_cast %add3A_418 : i32 to index
          %swap3A_490 = arith.constant 96 : index
          %swap3A_491 = tpu.vector_load %arg17[%swap3A_489, %swap3A_490] {strides = array<i32>} : memref<40x128xf32, #tpu.memory_space<vmem>>, vector<1x16xf32>,
          %swap3A_492 = vector.shape_cast %swap3A_491 : vector<1x16xf32> to vector<16xf32>
          %swap3A_493 = vector.shape_cast %get3A_488 : vector<16xf32> to vector<1x16xf32>
          tpu.vector_store %arg17[%swap3A_489, %swap3A_490], %swap3A_493 {strides = array<i32>} : memref<40x128xf32, #tpu.memory_space<vmem>>, vector<1x16xf32>,
          %add3A_494 = arith.constant 160 : i32
          %add3A_495 = arith.addi %add3A_494, %add3A_418 : i32
          %get3A_496 = arith.index_cast %add3A_495 : i32 to index
          %get3A_497 = arith.constant 112 : index
          %get3A_498 = tpu.vector_load %arg7[%get3A_496, %get3A_497] {strides = array<i32>} : memref<200x128xf32, #tpu.memory_space<vmem>>, vector<1x16xf32>,
          %get3A_499 = vector.shape_cast %get3A_498 : vector<1x16xf32> to vector<16xf32>
          %swap3A_500 = arith.index_cast %add3A_418 : i32 to index
          %swap3A_501 = arith.constant 112 : index
          %swap3A_502 = tpu.vector_load %arg17[%swap3A_500, %swap3A_501] {strides = array<i32>} : memref<40x128xf32, #tpu.memory_space<vmem>>, vector<1x16xf32>,
          %swap3A_503 = vector.shape_cast %swap3A_502 : vector<1x16xf32> to vector<16xf32>
          %swap3A_504 = vector.shape_cast %get3A_499 : vector<16xf32> to vector<1x16xf32>
          tpu.vector_store %arg17[%swap3A_500, %swap3A_501], %swap3A_504 {strides = array<i32>} : memref<40x128xf32, #tpu.memory_space<vmem>>, vector<1x16xf32>,
          %mul3A_505 = arith.constant 2 : i32
          %mul3A_506 = arith.muli %mul3A_505, %scan3A_414 : i32
          %add3A_507 = arith.constant 1 : i32
          %add3A_508 = arith.addi %mul3A_506, %add3A_507 : i32
          %add3A_509 = arith.constant 160 : i32
          %add3A_510 = arith.addi %add3A_509, %add3A_508 : i32
          %get3A_511 = arith.index_cast %add3A_510 : i32 to index
          %get3A_512 = arith.constant 0 : index
          %get3A_513 = tpu.vector_load %arg7[%get3A_511, %get3A_512] {strides = array<i32>} : memref<200x128xf32, #tpu.memory_space<vmem>>, vector<1x16xf32>,
          %get3A_514 = vector.shape_cast %get3A_513 : vector<1x16xf32> to vector<16xf32>
          %swap3A_515 = arith.index_cast %add3A_508 : i32 to index
          %swap3A_516 = arith.constant 0 : index
          %swap3A_517 = tpu.vector_load %arg17[%swap3A_515, %swap3A_516] {strides = array<i32>} : memref<40x128xf32, #tpu.memory_space<vmem>>, vector<1x16xf32>,
          %swap3A_518 = vector.shape_cast %swap3A_517 : vector<1x16xf32> to vector<16xf32>
          %swap3A_519 = vector.shape_cast %get3A_514 : vector<16xf32> to vector<1x16xf32>
          tpu.vector_store %arg17[%swap3A_515, %swap3A_516], %swap3A_519 {strides = array<i32>} : memref<40x128xf32, #tpu.memory_space<vmem>>, vector<1x16xf32>,
          %add3A_520 = arith.constant 160 : i32
          %add3A_521 = arith.addi %add3A_520, %add3A_508 : i32
          %get3A_522 = arith.index_cast %add3A_521 : i32 to index
          %get3A_523 = arith.constant 16 : index
          %get3A_524 = tpu.vector_load %arg7[%get3A_522, %get3A_523] {strides = array<i32>} : memref<200x128xf32, #tpu.memory_space<vmem>>, vector<1x16xf32>,
          %get3A_525 = vector.shape_cast %get3A_524 : vector<1x16xf32> to vector<16xf32>
          %swap3A_526 = arith.index_cast %add3A_508 : i32 to index
          %swap3A_527 = arith.constant 16 : index
          %swap3A_528 = tpu.vector_load %arg17[%swap3A_526, %swap3A_527] {strides = array<i32>} : memref<40x128xf32, #tpu.memory_space<vmem>>, vector<1x16xf32>,
          %swap3A_529 = vector.shape_cast %swap3A_528 : vector<1x16xf32> to vector<16xf32>
          %swap3A_530 = vector.shape_cast %get3A_525 : vector<16xf32> to vector<1x16xf32>
          tpu.vector_store %arg17[%swap3A_526, %swap3A_527], %swap3A_530 {strides = array<i32>} : memref<40x128xf32, #tpu.memory_space<vmem>>, vector<1x16xf32>,
          %add3A_531 = arith.constant 160 : i32
          %add3A_532 = arith.addi %add3A_531, %add3A_508 : i32
          %get3A_533 = arith.index_cast %add3A_532 : i32 to index
          %get3A_534 = arith.constant 32 : index
          %get3A_535 = tpu.vector_load %arg7[%get3A_533, %get3A_534] {strides = array<i32>} : memref<200x128xf32, #tpu.memory_space<vmem>>, vector<1x16xf32>,
          %get3A_536 = vector.shape_cast %get3A_535 : vector<1x16xf32> to vector<16xf32>
          %swap3A_537 = arith.index_cast %add3A_508 : i32 to index
          %swap3A_538 = arith.constant 32 : index
          %swap3A_539 = tpu.vector_load %arg17[%swap3A_537, %swap3A_538] {strides = array<i32>} : memref<40x128xf32, #tpu.memory_space<vmem>>, vector<1x16xf32>,
          %swap3A_540 = vector.shape_cast %swap3A_539 : vector<1x16xf32> to vector<16xf32>
          %swap3A_541 = vector.shape_cast %get3A_536 : vector<16xf32> to vector<1x16xf32>
          tpu.vector_store %arg17[%swap3A_537, %swap3A_538], %swap3A_541 {strides = array<i32>} : memref<40x128xf32, #tpu.memory_space<vmem>>, vector<1x16xf32>,
          %add3A_542 = arith.constant 160 : i32
          %add3A_543 = arith.addi %add3A_542, %add3A_508 : i32
          %get3A_544 = arith.index_cast %add3A_543 : i32 to index
          %get3A_545 = arith.constant 48 : index
          %get3A_546 = tpu.vector_load %arg7[%get3A_544, %get3A_545] {strides = array<i32>} : memref<200x128xf32, #tpu.memory_space<vmem>>, vector<1x16xf32>,
          %get3A_547 = vector.shape_cast %get3A_546 : vector<1x16xf32> to vector<16xf32>
          %swap3A_548 = arith.index_cast %add3A_508 : i32 to index
          %swap3A_549 = arith.constant 48 : index
          %swap3A_550 = tpu.vector_load %arg17[%swap3A_548, %swap3A_549] {strides = array<i32>} : memref<40x128xf32, #tpu.memory_space<vmem>>, vector<1x16xf32>,
          %swap3A_551 = vector.shape_cast %swap3A_550 : vector<1x16xf32> to vector<16xf32>
          %swap3A_552 = vector.shape_cast %get3A_547 : vector<16xf32> to vector<1x16xf32>
          tpu.vector_store %arg17[%swap3A_548, %swap3A_549], %swap3A_552 {strides = array<i32>} : memref<40x128xf32, #tpu.memory_space<vmem>>, vector<1x16xf32>,
          %add3A_553 = arith.constant 160 : i32
          %add3A_554 = arith.addi %add3A_553, %add3A_508 : i32
          %get3A_555 = arith.index_cast %add3A_554 : i32 to index
          %get3A_556 = arith.constant 64 : index
          %get3A_557 = tpu.vector_load %arg7[%get3A_555, %get3A_556] {strides = array<i32>} : memref<200x128xf32, #tpu.memory_space<vmem>>, vector<1x16xf32>,
          %get3A_558 = vector.shape_cast %get3A_557 : vector<1x16xf32> to vector<16xf32>
          %swap3A_559 = arith.index_cast %add3A_508 : i32 to index
          %swap3A_560 = arith.constant 64 : index
          %swap3A_561 = tpu.vector_load %arg17[%swap3A_559, %swap3A_560] {strides = array<i32>} : memref<40x128xf32, #tpu.memory_space<vmem>>, vector<1x16xf32>,
          %swap3A_562 = vector.shape_cast %swap3A_561 : vector<1x16xf32> to vector<16xf32>
          %swap3A_563 = vector.shape_cast %get3A_558 : vector<16xf32> to vector<1x16xf32>
          tpu.vector_store %arg17[%swap3A_559, %swap3A_560], %swap3A_563 {strides = array<i32>} : memref<40x128xf32, #tpu.memory_space<vmem>>, vector<1x16xf32>,
          %add3A_564 = arith.constant 160 : i32
          %add3A_565 = arith.addi %add3A_564, %add3A_508 : i32
          %get3A_566 = arith.index_cast %add3A_565 : i32 to index
          %get3A_567 = arith.constant 80 : index
          %get3A_568 = tpu.vector_load %arg7[%get3A_566, %get3A_567] {strides = array<i32>} : memref<200x128xf32, #tpu.memory_space<vmem>>, vector<1x16xf32>,
          %get3A_569 = vector.shape_cast %get3A_568 : vector<1x16xf32> to vector<16xf32>
          %swap3A_570 = arith.index_cast %add3A_508 : i32 to index
          %swap3A_571 = arith.constant 80 : index
          %swap3A_572 = tpu.vector_load %arg17[%swap3A_570, %swap3A_571] {strides = array<i32>} : memref<40x128xf32, #tpu.memory_space<vmem>>, vector<1x16xf32>,
          %swap3A_573 = vector.shape_cast %swap3A_572 : vector<1x16xf32> to vector<16xf32>
          %swap3A_574 = vector.shape_cast %get3A_569 : vector<16xf32> to vector<1x16xf32>
          tpu.vector_store %arg17[%swap3A_570, %swap3A_571], %swap3A_574 {strides = array<i32>} : memref<40x128xf32, #tpu.memory_space<vmem>>, vector<1x16xf32>,
          %add3A_575 = arith.constant 160 : i32
          %add3A_576 = arith.addi %add3A_575, %add3A_508 : i32
          %get3A_577 = arith.index_cast %add3A_576 : i32 to index
          %get3A_578 = arith.constant 96 : index
          %get3A_579 = tpu.vector_load %arg7[%get3A_577, %get3A_578] {strides = array<i32>} : memref<200x128xf32, #tpu.memory_space<vmem>>, vector<1x16xf32>,
          %get3A_580 = vector.shape_cast %get3A_579 : vector<1x16xf32> to vector<16xf32>
          %swap3A_581 = arith.index_cast %add3A_508 : i32 to index
          %swap3A_582 = arith.constant 96 : index
          %swap3A_583 = tpu.vector_load %arg17[%swap3A_581, %swap3A_582] {strides = array<i32>} : memref<40x128xf32, #tpu.memory_space<vmem>>, vector<1x16xf32>,
          %swap3A_584 = vector.shape_cast %swap3A_583 : vector<1x16xf32> to vector<16xf32>
          %swap3A_585 = vector.shape_cast %get3A_580 : vector<16xf32> to vector<1x16xf32>
          tpu.vector_store %arg17[%swap3A_581, %swap3A_582], %swap3A_585 {strides = array<i32>} : memref<40x128xf32, #tpu.memory_space<vmem>>, vector<1x16xf32>,
          %add3A_586 = arith.constant 160 : i32
          %add3A_587 = arith.addi %add3A_586, %add3A_508 : i32
          %get3A_588 = arith.index_cast %add3A_587 : i32 to index
          %get3A_589 = arith.constant 112 : index
          %get3A_590 = tpu.vector_load %arg7[%get3A_588, %get3A_589] {strides = array<i32>} : memref<200x128xf32, #tpu.memory_space<vmem>>, vector<1x16xf32>,
          %get3A_591 = vector.shape_cast %get3A_590 : vector<1x16xf32> to vector<16xf32>
          %swap3A_592 = arith.index_cast %add3A_508 : i32 to index
          %swap3A_593 = arith.constant 112 : index
          %swap3A_594 = tpu.vector_load %arg17[%swap3A_592, %swap3A_593] {strides = array<i32>} : memref<40x128xf32, #tpu.memory_space<vmem>>, vector<1x16xf32>,
          %swap3A_595 = vector.shape_cast %swap3A_594 : vector<1x16xf32> to vector<16xf32>
          %swap3A_596 = vector.shape_cast %get3A_591 : vector<16xf32> to vector<1x16xf32>
          tpu.vector_store %arg17[%swap3A_592, %swap3A_593], %swap3A_596 {strides = array<i32>} : memref<40x128xf32, #tpu.memory_space<vmem>>, vector<1x16xf32>,
        }
        %scan3A_407 = arith.constant 20 : i32
        %mul3A_408 = arith.constant 40 : i32
        %mul3A_409 = arith.muli %sub3A_401, %mul3A_408 : i32
        %dma_start3A_410 = tpu.memref_slice %arg6[%mul3A_409] : memref<6400xi32, #tpu.memory_space<vmem>> -> memref<40xi32, #tpu.memory_space<vmem>>
        %dma_start3A_411 = arith.constant 0 : i32
        %dma_start3A_412 = arith.constant 0 : i32
        %dma_start3A_413 = tpu.memref_slice %arg2[%dma_start3A_411, %dma_start3A_412] : memref<100000x128xf32, #tpu.memory_space<hbm>> -> memref<100000x128xf32, #tpu.memory_space<hbm>>
        tpu.enqueue_indirect_dma source(%dma_start3A_413 : memref<100000x128xf32, #tpu.memory_space<hbm>>) target(%arg17 : memref<40x128xf32, #tpu.memory_space<vmem>>) offsets(%dma_start3A_410 : memref<40xi32, #tpu.memory_space<vmem>>) semaphore(%arg27 : memref<!tpu.dma_semaphore, #tpu.memory_space<semaphore_mem>>) {add = true}
      } else {
      }
      %eq3A = arith.constant 0 : i32
      %eq3A_189 = arith.cmpi eq, %scan3A_169, %eq3A : i32
      %convert_element_type3A_190 = arith.extui %eq3A_189 : i1 to i32
      %cond3A_191 = arith.constant 0 : i32
      %cond3A_192 = arith.cmpi ne, %convert_element_type3A_190, %cond3A_191 : i32
      scf.if %cond3A_192 {
        %add3A_390 = arith.constant 10 : i32
        %add3A_391 = arith.addi %add3A_173, %add3A_390 : i32
        %sub3A = arith.constant 1 : i32
        %sub3A_392 = arith.subi %add3A_391, %sub3A : i32
        %scan3A_393 = arith.constant 0 : i32
        %scan3A_394 = arith.constant 0 : i32
        %scan3A_395 = arith.constant 20 : i32
        %scan3A_396 = arith.addi %scan3A_394, %scan3A_395 : i32
        %scan3A_397 = arith.constant 1 : i32
        scf.for %scan3A_405 = %scan3A_394 to %scan3A_396 step %scan3A_397  : i32 {
          %mul3A_406 = arith.constant 2 : i32
          %mul3A_407 = arith.muli %mul3A_406, %scan3A_405 : i32
          %add3A_408 = arith.constant 0 : i32
          %add3A_409 = arith.addi %mul3A_407, %add3A_408 : i32
          %add3A_410 = arith.constant 160 : i32
          %add3A_411 = arith.addi %add3A_410, %add3A_409 : i32
          %get3A = arith.index_cast %add3A_411 : i32 to index
          %get3A_412 = arith.constant 0 : index
          %get3A_413 = tpu.vector_load %arg7[%get3A, %get3A_412] {strides = array<i32>} : memref<200x128xf32, #tpu.memory_space<vmem>>, vector<1x16xf32>,
          %get3A_414 = vector.shape_cast %get3A_413 : vector<1x16xf32> to vector<16xf32>
          %swap3A = arith.index_cast %add3A_409 : i32 to index
          %swap3A_415 = arith.constant 0 : index
          %swap3A_416 = tpu.vector_load %arg17[%swap3A, %swap3A_415] {strides = array<i32>} : memref<40x128xf32, #tpu.memory_space<vmem>>, vector<1x16xf32>,
          %swap3A_417 = vector.shape_cast %swap3A_416 : vector<1x16xf32> to vector<16xf32>
          %swap3A_418 = vector.shape_cast %get3A_414 : vector<16xf32> to vector<1x16xf32>
          tpu.vector_store %arg17[%swap3A, %swap3A_415], %swap3A_418 {strides = array<i32>} : memref<40x128xf32, #tpu.memory_space<vmem>>, vector<1x16xf32>,
          %add3A_419 = arith.constant 160 : i32
          %add3A_420 = arith.addi %add3A_419, %add3A_409 : i32
          %get3A_421 = arith.index_cast %add3A_420 : i32 to index
          %get3A_422 = arith.constant 16 : index
          %get3A_423 = tpu.vector_load %arg7[%get3A_421, %get3A_422] {strides = array<i32>} : memref<200x128xf32, #tpu.memory_space<vmem>>, vector<1x16xf32>,
          %get3A_424 = vector.shape_cast %get3A_423 : vector<1x16xf32> to vector<16xf32>
          %swap3A_425 = arith.index_cast %add3A_409 : i32 to index
          %swap3A_426 = arith.constant 16 : index
          %swap3A_427 = tpu.vector_load %arg17[%swap3A_425, %swap3A_426] {strides = array<i32>} : memref<40x128xf32, #tpu.memory_space<vmem>>, vector<1x16xf32>,
          %swap3A_428 = vector.shape_cast %swap3A_427 : vector<1x16xf32> to vector<16xf32>
          %swap3A_429 = vector.shape_cast %get3A_424 : vector<16xf32> to vector<1x16xf32>
          tpu.vector_store %arg17[%swap3A_425, %swap3A_426], %swap3A_429 {strides = array<i32>} : memref<40x128xf32, #tpu.memory_space<vmem>>, vector<1x16xf32>,
          %add3A_430 = arith.constant 160 : i32
          %add3A_431 = arith.addi %add3A_430, %add3A_409 : i32
          %get3A_432 = arith.index_cast %add3A_431 : i32 to index
          %get3A_433 = arith.constant 32 : index
          %get3A_434 = tpu.vector_load %arg7[%get3A_432, %get3A_433] {strides = array<i32>} : memref<200x128xf32, #tpu.memory_space<vmem>>, vector<1x16xf32>,
          %get3A_435 = vector.shape_cast %get3A_434 : vector<1x16xf32> to vector<16xf32>
          %swap3A_436 = arith.index_cast %add3A_409 : i32 to index
          %swap3A_437 = arith.constant 32 : index
          %swap3A_438 = tpu.vector_load %arg17[%swap3A_436, %swap3A_437] {strides = array<i32>} : memref<40x128xf32, #tpu.memory_space<vmem>>, vector<1x16xf32>,
          %swap3A_439 = vector.shape_cast %swap3A_438 : vector<1x16xf32> to vector<16xf32>
          %swap3A_440 = vector.shape_cast %get3A_435 : vector<16xf32> to vector<1x16xf32>
          tpu.vector_store %arg17[%swap3A_436, %swap3A_437], %swap3A_440 {strides = array<i32>} : memref<40x128xf32, #tpu.memory_space<vmem>>, vector<1x16xf32>,
          %add3A_441 = arith.constant 160 : i32
          %add3A_442 = arith.addi %add3A_441, %add3A_409 : i32
          %get3A_443 = arith.index_cast %add3A_442 : i32 to index
          %get3A_444 = arith.constant 48 : index
          %get3A_445 = tpu.vector_load %arg7[%get3A_443, %get3A_444] {strides = array<i32>} : memref<200x128xf32, #tpu.memory_space<vmem>>, vector<1x16xf32>,
          %get3A_446 = vector.shape_cast %get3A_445 : vector<1x16xf32> to vector<16xf32>
          %swap3A_447 = arith.index_cast %add3A_409 : i32 to index
          %swap3A_448 = arith.constant 48 : index
          %swap3A_449 = tpu.vector_load %arg17[%swap3A_447, %swap3A_448] {strides = array<i32>} : memref<40x128xf32, #tpu.memory_space<vmem>>, vector<1x16xf32>,
          %swap3A_450 = vector.shape_cast %swap3A_449 : vector<1x16xf32> to vector<16xf32>
          %swap3A_451 = vector.shape_cast %get3A_446 : vector<16xf32> to vector<1x16xf32>
          tpu.vector_store %arg17[%swap3A_447, %swap3A_448], %swap3A_451 {strides = array<i32>} : memref<40x128xf32, #tpu.memory_space<vmem>>, vector<1x16xf32>,
          %add3A_452 = arith.constant 160 : i32
          %add3A_453 = arith.addi %add3A_452, %add3A_409 : i32
          %get3A_454 = arith.index_cast %add3A_453 : i32 to index
          %get3A_455 = arith.constant 64 : index
          %get3A_456 = tpu.vector_load %arg7[%get3A_454, %get3A_455] {strides = array<i32>} : memref<200x128xf32, #tpu.memory_space<vmem>>, vector<1x16xf32>,
          %get3A_457 = vector.shape_cast %get3A_456 : vector<1x16xf32> to vector<16xf32>
          %swap3A_458 = arith.index_cast %add3A_409 : i32 to index
          %swap3A_459 = arith.constant 64 : index
          %swap3A_460 = tpu.vector_load %arg17[%swap3A_458, %swap3A_459] {strides = array<i32>} : memref<40x128xf32, #tpu.memory_space<vmem>>, vector<1x16xf32>,
          %swap3A_461 = vector.shape_cast %swap3A_460 : vector<1x16xf32> to vector<16xf32>
          %swap3A_462 = vector.shape_cast %get3A_457 : vector<16xf32> to vector<1x16xf32>
          tpu.vector_store %arg17[%swap3A_458, %swap3A_459], %swap3A_462 {strides = array<i32>} : memref<40x128xf32, #tpu.memory_space<vmem>>, vector<1x16xf32>,
          %add3A_463 = arith.constant 160 : i32
          %add3A_464 = arith.addi %add3A_463, %add3A_409 : i32
          %get3A_465 = arith.index_cast %add3A_464 : i32 to index
          %get3A_466 = arith.constant 80 : index
          %get3A_467 = tpu.vector_load %arg7[%get3A_465, %get3A_466] {strides = array<i32>} : memref<200x128xf32, #tpu.memory_space<vmem>>, vector<1x16xf32>,
          %get3A_468 = vector.shape_cast %get3A_467 : vector<1x16xf32> to vector<16xf32>
          %swap3A_469 = arith.index_cast %add3A_409 : i32 to index
          %swap3A_470 = arith.constant 80 : index
          %swap3A_471 = tpu.vector_load %arg17[%swap3A_469, %swap3A_470] {strides = array<i32>} : memref<40x128xf32, #tpu.memory_space<vmem>>, vector<1x16xf32>,
          %swap3A_472 = vector.shape_cast %swap3A_471 : vector<1x16xf32> to vector<16xf32>
          %swap3A_473 = vector.shape_cast %get3A_468 : vector<16xf32> to vector<1x16xf32>
          tpu.vector_store %arg17[%swap3A_469, %swap3A_470], %swap3A_473 {strides = array<i32>} : memref<40x128xf32, #tpu.memory_space<vmem>>, vector<1x16xf32>,
          %add3A_474 = arith.constant 160 : i32
          %add3A_475 = arith.addi %add3A_474, %add3A_409 : i32
          %get3A_476 = arith.index_cast %add3A_475 : i32 to index
          %get3A_477 = arith.constant 96 : index
          %get3A_478 = tpu.vector_load %arg7[%get3A_476, %get3A_477] {strides = array<i32>} : memref<200x128xf32, #tpu.memory_space<vmem>>, vector<1x16xf32>,
          %get3A_479 = vector.shape_cast %get3A_478 : vector<1x16xf32> to vector<16xf32>
          %swap3A_480 = arith.index_cast %add3A_409 : i32 to index
          %swap3A_481 = arith.constant 96 : index
          %swap3A_482 = tpu.vector_load %arg17[%swap3A_480, %swap3A_481] {strides = array<i32>} : memref<40x128xf32, #tpu.memory_space<vmem>>, vector<1x16xf32>,
          %swap3A_483 = vector.shape_cast %swap3A_482 : vector<1x16xf32> to vector<16xf32>
          %swap3A_484 = vector.shape_cast %get3A_479 : vector<16xf32> to vector<1x16xf32>
          tpu.vector_store %arg17[%swap3A_480, %swap3A_481], %swap3A_484 {strides = array<i32>} : memref<40x128xf32, #tpu.memory_space<vmem>>, vector<1x16xf32>,
          %add3A_485 = arith.constant 160 : i32
          %add3A_486 = arith.addi %add3A_485, %add3A_409 : i32
          %get3A_487 = arith.index_cast %add3A_486 : i32 to index
          %get3A_488 = arith.constant 112 : index
          %get3A_489 = tpu.vector_load %arg7[%get3A_487, %get3A_488] {strides = array<i32>} : memref<200x128xf32, #tpu.memory_space<vmem>>, vector<1x16xf32>,
          %get3A_490 = vector.shape_cast %get3A_489 : vector<1x16xf32> to vector<16xf32>
          %swap3A_491 = arith.index_cast %add3A_409 : i32 to index
          %swap3A_492 = arith.constant 112 : index
          %swap3A_493 = tpu.vector_load %arg17[%swap3A_491, %swap3A_492] {strides = array<i32>} : memref<40x128xf32, #tpu.memory_space<vmem>>, vector<1x16xf32>,
          %swap3A_494 = vector.shape_cast %swap3A_493 : vector<1x16xf32> to vector<16xf32>
          %swap3A_495 = vector.shape_cast %get3A_490 : vector<16xf32> to vector<1x16xf32>
          tpu.vector_store %arg17[%swap3A_491, %swap3A_492], %swap3A_495 {strides = array<i32>} : memref<40x128xf32, #tpu.memory_space<vmem>>, vector<1x16xf32>,
          %mul3A_496 = arith.constant 2 : i32
          %mul3A_497 = arith.muli %mul3A_496, %scan3A_405 : i32
          %add3A_498 = arith.constant 1 : i32
          %add3A_499 = arith.addi %mul3A_497, %add3A_498 : i32
          %add3A_500 = arith.constant 160 : i32
          %add3A_501 = arith.addi %add3A_500, %add3A_499 : i32
          %get3A_502 = arith.index_cast %add3A_501 : i32 to index
          %get3A_503 = arith.constant 0 : index
          %get3A_504 = tpu.vector_load %arg7[%get3A_502, %get3A_503] {strides = array<i32>} : memref<200x128xf32, #tpu.memory_space<vmem>>, vector<1x16xf32>,
          %get3A_505 = vector.shape_cast %get3A_504 : vector<1x16xf32> to vector<16xf32>
          %swap3A_506 = arith.index_cast %add3A_499 : i32 to index
          %swap3A_507 = arith.constant 0 : index
          %swap3A_508 = tpu.vector_load %arg17[%swap3A_506, %swap3A_507] {strides = array<i32>} : memref<40x128xf32, #tpu.memory_space<vmem>>, vector<1x16xf32>,
          %swap3A_509 = vector.shape_cast %swap3A_508 : vector<1x16xf32> to vector<16xf32>
          %swap3A_510 = vector.shape_cast %get3A_505 : vector<16xf32> to vector<1x16xf32>
          tpu.vector_store %arg17[%swap3A_506, %swap3A_507], %swap3A_510 {strides = array<i32>} : memref<40x128xf32, #tpu.memory_space<vmem>>, vector<1x16xf32>,
          %add3A_511 = arith.constant 160 : i32
          %add3A_512 = arith.addi %add3A_511, %add3A_499 : i32
          %get3A_513 = arith.index_cast %add3A_512 : i32 to index
          %get3A_514 = arith.constant 16 : index
          %get3A_515 = tpu.vector_load %arg7[%get3A_513, %get3A_514] {strides = array<i32>} : memref<200x128xf32, #tpu.memory_space<vmem>>, vector<1x16xf32>,
          %get3A_516 = vector.shape_cast %get3A_515 : vector<1x16xf32> to vector<16xf32>
          %swap3A_517 = arith.index_cast %add3A_499 : i32 to index
          %swap3A_518 = arith.constant 16 : index
          %swap3A_519 = tpu.vector_load %arg17[%swap3A_517, %swap3A_518] {strides = array<i32>} : memref<40x128xf32, #tpu.memory_space<vmem>>, vector<1x16xf32>,
          %swap3A_520 = vector.shape_cast %swap3A_519 : vector<1x16xf32> to vector<16xf32>
          %swap3A_521 = vector.shape_cast %get3A_516 : vector<16xf32> to vector<1x16xf32>
          tpu.vector_store %arg17[%swap3A_517, %swap3A_518], %swap3A_521 {strides = array<i32>} : memref<40x128xf32, #tpu.memory_space<vmem>>, vector<1x16xf32>,
          %add3A_522 = arith.constant 160 : i32
          %add3A_523 = arith.addi %add3A_522, %add3A_499 : i32
          %get3A_524 = arith.index_cast %add3A_523 : i32 to index
          %get3A_525 = arith.constant 32 : index
          %get3A_526 = tpu.vector_load %arg7[%get3A_524, %get3A_525] {strides = array<i32>} : memref<200x128xf32, #tpu.memory_space<vmem>>, vector<1x16xf32>,
          %get3A_527 = vector.shape_cast %get3A_526 : vector<1x16xf32> to vector<16xf32>
          %swap3A_528 = arith.index_cast %add3A_499 : i32 to index
          %swap3A_529 = arith.constant 32 : index
          %swap3A_530 = tpu.vector_load %arg17[%swap3A_528, %swap3A_529] {strides = array<i32>} : memref<40x128xf32, #tpu.memory_space<vmem>>, vector<1x16xf32>,
          %swap3A_531 = vector.shape_cast %swap3A_530 : vector<1x16xf32> to vector<16xf32>
          %swap3A_532 = vector.shape_cast %get3A_527 : vector<16xf32> to vector<1x16xf32>
          tpu.vector_store %arg17[%swap3A_528, %swap3A_529], %swap3A_532 {strides = array<i32>} : memref<40x128xf32, #tpu.memory_space<vmem>>, vector<1x16xf32>,
          %add3A_533 = arith.constant 160 : i32
          %add3A_534 = arith.addi %add3A_533, %add3A_499 : i32
          %get3A_535 = arith.index_cast %add3A_534 : i32 to index
          %get3A_536 = arith.constant 48 : index
          %get3A_537 = tpu.vector_load %arg7[%get3A_535, %get3A_536] {strides = array<i32>} : memref<200x128xf32, #tpu.memory_space<vmem>>, vector<1x16xf32>,
          %get3A_538 = vector.shape_cast %get3A_537 : vector<1x16xf32> to vector<16xf32>
          %swap3A_539 = arith.index_cast %add3A_499 : i32 to index
          %swap3A_540 = arith.constant 48 : index
          %swap3A_541 = tpu.vector_load %arg17[%swap3A_539, %swap3A_540] {strides = array<i32>} : memref<40x128xf32, #tpu.memory_space<vmem>>, vector<1x16xf32>,
          %swap3A_542 = vector.shape_cast %swap3A_541 : vector<1x16xf32> to vector<16xf32>
          %swap3A_543 = vector.shape_cast %get3A_538 : vector<16xf32> to vector<1x16xf32>
          tpu.vector_store %arg17[%swap3A_539, %swap3A_540], %swap3A_543 {strides = array<i32>} : memref<40x128xf32, #tpu.memory_space<vmem>>, vector<1x16xf32>,
          %add3A_544 = arith.constant 160 : i32
          %add3A_545 = arith.addi %add3A_544, %add3A_499 : i32
          %get3A_546 = arith.index_cast %add3A_545 : i32 to index
          %get3A_547 = arith.constant 64 : index
          %get3A_548 = tpu.vector_load %arg7[%get3A_546, %get3A_547] {strides = array<i32>} : memref<200x128xf32, #tpu.memory_space<vmem>>, vector<1x16xf32>,
          %get3A_549 = vector.shape_cast %get3A_548 : vector<1x16xf32> to vector<16xf32>
          %swap3A_550 = arith.index_cast %add3A_499 : i32 to index
          %swap3A_551 = arith.constant 64 : index
          %swap3A_552 = tpu.vector_load %arg17[%swap3A_550, %swap3A_551] {strides = array<i32>} : memref<40x128xf32, #tpu.memory_space<vmem>>, vector<1x16xf32>,
          %swap3A_553 = vector.shape_cast %swap3A_552 : vector<1x16xf32> to vector<16xf32>
          %swap3A_554 = vector.shape_cast %get3A_549 : vector<16xf32> to vector<1x16xf32>
          tpu.vector_store %arg17[%swap3A_550, %swap3A_551], %swap3A_554 {strides = array<i32>} : memref<40x128xf32, #tpu.memory_space<vmem>>, vector<1x16xf32>,
          %add3A_555 = arith.constant 160 : i32
          %add3A_556 = arith.addi %add3A_555, %add3A_499 : i32
          %get3A_557 = arith.index_cast %add3A_556 : i32 to index
          %get3A_558 = arith.constant 80 : index
          %get3A_559 = tpu.vector_load %arg7[%get3A_557, %get3A_558] {strides = array<i32>} : memref<200x128xf32, #tpu.memory_space<vmem>>, vector<1x16xf32>,
          %get3A_560 = vector.shape_cast %get3A_559 : vector<1x16xf32> to vector<16xf32>
          %swap3A_561 = arith.index_cast %add3A_499 : i32 to index
          %swap3A_562 = arith.constant 80 : index
          %swap3A_563 = tpu.vector_load %arg17[%swap3A_561, %swap3A_562] {strides = array<i32>} : memref<40x128xf32, #tpu.memory_space<vmem>>, vector<1x16xf32>,
          %swap3A_564 = vector.shape_cast %swap3A_563 : vector<1x16xf32> to vector<16xf32>
          %swap3A_565 = vector.shape_cast %get3A_560 : vector<16xf32> to vector<1x16xf32>
          tpu.vector_store %arg17[%swap3A_561, %swap3A_562], %swap3A_565 {strides = array<i32>} : memref<40x128xf32, #tpu.memory_space<vmem>>, vector<1x16xf32>,
          %add3A_566 = arith.constant 160 : i32
          %add3A_567 = arith.addi %add3A_566, %add3A_499 : i32
          %get3A_568 = arith.index_cast %add3A_567 : i32 to index
          %get3A_569 = arith.constant 96 : index
          %get3A_570 = tpu.vector_load %arg7[%get3A_568, %get3A_569] {strides = array<i32>} : memref<200x128xf32, #tpu.memory_space<vmem>>, vector<1x16xf32>,
          %get3A_571 = vector.shape_cast %get3A_570 : vector<1x16xf32> to vector<16xf32>
          %swap3A_572 = arith.index_cast %add3A_499 : i32 to index
          %swap3A_573 = arith.constant 96 : index
          %swap3A_574 = tpu.vector_load %arg17[%swap3A_572, %swap3A_573] {strides = array<i32>} : memref<40x128xf32, #tpu.memory_space<vmem>>, vector<1x16xf32>,
          %swap3A_575 = vector.shape_cast %swap3A_574 : vector<1x16xf32> to vector<16xf32>
          %swap3A_576 = vector.shape_cast %get3A_571 : vector<16xf32> to vector<1x16xf32>
          tpu.vector_store %arg17[%swap3A_572, %swap3A_573], %swap3A_576 {strides = array<i32>} : memref<40x128xf32, #tpu.memory_space<vmem>>, vector<1x16xf32>,
          %add3A_577 = arith.constant 160 : i32
          %add3A_578 = arith.addi %add3A_577, %add3A_499 : i32
          %get3A_579 = arith.index_cast %add3A_578 : i32 to index
          %get3A_580 = arith.constant 112 : index
          %get3A_581 = tpu.vector_load %arg7[%get3A_579, %get3A_580] {strides = array<i32>} : memref<200x128xf32, #tpu.memory_space<vmem>>, vector<1x16xf32>,
          %get3A_582 = vector.shape_cast %get3A_581 : vector<1x16xf32> to vector<16xf32>
          %swap3A_583 = arith.index_cast %add3A_499 : i32 to index
          %swap3A_584 = arith.constant 112 : index
          %swap3A_585 = tpu.vector_load %arg17[%swap3A_583, %swap3A_584] {strides = array<i32>} : memref<40x128xf32, #tpu.memory_space<vmem>>, vector<1x16xf32>,
          %swap3A_586 = vector.shape_cast %swap3A_585 : vector<1x16xf32> to vector<16xf32>
          %swap3A_587 = vector.shape_cast %get3A_582 : vector<16xf32> to vector<1x16xf32>
          tpu.vector_store %arg17[%swap3A_583, %swap3A_584], %swap3A_587 {strides = array<i32>} : memref<40x128xf32, #tpu.memory_space<vmem>>, vector<1x16xf32>,
        }
        %scan3A_398 = arith.constant 20 : i32
        %mul3A_399 = arith.constant 40 : i32
        %mul3A_400 = arith.muli %sub3A_392, %mul3A_399 : i32
        %dma_start3A_401 = tpu.memref_slice %arg6[%mul3A_400] : memref<6400xi32, #tpu.memory_space<vmem>> -> memref<40xi32, #tpu.memory_space<vmem>>
        %dma_start3A_402 = arith.constant 0 : i32
        %dma_start3A_403 = arith.constant 0 : i32
        %dma_start3A_404 = tpu.memref_slice %arg2[%dma_start3A_402, %dma_start3A_403] : memref<100000x128xf32, #tpu.memory_space<hbm>> -> memref<100000x128xf32, #tpu.memory_space<hbm>>
        tpu.enqueue_indirect_dma source(%dma_start3A_404 : memref<100000x128xf32, #tpu.memory_space<hbm>>) target(%arg17 : memref<40x128xf32, #tpu.memory_space<vmem>>) offsets(%dma_start3A_401 : memref<40xi32, #tpu.memory_space<vmem>>) semaphore(%arg27 : memref<!tpu.dma_semaphore, #tpu.memory_space<semaphore_mem>>) {add = true}
      } else {
      }
      %mul3A_193 = arith.constant 10 : i32
      %mul3A_194 = arith.muli %mul3A_193, %scan3A_169 : i32
      %add3A_195 = arith.constant 1 : i32
      %add3A_196 = arith.addi %mul3A_194, %add3A_195 : i32
      %mul3A_197 = arith.constant 40 : i32
      %mul3A_198 = arith.muli %add3A_196, %mul3A_197 : i32
      %dma_wait3A_199 = tpu.memref_slice %arg6[%mul3A_198] : memref<6400xi32, #tpu.memory_space<vmem>> -> memref<40xi32, #tpu.memory_space<vmem>>
      %dma_wait3A_200 = arith.constant 0 : i32
      %dma_wait3A_201 = arith.constant 0 : i32
      %dma_wait3A_202 = tpu.memref_slice %arg2[%dma_wait3A_200, %dma_wait3A_201] : memref<100000x128xf32, #tpu.memory_space<hbm>> -> memref<100000x128xf32, #tpu.memory_space<hbm>>
      tpu.wait_indirect_dma semaphore(%arg19 : memref<!tpu.dma_semaphore, #tpu.memory_space<semaphore_mem>>) src(%dma_wait3A_202 : memref<100000x128xf32, #tpu.memory_space<hbm>>) dst(%arg9 : memref<40x128xf32, #tpu.memory_space<vmem>>)
      %mul3A_203 = arith.constant 40 : i32
      %mul3A_204 = arith.muli %add3A_196, %mul3A_203 : i32
      %add3A_205 = arith.addi %mul3A_2, %mul3A_204 : i32
      %dma_start3A_206 = arith.constant 0 : i32
      %dma_start3A_207 = tpu.memref_slice %arg5[%add3A_205, %dma_start3A_206] : memref<204800x128xf32, #tpu.memory_space<hbm>> -> memref<40x128xf32, #tpu.memory_space<hbm>>
      %dma_start3A_208 = arith.constant 0 : i32
      %dma_start3A_209 = tpu.memref_slice %arg5[%add3A_205, %dma_start3A_208] : memref<204800x128xf32, #tpu.memory_space<hbm>> -> memref<40x128xf32, #tpu.memory_space<hbm>>
      tpu.enqueue_dma source(%arg9 : memref<40x128xf32, #tpu.memory_space<vmem>>) target(%dma_start3A_209 : memref<40x128xf32, #tpu.memory_space<hbm>>) target_semaphore(%arg29 : memref<!tpu.dma_semaphore, #tpu.memory_space<semaphore_mem>>)
      %lt3A = arith.constant 15 : i32
      %lt3A_210 = arith.cmpi slt, %scan3A_169, %lt3A : i32
      %convert_element_type3A_211 = arith.extui %lt3A_210 : i1 to i32
      %cond3A_212 = arith.constant 0 : i32
      %cond3A_213 = arith.cmpi ne, %convert_element_type3A_211, %cond3A_212 : i32
      scf.if %cond3A_213 {
        %sub3A = arith.constant 1 : i32
        %sub3A_390 = arith.subi %add3A_196, %sub3A : i32
        %mul3A_391 = arith.constant 40 : i32
        %mul3A_392 = arith.muli %sub3A_390, %mul3A_391 : i32
        %add3A_393 = arith.addi %mul3A_2, %mul3A_392 : i32
        %dma_wait3A_394 = arith.constant 0 : i32
        %dma_wait3A_395 = tpu.memref_slice %arg5[%add3A_393, %dma_wait3A_394] : memref<204800x128xf32, #tpu.memory_space<hbm>> -> memref<40x128xf32, #tpu.memory_space<hbm>>
        %dma_wait3A_396 = arith.constant 0 : i32
        %dma_wait3A_397 = tpu.memref_slice %arg5[%add3A_393, %dma_wait3A_396] : memref<204800x128xf32, #tpu.memory_space<hbm>> -> memref<40x128xf32, #tpu.memory_space<hbm>>
        tpu.wait_dma2 semaphore(%arg28 : memref<!tpu.dma_semaphore, #tpu.memory_space<semaphore_mem>>) src(%arg8 : memref<40x128xf32, #tpu.memory_space<vmem>>) dst(%dma_wait3A_397 : memref<40x128xf32, #tpu.memory_space<hbm>>)
        %add3A_398 = arith.constant 10 : i32
        %add3A_399 = arith.addi %add3A_196, %add3A_398 : i32
        %sub3A_400 = arith.constant 1 : i32
        %sub3A_401 = arith.subi %add3A_399, %sub3A_400 : i32
        %scan3A_402 = arith.constant 0 : i32
        %scan3A_403 = arith.constant 0 : i32
        %scan3A_404 = arith.constant 20 : i32
        %scan3A_405 = arith.addi %scan3A_403, %scan3A_404 : i32
        %scan3A_406 = arith.constant 1 : i32
        scf.for %scan3A_414 = %scan3A_403 to %scan3A_405 step %scan3A_406  : i32 {
          %mul3A_415 = arith.constant 2 : i32
          %mul3A_416 = arith.muli %mul3A_415, %scan3A_414 : i32
          %add3A_417 = arith.constant 0 : i32
          %add3A_418 = arith.addi %mul3A_416, %add3A_417 : i32
          %add3A_419 = arith.constant 0 : i32
          %add3A_420 = arith.addi %add3A_419, %add3A_418 : i32
          %get3A = arith.index_cast %add3A_420 : i32 to index
          %get3A_421 = arith.constant 0 : index
          %get3A_422 = tpu.vector_load %arg7[%get3A, %get3A_421] {strides = array<i32>} : memref<200x128xf32, #tpu.memory_space<vmem>>, vector<1x16xf32>,
          %get3A_423 = vector.shape_cast %get3A_422 : vector<1x16xf32> to vector<16xf32>
          %swap3A = arith.index_cast %add3A_418 : i32 to index
          %swap3A_424 = arith.constant 0 : index
          %swap3A_425 = tpu.vector_load %arg8[%swap3A, %swap3A_424] {strides = array<i32>} : memref<40x128xf32, #tpu.memory_space<vmem>>, vector<1x16xf32>,
          %swap3A_426 = vector.shape_cast %swap3A_425 : vector<1x16xf32> to vector<16xf32>
          %swap3A_427 = vector.shape_cast %get3A_423 : vector<16xf32> to vector<1x16xf32>
          tpu.vector_store %arg8[%swap3A, %swap3A_424], %swap3A_427 {strides = array<i32>} : memref<40x128xf32, #tpu.memory_space<vmem>>, vector<1x16xf32>,
          %add3A_428 = arith.constant 0 : i32
          %add3A_429 = arith.addi %add3A_428, %add3A_418 : i32
          %get3A_430 = arith.index_cast %add3A_429 : i32 to index
          %get3A_431 = arith.constant 16 : index
          %get3A_432 = tpu.vector_load %arg7[%get3A_430, %get3A_431] {strides = array<i32>} : memref<200x128xf32, #tpu.memory_space<vmem>>, vector<1x16xf32>,
          %get3A_433 = vector.shape_cast %get3A_432 : vector<1x16xf32> to vector<16xf32>
          %swap3A_434 = arith.index_cast %add3A_418 : i32 to index
          %swap3A_435 = arith.constant 16 : index
          %swap3A_436 = tpu.vector_load %arg8[%swap3A_434, %swap3A_435] {strides = array<i32>} : memref<40x128xf32, #tpu.memory_space<vmem>>, vector<1x16xf32>,
          %swap3A_437 = vector.shape_cast %swap3A_436 : vector<1x16xf32> to vector<16xf32>
          %swap3A_438 = vector.shape_cast %get3A_433 : vector<16xf32> to vector<1x16xf32>
          tpu.vector_store %arg8[%swap3A_434, %swap3A_435], %swap3A_438 {strides = array<i32>} : memref<40x128xf32, #tpu.memory_space<vmem>>, vector<1x16xf32>,
          %add3A_439 = arith.constant 0 : i32
          %add3A_440 = arith.addi %add3A_439, %add3A_418 : i32
          %get3A_441 = arith.index_cast %add3A_440 : i32 to index
          %get3A_442 = arith.constant 32 : index
          %get3A_443 = tpu.vector_load %arg7[%get3A_441, %get3A_442] {strides = array<i32>} : memref<200x128xf32, #tpu.memory_space<vmem>>, vector<1x16xf32>,
          %get3A_444 = vector.shape_cast %get3A_443 : vector<1x16xf32> to vector<16xf32>
          %swap3A_445 = arith.index_cast %add3A_418 : i32 to index
          %swap3A_446 = arith.constant 32 : index
          %swap3A_447 = tpu.vector_load %arg8[%swap3A_445, %swap3A_446] {strides = array<i32>} : memref<40x128xf32, #tpu.memory_space<vmem>>, vector<1x16xf32>,
          %swap3A_448 = vector.shape_cast %swap3A_447 : vector<1x16xf32> to vector<16xf32>
          %swap3A_449 = vector.shape_cast %get3A_444 : vector<16xf32> to vector<1x16xf32>
          tpu.vector_store %arg8[%swap3A_445, %swap3A_446], %swap3A_449 {strides = array<i32>} : memref<40x128xf32, #tpu.memory_space<vmem>>, vector<1x16xf32>,
          %add3A_450 = arith.constant 0 : i32
          %add3A_451 = arith.addi %add3A_450, %add3A_418 : i32
          %get3A_452 = arith.index_cast %add3A_451 : i32 to index
          %get3A_453 = arith.constant 48 : index
          %get3A_454 = tpu.vector_load %arg7[%get3A_452, %get3A_453] {strides = array<i32>} : memref<200x128xf32, #tpu.memory_space<vmem>>, vector<1x16xf32>,
          %get3A_455 = vector.shape_cast %get3A_454 : vector<1x16xf32> to vector<16xf32>
          %swap3A_456 = arith.index_cast %add3A_418 : i32 to index
          %swap3A_457 = arith.constant 48 : index
          %swap3A_458 = tpu.vector_load %arg8[%swap3A_456, %swap3A_457] {strides = array<i32>} : memref<40x128xf32, #tpu.memory_space<vmem>>, vector<1x16xf32>,
          %swap3A_459 = vector.shape_cast %swap3A_458 : vector<1x16xf32> to vector<16xf32>
          %swap3A_460 = vector.shape_cast %get3A_455 : vector<16xf32> to vector<1x16xf32>
          tpu.vector_store %arg8[%swap3A_456, %swap3A_457], %swap3A_460 {strides = array<i32>} : memref<40x128xf32, #tpu.memory_space<vmem>>, vector<1x16xf32>,
          %add3A_461 = arith.constant 0 : i32
          %add3A_462 = arith.addi %add3A_461, %add3A_418 : i32
          %get3A_463 = arith.index_cast %add3A_462 : i32 to index
          %get3A_464 = arith.constant 64 : index
          %get3A_465 = tpu.vector_load %arg7[%get3A_463, %get3A_464] {strides = array<i32>} : memref<200x128xf32, #tpu.memory_space<vmem>>, vector<1x16xf32>,
          %get3A_466 = vector.shape_cast %get3A_465 : vector<1x16xf32> to vector<16xf32>
          %swap3A_467 = arith.index_cast %add3A_418 : i32 to index
          %swap3A_468 = arith.constant 64 : index
          %swap3A_469 = tpu.vector_load %arg8[%swap3A_467, %swap3A_468] {strides = array<i32>} : memref<40x128xf32, #tpu.memory_space<vmem>>, vector<1x16xf32>,
          %swap3A_470 = vector.shape_cast %swap3A_469 : vector<1x16xf32> to vector<16xf32>
          %swap3A_471 = vector.shape_cast %get3A_466 : vector<16xf32> to vector<1x16xf32>
          tpu.vector_store %arg8[%swap3A_467, %swap3A_468], %swap3A_471 {strides = array<i32>} : memref<40x128xf32, #tpu.memory_space<vmem>>, vector<1x16xf32>,
          %add3A_472 = arith.constant 0 : i32
          %add3A_473 = arith.addi %add3A_472, %add3A_418 : i32
          %get3A_474 = arith.index_cast %add3A_473 : i32 to index
          %get3A_475 = arith.constant 80 : index
          %get3A_476 = tpu.vector_load %arg7[%get3A_474, %get3A_475] {strides = array<i32>} : memref<200x128xf32, #tpu.memory_space<vmem>>, vector<1x16xf32>,
          %get3A_477 = vector.shape_cast %get3A_476 : vector<1x16xf32> to vector<16xf32>
          %swap3A_478 = arith.index_cast %add3A_418 : i32 to index
          %swap3A_479 = arith.constant 80 : index
          %swap3A_480 = tpu.vector_load %arg8[%swap3A_478, %swap3A_479] {strides = array<i32>} : memref<40x128xf32, #tpu.memory_space<vmem>>, vector<1x16xf32>,
          %swap3A_481 = vector.shape_cast %swap3A_480 : vector<1x16xf32> to vector<16xf32>
          %swap3A_482 = vector.shape_cast %get3A_477 : vector<16xf32> to vector<1x16xf32>
          tpu.vector_store %arg8[%swap3A_478, %swap3A_479], %swap3A_482 {strides = array<i32>} : memref<40x128xf32, #tpu.memory_space<vmem>>, vector<1x16xf32>,
          %add3A_483 = arith.constant 0 : i32
          %add3A_484 = arith.addi %add3A_483, %add3A_418 : i32
          %get3A_485 = arith.index_cast %add3A_484 : i32 to index
          %get3A_486 = arith.constant 96 : index
          %get3A_487 = tpu.vector_load %arg7[%get3A_485, %get3A_486] {strides = array<i32>} : memref<200x128xf32, #tpu.memory_space<vmem>>, vector<1x16xf32>,
          %get3A_488 = vector.shape_cast %get3A_487 : vector<1x16xf32> to vector<16xf32>
          %swap3A_489 = arith.index_cast %add3A_418 : i32 to index
          %swap3A_490 = arith.constant 96 : index
          %swap3A_491 = tpu.vector_load %arg8[%swap3A_489, %swap3A_490] {strides = array<i32>} : memref<40x128xf32, #tpu.memory_space<vmem>>, vector<1x16xf32>,
          %swap3A_492 = vector.shape_cast %swap3A_491 : vector<1x16xf32> to vector<16xf32>
          %swap3A_493 = vector.shape_cast %get3A_488 : vector<16xf32> to vector<1x16xf32>
          tpu.vector_store %arg8[%swap3A_489, %swap3A_490], %swap3A_493 {strides = array<i32>} : memref<40x128xf32, #tpu.memory_space<vmem>>, vector<1x16xf32>,
          %add3A_494 = arith.constant 0 : i32
          %add3A_495 = arith.addi %add3A_494, %add3A_418 : i32
          %get3A_496 = arith.index_cast %add3A_495 : i32 to index
          %get3A_497 = arith.constant 112 : index
          %get3A_498 = tpu.vector_load %arg7[%get3A_496, %get3A_497] {strides = array<i32>} : memref<200x128xf32, #tpu.memory_space<vmem>>, vector<1x16xf32>,
          %get3A_499 = vector.shape_cast %get3A_498 : vector<1x16xf32> to vector<16xf32>
          %swap3A_500 = arith.index_cast %add3A_418 : i32 to index
          %swap3A_501 = arith.constant 112 : index
          %swap3A_502 = tpu.vector_load %arg8[%swap3A_500, %swap3A_501] {strides = array<i32>} : memref<40x128xf32, #tpu.memory_space<vmem>>, vector<1x16xf32>,
          %swap3A_503 = vector.shape_cast %swap3A_502 : vector<1x16xf32> to vector<16xf32>
          %swap3A_504 = vector.shape_cast %get3A_499 : vector<16xf32> to vector<1x16xf32>
          tpu.vector_store %arg8[%swap3A_500, %swap3A_501], %swap3A_504 {strides = array<i32>} : memref<40x128xf32, #tpu.memory_space<vmem>>, vector<1x16xf32>,
          %mul3A_505 = arith.constant 2 : i32
          %mul3A_506 = arith.muli %mul3A_505, %scan3A_414 : i32
          %add3A_507 = arith.constant 1 : i32
          %add3A_508 = arith.addi %mul3A_506, %add3A_507 : i32
          %add3A_509 = arith.constant 0 : i32
          %add3A_510 = arith.addi %add3A_509, %add3A_508 : i32
          %get3A_511 = arith.index_cast %add3A_510 : i32 to index
          %get3A_512 = arith.constant 0 : index
          %get3A_513 = tpu.vector_load %arg7[%get3A_511, %get3A_512] {strides = array<i32>} : memref<200x128xf32, #tpu.memory_space<vmem>>, vector<1x16xf32>,
          %get3A_514 = vector.shape_cast %get3A_513 : vector<1x16xf32> to vector<16xf32>
          %swap3A_515 = arith.index_cast %add3A_508 : i32 to index
          %swap3A_516 = arith.constant 0 : index
          %swap3A_517 = tpu.vector_load %arg8[%swap3A_515, %swap3A_516] {strides = array<i32>} : memref<40x128xf32, #tpu.memory_space<vmem>>, vector<1x16xf32>,
          %swap3A_518 = vector.shape_cast %swap3A_517 : vector<1x16xf32> to vector<16xf32>
          %swap3A_519 = vector.shape_cast %get3A_514 : vector<16xf32> to vector<1x16xf32>
          tpu.vector_store %arg8[%swap3A_515, %swap3A_516], %swap3A_519 {strides = array<i32>} : memref<40x128xf32, #tpu.memory_space<vmem>>, vector<1x16xf32>,
          %add3A_520 = arith.constant 0 : i32
          %add3A_521 = arith.addi %add3A_520, %add3A_508 : i32
          %get3A_522 = arith.index_cast %add3A_521 : i32 to index
          %get3A_523 = arith.constant 16 : index
          %get3A_524 = tpu.vector_load %arg7[%get3A_522, %get3A_523] {strides = array<i32>} : memref<200x128xf32, #tpu.memory_space<vmem>>, vector<1x16xf32>,
          %get3A_525 = vector.shape_cast %get3A_524 : vector<1x16xf32> to vector<16xf32>
          %swap3A_526 = arith.index_cast %add3A_508 : i32 to index
          %swap3A_527 = arith.constant 16 : index
          %swap3A_528 = tpu.vector_load %arg8[%swap3A_526, %swap3A_527] {strides = array<i32>} : memref<40x128xf32, #tpu.memory_space<vmem>>, vector<1x16xf32>,
          %swap3A_529 = vector.shape_cast %swap3A_528 : vector<1x16xf32> to vector<16xf32>
          %swap3A_530 = vector.shape_cast %get3A_525 : vector<16xf32> to vector<1x16xf32>
          tpu.vector_store %arg8[%swap3A_526, %swap3A_527], %swap3A_530 {strides = array<i32>} : memref<40x128xf32, #tpu.memory_space<vmem>>, vector<1x16xf32>,
          %add3A_531 = arith.constant 0 : i32
          %add3A_532 = arith.addi %add3A_531, %add3A_508 : i32
          %get3A_533 = arith.index_cast %add3A_532 : i32 to index
          %get3A_534 = arith.constant 32 : index
          %get3A_535 = tpu.vector_load %arg7[%get3A_533, %get3A_534] {strides = array<i32>} : memref<200x128xf32, #tpu.memory_space<vmem>>, vector<1x16xf32>,
          %get3A_536 = vector.shape_cast %get3A_535 : vector<1x16xf32> to vector<16xf32>
          %swap3A_537 = arith.index_cast %add3A_508 : i32 to index
          %swap3A_538 = arith.constant 32 : index
          %swap3A_539 = tpu.vector_load %arg8[%swap3A_537, %swap3A_538] {strides = array<i32>} : memref<40x128xf32, #tpu.memory_space<vmem>>, vector<1x16xf32>,
          %swap3A_540 = vector.shape_cast %swap3A_539 : vector<1x16xf32> to vector<16xf32>
          %swap3A_541 = vector.shape_cast %get3A_536 : vector<16xf32> to vector<1x16xf32>
          tpu.vector_store %arg8[%swap3A_537, %swap3A_538], %swap3A_541 {strides = array<i32>} : memref<40x128xf32, #tpu.memory_space<vmem>>, vector<1x16xf32>,
          %add3A_542 = arith.constant 0 : i32
          %add3A_543 = arith.addi %add3A_542, %add3A_508 : i32
          %get3A_544 = arith.index_cast %add3A_543 : i32 to index
          %get3A_545 = arith.constant 48 : index
          %get3A_546 = tpu.vector_load %arg7[%get3A_544, %get3A_545] {strides = array<i32>} : memref<200x128xf32, #tpu.memory_space<vmem>>, vector<1x16xf32>,
          %get3A_547 = vector.shape_cast %get3A_546 : vector<1x16xf32> to vector<16xf32>
          %swap3A_548 = arith.index_cast %add3A_508 : i32 to index
          %swap3A_549 = arith.constant 48 : index
          %swap3A_550 = tpu.vector_load %arg8[%swap3A_548, %swap3A_549] {strides = array<i32>} : memref<40x128xf32, #tpu.memory_space<vmem>>, vector<1x16xf32>,
          %swap3A_551 = vector.shape_cast %swap3A_550 : vector<1x16xf32> to vector<16xf32>
          %swap3A_552 = vector.shape_cast %get3A_547 : vector<16xf32> to vector<1x16xf32>
          tpu.vector_store %arg8[%swap3A_548, %swap3A_549], %swap3A_552 {strides = array<i32>} : memref<40x128xf32, #tpu.memory_space<vmem>>, vector<1x16xf32>,
          %add3A_553 = arith.constant 0 : i32
          %add3A_554 = arith.addi %add3A_553, %add3A_508 : i32
          %get3A_555 = arith.index_cast %add3A_554 : i32 to index
          %get3A_556 = arith.constant 64 : index
          %get3A_557 = tpu.vector_load %arg7[%get3A_555, %get3A_556] {strides = array<i32>} : memref<200x128xf32, #tpu.memory_space<vmem>>, vector<1x16xf32>,
          %get3A_558 = vector.shape_cast %get3A_557 : vector<1x16xf32> to vector<16xf32>
          %swap3A_559 = arith.index_cast %add3A_508 : i32 to index
          %swap3A_560 = arith.constant 64 : index
          %swap3A_561 = tpu.vector_load %arg8[%swap3A_559, %swap3A_560] {strides = array<i32>} : memref<40x128xf32, #tpu.memory_space<vmem>>, vector<1x16xf32>,
          %swap3A_562 = vector.shape_cast %swap3A_561 : vector<1x16xf32> to vector<16xf32>
          %swap3A_563 = vector.shape_cast %get3A_558 : vector<16xf32> to vector<1x16xf32>
          tpu.vector_store %arg8[%swap3A_559, %swap3A_560], %swap3A_563 {strides = array<i32>} : memref<40x128xf32, #tpu.memory_space<vmem>>, vector<1x16xf32>,
          %add3A_564 = arith.constant 0 : i32
          %add3A_565 = arith.addi %add3A_564, %add3A_508 : i32
          %get3A_566 = arith.index_cast %add3A_565 : i32 to index
          %get3A_567 = arith.constant 80 : index
          %get3A_568 = tpu.vector_load %arg7[%get3A_566, %get3A_567] {strides = array<i32>} : memref<200x128xf32, #tpu.memory_space<vmem>>, vector<1x16xf32>,
          %get3A_569 = vector.shape_cast %get3A_568 : vector<1x16xf32> to vector<16xf32>
          %swap3A_570 = arith.index_cast %add3A_508 : i32 to index
          %swap3A_571 = arith.constant 80 : index
          %swap3A_572 = tpu.vector_load %arg8[%swap3A_570, %swap3A_571] {strides = array<i32>} : memref<40x128xf32, #tpu.memory_space<vmem>>, vector<1x16xf32>,
          %swap3A_573 = vector.shape_cast %swap3A_572 : vector<1x16xf32> to vector<16xf32>
          %swap3A_574 = vector.shape_cast %get3A_569 : vector<16xf32> to vector<1x16xf32>
          tpu.vector_store %arg8[%swap3A_570, %swap3A_571], %swap3A_574 {strides = array<i32>} : memref<40x128xf32, #tpu.memory_space<vmem>>, vector<1x16xf32>,
          %add3A_575 = arith.constant 0 : i32
          %add3A_576 = arith.addi %add3A_575, %add3A_508 : i32
          %get3A_577 = arith.index_cast %add3A_576 : i32 to index
          %get3A_578 = arith.constant 96 : index
          %get3A_579 = tpu.vector_load %arg7[%get3A_577, %get3A_578] {strides = array<i32>} : memref<200x128xf32, #tpu.memory_space<vmem>>, vector<1x16xf32>,
          %get3A_580 = vector.shape_cast %get3A_579 : vector<1x16xf32> to vector<16xf32>
          %swap3A_581 = arith.index_cast %add3A_508 : i32 to index
          %swap3A_582 = arith.constant 96 : index
          %swap3A_583 = tpu.vector_load %arg8[%swap3A_581, %swap3A_582] {strides = array<i32>} : memref<40x128xf32, #tpu.memory_space<vmem>>, vector<1x16xf32>,
          %swap3A_584 = vector.shape_cast %swap3A_583 : vector<1x16xf32> to vector<16xf32>
          %swap3A_585 = vector.shape_cast %get3A_580 : vector<16xf32> to vector<1x16xf32>
          tpu.vector_store %arg8[%swap3A_581, %swap3A_582], %swap3A_585 {strides = array<i32>} : memref<40x128xf32, #tpu.memory_space<vmem>>, vector<1x16xf32>,
          %add3A_586 = arith.constant 0 : i32
          %add3A_587 = arith.addi %add3A_586, %add3A_508 : i32
          %get3A_588 = arith.index_cast %add3A_587 : i32 to index
          %get3A_589 = arith.constant 112 : index
          %get3A_590 = tpu.vector_load %arg7[%get3A_588, %get3A_589] {strides = array<i32>} : memref<200x128xf32, #tpu.memory_space<vmem>>, vector<1x16xf32>,
          %get3A_591 = vector.shape_cast %get3A_590 : vector<1x16xf32> to vector<16xf32>
          %swap3A_592 = arith.index_cast %add3A_508 : i32 to index
          %swap3A_593 = arith.constant 112 : index
          %swap3A_594 = tpu.vector_load %arg8[%swap3A_592, %swap3A_593] {strides = array<i32>} : memref<40x128xf32, #tpu.memory_space<vmem>>, vector<1x16xf32>,
          %swap3A_595 = vector.shape_cast %swap3A_594 : vector<1x16xf32> to vector<16xf32>
          %swap3A_596 = vector.shape_cast %get3A_591 : vector<16xf32> to vector<1x16xf32>
          tpu.vector_store %arg8[%swap3A_592, %swap3A_593], %swap3A_596 {strides = array<i32>} : memref<40x128xf32, #tpu.memory_space<vmem>>, vector<1x16xf32>,
        }
        %scan3A_407 = arith.constant 20 : i32
        %mul3A_408 = arith.constant 40 : i32
        %mul3A_409 = arith.muli %sub3A_401, %mul3A_408 : i32
        %dma_start3A_410 = tpu.memref_slice %arg6[%mul3A_409] : memref<6400xi32, #tpu.memory_space<vmem>> -> memref<40xi32, #tpu.memory_space<vmem>>
        %dma_start3A_411 = arith.constant 0 : i32
        %dma_start3A_412 = arith.constant 0 : i32
        %dma_start3A_413 = tpu.memref_slice %arg2[%dma_start3A_411, %dma_start3A_412] : memref<100000x128xf32, #tpu.memory_space<hbm>> -> memref<100000x128xf32, #tpu.memory_space<hbm>>
        tpu.enqueue_indirect_dma source(%dma_start3A_413 : memref<100000x128xf32, #tpu.memory_space<hbm>>) target(%arg8 : memref<40x128xf32, #tpu.memory_space<vmem>>) offsets(%dma_start3A_410 : memref<40xi32, #tpu.memory_space<vmem>>) semaphore(%arg18 : memref<!tpu.dma_semaphore, #tpu.memory_space<semaphore_mem>>) {add = true}
      } else {
      }
      %mul3A_214 = arith.constant 10 : i32
      %mul3A_215 = arith.muli %mul3A_214, %scan3A_169 : i32
      %add3A_216 = arith.constant 2 : i32
      %add3A_217 = arith.addi %mul3A_215, %add3A_216 : i32
      %mul3A_218 = arith.constant 40 : i32
      %mul3A_219 = arith.muli %add3A_217, %mul3A_218 : i32
      %dma_wait3A_220 = tpu.memref_slice %arg6[%mul3A_219] : memref<6400xi32, #tpu.memory_space<vmem>> -> memref<40xi32, #tpu.memory_space<vmem>>
      %dma_wait3A_221 = arith.constant 0 : i32
      %dma_wait3A_222 = arith.constant 0 : i32
      %dma_wait3A_223 = tpu.memref_slice %arg2[%dma_wait3A_221, %dma_wait3A_222] : memref<100000x128xf32, #tpu.memory_space<hbm>> -> memref<100000x128xf32, #tpu.memory_space<hbm>>
      tpu.wait_indirect_dma semaphore(%arg20 : memref<!tpu.dma_semaphore, #tpu.memory_space<semaphore_mem>>) src(%dma_wait3A_223 : memref<100000x128xf32, #tpu.memory_space<hbm>>) dst(%arg10 : memref<40x128xf32, #tpu.memory_space<vmem>>)
      %mul3A_224 = arith.constant 40 : i32
      %mul3A_225 = arith.muli %add3A_217, %mul3A_224 : i32
      %add3A_226 = arith.addi %mul3A_2, %mul3A_225 : i32
      %dma_start3A_227 = arith.constant 0 : i32
      %dma_start3A_228 = tpu.memref_slice %arg5[%add3A_226, %dma_start3A_227] : memref<204800x128xf32, #tpu.memory_space<hbm>> -> memref<40x128xf32, #tpu.memory_space<hbm>>
      %dma_start3A_229 = arith.constant 0 : i32
      %dma_start3A_230 = tpu.memref_slice %arg5[%add3A_226, %dma_start3A_229] : memref<204800x128xf32, #tpu.memory_space<hbm>> -> memref<40x128xf32, #tpu.memory_space<hbm>>
      tpu.enqueue_dma source(%arg10 : memref<40x128xf32, #tpu.memory_space<vmem>>) target(%dma_start3A_230 : memref<40x128xf32, #tpu.memory_space<hbm>>) target_semaphore(%arg30 : memref<!tpu.dma_semaphore, #tpu.memory_space<semaphore_mem>>)
      %lt3A_231 = arith.constant 15 : i32
      %lt3A_232 = arith.cmpi slt, %scan3A_169, %lt3A_231 : i32
      %convert_element_type3A_233 = arith.extui %lt3A_232 : i1 to i32
      %cond3A_234 = arith.constant 0 : i32
      %cond3A_235 = arith.cmpi ne, %convert_element_type3A_233, %cond3A_234 : i32
      scf.if %cond3A_235 {
        %sub3A = arith.constant 1 : i32
        %sub3A_390 = arith.subi %add3A_217, %sub3A : i32
        %mul3A_391 = arith.constant 40 : i32
        %mul3A_392 = arith.muli %sub3A_390, %mul3A_391 : i32
        %add3A_393 = arith.addi %mul3A_2, %mul3A_392 : i32
        %dma_wait3A_394 = arith.constant 0 : i32
        %dma_wait3A_395 = tpu.memref_slice %arg5[%add3A_393, %dma_wait3A_394] : memref<204800x128xf32, #tpu.memory_space<hbm>> -> memref<40x128xf32, #tpu.memory_space<hbm>>
        %dma_wait3A_396 = arith.constant 0 : i32
        %dma_wait3A_397 = tpu.memref_slice %arg5[%add3A_393, %dma_wait3A_396] : memref<204800x128xf32, #tpu.memory_space<hbm>> -> memref<40x128xf32, #tpu.memory_space<hbm>>
        tpu.wait_dma2 semaphore(%arg29 : memref<!tpu.dma_semaphore, #tpu.memory_space<semaphore_mem>>) src(%arg9 : memref<40x128xf32, #tpu.memory_space<vmem>>) dst(%dma_wait3A_397 : memref<40x128xf32, #tpu.memory_space<hbm>>)
        %add3A_398 = arith.constant 10 : i32
        %add3A_399 = arith.addi %add3A_217, %add3A_398 : i32
        %sub3A_400 = arith.constant 1 : i32
        %sub3A_401 = arith.subi %add3A_399, %sub3A_400 : i32
        %scan3A_402 = arith.constant 0 : i32
        %scan3A_403 = arith.constant 0 : i32
        %scan3A_404 = arith.constant 20 : i32
        %scan3A_405 = arith.addi %scan3A_403, %scan3A_404 : i32
        %scan3A_406 = arith.constant 1 : i32
        scf.for %scan3A_414 = %scan3A_403 to %scan3A_405 step %scan3A_406  : i32 {
          %mul3A_415 = arith.constant 2 : i32
          %mul3A_416 = arith.muli %mul3A_415, %scan3A_414 : i32
          %add3A_417 = arith.constant 0 : i32
          %add3A_418 = arith.addi %mul3A_416, %add3A_417 : i32
          %add3A_419 = arith.constant 40 : i32
          %add3A_420 = arith.addi %add3A_419, %add3A_418 : i32
          %get3A = arith.index_cast %add3A_420 : i32 to index
          %get3A_421 = arith.constant 0 : index
          %get3A_422 = tpu.vector_load %arg7[%get3A, %get3A_421] {strides = array<i32>} : memref<200x128xf32, #tpu.memory_space<vmem>>, vector<1x16xf32>,
          %get3A_423 = vector.shape_cast %get3A_422 : vector<1x16xf32> to vector<16xf32>
          %swap3A = arith.index_cast %add3A_418 : i32 to index
          %swap3A_424 = arith.constant 0 : index
          %swap3A_425 = tpu.vector_load %arg9[%swap3A, %swap3A_424] {strides = array<i32>} : memref<40x128xf32, #tpu.memory_space<vmem>>, vector<1x16xf32>,
          %swap3A_426 = vector.shape_cast %swap3A_425 : vector<1x16xf32> to vector<16xf32>
          %swap3A_427 = vector.shape_cast %get3A_423 : vector<16xf32> to vector<1x16xf32>
          tpu.vector_store %arg9[%swap3A, %swap3A_424], %swap3A_427 {strides = array<i32>} : memref<40x128xf32, #tpu.memory_space<vmem>>, vector<1x16xf32>,
          %add3A_428 = arith.constant 40 : i32
          %add3A_429 = arith.addi %add3A_428, %add3A_418 : i32
          %get3A_430 = arith.index_cast %add3A_429 : i32 to index
          %get3A_431 = arith.constant 16 : index
          %get3A_432 = tpu.vector_load %arg7[%get3A_430, %get3A_431] {strides = array<i32>} : memref<200x128xf32, #tpu.memory_space<vmem>>, vector<1x16xf32>,
          %get3A_433 = vector.shape_cast %get3A_432 : vector<1x16xf32> to vector<16xf32>
          %swap3A_434 = arith.index_cast %add3A_418 : i32 to index
          %swap3A_435 = arith.constant 16 : index
          %swap3A_436 = tpu.vector_load %arg9[%swap3A_434, %swap3A_435] {strides = array<i32>} : memref<40x128xf32, #tpu.memory_space<vmem>>, vector<1x16xf32>,
          %swap3A_437 = vector.shape_cast %swap3A_436 : vector<1x16xf32> to vector<16xf32>
          %swap3A_438 = vector.shape_cast %get3A_433 : vector<16xf32> to vector<1x16xf32>
          tpu.vector_store %arg9[%swap3A_434, %swap3A_435], %swap3A_438 {strides = array<i32>} : memref<40x128xf32, #tpu.memory_space<vmem>>, vector<1x16xf32>,
          %add3A_439 = arith.constant 40 : i32
          %add3A_440 = arith.addi %add3A_439, %add3A_418 : i32
          %get3A_441 = arith.index_cast %add3A_440 : i32 to index
          %get3A_442 = arith.constant 32 : index
          %get3A_443 = tpu.vector_load %arg7[%get3A_441, %get3A_442] {strides = array<i32>} : memref<200x128xf32, #tpu.memory_space<vmem>>, vector<1x16xf32>,
          %get3A_444 = vector.shape_cast %get3A_443 : vector<1x16xf32> to vector<16xf32>
          %swap3A_445 = arith.index_cast %add3A_418 : i32 to index
          %swap3A_446 = arith.constant 32 : index
          %swap3A_447 = tpu.vector_load %arg9[%swap3A_445, %swap3A_446] {strides = array<i32>} : memref<40x128xf32, #tpu.memory_space<vmem>>, vector<1x16xf32>,
          %swap3A_448 = vector.shape_cast %swap3A_447 : vector<1x16xf32> to vector<16xf32>
          %swap3A_449 = vector.shape_cast %get3A_444 : vector<16xf32> to vector<1x16xf32>
          tpu.vector_store %arg9[%swap3A_445, %swap3A_446], %swap3A_449 {strides = array<i32>} : memref<40x128xf32, #tpu.memory_space<vmem>>, vector<1x16xf32>,
          %add3A_450 = arith.constant 40 : i32
          %add3A_451 = arith.addi %add3A_450, %add3A_418 : i32
          %get3A_452 = arith.index_cast %add3A_451 : i32 to index
          %get3A_453 = arith.constant 48 : index
          %get3A_454 = tpu.vector_load %arg7[%get3A_452, %get3A_453] {strides = array<i32>} : memref<200x128xf32, #tpu.memory_space<vmem>>, vector<1x16xf32>,
          %get3A_455 = vector.shape_cast %get3A_454 : vector<1x16xf32> to vector<16xf32>
          %swap3A_456 = arith.index_cast %add3A_418 : i32 to index
          %swap3A_457 = arith.constant 48 : index
          %swap3A_458 = tpu.vector_load %arg9[%swap3A_456, %swap3A_457] {strides = array<i32>} : memref<40x128xf32, #tpu.memory_space<vmem>>, vector<1x16xf32>,
          %swap3A_459 = vector.shape_cast %swap3A_458 : vector<1x16xf32> to vector<16xf32>
          %swap3A_460 = vector.shape_cast %get3A_455 : vector<16xf32> to vector<1x16xf32>
          tpu.vector_store %arg9[%swap3A_456, %swap3A_457], %swap3A_460 {strides = array<i32>} : memref<40x128xf32, #tpu.memory_space<vmem>>, vector<1x16xf32>,
          %add3A_461 = arith.constant 40 : i32
          %add3A_462 = arith.addi %add3A_461, %add3A_418 : i32
          %get3A_463 = arith.index_cast %add3A_462 : i32 to index
          %get3A_464 = arith.constant 64 : index
          %get3A_465 = tpu.vector_load %arg7[%get3A_463, %get3A_464] {strides = array<i32>} : memref<200x128xf32, #tpu.memory_space<vmem>>, vector<1x16xf32>,
          %get3A_466 = vector.shape_cast %get3A_465 : vector<1x16xf32> to vector<16xf32>
          %swap3A_467 = arith.index_cast %add3A_418 : i32 to index
          %swap3A_468 = arith.constant 64 : index
          %swap3A_469 = tpu.vector_load %arg9[%swap3A_467, %swap3A_468] {strides = array<i32>} : memref<40x128xf32, #tpu.memory_space<vmem>>, vector<1x16xf32>,
          %swap3A_470 = vector.shape_cast %swap3A_469 : vector<1x16xf32> to vector<16xf32>
          %swap3A_471 = vector.shape_cast %get3A_466 : vector<16xf32> to vector<1x16xf32>
          tpu.vector_store %arg9[%swap3A_467, %swap3A_468], %swap3A_471 {strides = array<i32>} : memref<40x128xf32, #tpu.memory_space<vmem>>, vector<1x16xf32>,
          %add3A_472 = arith.constant 40 : i32
          %add3A_473 = arith.addi %add3A_472, %add3A_418 : i32
          %get3A_474 = arith.index_cast %add3A_473 : i32 to index
          %get3A_475 = arith.constant 80 : index
          %get3A_476 = tpu.vector_load %arg7[%get3A_474, %get3A_475] {strides = array<i32>} : memref<200x128xf32, #tpu.memory_space<vmem>>, vector<1x16xf32>,
          %get3A_477 = vector.shape_cast %get3A_476 : vector<1x16xf32> to vector<16xf32>
          %swap3A_478 = arith.index_cast %add3A_418 : i32 to index
          %swap3A_479 = arith.constant 80 : index
          %swap3A_480 = tpu.vector_load %arg9[%swap3A_478, %swap3A_479] {strides = array<i32>} : memref<40x128xf32, #tpu.memory_space<vmem>>, vector<1x16xf32>,
          %swap3A_481 = vector.shape_cast %swap3A_480 : vector<1x16xf32> to vector<16xf32>
          %swap3A_482 = vector.shape_cast %get3A_477 : vector<16xf32> to vector<1x16xf32>
          tpu.vector_store %arg9[%swap3A_478, %swap3A_479], %swap3A_482 {strides = array<i32>} : memref<40x128xf32, #tpu.memory_space<vmem>>, vector<1x16xf32>,
          %add3A_483 = arith.constant 40 : i32
          %add3A_484 = arith.addi %add3A_483, %add3A_418 : i32
          %get3A_485 = arith.index_cast %add3A_484 : i32 to index
          %get3A_486 = arith.constant 96 : index
          %get3A_487 = tpu.vector_load %arg7[%get3A_485, %get3A_486] {strides = array<i32>} : memref<200x128xf32, #tpu.memory_space<vmem>>, vector<1x16xf32>,
          %get3A_488 = vector.shape_cast %get3A_487 : vector<1x16xf32> to vector<16xf32>
          %swap3A_489 = arith.index_cast %add3A_418 : i32 to index
          %swap3A_490 = arith.constant 96 : index
          %swap3A_491 = tpu.vector_load %arg9[%swap3A_489, %swap3A_490] {strides = array<i32>} : memref<40x128xf32, #tpu.memory_space<vmem>>, vector<1x16xf32>,
          %swap3A_492 = vector.shape_cast %swap3A_491 : vector<1x16xf32> to vector<16xf32>
          %swap3A_493 = vector.shape_cast %get3A_488 : vector<16xf32> to vector<1x16xf32>
          tpu.vector_store %arg9[%swap3A_489, %swap3A_490], %swap3A_493 {strides = array<i32>} : memref<40x128xf32, #tpu.memory_space<vmem>>, vector<1x16xf32>,
          %add3A_494 = arith.constant 40 : i32
          %add3A_495 = arith.addi %add3A_494, %add3A_418 : i32
          %get3A_496 = arith.index_cast %add3A_495 : i32 to index
          %get3A_497 = arith.constant 112 : index
          %get3A_498 = tpu.vector_load %arg7[%get3A_496, %get3A_497] {strides = array<i32>} : memref<200x128xf32, #tpu.memory_space<vmem>>, vector<1x16xf32>,
          %get3A_499 = vector.shape_cast %get3A_498 : vector<1x16xf32> to vector<16xf32>
          %swap3A_500 = arith.index_cast %add3A_418 : i32 to index
          %swap3A_501 = arith.constant 112 : index
          %swap3A_502 = tpu.vector_load %arg9[%swap3A_500, %swap3A_501] {strides = array<i32>} : memref<40x128xf32, #tpu.memory_space<vmem>>, vector<1x16xf32>,
          %swap3A_503 = vector.shape_cast %swap3A_502 : vector<1x16xf32> to vector<16xf32>
          %swap3A_504 = vector.shape_cast %get3A_499 : vector<16xf32> to vector<1x16xf32>
          tpu.vector_store %arg9[%swap3A_500, %swap3A_501], %swap3A_504 {strides = array<i32>} : memref<40x128xf32, #tpu.memory_space<vmem>>, vector<1x16xf32>,
          %mul3A_505 = arith.constant 2 : i32
          %mul3A_506 = arith.muli %mul3A_505, %scan3A_414 : i32
          %add3A_507 = arith.constant 1 : i32
          %add3A_508 = arith.addi %mul3A_506, %add3A_507 : i32
          %add3A_509 = arith.constant 40 : i32
          %add3A_510 = arith.addi %add3A_509, %add3A_508 : i32
          %get3A_511 = arith.index_cast %add3A_510 : i32 to index
          %get3A_512 = arith.constant 0 : index
          %get3A_513 = tpu.vector_load %arg7[%get3A_511, %get3A_512] {strides = array<i32>} : memref<200x128xf32, #tpu.memory_space<vmem>>, vector<1x16xf32>,
          %get3A_514 = vector.shape_cast %get3A_513 : vector<1x16xf32> to vector<16xf32>
          %swap3A_515 = arith.index_cast %add3A_508 : i32 to index
          %swap3A_516 = arith.constant 0 : index
          %swap3A_517 = tpu.vector_load %arg9[%swap3A_515, %swap3A_516] {strides = array<i32>} : memref<40x128xf32, #tpu.memory_space<vmem>>, vector<1x16xf32>,
          %swap3A_518 = vector.shape_cast %swap3A_517 : vector<1x16xf32> to vector<16xf32>
          %swap3A_519 = vector.shape_cast %get3A_514 : vector<16xf32> to vector<1x16xf32>
          tpu.vector_store %arg9[%swap3A_515, %swap3A_516], %swap3A_519 {strides = array<i32>} : memref<40x128xf32, #tpu.memory_space<vmem>>, vector<1x16xf32>,
          %add3A_520 = arith.constant 40 : i32
          %add3A_521 = arith.addi %add3A_520, %add3A_508 : i32
          %get3A_522 = arith.index_cast %add3A_521 : i32 to index
          %get3A_523 = arith.constant 16 : index
          %get3A_524 = tpu.vector_load %arg7[%get3A_522, %get3A_523] {strides = array<i32>} : memref<200x128xf32, #tpu.memory_space<vmem>>, vector<1x16xf32>,
          %get3A_525 = vector.shape_cast %get3A_524 : vector<1x16xf32> to vector<16xf32>
          %swap3A_526 = arith.index_cast %add3A_508 : i32 to index
          %swap3A_527 = arith.constant 16 : index
          %swap3A_528 = tpu.vector_load %arg9[%swap3A_526, %swap3A_527] {strides = array<i32>} : memref<40x128xf32, #tpu.memory_space<vmem>>, vector<1x16xf32>,
          %swap3A_529 = vector.shape_cast %swap3A_528 : vector<1x16xf32> to vector<16xf32>
          %swap3A_530 = vector.shape_cast %get3A_525 : vector<16xf32> to vector<1x16xf32>
          tpu.vector_store %arg9[%swap3A_526, %swap3A_527], %swap3A_530 {strides = array<i32>} : memref<40x128xf32, #tpu.memory_space<vmem>>, vector<1x16xf32>,
          %add3A_531 = arith.constant 40 : i32
          %add3A_532 = arith.addi %add3A_531, %add3A_508 : i32
          %get3A_533 = arith.index_cast %add3A_532 : i32 to index
          %get3A_534 = arith.constant 32 : index
          %get3A_535 = tpu.vector_load %arg7[%get3A_533, %get3A_534] {strides = array<i32>} : memref<200x128xf32, #tpu.memory_space<vmem>>, vector<1x16xf32>,
          %get3A_536 = vector.shape_cast %get3A_535 : vector<1x16xf32> to vector<16xf32>
          %swap3A_537 = arith.index_cast %add3A_508 : i32 to index
          %swap3A_538 = arith.constant 32 : index
          %swap3A_539 = tpu.vector_load %arg9[%swap3A_537, %swap3A_538] {strides = array<i32>} : memref<40x128xf32, #tpu.memory_space<vmem>>, vector<1x16xf32>,
          %swap3A_540 = vector.shape_cast %swap3A_539 : vector<1x16xf32> to vector<16xf32>
          %swap3A_541 = vector.shape_cast %get3A_536 : vector<16xf32> to vector<1x16xf32>
          tpu.vector_store %arg9[%swap3A_537, %swap3A_538], %swap3A_541 {strides = array<i32>} : memref<40x128xf32, #tpu.memory_space<vmem>>, vector<1x16xf32>,
          %add3A_542 = arith.constant 40 : i32
          %add3A_543 = arith.addi %add3A_542, %add3A_508 : i32
          %get3A_544 = arith.index_cast %add3A_543 : i32 to index
          %get3A_545 = arith.constant 48 : index
          %get3A_546 = tpu.vector_load %arg7[%get3A_544, %get3A_545] {strides = array<i32>} : memref<200x128xf32, #tpu.memory_space<vmem>>, vector<1x16xf32>,
          %get3A_547 = vector.shape_cast %get3A_546 : vector<1x16xf32> to vector<16xf32>
          %swap3A_548 = arith.index_cast %add3A_508 : i32 to index
          %swap3A_549 = arith.constant 48 : index
          %swap3A_550 = tpu.vector_load %arg9[%swap3A_548, %swap3A_549] {strides = array<i32>} : memref<40x128xf32, #tpu.memory_space<vmem>>, vector<1x16xf32>,
          %swap3A_551 = vector.shape_cast %swap3A_550 : vector<1x16xf32> to vector<16xf32>
          %swap3A_552 = vector.shape_cast %get3A_547 : vector<16xf32> to vector<1x16xf32>
          tpu.vector_store %arg9[%swap3A_548, %swap3A_549], %swap3A_552 {strides = array<i32>} : memref<40x128xf32, #tpu.memory_space<vmem>>, vector<1x16xf32>,
          %add3A_553 = arith.constant 40 : i32
          %add3A_554 = arith.addi %add3A_553, %add3A_508 : i32
          %get3A_555 = arith.index_cast %add3A_554 : i32 to index
          %get3A_556 = arith.constant 64 : index
          %get3A_557 = tpu.vector_load %arg7[%get3A_555, %get3A_556] {strides = array<i32>} : memref<200x128xf32, #tpu.memory_space<vmem>>, vector<1x16xf32>,
          %get3A_558 = vector.shape_cast %get3A_557 : vector<1x16xf32> to vector<16xf32>
          %swap3A_559 = arith.index_cast %add3A_508 : i32 to index
          %swap3A_560 = arith.constant 64 : index
          %swap3A_561 = tpu.vector_load %arg9[%swap3A_559, %swap3A_560] {strides = array<i32>} : memref<40x128xf32, #tpu.memory_space<vmem>>, vector<1x16xf32>,
          %swap3A_562 = vector.shape_cast %swap3A_561 : vector<1x16xf32> to vector<16xf32>
          %swap3A_563 = vector.shape_cast %get3A_558 : vector<16xf32> to vector<1x16xf32>
          tpu.vector_store %arg9[%swap3A_559, %swap3A_560], %swap3A_563 {strides = array<i32>} : memref<40x128xf32, #tpu.memory_space<vmem>>, vector<1x16xf32>,
          %add3A_564 = arith.constant 40 : i32
          %add3A_565 = arith.addi %add3A_564, %add3A_508 : i32
          %get3A_566 = arith.index_cast %add3A_565 : i32 to index
          %get3A_567 = arith.constant 80 : index
          %get3A_568 = tpu.vector_load %arg7[%get3A_566, %get3A_567] {strides = array<i32>} : memref<200x128xf32, #tpu.memory_space<vmem>>, vector<1x16xf32>,
          %get3A_569 = vector.shape_cast %get3A_568 : vector<1x16xf32> to vector<16xf32>
          %swap3A_570 = arith.index_cast %add3A_508 : i32 to index
          %swap3A_571 = arith.constant 80 : index
          %swap3A_572 = tpu.vector_load %arg9[%swap3A_570, %swap3A_571] {strides = array<i32>} : memref<40x128xf32, #tpu.memory_space<vmem>>, vector<1x16xf32>,
          %swap3A_573 = vector.shape_cast %swap3A_572 : vector<1x16xf32> to vector<16xf32>
          %swap3A_574 = vector.shape_cast %get3A_569 : vector<16xf32> to vector<1x16xf32>
          tpu.vector_store %arg9[%swap3A_570, %swap3A_571], %swap3A_574 {strides = array<i32>} : memref<40x128xf32, #tpu.memory_space<vmem>>, vector<1x16xf32>,
          %add3A_575 = arith.constant 40 : i32
          %add3A_576 = arith.addi %add3A_575, %add3A_508 : i32
          %get3A_577 = arith.index_cast %add3A_576 : i32 to index
          %get3A_578 = arith.constant 96 : index
          %get3A_579 = tpu.vector_load %arg7[%get3A_577, %get3A_578] {strides = array<i32>} : memref<200x128xf32, #tpu.memory_space<vmem>>, vector<1x16xf32>,
          %get3A_580 = vector.shape_cast %get3A_579 : vector<1x16xf32> to vector<16xf32>
          %swap3A_581 = arith.index_cast %add3A_508 : i32 to index
          %swap3A_582 = arith.constant 96 : index
          %swap3A_583 = tpu.vector_load %arg9[%swap3A_581, %swap3A_582] {strides = array<i32>} : memref<40x128xf32, #tpu.memory_space<vmem>>, vector<1x16xf32>,
          %swap3A_584 = vector.shape_cast %swap3A_583 : vector<1x16xf32> to vector<16xf32>
          %swap3A_585 = vector.shape_cast %get3A_580 : vector<16xf32> to vector<1x16xf32>
          tpu.vector_store %arg9[%swap3A_581, %swap3A_582], %swap3A_585 {strides = array<i32>} : memref<40x128xf32, #tpu.memory_space<vmem>>, vector<1x16xf32>,
          %add3A_586 = arith.constant 40 : i32
          %add3A_587 = arith.addi %add3A_586, %add3A_508 : i32
          %get3A_588 = arith.index_cast %add3A_587 : i32 to index
          %get3A_589 = arith.constant 112 : index
          %get3A_590 = tpu.vector_load %arg7[%get3A_588, %get3A_589] {strides = array<i32>} : memref<200x128xf32, #tpu.memory_space<vmem>>, vector<1x16xf32>,
          %get3A_591 = vector.shape_cast %get3A_590 : vector<1x16xf32> to vector<16xf32>
          %swap3A_592 = arith.index_cast %add3A_508 : i32 to index
          %swap3A_593 = arith.constant 112 : index
          %swap3A_594 = tpu.vector_load %arg9[%swap3A_592, %swap3A_593] {strides = array<i32>} : memref<40x128xf32, #tpu.memory_space<vmem>>, vector<1x16xf32>,
          %swap3A_595 = vector.shape_cast %swap3A_594 : vector<1x16xf32> to vector<16xf32>
          %swap3A_596 = vector.shape_cast %get3A_591 : vector<16xf32> to vector<1x16xf32>
          tpu.vector_store %arg9[%swap3A_592, %swap3A_593], %swap3A_596 {strides = array<i32>} : memref<40x128xf32, #tpu.memory_space<vmem>>, vector<1x16xf32>,
        }
        %scan3A_407 = arith.constant 20 : i32
        %mul3A_408 = arith.constant 40 : i32
        %mul3A_409 = arith.muli %sub3A_401, %mul3A_408 : i32
        %dma_start3A_410 = tpu.memref_slice %arg6[%mul3A_409] : memref<6400xi32, #tpu.memory_space<vmem>> -> memref<40xi32, #tpu.memory_space<vmem>>
        %dma_start3A_411 = arith.constant 0 : i32
        %dma_start3A_412 = arith.constant 0 : i32
        %dma_start3A_413 = tpu.memref_slice %arg2[%dma_start3A_411, %dma_start3A_412] : memref<100000x128xf32, #tpu.memory_space<hbm>> -> memref<100000x128xf32, #tpu.memory_space<hbm>>
        tpu.enqueue_indirect_dma source(%dma_start3A_413 : memref<100000x128xf32, #tpu.memory_space<hbm>>) target(%arg9 : memref<40x128xf32, #tpu.memory_space<vmem>>) offsets(%dma_start3A_410 : memref<40xi32, #tpu.memory_space<vmem>>) semaphore(%arg19 : memref<!tpu.dma_semaphore, #tpu.memory_space<semaphore_mem>>) {add = true}
      } else {
      }
      %mul3A_236 = arith.constant 10 : i32
      %mul3A_237 = arith.muli %mul3A_236, %scan3A_169 : i32
      %add3A_238 = arith.constant 3 : i32
      %add3A_239 = arith.addi %mul3A_237, %add3A_238 : i32
      %mul3A_240 = arith.constant 40 : i32
      %mul3A_241 = arith.muli %add3A_239, %mul3A_240 : i32
      %dma_wait3A_242 = tpu.memref_slice %arg6[%mul3A_241] : memref<6400xi32, #tpu.memory_space<vmem>> -> memref<40xi32, #tpu.memory_space<vmem>>
      %dma_wait3A_243 = arith.constant 0 : i32
      %dma_wait3A_244 = arith.constant 0 : i32
      %dma_wait3A_245 = tpu.memref_slice %arg2[%dma_wait3A_243, %dma_wait3A_244] : memref<100000x128xf32, #tpu.memory_space<hbm>> -> memref<100000x128xf32, #tpu.memory_space<hbm>>
      tpu.wait_indirect_dma semaphore(%arg21 : memref<!tpu.dma_semaphore, #tpu.memory_space<semaphore_mem>>) src(%dma_wait3A_245 : memref<100000x128xf32, #tpu.memory_space<hbm>>) dst(%arg11 : memref<40x128xf32, #tpu.memory_space<vmem>>)
      %mul3A_246 = arith.constant 40 : i32
      %mul3A_247 = arith.muli %add3A_239, %mul3A_246 : i32
      %add3A_248 = arith.addi %mul3A_2, %mul3A_247 : i32
      %dma_start3A_249 = arith.constant 0 : i32
      %dma_start3A_250 = tpu.memref_slice %arg5[%add3A_248, %dma_start3A_249] : memref<204800x128xf32, #tpu.memory_space<hbm>> -> memref<40x128xf32, #tpu.memory_space<hbm>>
      %dma_start3A_251 = arith.constant 0 : i32
      %dma_start3A_252 = tpu.memref_slice %arg5[%add3A_248, %dma_start3A_251] : memref<204800x128xf32, #tpu.memory_space<hbm>> -> memref<40x128xf32, #tpu.memory_space<hbm>>
      tpu.enqueue_dma source(%arg11 : memref<40x128xf32, #tpu.memory_space<vmem>>) target(%dma_start3A_252 : memref<40x128xf32, #tpu.memory_space<hbm>>) target_semaphore(%arg31 : memref<!tpu.dma_semaphore, #tpu.memory_space<semaphore_mem>>)
      %lt3A_253 = arith.constant 15 : i32
      %lt3A_254 = arith.cmpi slt, %scan3A_169, %lt3A_253 : i32
      %convert_element_type3A_255 = arith.extui %lt3A_254 : i1 to i32
      %cond3A_256 = arith.constant 0 : i32
      %cond3A_257 = arith.cmpi ne, %convert_element_type3A_255, %cond3A_256 : i32
      scf.if %cond3A_257 {
        %sub3A = arith.constant 1 : i32
        %sub3A_390 = arith.subi %add3A_239, %sub3A : i32
        %mul3A_391 = arith.constant 40 : i32
        %mul3A_392 = arith.muli %sub3A_390, %mul3A_391 : i32
        %add3A_393 = arith.addi %mul3A_2, %mul3A_392 : i32
        %dma_wait3A_394 = arith.constant 0 : i32
        %dma_wait3A_395 = tpu.memref_slice %arg5[%add3A_393, %dma_wait3A_394] : memref<204800x128xf32, #tpu.memory_space<hbm>> -> memref<40x128xf32, #tpu.memory_space<hbm>>
        %dma_wait3A_396 = arith.constant 0 : i32
        %dma_wait3A_397 = tpu.memref_slice %arg5[%add3A_393, %dma_wait3A_396] : memref<204800x128xf32, #tpu.memory_space<hbm>> -> memref<40x128xf32, #tpu.memory_space<hbm>>
        tpu.wait_dma2 semaphore(%arg30 : memref<!tpu.dma_semaphore, #tpu.memory_space<semaphore_mem>>) src(%arg10 : memref<40x128xf32, #tpu.memory_space<vmem>>) dst(%dma_wait3A_397 : memref<40x128xf32, #tpu.memory_space<hbm>>)
        %add3A_398 = arith.constant 10 : i32
        %add3A_399 = arith.addi %add3A_239, %add3A_398 : i32
        %sub3A_400 = arith.constant 1 : i32
        %sub3A_401 = arith.subi %add3A_399, %sub3A_400 : i32
        %scan3A_402 = arith.constant 0 : i32
        %scan3A_403 = arith.constant 0 : i32
        %scan3A_404 = arith.constant 20 : i32
        %scan3A_405 = arith.addi %scan3A_403, %scan3A_404 : i32
        %scan3A_406 = arith.constant 1 : i32
        scf.for %scan3A_414 = %scan3A_403 to %scan3A_405 step %scan3A_406  : i32 {
          %mul3A_415 = arith.constant 2 : i32
          %mul3A_416 = arith.muli %mul3A_415, %scan3A_414 : i32
          %add3A_417 = arith.constant 0 : i32
          %add3A_418 = arith.addi %mul3A_416, %add3A_417 : i32
          %add3A_419 = arith.constant 80 : i32
          %add3A_420 = arith.addi %add3A_419, %add3A_418 : i32
          %get3A = arith.index_cast %add3A_420 : i32 to index
          %get3A_421 = arith.constant 0 : index
          %get3A_422 = tpu.vector_load %arg7[%get3A, %get3A_421] {strides = array<i32>} : memref<200x128xf32, #tpu.memory_space<vmem>>, vector<1x16xf32>,
          %get3A_423 = vector.shape_cast %get3A_422 : vector<1x16xf32> to vector<16xf32>
          %swap3A = arith.index_cast %add3A_418 : i32 to index
          %swap3A_424 = arith.constant 0 : index
          %swap3A_425 = tpu.vector_load %arg10[%swap3A, %swap3A_424] {strides = array<i32>} : memref<40x128xf32, #tpu.memory_space<vmem>>, vector<1x16xf32>,
          %swap3A_426 = vector.shape_cast %swap3A_425 : vector<1x16xf32> to vector<16xf32>
          %swap3A_427 = vector.shape_cast %get3A_423 : vector<16xf32> to vector<1x16xf32>
          tpu.vector_store %arg10[%swap3A, %swap3A_424], %swap3A_427 {strides = array<i32>} : memref<40x128xf32, #tpu.memory_space<vmem>>, vector<1x16xf32>,
          %add3A_428 = arith.constant 80 : i32
          %add3A_429 = arith.addi %add3A_428, %add3A_418 : i32
          %get3A_430 = arith.index_cast %add3A_429 : i32 to index
          %get3A_431 = arith.constant 16 : index
          %get3A_432 = tpu.vector_load %arg7[%get3A_430, %get3A_431] {strides = array<i32>} : memref<200x128xf32, #tpu.memory_space<vmem>>, vector<1x16xf32>,
          %get3A_433 = vector.shape_cast %get3A_432 : vector<1x16xf32> to vector<16xf32>
          %swap3A_434 = arith.index_cast %add3A_418 : i32 to index
          %swap3A_435 = arith.constant 16 : index
          %swap3A_436 = tpu.vector_load %arg10[%swap3A_434, %swap3A_435] {strides = array<i32>} : memref<40x128xf32, #tpu.memory_space<vmem>>, vector<1x16xf32>,
          %swap3A_437 = vector.shape_cast %swap3A_436 : vector<1x16xf32> to vector<16xf32>
          %swap3A_438 = vector.shape_cast %get3A_433 : vector<16xf32> to vector<1x16xf32>
          tpu.vector_store %arg10[%swap3A_434, %swap3A_435], %swap3A_438 {strides = array<i32>} : memref<40x128xf32, #tpu.memory_space<vmem>>, vector<1x16xf32>,
          %add3A_439 = arith.constant 80 : i32
          %add3A_440 = arith.addi %add3A_439, %add3A_418 : i32
          %get3A_441 = arith.index_cast %add3A_440 : i32 to index
          %get3A_442 = arith.constant 32 : index
          %get3A_443 = tpu.vector_load %arg7[%get3A_441, %get3A_442] {strides = array<i32>} : memref<200x128xf32, #tpu.memory_space<vmem>>, vector<1x16xf32>,
          %get3A_444 = vector.shape_cast %get3A_443 : vector<1x16xf32> to vector<16xf32>
          %swap3A_445 = arith.index_cast %add3A_418 : i32 to index
          %swap3A_446 = arith.constant 32 : index
          %swap3A_447 = tpu.vector_load %arg10[%swap3A_445, %swap3A_446] {strides = array<i32>} : memref<40x128xf32, #tpu.memory_space<vmem>>, vector<1x16xf32>,
          %swap3A_448 = vector.shape_cast %swap3A_447 : vector<1x16xf32> to vector<16xf32>
          %swap3A_449 = vector.shape_cast %get3A_444 : vector<16xf32> to vector<1x16xf32>
          tpu.vector_store %arg10[%swap3A_445, %swap3A_446], %swap3A_449 {strides = array<i32>} : memref<40x128xf32, #tpu.memory_space<vmem>>, vector<1x16xf32>,
          %add3A_450 = arith.constant 80 : i32
          %add3A_451 = arith.addi %add3A_450, %add3A_418 : i32
          %get3A_452 = arith.index_cast %add3A_451 : i32 to index
          %get3A_453 = arith.constant 48 : index
          %get3A_454 = tpu.vector_load %arg7[%get3A_452, %get3A_453] {strides = array<i32>} : memref<200x128xf32, #tpu.memory_space<vmem>>, vector<1x16xf32>,
          %get3A_455 = vector.shape_cast %get3A_454 : vector<1x16xf32> to vector<16xf32>
          %swap3A_456 = arith.index_cast %add3A_418 : i32 to index
          %swap3A_457 = arith.constant 48 : index
          %swap3A_458 = tpu.vector_load %arg10[%swap3A_456, %swap3A_457] {strides = array<i32>} : memref<40x128xf32, #tpu.memory_space<vmem>>, vector<1x16xf32>,
          %swap3A_459 = vector.shape_cast %swap3A_458 : vector<1x16xf32> to vector<16xf32>
          %swap3A_460 = vector.shape_cast %get3A_455 : vector<16xf32> to vector<1x16xf32>
          tpu.vector_store %arg10[%swap3A_456, %swap3A_457], %swap3A_460 {strides = array<i32>} : memref<40x128xf32, #tpu.memory_space<vmem>>, vector<1x16xf32>,
          %add3A_461 = arith.constant 80 : i32
          %add3A_462 = arith.addi %add3A_461, %add3A_418 : i32
          %get3A_463 = arith.index_cast %add3A_462 : i32 to index
          %get3A_464 = arith.constant 64 : index
          %get3A_465 = tpu.vector_load %arg7[%get3A_463, %get3A_464] {strides = array<i32>} : memref<200x128xf32, #tpu.memory_space<vmem>>, vector<1x16xf32>,
          %get3A_466 = vector.shape_cast %get3A_465 : vector<1x16xf32> to vector<16xf32>
          %swap3A_467 = arith.index_cast %add3A_418 : i32 to index
          %swap3A_468 = arith.constant 64 : index
          %swap3A_469 = tpu.vector_load %arg10[%swap3A_467, %swap3A_468] {strides = array<i32>} : memref<40x128xf32, #tpu.memory_space<vmem>>, vector<1x16xf32>,
          %swap3A_470 = vector.shape_cast %swap3A_469 : vector<1x16xf32> to vector<16xf32>
          %swap3A_471 = vector.shape_cast %get3A_466 : vector<16xf32> to vector<1x16xf32>
          tpu.vector_store %arg10[%swap3A_467, %swap3A_468], %swap3A_471 {strides = array<i32>} : memref<40x128xf32, #tpu.memory_space<vmem>>, vector<1x16xf32>,
          %add3A_472 = arith.constant 80 : i32
          %add3A_473 = arith.addi %add3A_472, %add3A_418 : i32
          %get3A_474 = arith.index_cast %add3A_473 : i32 to index
          %get3A_475 = arith.constant 80 : index
          %get3A_476 = tpu.vector_load %arg7[%get3A_474, %get3A_475] {strides = array<i32>} : memref<200x128xf32, #tpu.memory_space<vmem>>, vector<1x16xf32>,
          %get3A_477 = vector.shape_cast %get3A_476 : vector<1x16xf32> to vector<16xf32>
          %swap3A_478 = arith.index_cast %add3A_418 : i32 to index
          %swap3A_479 = arith.constant 80 : index
          %swap3A_480 = tpu.vector_load %arg10[%swap3A_478, %swap3A_479] {strides = array<i32>} : memref<40x128xf32, #tpu.memory_space<vmem>>, vector<1x16xf32>,
          %swap3A_481 = vector.shape_cast %swap3A_480 : vector<1x16xf32> to vector<16xf32>
          %swap3A_482 = vector.shape_cast %get3A_477 : vector<16xf32> to vector<1x16xf32>
          tpu.vector_store %arg10[%swap3A_478, %swap3A_479], %swap3A_482 {strides = array<i32>} : memref<40x128xf32, #tpu.memory_space<vmem>>, vector<1x16xf32>,
          %add3A_483 = arith.constant 80 : i32
          %add3A_484 = arith.addi %add3A_483, %add3A_418 : i32
          %get3A_485 = arith.index_cast %add3A_484 : i32 to index
          %get3A_486 = arith.constant 96 : index
          %get3A_487 = tpu.vector_load %arg7[%get3A_485, %get3A_486] {strides = array<i32>} : memref<200x128xf32, #tpu.memory_space<vmem>>, vector<1x16xf32>,
          %get3A_488 = vector.shape_cast %get3A_487 : vector<1x16xf32> to vector<16xf32>
          %swap3A_489 = arith.index_cast %add3A_418 : i32 to index
          %swap3A_490 = arith.constant 96 : index
          %swap3A_491 = tpu.vector_load %arg10[%swap3A_489, %swap3A_490] {strides = array<i32>} : memref<40x128xf32, #tpu.memory_space<vmem>>, vector<1x16xf32>,
          %swap3A_492 = vector.shape_cast %swap3A_491 : vector<1x16xf32> to vector<16xf32>
          %swap3A_493 = vector.shape_cast %get3A_488 : vector<16xf32> to vector<1x16xf32>
          tpu.vector_store %arg10[%swap3A_489, %swap3A_490], %swap3A_493 {strides = array<i32>} : memref<40x128xf32, #tpu.memory_space<vmem>>, vector<1x16xf32>,
          %add3A_494 = arith.constant 80 : i32
          %add3A_495 = arith.addi %add3A_494, %add3A_418 : i32
          %get3A_496 = arith.index_cast %add3A_495 : i32 to index
          %get3A_497 = arith.constant 112 : index
          %get3A_498 = tpu.vector_load %arg7[%get3A_496, %get3A_497] {strides = array<i32>} : memref<200x128xf32, #tpu.memory_space<vmem>>, vector<1x16xf32>,
          %get3A_499 = vector.shape_cast %get3A_498 : vector<1x16xf32> to vector<16xf32>
          %swap3A_500 = arith.index_cast %add3A_418 : i32 to index
          %swap3A_501 = arith.constant 112 : index
          %swap3A_502 = tpu.vector_load %arg10[%swap3A_500, %swap3A_501] {strides = array<i32>} : memref<40x128xf32, #tpu.memory_space<vmem>>, vector<1x16xf32>,
          %swap3A_503 = vector.shape_cast %swap3A_502 : vector<1x16xf32> to vector<16xf32>
          %swap3A_504 = vector.shape_cast %get3A_499 : vector<16xf32> to vector<1x16xf32>
          tpu.vector_store %arg10[%swap3A_500, %swap3A_501], %swap3A_504 {strides = array<i32>} : memref<40x128xf32, #tpu.memory_space<vmem>>, vector<1x16xf32>,
          %mul3A_505 = arith.constant 2 : i32
          %mul3A_506 = arith.muli %mul3A_505, %scan3A_414 : i32
          %add3A_507 = arith.constant 1 : i32
          %add3A_508 = arith.addi %mul3A_506, %add3A_507 : i32
          %add3A_509 = arith.constant 80 : i32
          %add3A_510 = arith.addi %add3A_509, %add3A_508 : i32
          %get3A_511 = arith.index_cast %add3A_510 : i32 to index
          %get3A_512 = arith.constant 0 : index
          %get3A_513 = tpu.vector_load %arg7[%get3A_511, %get3A_512] {strides = array<i32>} : memref<200x128xf32, #tpu.memory_space<vmem>>, vector<1x16xf32>,
          %get3A_514 = vector.shape_cast %get3A_513 : vector<1x16xf32> to vector<16xf32>
          %swap3A_515 = arith.index_cast %add3A_508 : i32 to index
          %swap3A_516 = arith.constant 0 : index
          %swap3A_517 = tpu.vector_load %arg10[%swap3A_515, %swap3A_516] {strides = array<i32>} : memref<40x128xf32, #tpu.memory_space<vmem>>, vector<1x16xf32>,
          %swap3A_518 = vector.shape_cast %swap3A_517 : vector<1x16xf32> to vector<16xf32>
          %swap3A_519 = vector.shape_cast %get3A_514 : vector<16xf32> to vector<1x16xf32>
          tpu.vector_store %arg10[%swap3A_515, %swap3A_516], %swap3A_519 {strides = array<i32>} : memref<40x128xf32, #tpu.memory_space<vmem>>, vector<1x16xf32>,
          %add3A_520 = arith.constant 80 : i32
          %add3A_521 = arith.addi %add3A_520, %add3A_508 : i32
          %get3A_522 = arith.index_cast %add3A_521 : i32 to index
          %get3A_523 = arith.constant 16 : index
          %get3A_524 = tpu.vector_load %arg7[%get3A_522, %get3A_523] {strides = array<i32>} : memref<200x128xf32, #tpu.memory_space<vmem>>, vector<1x16xf32>,
          %get3A_525 = vector.shape_cast %get3A_524 : vector<1x16xf32> to vector<16xf32>
          %swap3A_526 = arith.index_cast %add3A_508 : i32 to index
          %swap3A_527 = arith.constant 16 : index
          %swap3A_528 = tpu.vector_load %arg10[%swap3A_526, %swap3A_527] {strides = array<i32>} : memref<40x128xf32, #tpu.memory_space<vmem>>, vector<1x16xf32>,
          %swap3A_529 = vector.shape_cast %swap3A_528 : vector<1x16xf32> to vector<16xf32>
          %swap3A_530 = vector.shape_cast %get3A_525 : vector<16xf32> to vector<1x16xf32>
          tpu.vector_store %arg10[%swap3A_526, %swap3A_527], %swap3A_530 {strides = array<i32>} : memref<40x128xf32, #tpu.memory_space<vmem>>, vector<1x16xf32>,
          %add3A_531 = arith.constant 80 : i32
          %add3A_532 = arith.addi %add3A_531, %add3A_508 : i32
          %get3A_533 = arith.index_cast %add3A_532 : i32 to index
          %get3A_534 = arith.constant 32 : index
          %get3A_535 = tpu.vector_load %arg7[%get3A_533, %get3A_534] {strides = array<i32>} : memref<200x128xf32, #tpu.memory_space<vmem>>, vector<1x16xf32>,
          %get3A_536 = vector.shape_cast %get3A_535 : vector<1x16xf32> to vector<16xf32>
          %swap3A_537 = arith.index_cast %add3A_508 : i32 to index
          %swap3A_538 = arith.constant 32 : index
          %swap3A_539 = tpu.vector_load %arg10[%swap3A_537, %swap3A_538] {strides = array<i32>} : memref<40x128xf32, #tpu.memory_space<vmem>>, vector<1x16xf32>,
          %swap3A_540 = vector.shape_cast %swap3A_539 : vector<1x16xf32> to vector<16xf32>
          %swap3A_541 = vector.shape_cast %get3A_536 : vector<16xf32> to vector<1x16xf32>
          tpu.vector_store %arg10[%swap3A_537, %swap3A_538], %swap3A_541 {strides = array<i32>} : memref<40x128xf32, #tpu.memory_space<vmem>>, vector<1x16xf32>,
          %add3A_542 = arith.constant 80 : i32
          %add3A_543 = arith.addi %add3A_542, %add3A_508 : i32
          %get3A_544 = arith.index_cast %add3A_543 : i32 to index
          %get3A_545 = arith.constant 48 : index
          %get3A_546 = tpu.vector_load %arg7[%get3A_544, %get3A_545] {strides = array<i32>} : memref<200x128xf32, #tpu.memory_space<vmem>>, vector<1x16xf32>,
          %get3A_547 = vector.shape_cast %get3A_546 : vector<1x16xf32> to vector<16xf32>
          %swap3A_548 = arith.index_cast %add3A_508 : i32 to index
          %swap3A_549 = arith.constant 48 : index
          %swap3A_550 = tpu.vector_load %arg10[%swap3A_548, %swap3A_549] {strides = array<i32>} : memref<40x128xf32, #tpu.memory_space<vmem>>, vector<1x16xf32>,
          %swap3A_551 = vector.shape_cast %swap3A_550 : vector<1x16xf32> to vector<16xf32>
          %swap3A_552 = vector.shape_cast %get3A_547 : vector<16xf32> to vector<1x16xf32>
          tpu.vector_store %arg10[%swap3A_548, %swap3A_549], %swap3A_552 {strides = array<i32>} : memref<40x128xf32, #tpu.memory_space<vmem>>, vector<1x16xf32>,
          %add3A_553 = arith.constant 80 : i32
          %add3A_554 = arith.addi %add3A_553, %add3A_508 : i32
          %get3A_555 = arith.index_cast %add3A_554 : i32 to index
          %get3A_556 = arith.constant 64 : index
          %get3A_557 = tpu.vector_load %arg7[%get3A_555, %get3A_556] {strides = array<i32>} : memref<200x128xf32, #tpu.memory_space<vmem>>, vector<1x16xf32>,
          %get3A_558 = vector.shape_cast %get3A_557 : vector<1x16xf32> to vector<16xf32>
          %swap3A_559 = arith.index_cast %add3A_508 : i32 to index
          %swap3A_560 = arith.constant 64 : index
          %swap3A_561 = tpu.vector_load %arg10[%swap3A_559, %swap3A_560] {strides = array<i32>} : memref<40x128xf32, #tpu.memory_space<vmem>>, vector<1x16xf32>,
          %swap3A_562 = vector.shape_cast %swap3A_561 : vector<1x16xf32> to vector<16xf32>
          %swap3A_563 = vector.shape_cast %get3A_558 : vector<16xf32> to vector<1x16xf32>
          tpu.vector_store %arg10[%swap3A_559, %swap3A_560], %swap3A_563 {strides = array<i32>} : memref<40x128xf32, #tpu.memory_space<vmem>>, vector<1x16xf32>,
          %add3A_564 = arith.constant 80 : i32
          %add3A_565 = arith.addi %add3A_564, %add3A_508 : i32
          %get3A_566 = arith.index_cast %add3A_565 : i32 to index
          %get3A_567 = arith.constant 80 : index
          %get3A_568 = tpu.vector_load %arg7[%get3A_566, %get3A_567] {strides = array<i32>} : memref<200x128xf32, #tpu.memory_space<vmem>>, vector<1x16xf32>,
          %get3A_569 = vector.shape_cast %get3A_568 : vector<1x16xf32> to vector<16xf32>
          %swap3A_570 = arith.index_cast %add3A_508 : i32 to index
          %swap3A_571 = arith.constant 80 : index
          %swap3A_572 = tpu.vector_load %arg10[%swap3A_570, %swap3A_571] {strides = array<i32>} : memref<40x128xf32, #tpu.memory_space<vmem>>, vector<1x16xf32>,
          %swap3A_573 = vector.shape_cast %swap3A_572 : vector<1x16xf32> to vector<16xf32>
          %swap3A_574 = vector.shape_cast %get3A_569 : vector<16xf32> to vector<1x16xf32>
          tpu.vector_store %arg10[%swap3A_570, %swap3A_571], %swap3A_574 {strides = array<i32>} : memref<40x128xf32, #tpu.memory_space<vmem>>, vector<1x16xf32>,
          %add3A_575 = arith.constant 80 : i32
          %add3A_576 = arith.addi %add3A_575, %add3A_508 : i32
          %get3A_577 = arith.index_cast %add3A_576 : i32 to index
          %get3A_578 = arith.constant 96 : index
          %get3A_579 = tpu.vector_load %arg7[%get3A_577, %get3A_578] {strides = array<i32>} : memref<200x128xf32, #tpu.memory_space<vmem>>, vector<1x16xf32>,
          %get3A_580 = vector.shape_cast %get3A_579 : vector<1x16xf32> to vector<16xf32>
          %swap3A_581 = arith.index_cast %add3A_508 : i32 to index
          %swap3A_582 = arith.constant 96 : index
          %swap3A_583 = tpu.vector_load %arg10[%swap3A_581, %swap3A_582] {strides = array<i32>} : memref<40x128xf32, #tpu.memory_space<vmem>>, vector<1x16xf32>,
          %swap3A_584 = vector.shape_cast %swap3A_583 : vector<1x16xf32> to vector<16xf32>
          %swap3A_585 = vector.shape_cast %get3A_580 : vector<16xf32> to vector<1x16xf32>
          tpu.vector_store %arg10[%swap3A_581, %swap3A_582], %swap3A_585 {strides = array<i32>} : memref<40x128xf32, #tpu.memory_space<vmem>>, vector<1x16xf32>,
          %add3A_586 = arith.constant 80 : i32
          %add3A_587 = arith.addi %add3A_586, %add3A_508 : i32
          %get3A_588 = arith.index_cast %add3A_587 : i32 to index
          %get3A_589 = arith.constant 112 : index
          %get3A_590 = tpu.vector_load %arg7[%get3A_588, %get3A_589] {strides = array<i32>} : memref<200x128xf32, #tpu.memory_space<vmem>>, vector<1x16xf32>,
          %get3A_591 = vector.shape_cast %get3A_590 : vector<1x16xf32> to vector<16xf32>
          %swap3A_592 = arith.index_cast %add3A_508 : i32 to index
          %swap3A_593 = arith.constant 112 : index
          %swap3A_594 = tpu.vector_load %arg10[%swap3A_592, %swap3A_593] {strides = array<i32>} : memref<40x128xf32, #tpu.memory_space<vmem>>, vector<1x16xf32>,
          %swap3A_595 = vector.shape_cast %swap3A_594 : vector<1x16xf32> to vector<16xf32>
          %swap3A_596 = vector.shape_cast %get3A_591 : vector<16xf32> to vector<1x16xf32>
          tpu.vector_store %arg10[%swap3A_592, %swap3A_593], %swap3A_596 {strides = array<i32>} : memref<40x128xf32, #tpu.memory_space<vmem>>, vector<1x16xf32>,
        }
        %scan3A_407 = arith.constant 20 : i32
        %mul3A_408 = arith.constant 40 : i32
        %mul3A_409 = arith.muli %sub3A_401, %mul3A_408 : i32
        %dma_start3A_410 = tpu.memref_slice %arg6[%mul3A_409] : memref<6400xi32, #tpu.memory_space<vmem>> -> memref<40xi32, #tpu.memory_space<vmem>>
        %dma_start3A_411 = arith.constant 0 : i32
        %dma_start3A_412 = arith.constant 0 : i32
        %dma_start3A_413 = tpu.memref_slice %arg2[%dma_start3A_411, %dma_start3A_412] : memref<100000x128xf32, #tpu.memory_space<hbm>> -> memref<100000x128xf32, #tpu.memory_space<hbm>>
        tpu.enqueue_indirect_dma source(%dma_start3A_413 : memref<100000x128xf32, #tpu.memory_space<hbm>>) target(%arg10 : memref<40x128xf32, #tpu.memory_space<vmem>>) offsets(%dma_start3A_410 : memref<40xi32, #tpu.memory_space<vmem>>) semaphore(%arg20 : memref<!tpu.dma_semaphore, #tpu.memory_space<semaphore_mem>>) {add = true}
      } else {
      }
      %mul3A_258 = arith.constant 10 : i32
      %mul3A_259 = arith.muli %mul3A_258, %scan3A_169 : i32
      %add3A_260 = arith.constant 4 : i32
      %add3A_261 = arith.addi %mul3A_259, %add3A_260 : i32
      %mul3A_262 = arith.constant 40 : i32
      %mul3A_263 = arith.muli %add3A_261, %mul3A_262 : i32
      %dma_wait3A_264 = tpu.memref_slice %arg6[%mul3A_263] : memref<6400xi32, #tpu.memory_space<vmem>> -> memref<40xi32, #tpu.memory_space<vmem>>
      %dma_wait3A_265 = arith.constant 0 : i32
      %dma_wait3A_266 = arith.constant 0 : i32
      %dma_wait3A_267 = tpu.memref_slice %arg2[%dma_wait3A_265, %dma_wait3A_266] : memref<100000x128xf32, #tpu.memory_space<hbm>> -> memref<100000x128xf32, #tpu.memory_space<hbm>>
      tpu.wait_indirect_dma semaphore(%arg22 : memref<!tpu.dma_semaphore, #tpu.memory_space<semaphore_mem>>) src(%dma_wait3A_267 : memref<100000x128xf32, #tpu.memory_space<hbm>>) dst(%arg12 : memref<40x128xf32, #tpu.memory_space<vmem>>)
      %mul3A_268 = arith.constant 40 : i32
      %mul3A_269 = arith.muli %add3A_261, %mul3A_268 : i32
      %add3A_270 = arith.addi %mul3A_2, %mul3A_269 : i32
      %dma_start3A_271 = arith.constant 0 : i32
      %dma_start3A_272 = tpu.memref_slice %arg5[%add3A_270, %dma_start3A_271] : memref<204800x128xf32, #tpu.memory_space<hbm>> -> memref<40x128xf32, #tpu.memory_space<hbm>>
      %dma_start3A_273 = arith.constant 0 : i32
      %dma_start3A_274 = tpu.memref_slice %arg5[%add3A_270, %dma_start3A_273] : memref<204800x128xf32, #tpu.memory_space<hbm>> -> memref<40x128xf32, #tpu.memory_space<hbm>>
      tpu.enqueue_dma source(%arg12 : memref<40x128xf32, #tpu.memory_space<vmem>>) target(%dma_start3A_274 : memref<40x128xf32, #tpu.memory_space<hbm>>) target_semaphore(%arg32 : memref<!tpu.dma_semaphore, #tpu.memory_space<semaphore_mem>>)
      %lt3A_275 = arith.constant 15 : i32
      %lt3A_276 = arith.cmpi slt, %scan3A_169, %lt3A_275 : i32
      %convert_element_type3A_277 = arith.extui %lt3A_276 : i1 to i32
      %cond3A_278 = arith.constant 0 : i32
      %cond3A_279 = arith.cmpi ne, %convert_element_type3A_277, %cond3A_278 : i32
      scf.if %cond3A_279 {
        %sub3A = arith.constant 1 : i32
        %sub3A_390 = arith.subi %add3A_261, %sub3A : i32
        %mul3A_391 = arith.constant 40 : i32
        %mul3A_392 = arith.muli %sub3A_390, %mul3A_391 : i32
        %add3A_393 = arith.addi %mul3A_2, %mul3A_392 : i32
        %dma_wait3A_394 = arith.constant 0 : i32
        %dma_wait3A_395 = tpu.memref_slice %arg5[%add3A_393, %dma_wait3A_394] : memref<204800x128xf32, #tpu.memory_space<hbm>> -> memref<40x128xf32, #tpu.memory_space<hbm>>
        %dma_wait3A_396 = arith.constant 0 : i32
        %dma_wait3A_397 = tpu.memref_slice %arg5[%add3A_393, %dma_wait3A_396] : memref<204800x128xf32, #tpu.memory_space<hbm>> -> memref<40x128xf32, #tpu.memory_space<hbm>>
        tpu.wait_dma2 semaphore(%arg31 : memref<!tpu.dma_semaphore, #tpu.memory_space<semaphore_mem>>) src(%arg11 : memref<40x128xf32, #tpu.memory_space<vmem>>) dst(%dma_wait3A_397 : memref<40x128xf32, #tpu.memory_space<hbm>>)
        %add3A_398 = arith.constant 10 : i32
        %add3A_399 = arith.addi %add3A_261, %add3A_398 : i32
        %sub3A_400 = arith.constant 1 : i32
        %sub3A_401 = arith.subi %add3A_399, %sub3A_400 : i32
        %scan3A_402 = arith.constant 0 : i32
        %scan3A_403 = arith.constant 0 : i32
        %scan3A_404 = arith.constant 20 : i32
        %scan3A_405 = arith.addi %scan3A_403, %scan3A_404 : i32
        %scan3A_406 = arith.constant 1 : i32
        scf.for %scan3A_414 = %scan3A_403 to %scan3A_405 step %scan3A_406  : i32 {
          %mul3A_415 = arith.constant 2 : i32
          %mul3A_416 = arith.muli %mul3A_415, %scan3A_414 : i32
          %add3A_417 = arith.constant 0 : i32
          %add3A_418 = arith.addi %mul3A_416, %add3A_417 : i32
          %add3A_419 = arith.constant 120 : i32
          %add3A_420 = arith.addi %add3A_419, %add3A_418 : i32
          %get3A = arith.index_cast %add3A_420 : i32 to index
          %get3A_421 = arith.constant 0 : index
          %get3A_422 = tpu.vector_load %arg7[%get3A, %get3A_421] {strides = array<i32>} : memref<200x128xf32, #tpu.memory_space<vmem>>, vector<1x16xf32>,
          %get3A_423 = vector.shape_cast %get3A_422 : vector<1x16xf32> to vector<16xf32>
          %swap3A = arith.index_cast %add3A_418 : i32 to index
          %swap3A_424 = arith.constant 0 : index
          %swap3A_425 = tpu.vector_load %arg11[%swap3A, %swap3A_424] {strides = array<i32>} : memref<40x128xf32, #tpu.memory_space<vmem>>, vector<1x16xf32>,
          %swap3A_426 = vector.shape_cast %swap3A_425 : vector<1x16xf32> to vector<16xf32>
          %swap3A_427 = vector.shape_cast %get3A_423 : vector<16xf32> to vector<1x16xf32>
          tpu.vector_store %arg11[%swap3A, %swap3A_424], %swap3A_427 {strides = array<i32>} : memref<40x128xf32, #tpu.memory_space<vmem>>, vector<1x16xf32>,
          %add3A_428 = arith.constant 120 : i32
          %add3A_429 = arith.addi %add3A_428, %add3A_418 : i32
          %get3A_430 = arith.index_cast %add3A_429 : i32 to index
          %get3A_431 = arith.constant 16 : index
          %get3A_432 = tpu.vector_load %arg7[%get3A_430, %get3A_431] {strides = array<i32>} : memref<200x128xf32, #tpu.memory_space<vmem>>, vector<1x16xf32>,
          %get3A_433 = vector.shape_cast %get3A_432 : vector<1x16xf32> to vector<16xf32>
          %swap3A_434 = arith.index_cast %add3A_418 : i32 to index
          %swap3A_435 = arith.constant 16 : index
          %swap3A_436 = tpu.vector_load %arg11[%swap3A_434, %swap3A_435] {strides = array<i32>} : memref<40x128xf32, #tpu.memory_space<vmem>>, vector<1x16xf32>,
          %swap3A_437 = vector.shape_cast %swap3A_436 : vector<1x16xf32> to vector<16xf32>
          %swap3A_438 = vector.shape_cast %get3A_433 : vector<16xf32> to vector<1x16xf32>
          tpu.vector_store %arg11[%swap3A_434, %swap3A_435], %swap3A_438 {strides = array<i32>} : memref<40x128xf32, #tpu.memory_space<vmem>>, vector<1x16xf32>,
          %add3A_439 = arith.constant 120 : i32
          %add3A_440 = arith.addi %add3A_439, %add3A_418 : i32
          %get3A_441 = arith.index_cast %add3A_440 : i32 to index
          %get3A_442 = arith.constant 32 : index
          %get3A_443 = tpu.vector_load %arg7[%get3A_441, %get3A_442] {strides = array<i32>} : memref<200x128xf32, #tpu.memory_space<vmem>>, vector<1x16xf32>,
          %get3A_444 = vector.shape_cast %get3A_443 : vector<1x16xf32> to vector<16xf32>
          %swap3A_445 = arith.index_cast %add3A_418 : i32 to index
          %swap3A_446 = arith.constant 32 : index
          %swap3A_447 = tpu.vector_load %arg11[%swap3A_445, %swap3A_446] {strides = array<i32>} : memref<40x128xf32, #tpu.memory_space<vmem>>, vector<1x16xf32>,
          %swap3A_448 = vector.shape_cast %swap3A_447 : vector<1x16xf32> to vector<16xf32>
          %swap3A_449 = vector.shape_cast %get3A_444 : vector<16xf32> to vector<1x16xf32>
          tpu.vector_store %arg11[%swap3A_445, %swap3A_446], %swap3A_449 {strides = array<i32>} : memref<40x128xf32, #tpu.memory_space<vmem>>, vector<1x16xf32>,
          %add3A_450 = arith.constant 120 : i32
          %add3A_451 = arith.addi %add3A_450, %add3A_418 : i32
          %get3A_452 = arith.index_cast %add3A_451 : i32 to index
          %get3A_453 = arith.constant 48 : index
          %get3A_454 = tpu.vector_load %arg7[%get3A_452, %get3A_453] {strides = array<i32>} : memref<200x128xf32, #tpu.memory_space<vmem>>, vector<1x16xf32>,
          %get3A_455 = vector.shape_cast %get3A_454 : vector<1x16xf32> to vector<16xf32>
          %swap3A_456 = arith.index_cast %add3A_418 : i32 to index
          %swap3A_457 = arith.constant 48 : index
          %swap3A_458 = tpu.vector_load %arg11[%swap3A_456, %swap3A_457] {strides = array<i32>} : memref<40x128xf32, #tpu.memory_space<vmem>>, vector<1x16xf32>,
          %swap3A_459 = vector.shape_cast %swap3A_458 : vector<1x16xf32> to vector<16xf32>
          %swap3A_460 = vector.shape_cast %get3A_455 : vector<16xf32> to vector<1x16xf32>
          tpu.vector_store %arg11[%swap3A_456, %swap3A_457], %swap3A_460 {strides = array<i32>} : memref<40x128xf32, #tpu.memory_space<vmem>>, vector<1x16xf32>,
          %add3A_461 = arith.constant 120 : i32
          %add3A_462 = arith.addi %add3A_461, %add3A_418 : i32
          %get3A_463 = arith.index_cast %add3A_462 : i32 to index
          %get3A_464 = arith.constant 64 : index
          %get3A_465 = tpu.vector_load %arg7[%get3A_463, %get3A_464] {strides = array<i32>} : memref<200x128xf32, #tpu.memory_space<vmem>>, vector<1x16xf32>,
          %get3A_466 = vector.shape_cast %get3A_465 : vector<1x16xf32> to vector<16xf32>
          %swap3A_467 = arith.index_cast %add3A_418 : i32 to index
          %swap3A_468 = arith.constant 64 : index
          %swap3A_469 = tpu.vector_load %arg11[%swap3A_467, %swap3A_468] {strides = array<i32>} : memref<40x128xf32, #tpu.memory_space<vmem>>, vector<1x16xf32>,
          %swap3A_470 = vector.shape_cast %swap3A_469 : vector<1x16xf32> to vector<16xf32>
          %swap3A_471 = vector.shape_cast %get3A_466 : vector<16xf32> to vector<1x16xf32>
          tpu.vector_store %arg11[%swap3A_467, %swap3A_468], %swap3A_471 {strides = array<i32>} : memref<40x128xf32, #tpu.memory_space<vmem>>, vector<1x16xf32>,
          %add3A_472 = arith.constant 120 : i32
          %add3A_473 = arith.addi %add3A_472, %add3A_418 : i32
          %get3A_474 = arith.index_cast %add3A_473 : i32 to index
          %get3A_475 = arith.constant 80 : index
          %get3A_476 = tpu.vector_load %arg7[%get3A_474, %get3A_475] {strides = array<i32>} : memref<200x128xf32, #tpu.memory_space<vmem>>, vector<1x16xf32>,
          %get3A_477 = vector.shape_cast %get3A_476 : vector<1x16xf32> to vector<16xf32>
          %swap3A_478 = arith.index_cast %add3A_418 : i32 to index
          %swap3A_479 = arith.constant 80 : index
          %swap3A_480 = tpu.vector_load %arg11[%swap3A_478, %swap3A_479] {strides = array<i32>} : memref<40x128xf32, #tpu.memory_space<vmem>>, vector<1x16xf32>,
          %swap3A_481 = vector.shape_cast %swap3A_480 : vector<1x16xf32> to vector<16xf32>
          %swap3A_482 = vector.shape_cast %get3A_477 : vector<16xf32> to vector<1x16xf32>
          tpu.vector_store %arg11[%swap3A_478, %swap3A_479], %swap3A_482 {strides = array<i32>} : memref<40x128xf32, #tpu.memory_space<vmem>>, vector<1x16xf32>,
          %add3A_483 = arith.constant 120 : i32
          %add3A_484 = arith.addi %add3A_483, %add3A_418 : i32
          %get3A_485 = arith.index_cast %add3A_484 : i32 to index
          %get3A_486 = arith.constant 96 : index
          %get3A_487 = tpu.vector_load %arg7[%get3A_485, %get3A_486] {strides = array<i32>} : memref<200x128xf32, #tpu.memory_space<vmem>>, vector<1x16xf32>,
          %get3A_488 = vector.shape_cast %get3A_487 : vector<1x16xf32> to vector<16xf32>
          %swap3A_489 = arith.index_cast %add3A_418 : i32 to index
          %swap3A_490 = arith.constant 96 : index
          %swap3A_491 = tpu.vector_load %arg11[%swap3A_489, %swap3A_490] {strides = array<i32>} : memref<40x128xf32, #tpu.memory_space<vmem>>, vector<1x16xf32>,
          %swap3A_492 = vector.shape_cast %swap3A_491 : vector<1x16xf32> to vector<16xf32>
          %swap3A_493 = vector.shape_cast %get3A_488 : vector<16xf32> to vector<1x16xf32>
          tpu.vector_store %arg11[%swap3A_489, %swap3A_490], %swap3A_493 {strides = array<i32>} : memref<40x128xf32, #tpu.memory_space<vmem>>, vector<1x16xf32>,
          %add3A_494 = arith.constant 120 : i32
          %add3A_495 = arith.addi %add3A_494, %add3A_418 : i32
          %get3A_496 = arith.index_cast %add3A_495 : i32 to index
          %get3A_497 = arith.constant 112 : index
          %get3A_498 = tpu.vector_load %arg7[%get3A_496, %get3A_497] {strides = array<i32>} : memref<200x128xf32, #tpu.memory_space<vmem>>, vector<1x16xf32>,
          %get3A_499 = vector.shape_cast %get3A_498 : vector<1x16xf32> to vector<16xf32>
          %swap3A_500 = arith.index_cast %add3A_418 : i32 to index
          %swap3A_501 = arith.constant 112 : index
          %swap3A_502 = tpu.vector_load %arg11[%swap3A_500, %swap3A_501] {strides = array<i32>} : memref<40x128xf32, #tpu.memory_space<vmem>>, vector<1x16xf32>,
          %swap3A_503 = vector.shape_cast %swap3A_502 : vector<1x16xf32> to vector<16xf32>
          %swap3A_504 = vector.shape_cast %get3A_499 : vector<16xf32> to vector<1x16xf32>
          tpu.vector_store %arg11[%swap3A_500, %swap3A_501], %swap3A_504 {strides = array<i32>} : memref<40x128xf32, #tpu.memory_space<vmem>>, vector<1x16xf32>,
          %mul3A_505 = arith.constant 2 : i32
          %mul3A_506 = arith.muli %mul3A_505, %scan3A_414 : i32
          %add3A_507 = arith.constant 1 : i32
          %add3A_508 = arith.addi %mul3A_506, %add3A_507 : i32
          %add3A_509 = arith.constant 120 : i32
          %add3A_510 = arith.addi %add3A_509, %add3A_508 : i32
          %get3A_511 = arith.index_cast %add3A_510 : i32 to index
          %get3A_512 = arith.constant 0 : index
          %get3A_513 = tpu.vector_load %arg7[%get3A_511, %get3A_512] {strides = array<i32>} : memref<200x128xf32, #tpu.memory_space<vmem>>, vector<1x16xf32>,
          %get3A_514 = vector.shape_cast %get3A_513 : vector<1x16xf32> to vector<16xf32>
          %swap3A_515 = arith.index_cast %add3A_508 : i32 to index
          %swap3A_516 = arith.constant 0 : index
          %swap3A_517 = tpu.vector_load %arg11[%swap3A_515, %swap3A_516] {strides = array<i32>} : memref<40x128xf32, #tpu.memory_space<vmem>>, vector<1x16xf32>,
          %swap3A_518 = vector.shape_cast %swap3A_517 : vector<1x16xf32> to vector<16xf32>
          %swap3A_519 = vector.shape_cast %get3A_514 : vector<16xf32> to vector<1x16xf32>
          tpu.vector_store %arg11[%swap3A_515, %swap3A_516], %swap3A_519 {strides = array<i32>} : memref<40x128xf32, #tpu.memory_space<vmem>>, vector<1x16xf32>,
          %add3A_520 = arith.constant 120 : i32
          %add3A_521 = arith.addi %add3A_520, %add3A_508 : i32
          %get3A_522 = arith.index_cast %add3A_521 : i32 to index
          %get3A_523 = arith.constant 16 : index
          %get3A_524 = tpu.vector_load %arg7[%get3A_522, %get3A_523] {strides = array<i32>} : memref<200x128xf32, #tpu.memory_space<vmem>>, vector<1x16xf32>,
          %get3A_525 = vector.shape_cast %get3A_524 : vector<1x16xf32> to vector<16xf32>
          %swap3A_526 = arith.index_cast %add3A_508 : i32 to index
          %swap3A_527 = arith.constant 16 : index
          %swap3A_528 = tpu.vector_load %arg11[%swap3A_526, %swap3A_527] {strides = array<i32>} : memref<40x128xf32, #tpu.memory_space<vmem>>, vector<1x16xf32>,
          %swap3A_529 = vector.shape_cast %swap3A_528 : vector<1x16xf32> to vector<16xf32>
          %swap3A_530 = vector.shape_cast %get3A_525 : vector<16xf32> to vector<1x16xf32>
          tpu.vector_store %arg11[%swap3A_526, %swap3A_527], %swap3A_530 {strides = array<i32>} : memref<40x128xf32, #tpu.memory_space<vmem>>, vector<1x16xf32>,
          %add3A_531 = arith.constant 120 : i32
          %add3A_532 = arith.addi %add3A_531, %add3A_508 : i32
          %get3A_533 = arith.index_cast %add3A_532 : i32 to index
          %get3A_534 = arith.constant 32 : index
          %get3A_535 = tpu.vector_load %arg7[%get3A_533, %get3A_534] {strides = array<i32>} : memref<200x128xf32, #tpu.memory_space<vmem>>, vector<1x16xf32>,
          %get3A_536 = vector.shape_cast %get3A_535 : vector<1x16xf32> to vector<16xf32>
          %swap3A_537 = arith.index_cast %add3A_508 : i32 to index
          %swap3A_538 = arith.constant 32 : index
          %swap3A_539 = tpu.vector_load %arg11[%swap3A_537, %swap3A_538] {strides = array<i32>} : memref<40x128xf32, #tpu.memory_space<vmem>>, vector<1x16xf32>,
          %swap3A_540 = vector.shape_cast %swap3A_539 : vector<1x16xf32> to vector<16xf32>
          %swap3A_541 = vector.shape_cast %get3A_536 : vector<16xf32> to vector<1x16xf32>
          tpu.vector_store %arg11[%swap3A_537, %swap3A_538], %swap3A_541 {strides = array<i32>} : memref<40x128xf32, #tpu.memory_space<vmem>>, vector<1x16xf32>,
          %add3A_542 = arith.constant 120 : i32
          %add3A_543 = arith.addi %add3A_542, %add3A_508 : i32
          %get3A_544 = arith.index_cast %add3A_543 : i32 to index
          %get3A_545 = arith.constant 48 : index
          %get3A_546 = tpu.vector_load %arg7[%get3A_544, %get3A_545] {strides = array<i32>} : memref<200x128xf32, #tpu.memory_space<vmem>>, vector<1x16xf32>,
          %get3A_547 = vector.shape_cast %get3A_546 : vector<1x16xf32> to vector<16xf32>
          %swap3A_548 = arith.index_cast %add3A_508 : i32 to index
          %swap3A_549 = arith.constant 48 : index
          %swap3A_550 = tpu.vector_load %arg11[%swap3A_548, %swap3A_549] {strides = array<i32>} : memref<40x128xf32, #tpu.memory_space<vmem>>, vector<1x16xf32>,
          %swap3A_551 = vector.shape_cast %swap3A_550 : vector<1x16xf32> to vector<16xf32>
          %swap3A_552 = vector.shape_cast %get3A_547 : vector<16xf32> to vector<1x16xf32>
          tpu.vector_store %arg11[%swap3A_548, %swap3A_549], %swap3A_552 {strides = array<i32>} : memref<40x128xf32, #tpu.memory_space<vmem>>, vector<1x16xf32>,
          %add3A_553 = arith.constant 120 : i32
          %add3A_554 = arith.addi %add3A_553, %add3A_508 : i32
          %get3A_555 = arith.index_cast %add3A_554 : i32 to index
          %get3A_556 = arith.constant 64 : index
          %get3A_557 = tpu.vector_load %arg7[%get3A_555, %get3A_556] {strides = array<i32>} : memref<200x128xf32, #tpu.memory_space<vmem>>, vector<1x16xf32>,
          %get3A_558 = vector.shape_cast %get3A_557 : vector<1x16xf32> to vector<16xf32>
          %swap3A_559 = arith.index_cast %add3A_508 : i32 to index
          %swap3A_560 = arith.constant 64 : index
          %swap3A_561 = tpu.vector_load %arg11[%swap3A_559, %swap3A_560] {strides = array<i32>} : memref<40x128xf32, #tpu.memory_space<vmem>>, vector<1x16xf32>,
          %swap3A_562 = vector.shape_cast %swap3A_561 : vector<1x16xf32> to vector<16xf32>
          %swap3A_563 = vector.shape_cast %get3A_558 : vector<16xf32> to vector<1x16xf32>
          tpu.vector_store %arg11[%swap3A_559, %swap3A_560], %swap3A_563 {strides = array<i32>} : memref<40x128xf32, #tpu.memory_space<vmem>>, vector<1x16xf32>,
          %add3A_564 = arith.constant 120 : i32
          %add3A_565 = arith.addi %add3A_564, %add3A_508 : i32
          %get3A_566 = arith.index_cast %add3A_565 : i32 to index
          %get3A_567 = arith.constant 80 : index
          %get3A_568 = tpu.vector_load %arg7[%get3A_566, %get3A_567] {strides = array<i32>} : memref<200x128xf32, #tpu.memory_space<vmem>>, vector<1x16xf32>,
          %get3A_569 = vector.shape_cast %get3A_568 : vector<1x16xf32> to vector<16xf32>
          %swap3A_570 = arith.index_cast %add3A_508 : i32 to index
          %swap3A_571 = arith.constant 80 : index
          %swap3A_572 = tpu.vector_load %arg11[%swap3A_570, %swap3A_571] {strides = array<i32>} : memref<40x128xf32, #tpu.memory_space<vmem>>, vector<1x16xf32>,
          %swap3A_573 = vector.shape_cast %swap3A_572 : vector<1x16xf32> to vector<16xf32>
          %swap3A_574 = vector.shape_cast %get3A_569 : vector<16xf32> to vector<1x16xf32>
          tpu.vector_store %arg11[%swap3A_570, %swap3A_571], %swap3A_574 {strides = array<i32>} : memref<40x128xf32, #tpu.memory_space<vmem>>, vector<1x16xf32>,
          %add3A_575 = arith.constant 120 : i32
          %add3A_576 = arith.addi %add3A_575, %add3A_508 : i32
          %get3A_577 = arith.index_cast %add3A_576 : i32 to index
          %get3A_578 = arith.constant 96 : index
          %get3A_579 = tpu.vector_load %arg7[%get3A_577, %get3A_578] {strides = array<i32>} : memref<200x128xf32, #tpu.memory_space<vmem>>, vector<1x16xf32>,
          %get3A_580 = vector.shape_cast %get3A_579 : vector<1x16xf32> to vector<16xf32>
          %swap3A_581 = arith.index_cast %add3A_508 : i32 to index
          %swap3A_582 = arith.constant 96 : index
          %swap3A_583 = tpu.vector_load %arg11[%swap3A_581, %swap3A_582] {strides = array<i32>} : memref<40x128xf32, #tpu.memory_space<vmem>>, vector<1x16xf32>,
          %swap3A_584 = vector.shape_cast %swap3A_583 : vector<1x16xf32> to vector<16xf32>
          %swap3A_585 = vector.shape_cast %get3A_580 : vector<16xf32> to vector<1x16xf32>
          tpu.vector_store %arg11[%swap3A_581, %swap3A_582], %swap3A_585 {strides = array<i32>} : memref<40x128xf32, #tpu.memory_space<vmem>>, vector<1x16xf32>,
          %add3A_586 = arith.constant 120 : i32
          %add3A_587 = arith.addi %add3A_586, %add3A_508 : i32
          %get3A_588 = arith.index_cast %add3A_587 : i32 to index
          %get3A_589 = arith.constant 112 : index
          %get3A_590 = tpu.vector_load %arg7[%get3A_588, %get3A_589] {strides = array<i32>} : memref<200x128xf32, #tpu.memory_space<vmem>>, vector<1x16xf32>,
          %get3A_591 = vector.shape_cast %get3A_590 : vector<1x16xf32> to vector<16xf32>
          %swap3A_592 = arith.index_cast %add3A_508 : i32 to index
          %swap3A_593 = arith.constant 112 : index
          %swap3A_594 = tpu.vector_load %arg11[%swap3A_592, %swap3A_593] {strides = array<i32>} : memref<40x128xf32, #tpu.memory_space<vmem>>, vector<1x16xf32>,
          %swap3A_595 = vector.shape_cast %swap3A_594 : vector<1x16xf32> to vector<16xf32>
          %swap3A_596 = vector.shape_cast %get3A_591 : vector<16xf32> to vector<1x16xf32>
          tpu.vector_store %arg11[%swap3A_592, %swap3A_593], %swap3A_596 {strides = array<i32>} : memref<40x128xf32, #tpu.memory_space<vmem>>, vector<1x16xf32>,
        }
        %scan3A_407 = arith.constant 20 : i32
        %mul3A_408 = arith.constant 40 : i32
        %mul3A_409 = arith.muli %sub3A_401, %mul3A_408 : i32
        %dma_start3A_410 = tpu.memref_slice %arg6[%mul3A_409] : memref<6400xi32, #tpu.memory_space<vmem>> -> memref<40xi32, #tpu.memory_space<vmem>>
        %dma_start3A_411 = arith.constant 0 : i32
        %dma_start3A_412 = arith.constant 0 : i32
        %dma_start3A_413 = tpu.memref_slice %arg2[%dma_start3A_411, %dma_start3A_412] : memref<100000x128xf32, #tpu.memory_space<hbm>> -> memref<100000x128xf32, #tpu.memory_space<hbm>>
        tpu.enqueue_indirect_dma source(%dma_start3A_413 : memref<100000x128xf32, #tpu.memory_space<hbm>>) target(%arg11 : memref<40x128xf32, #tpu.memory_space<vmem>>) offsets(%dma_start3A_410 : memref<40xi32, #tpu.memory_space<vmem>>) semaphore(%arg21 : memref<!tpu.dma_semaphore, #tpu.memory_space<semaphore_mem>>) {add = true}
      } else {
      }
      %mul3A_280 = arith.constant 10 : i32
      %mul3A_281 = arith.muli %mul3A_280, %scan3A_169 : i32
      %add3A_282 = arith.constant 5 : i32
      %add3A_283 = arith.addi %mul3A_281, %add3A_282 : i32
      %mul3A_284 = arith.constant 40 : i32
      %mul3A_285 = arith.muli %add3A_283, %mul3A_284 : i32
      %dma_wait3A_286 = tpu.memref_slice %arg6[%mul3A_285] : memref<6400xi32, #tpu.memory_space<vmem>> -> memref<40xi32, #tpu.memory_space<vmem>>
      %dma_wait3A_287 = arith.constant 0 : i32
      %dma_wait3A_288 = arith.constant 0 : i32
      %dma_wait3A_289 = tpu.memref_slice %arg2[%dma_wait3A_287, %dma_wait3A_288] : memref<100000x128xf32, #tpu.memory_space<hbm>> -> memref<100000x128xf32, #tpu.memory_space<hbm>>
      tpu.wait_indirect_dma semaphore(%arg23 : memref<!tpu.dma_semaphore, #tpu.memory_space<semaphore_mem>>) src(%dma_wait3A_289 : memref<100000x128xf32, #tpu.memory_space<hbm>>) dst(%arg13 : memref<40x128xf32, #tpu.memory_space<vmem>>)
      %mul3A_290 = arith.constant 40 : i32
      %mul3A_291 = arith.muli %add3A_283, %mul3A_290 : i32
      %add3A_292 = arith.addi %mul3A_2, %mul3A_291 : i32
      %dma_start3A_293 = arith.constant 0 : i32
      %dma_start3A_294 = tpu.memref_slice %arg5[%add3A_292, %dma_start3A_293] : memref<204800x128xf32, #tpu.memory_space<hbm>> -> memref<40x128xf32, #tpu.memory_space<hbm>>
      %dma_start3A_295 = arith.constant 0 : i32
      %dma_start3A_296 = tpu.memref_slice %arg5[%add3A_292, %dma_start3A_295] : memref<204800x128xf32, #tpu.memory_space<hbm>> -> memref<40x128xf32, #tpu.memory_space<hbm>>
      tpu.enqueue_dma source(%arg13 : memref<40x128xf32, #tpu.memory_space<vmem>>) target(%dma_start3A_296 : memref<40x128xf32, #tpu.memory_space<hbm>>) target_semaphore(%arg33 : memref<!tpu.dma_semaphore, #tpu.memory_space<semaphore_mem>>)
      %lt3A_297 = arith.constant 15 : i32
      %lt3A_298 = arith.cmpi slt, %scan3A_169, %lt3A_297 : i32
      %convert_element_type3A_299 = arith.extui %lt3A_298 : i1 to i32
      %cond3A_300 = arith.constant 0 : i32
      %cond3A_301 = arith.cmpi ne, %convert_element_type3A_299, %cond3A_300 : i32
      scf.if %cond3A_301 {
        %sub3A = arith.constant 1 : i32
        %sub3A_390 = arith.subi %add3A_283, %sub3A : i32
        %mul3A_391 = arith.constant 40 : i32
        %mul3A_392 = arith.muli %sub3A_390, %mul3A_391 : i32
        %add3A_393 = arith.addi %mul3A_2, %mul3A_392 : i32
        %dma_wait3A_394 = arith.constant 0 : i32
        %dma_wait3A_395 = tpu.memref_slice %arg5[%add3A_393, %dma_wait3A_394] : memref<204800x128xf32, #tpu.memory_space<hbm>> -> memref<40x128xf32, #tpu.memory_space<hbm>>
        %dma_wait3A_396 = arith.constant 0 : i32
        %dma_wait3A_397 = tpu.memref_slice %arg5[%add3A_393, %dma_wait3A_396] : memref<204800x128xf32, #tpu.memory_space<hbm>> -> memref<40x128xf32, #tpu.memory_space<hbm>>
        tpu.wait_dma2 semaphore(%arg32 : memref<!tpu.dma_semaphore, #tpu.memory_space<semaphore_mem>>) src(%arg12 : memref<40x128xf32, #tpu.memory_space<vmem>>) dst(%dma_wait3A_397 : memref<40x128xf32, #tpu.memory_space<hbm>>)
        %add3A_398 = arith.constant 10 : i32
        %add3A_399 = arith.addi %add3A_283, %add3A_398 : i32
        %sub3A_400 = arith.constant 1 : i32
        %sub3A_401 = arith.subi %add3A_399, %sub3A_400 : i32
        %scan3A_402 = arith.constant 0 : i32
        %scan3A_403 = arith.constant 0 : i32
        %scan3A_404 = arith.constant 20 : i32
        %scan3A_405 = arith.addi %scan3A_403, %scan3A_404 : i32
        %scan3A_406 = arith.constant 1 : i32
        scf.for %scan3A_414 = %scan3A_403 to %scan3A_405 step %scan3A_406  : i32 {
          %mul3A_415 = arith.constant 2 : i32
          %mul3A_416 = arith.muli %mul3A_415, %scan3A_414 : i32
          %add3A_417 = arith.constant 0 : i32
          %add3A_418 = arith.addi %mul3A_416, %add3A_417 : i32
          %add3A_419 = arith.constant 160 : i32
          %add3A_420 = arith.addi %add3A_419, %add3A_418 : i32
          %get3A = arith.index_cast %add3A_420 : i32 to index
          %get3A_421 = arith.constant 0 : index
          %get3A_422 = tpu.vector_load %arg7[%get3A, %get3A_421] {strides = array<i32>} : memref<200x128xf32, #tpu.memory_space<vmem>>, vector<1x16xf32>,
          %get3A_423 = vector.shape_cast %get3A_422 : vector<1x16xf32> to vector<16xf32>
          %swap3A = arith.index_cast %add3A_418 : i32 to index
          %swap3A_424 = arith.constant 0 : index
          %swap3A_425 = tpu.vector_load %arg12[%swap3A, %swap3A_424] {strides = array<i32>} : memref<40x128xf32, #tpu.memory_space<vmem>>, vector<1x16xf32>,
          %swap3A_426 = vector.shape_cast %swap3A_425 : vector<1x16xf32> to vector<16xf32>
          %swap3A_427 = vector.shape_cast %get3A_423 : vector<16xf32> to vector<1x16xf32>
          tpu.vector_store %arg12[%swap3A, %swap3A_424], %swap3A_427 {strides = array<i32>} : memref<40x128xf32, #tpu.memory_space<vmem>>, vector<1x16xf32>,
          %add3A_428 = arith.constant 160 : i32
          %add3A_429 = arith.addi %add3A_428, %add3A_418 : i32
          %get3A_430 = arith.index_cast %add3A_429 : i32 to index
          %get3A_431 = arith.constant 16 : index
          %get3A_432 = tpu.vector_load %arg7[%get3A_430, %get3A_431] {strides = array<i32>} : memref<200x128xf32, #tpu.memory_space<vmem>>, vector<1x16xf32>,
          %get3A_433 = vector.shape_cast %get3A_432 : vector<1x16xf32> to vector<16xf32>
          %swap3A_434 = arith.index_cast %add3A_418 : i32 to index
          %swap3A_435 = arith.constant 16 : index
          %swap3A_436 = tpu.vector_load %arg12[%swap3A_434, %swap3A_435] {strides = array<i32>} : memref<40x128xf32, #tpu.memory_space<vmem>>, vector<1x16xf32>,
          %swap3A_437 = vector.shape_cast %swap3A_436 : vector<1x16xf32> to vector<16xf32>
          %swap3A_438 = vector.shape_cast %get3A_433 : vector<16xf32> to vector<1x16xf32>
          tpu.vector_store %arg12[%swap3A_434, %swap3A_435], %swap3A_438 {strides = array<i32>} : memref<40x128xf32, #tpu.memory_space<vmem>>, vector<1x16xf32>,
          %add3A_439 = arith.constant 160 : i32
          %add3A_440 = arith.addi %add3A_439, %add3A_418 : i32
          %get3A_441 = arith.index_cast %add3A_440 : i32 to index
          %get3A_442 = arith.constant 32 : index
          %get3A_443 = tpu.vector_load %arg7[%get3A_441, %get3A_442] {strides = array<i32>} : memref<200x128xf32, #tpu.memory_space<vmem>>, vector<1x16xf32>,
          %get3A_444 = vector.shape_cast %get3A_443 : vector<1x16xf32> to vector<16xf32>
          %swap3A_445 = arith.index_cast %add3A_418 : i32 to index
          %swap3A_446 = arith.constant 32 : index
          %swap3A_447 = tpu.vector_load %arg12[%swap3A_445, %swap3A_446] {strides = array<i32>} : memref<40x128xf32, #tpu.memory_space<vmem>>, vector<1x16xf32>,
          %swap3A_448 = vector.shape_cast %swap3A_447 : vector<1x16xf32> to vector<16xf32>
          %swap3A_449 = vector.shape_cast %get3A_444 : vector<16xf32> to vector<1x16xf32>
          tpu.vector_store %arg12[%swap3A_445, %swap3A_446], %swap3A_449 {strides = array<i32>} : memref<40x128xf32, #tpu.memory_space<vmem>>, vector<1x16xf32>,
          %add3A_450 = arith.constant 160 : i32
          %add3A_451 = arith.addi %add3A_450, %add3A_418 : i32
          %get3A_452 = arith.index_cast %add3A_451 : i32 to index
          %get3A_453 = arith.constant 48 : index
          %get3A_454 = tpu.vector_load %arg7[%get3A_452, %get3A_453] {strides = array<i32>} : memref<200x128xf32, #tpu.memory_space<vmem>>, vector<1x16xf32>,
          %get3A_455 = vector.shape_cast %get3A_454 : vector<1x16xf32> to vector<16xf32>
          %swap3A_456 = arith.index_cast %add3A_418 : i32 to index
          %swap3A_457 = arith.constant 48 : index
          %swap3A_458 = tpu.vector_load %arg12[%swap3A_456, %swap3A_457] {strides = array<i32>} : memref<40x128xf32, #tpu.memory_space<vmem>>, vector<1x16xf32>,
          %swap3A_459 = vector.shape_cast %swap3A_458 : vector<1x16xf32> to vector<16xf32>
          %swap3A_460 = vector.shape_cast %get3A_455 : vector<16xf32> to vector<1x16xf32>
          tpu.vector_store %arg12[%swap3A_456, %swap3A_457], %swap3A_460 {strides = array<i32>} : memref<40x128xf32, #tpu.memory_space<vmem>>, vector<1x16xf32>,
          %add3A_461 = arith.constant 160 : i32
          %add3A_462 = arith.addi %add3A_461, %add3A_418 : i32
          %get3A_463 = arith.index_cast %add3A_462 : i32 to index
          %get3A_464 = arith.constant 64 : index
          %get3A_465 = tpu.vector_load %arg7[%get3A_463, %get3A_464] {strides = array<i32>} : memref<200x128xf32, #tpu.memory_space<vmem>>, vector<1x16xf32>,
          %get3A_466 = vector.shape_cast %get3A_465 : vector<1x16xf32> to vector<16xf32>
          %swap3A_467 = arith.index_cast %add3A_418 : i32 to index
          %swap3A_468 = arith.constant 64 : index
          %swap3A_469 = tpu.vector_load %arg12[%swap3A_467, %swap3A_468] {strides = array<i32>} : memref<40x128xf32, #tpu.memory_space<vmem>>, vector<1x16xf32>,
          %swap3A_470 = vector.shape_cast %swap3A_469 : vector<1x16xf32> to vector<16xf32>
          %swap3A_471 = vector.shape_cast %get3A_466 : vector<16xf32> to vector<1x16xf32>
          tpu.vector_store %arg12[%swap3A_467, %swap3A_468], %swap3A_471 {strides = array<i32>} : memref<40x128xf32, #tpu.memory_space<vmem>>, vector<1x16xf32>,
          %add3A_472 = arith.constant 160 : i32
          %add3A_473 = arith.addi %add3A_472, %add3A_418 : i32
          %get3A_474 = arith.index_cast %add3A_473 : i32 to index
          %get3A_475 = arith.constant 80 : index
          %get3A_476 = tpu.vector_load %arg7[%get3A_474, %get3A_475] {strides = array<i32>} : memref<200x128xf32, #tpu.memory_space<vmem>>, vector<1x16xf32>,
          %get3A_477 = vector.shape_cast %get3A_476 : vector<1x16xf32> to vector<16xf32>
          %swap3A_478 = arith.index_cast %add3A_418 : i32 to index
          %swap3A_479 = arith.constant 80 : index
          %swap3A_480 = tpu.vector_load %arg12[%swap3A_478, %swap3A_479] {strides = array<i32>} : memref<40x128xf32, #tpu.memory_space<vmem>>, vector<1x16xf32>,
          %swap3A_481 = vector.shape_cast %swap3A_480 : vector<1x16xf32> to vector<16xf32>
          %swap3A_482 = vector.shape_cast %get3A_477 : vector<16xf32> to vector<1x16xf32>
          tpu.vector_store %arg12[%swap3A_478, %swap3A_479], %swap3A_482 {strides = array<i32>} : memref<40x128xf32, #tpu.memory_space<vmem>>, vector<1x16xf32>,
          %add3A_483 = arith.constant 160 : i32
          %add3A_484 = arith.addi %add3A_483, %add3A_418 : i32
          %get3A_485 = arith.index_cast %add3A_484 : i32 to index
          %get3A_486 = arith.constant 96 : index
          %get3A_487 = tpu.vector_load %arg7[%get3A_485, %get3A_486] {strides = array<i32>} : memref<200x128xf32, #tpu.memory_space<vmem>>, vector<1x16xf32>,
          %get3A_488 = vector.shape_cast %get3A_487 : vector<1x16xf32> to vector<16xf32>
          %swap3A_489 = arith.index_cast %add3A_418 : i32 to index
          %swap3A_490 = arith.constant 96 : index
          %swap3A_491 = tpu.vector_load %arg12[%swap3A_489, %swap3A_490] {strides = array<i32>} : memref<40x128xf32, #tpu.memory_space<vmem>>, vector<1x16xf32>,
          %swap3A_492 = vector.shape_cast %swap3A_491 : vector<1x16xf32> to vector<16xf32>
          %swap3A_493 = vector.shape_cast %get3A_488 : vector<16xf32> to vector<1x16xf32>
          tpu.vector_store %arg12[%swap3A_489, %swap3A_490], %swap3A_493 {strides = array<i32>} : memref<40x128xf32, #tpu.memory_space<vmem>>, vector<1x16xf32>,
          %add3A_494 = arith.constant 160 : i32
          %add3A_495 = arith.addi %add3A_494, %add3A_418 : i32
          %get3A_496 = arith.index_cast %add3A_495 : i32 to index
          %get3A_497 = arith.constant 112 : index
          %get3A_498 = tpu.vector_load %arg7[%get3A_496, %get3A_497] {strides = array<i32>} : memref<200x128xf32, #tpu.memory_space<vmem>>, vector<1x16xf32>,
          %get3A_499 = vector.shape_cast %get3A_498 : vector<1x16xf32> to vector<16xf32>
          %swap3A_500 = arith.index_cast %add3A_418 : i32 to index
          %swap3A_501 = arith.constant 112 : index
          %swap3A_502 = tpu.vector_load %arg12[%swap3A_500, %swap3A_501] {strides = array<i32>} : memref<40x128xf32, #tpu.memory_space<vmem>>, vector<1x16xf32>,
          %swap3A_503 = vector.shape_cast %swap3A_502 : vector<1x16xf32> to vector<16xf32>
          %swap3A_504 = vector.shape_cast %get3A_499 : vector<16xf32> to vector<1x16xf32>
          tpu.vector_store %arg12[%swap3A_500, %swap3A_501], %swap3A_504 {strides = array<i32>} : memref<40x128xf32, #tpu.memory_space<vmem>>, vector<1x16xf32>,
          %mul3A_505 = arith.constant 2 : i32
          %mul3A_506 = arith.muli %mul3A_505, %scan3A_414 : i32
          %add3A_507 = arith.constant 1 : i32
          %add3A_508 = arith.addi %mul3A_506, %add3A_507 : i32
          %add3A_509 = arith.constant 160 : i32
          %add3A_510 = arith.addi %add3A_509, %add3A_508 : i32
          %get3A_511 = arith.index_cast %add3A_510 : i32 to index
          %get3A_512 = arith.constant 0 : index
          %get3A_513 = tpu.vector_load %arg7[%get3A_511, %get3A_512] {strides = array<i32>} : memref<200x128xf32, #tpu.memory_space<vmem>>, vector<1x16xf32>,
          %get3A_514 = vector.shape_cast %get3A_513 : vector<1x16xf32> to vector<16xf32>
          %swap3A_515 = arith.index_cast %add3A_508 : i32 to index
          %swap3A_516 = arith.constant 0 : index
          %swap3A_517 = tpu.vector_load %arg12[%swap3A_515, %swap3A_516] {strides = array<i32>} : memref<40x128xf32, #tpu.memory_space<vmem>>, vector<1x16xf32>,
          %swap3A_518 = vector.shape_cast %swap3A_517 : vector<1x16xf32> to vector<16xf32>
          %swap3A_519 = vector.shape_cast %get3A_514 : vector<16xf32> to vector<1x16xf32>
          tpu.vector_store %arg12[%swap3A_515, %swap3A_516], %swap3A_519 {strides = array<i32>} : memref<40x128xf32, #tpu.memory_space<vmem>>, vector<1x16xf32>,
          %add3A_520 = arith.constant 160 : i32
          %add3A_521 = arith.addi %add3A_520, %add3A_508 : i32
          %get3A_522 = arith.index_cast %add3A_521 : i32 to index
          %get3A_523 = arith.constant 16 : index
          %get3A_524 = tpu.vector_load %arg7[%get3A_522, %get3A_523] {strides = array<i32>} : memref<200x128xf32, #tpu.memory_space<vmem>>, vector<1x16xf32>,
          %get3A_525 = vector.shape_cast %get3A_524 : vector<1x16xf32> to vector<16xf32>
          %swap3A_526 = arith.index_cast %add3A_508 : i32 to index
          %swap3A_527 = arith.constant 16 : index
          %swap3A_528 = tpu.vector_load %arg12[%swap3A_526, %swap3A_527] {strides = array<i32>} : memref<40x128xf32, #tpu.memory_space<vmem>>, vector<1x16xf32>,
          %swap3A_529 = vector.shape_cast %swap3A_528 : vector<1x16xf32> to vector<16xf32>
          %swap3A_530 = vector.shape_cast %get3A_525 : vector<16xf32> to vector<1x16xf32>
          tpu.vector_store %arg12[%swap3A_526, %swap3A_527], %swap3A_530 {strides = array<i32>} : memref<40x128xf32, #tpu.memory_space<vmem>>, vector<1x16xf32>,
          %add3A_531 = arith.constant 160 : i32
          %add3A_532 = arith.addi %add3A_531, %add3A_508 : i32
          %get3A_533 = arith.index_cast %add3A_532 : i32 to index
          %get3A_534 = arith.constant 32 : index
          %get3A_535 = tpu.vector_load %arg7[%get3A_533, %get3A_534] {strides = array<i32>} : memref<200x128xf32, #tpu.memory_space<vmem>>, vector<1x16xf32>,
          %get3A_536 = vector.shape_cast %get3A_535 : vector<1x16xf32> to vector<16xf32>
          %swap3A_537 = arith.index_cast %add3A_508 : i32 to index
          %swap3A_538 = arith.constant 32 : index
          %swap3A_539 = tpu.vector_load %arg12[%swap3A_537, %swap3A_538] {strides = array<i32>} : memref<40x128xf32, #tpu.memory_space<vmem>>, vector<1x16xf32>,
          %swap3A_540 = vector.shape_cast %swap3A_539 : vector<1x16xf32> to vector<16xf32>
          %swap3A_541 = vector.shape_cast %get3A_536 : vector<16xf32> to vector<1x16xf32>
          tpu.vector_store %arg12[%swap3A_537, %swap3A_538], %swap3A_541 {strides = array<i32>} : memref<40x128xf32, #tpu.memory_space<vmem>>, vector<1x16xf32>,
          %add3A_542 = arith.constant 160 : i32
          %add3A_543 = arith.addi %add3A_542, %add3A_508 : i32
          %get3A_544 = arith.index_cast %add3A_543 : i32 to index
          %get3A_545 = arith.constant 48 : index
          %get3A_546 = tpu.vector_load %arg7[%get3A_544, %get3A_545] {strides = array<i32>} : memref<200x128xf32, #tpu.memory_space<vmem>>, vector<1x16xf32>,
          %get3A_547 = vector.shape_cast %get3A_546 : vector<1x16xf32> to vector<16xf32>
          %swap3A_548 = arith.index_cast %add3A_508 : i32 to index
          %swap3A_549 = arith.constant 48 : index
          %swap3A_550 = tpu.vector_load %arg12[%swap3A_548, %swap3A_549] {strides = array<i32>} : memref<40x128xf32, #tpu.memory_space<vmem>>, vector<1x16xf32>,
          %swap3A_551 = vector.shape_cast %swap3A_550 : vector<1x16xf32> to vector<16xf32>
          %swap3A_552 = vector.shape_cast %get3A_547 : vector<16xf32> to vector<1x16xf32>
          tpu.vector_store %arg12[%swap3A_548, %swap3A_549], %swap3A_552 {strides = array<i32>} : memref<40x128xf32, #tpu.memory_space<vmem>>, vector<1x16xf32>,
          %add3A_553 = arith.constant 160 : i32
          %add3A_554 = arith.addi %add3A_553, %add3A_508 : i32
          %get3A_555 = arith.index_cast %add3A_554 : i32 to index
          %get3A_556 = arith.constant 64 : index
          %get3A_557 = tpu.vector_load %arg7[%get3A_555, %get3A_556] {strides = array<i32>} : memref<200x128xf32, #tpu.memory_space<vmem>>, vector<1x16xf32>,
          %get3A_558 = vector.shape_cast %get3A_557 : vector<1x16xf32> to vector<16xf32>
          %swap3A_559 = arith.index_cast %add3A_508 : i32 to index
          %swap3A_560 = arith.constant 64 : index
          %swap3A_561 = tpu.vector_load %arg12[%swap3A_559, %swap3A_560] {strides = array<i32>} : memref<40x128xf32, #tpu.memory_space<vmem>>, vector<1x16xf32>,
          %swap3A_562 = vector.shape_cast %swap3A_561 : vector<1x16xf32> to vector<16xf32>
          %swap3A_563 = vector.shape_cast %get3A_558 : vector<16xf32> to vector<1x16xf32>
          tpu.vector_store %arg12[%swap3A_559, %swap3A_560], %swap3A_563 {strides = array<i32>} : memref<40x128xf32, #tpu.memory_space<vmem>>, vector<1x16xf32>,
          %add3A_564 = arith.constant 160 : i32
          %add3A_565 = arith.addi %add3A_564, %add3A_508 : i32
          %get3A_566 = arith.index_cast %add3A_565 : i32 to index
          %get3A_567 = arith.constant 80 : index
          %get3A_568 = tpu.vector_load %arg7[%get3A_566, %get3A_567] {strides = array<i32>} : memref<200x128xf32, #tpu.memory_space<vmem>>, vector<1x16xf32>,
          %get3A_569 = vector.shape_cast %get3A_568 : vector<1x16xf32> to vector<16xf32>
          %swap3A_570 = arith.index_cast %add3A_508 : i32 to index
          %swap3A_571 = arith.constant 80 : index
          %swap3A_572 = tpu.vector_load %arg12[%swap3A_570, %swap3A_571] {strides = array<i32>} : memref<40x128xf32, #tpu.memory_space<vmem>>, vector<1x16xf32>,
          %swap3A_573 = vector.shape_cast %swap3A_572 : vector<1x16xf32> to vector<16xf32>
          %swap3A_574 = vector.shape_cast %get3A_569 : vector<16xf32> to vector<1x16xf32>
          tpu.vector_store %arg12[%swap3A_570, %swap3A_571], %swap3A_574 {strides = array<i32>} : memref<40x128xf32, #tpu.memory_space<vmem>>, vector<1x16xf32>,
          %add3A_575 = arith.constant 160 : i32
          %add3A_576 = arith.addi %add3A_575, %add3A_508 : i32
          %get3A_577 = arith.index_cast %add3A_576 : i32 to index
          %get3A_578 = arith.constant 96 : index
          %get3A_579 = tpu.vector_load %arg7[%get3A_577, %get3A_578] {strides = array<i32>} : memref<200x128xf32, #tpu.memory_space<vmem>>, vector<1x16xf32>,
          %get3A_580 = vector.shape_cast %get3A_579 : vector<1x16xf32> to vector<16xf32>
          %swap3A_581 = arith.index_cast %add3A_508 : i32 to index
          %swap3A_582 = arith.constant 96 : index
          %swap3A_583 = tpu.vector_load %arg12[%swap3A_581, %swap3A_582] {strides = array<i32>} : memref<40x128xf32, #tpu.memory_space<vmem>>, vector<1x16xf32>,
          %swap3A_584 = vector.shape_cast %swap3A_583 : vector<1x16xf32> to vector<16xf32>
          %swap3A_585 = vector.shape_cast %get3A_580 : vector<16xf32> to vector<1x16xf32>
          tpu.vector_store %arg12[%swap3A_581, %swap3A_582], %swap3A_585 {strides = array<i32>} : memref<40x128xf32, #tpu.memory_space<vmem>>, vector<1x16xf32>,
          %add3A_586 = arith.constant 160 : i32
          %add3A_587 = arith.addi %add3A_586, %add3A_508 : i32
          %get3A_588 = arith.index_cast %add3A_587 : i32 to index
          %get3A_589 = arith.constant 112 : index
          %get3A_590 = tpu.vector_load %arg7[%get3A_588, %get3A_589] {strides = array<i32>} : memref<200x128xf32, #tpu.memory_space<vmem>>, vector<1x16xf32>,
          %get3A_591 = vector.shape_cast %get3A_590 : vector<1x16xf32> to vector<16xf32>
          %swap3A_592 = arith.index_cast %add3A_508 : i32 to index
          %swap3A_593 = arith.constant 112 : index
          %swap3A_594 = tpu.vector_load %arg12[%swap3A_592, %swap3A_593] {strides = array<i32>} : memref<40x128xf32, #tpu.memory_space<vmem>>, vector<1x16xf32>,
          %swap3A_595 = vector.shape_cast %swap3A_594 : vector<1x16xf32> to vector<16xf32>
          %swap3A_596 = vector.shape_cast %get3A_591 : vector<16xf32> to vector<1x16xf32>
          tpu.vector_store %arg12[%swap3A_592, %swap3A_593], %swap3A_596 {strides = array<i32>} : memref<40x128xf32, #tpu.memory_space<vmem>>, vector<1x16xf32>,
        }
        %scan3A_407 = arith.constant 20 : i32
        %mul3A_408 = arith.constant 40 : i32
        %mul3A_409 = arith.muli %sub3A_401, %mul3A_408 : i32
        %dma_start3A_410 = tpu.memref_slice %arg6[%mul3A_409] : memref<6400xi32, #tpu.memory_space<vmem>> -> memref<40xi32, #tpu.memory_space<vmem>>
        %dma_start3A_411 = arith.constant 0 : i32
        %dma_start3A_412 = arith.constant 0 : i32
        %dma_start3A_413 = tpu.memref_slice %arg2[%dma_start3A_411, %dma_start3A_412] : memref<100000x128xf32, #tpu.memory_space<hbm>> -> memref<100000x128xf32, #tpu.memory_space<hbm>>
        tpu.enqueue_indirect_dma source(%dma_start3A_413 : memref<100000x128xf32, #tpu.memory_space<hbm>>) target(%arg12 : memref<40x128xf32, #tpu.memory_space<vmem>>) offsets(%dma_start3A_410 : memref<40xi32, #tpu.memory_space<vmem>>) semaphore(%arg22 : memref<!tpu.dma_semaphore, #tpu.memory_space<semaphore_mem>>) {add = true}
      } else {
      }
      %mul3A_302 = arith.constant 10 : i32
      %mul3A_303 = arith.muli %mul3A_302, %scan3A_169 : i32
      %add3A_304 = arith.constant 6 : i32
      %add3A_305 = arith.addi %mul3A_303, %add3A_304 : i32
      %mul3A_306 = arith.constant 40 : i32
      %mul3A_307 = arith.muli %add3A_305, %mul3A_306 : i32
      %dma_wait3A_308 = tpu.memref_slice %arg6[%mul3A_307] : memref<6400xi32, #tpu.memory_space<vmem>> -> memref<40xi32, #tpu.memory_space<vmem>>
      %dma_wait3A_309 = arith.constant 0 : i32
      %dma_wait3A_310 = arith.constant 0 : i32
      %dma_wait3A_311 = tpu.memref_slice %arg2[%dma_wait3A_309, %dma_wait3A_310] : memref<100000x128xf32, #tpu.memory_space<hbm>> -> memref<100000x128xf32, #tpu.memory_space<hbm>>
      tpu.wait_indirect_dma semaphore(%arg24 : memref<!tpu.dma_semaphore, #tpu.memory_space<semaphore_mem>>) src(%dma_wait3A_311 : memref<100000x128xf32, #tpu.memory_space<hbm>>) dst(%arg14 : memref<40x128xf32, #tpu.memory_space<vmem>>)
      %mul3A_312 = arith.constant 40 : i32
      %mul3A_313 = arith.muli %add3A_305, %mul3A_312 : i32
      %add3A_314 = arith.addi %mul3A_2, %mul3A_313 : i32
      %dma_start3A_315 = arith.constant 0 : i32
      %dma_start3A_316 = tpu.memref_slice %arg5[%add3A_314, %dma_start3A_315] : memref<204800x128xf32, #tpu.memory_space<hbm>> -> memref<40x128xf32, #tpu.memory_space<hbm>>
      %dma_start3A_317 = arith.constant 0 : i32
      %dma_start3A_318 = tpu.memref_slice %arg5[%add3A_314, %dma_start3A_317] : memref<204800x128xf32, #tpu.memory_space<hbm>> -> memref<40x128xf32, #tpu.memory_space<hbm>>
      tpu.enqueue_dma source(%arg14 : memref<40x128xf32, #tpu.memory_space<vmem>>) target(%dma_start3A_318 : memref<40x128xf32, #tpu.memory_space<hbm>>) target_semaphore(%arg34 : memref<!tpu.dma_semaphore, #tpu.memory_space<semaphore_mem>>)
      %lt3A_319 = arith.constant 15 : i32
      %lt3A_320 = arith.cmpi slt, %scan3A_169, %lt3A_319 : i32
      %convert_element_type3A_321 = arith.extui %lt3A_320 : i1 to i32
      %cond3A_322 = arith.constant 0 : i32
      %cond3A_323 = arith.cmpi ne, %convert_element_type3A_321, %cond3A_322 : i32
      scf.if %cond3A_323 {
        %sub3A = arith.constant 1 : i32
        %sub3A_390 = arith.subi %add3A_305, %sub3A : i32
        %mul3A_391 = arith.constant 40 : i32
        %mul3A_392 = arith.muli %sub3A_390, %mul3A_391 : i32
        %add3A_393 = arith.addi %mul3A_2, %mul3A_392 : i32
        %dma_wait3A_394 = arith.constant 0 : i32
        %dma_wait3A_395 = tpu.memref_slice %arg5[%add3A_393, %dma_wait3A_394] : memref<204800x128xf32, #tpu.memory_space<hbm>> -> memref<40x128xf32, #tpu.memory_space<hbm>>
        %dma_wait3A_396 = arith.constant 0 : i32
        %dma_wait3A_397 = tpu.memref_slice %arg5[%add3A_393, %dma_wait3A_396] : memref<204800x128xf32, #tpu.memory_space<hbm>> -> memref<40x128xf32, #tpu.memory_space<hbm>>
        tpu.wait_dma2 semaphore(%arg33 : memref<!tpu.dma_semaphore, #tpu.memory_space<semaphore_mem>>) src(%arg13 : memref<40x128xf32, #tpu.memory_space<vmem>>) dst(%dma_wait3A_397 : memref<40x128xf32, #tpu.memory_space<hbm>>)
        %add3A_398 = arith.constant 10 : i32
        %add3A_399 = arith.addi %add3A_305, %add3A_398 : i32
        %sub3A_400 = arith.constant 1 : i32
        %sub3A_401 = arith.subi %add3A_399, %sub3A_400 : i32
        %scan3A_402 = arith.constant 0 : i32
        %scan3A_403 = arith.constant 0 : i32
        %scan3A_404 = arith.constant 20 : i32
        %scan3A_405 = arith.addi %scan3A_403, %scan3A_404 : i32
        %scan3A_406 = arith.constant 1 : i32
        scf.for %scan3A_414 = %scan3A_403 to %scan3A_405 step %scan3A_406  : i32 {
          %mul3A_415 = arith.constant 2 : i32
          %mul3A_416 = arith.muli %mul3A_415, %scan3A_414 : i32
          %add3A_417 = arith.constant 0 : i32
          %add3A_418 = arith.addi %mul3A_416, %add3A_417 : i32
          %add3A_419 = arith.constant 0 : i32
          %add3A_420 = arith.addi %add3A_419, %add3A_418 : i32
          %get3A = arith.index_cast %add3A_420 : i32 to index
          %get3A_421 = arith.constant 0 : index
          %get3A_422 = tpu.vector_load %arg7[%get3A, %get3A_421] {strides = array<i32>} : memref<200x128xf32, #tpu.memory_space<vmem>>, vector<1x16xf32>,
          %get3A_423 = vector.shape_cast %get3A_422 : vector<1x16xf32> to vector<16xf32>
          %swap3A = arith.index_cast %add3A_418 : i32 to index
          %swap3A_424 = arith.constant 0 : index
          %swap3A_425 = tpu.vector_load %arg13[%swap3A, %swap3A_424] {strides = array<i32>} : memref<40x128xf32, #tpu.memory_space<vmem>>, vector<1x16xf32>,
          %swap3A_426 = vector.shape_cast %swap3A_425 : vector<1x16xf32> to vector<16xf32>
          %swap3A_427 = vector.shape_cast %get3A_423 : vector<16xf32> to vector<1x16xf32>
          tpu.vector_store %arg13[%swap3A, %swap3A_424], %swap3A_427 {strides = array<i32>} : memref<40x128xf32, #tpu.memory_space<vmem>>, vector<1x16xf32>,
          %add3A_428 = arith.constant 0 : i32
          %add3A_429 = arith.addi %add3A_428, %add3A_418 : i32
          %get3A_430 = arith.index_cast %add3A_429 : i32 to index
          %get3A_431 = arith.constant 16 : index
          %get3A_432 = tpu.vector_load %arg7[%get3A_430, %get3A_431] {strides = array<i32>} : memref<200x128xf32, #tpu.memory_space<vmem>>, vector<1x16xf32>,
          %get3A_433 = vector.shape_cast %get3A_432 : vector<1x16xf32> to vector<16xf32>
          %swap3A_434 = arith.index_cast %add3A_418 : i32 to index
          %swap3A_435 = arith.constant 16 : index
          %swap3A_436 = tpu.vector_load %arg13[%swap3A_434, %swap3A_435] {strides = array<i32>} : memref<40x128xf32, #tpu.memory_space<vmem>>, vector<1x16xf32>,
          %swap3A_437 = vector.shape_cast %swap3A_436 : vector<1x16xf32> to vector<16xf32>
          %swap3A_438 = vector.shape_cast %get3A_433 : vector<16xf32> to vector<1x16xf32>
          tpu.vector_store %arg13[%swap3A_434, %swap3A_435], %swap3A_438 {strides = array<i32>} : memref<40x128xf32, #tpu.memory_space<vmem>>, vector<1x16xf32>,
          %add3A_439 = arith.constant 0 : i32
          %add3A_440 = arith.addi %add3A_439, %add3A_418 : i32
          %get3A_441 = arith.index_cast %add3A_440 : i32 to index
          %get3A_442 = arith.constant 32 : index
          %get3A_443 = tpu.vector_load %arg7[%get3A_441, %get3A_442] {strides = array<i32>} : memref<200x128xf32, #tpu.memory_space<vmem>>, vector<1x16xf32>,
          %get3A_444 = vector.shape_cast %get3A_443 : vector<1x16xf32> to vector<16xf32>
          %swap3A_445 = arith.index_cast %add3A_418 : i32 to index
          %swap3A_446 = arith.constant 32 : index
          %swap3A_447 = tpu.vector_load %arg13[%swap3A_445, %swap3A_446] {strides = array<i32>} : memref<40x128xf32, #tpu.memory_space<vmem>>, vector<1x16xf32>,
          %swap3A_448 = vector.shape_cast %swap3A_447 : vector<1x16xf32> to vector<16xf32>
          %swap3A_449 = vector.shape_cast %get3A_444 : vector<16xf32> to vector<1x16xf32>
          tpu.vector_store %arg13[%swap3A_445, %swap3A_446], %swap3A_449 {strides = array<i32>} : memref<40x128xf32, #tpu.memory_space<vmem>>, vector<1x16xf32>,
          %add3A_450 = arith.constant 0 : i32
          %add3A_451 = arith.addi %add3A_450, %add3A_418 : i32
          %get3A_452 = arith.index_cast %add3A_451 : i32 to index
          %get3A_453 = arith.constant 48 : index
          %get3A_454 = tpu.vector_load %arg7[%get3A_452, %get3A_453] {strides = array<i32>} : memref<200x128xf32, #tpu.memory_space<vmem>>, vector<1x16xf32>,
          %get3A_455 = vector.shape_cast %get3A_454 : vector<1x16xf32> to vector<16xf32>
          %swap3A_456 = arith.index_cast %add3A_418 : i32 to index
          %swap3A_457 = arith.constant 48 : index
          %swap3A_458 = tpu.vector_load %arg13[%swap3A_456, %swap3A_457] {strides = array<i32>} : memref<40x128xf32, #tpu.memory_space<vmem>>, vector<1x16xf32>,
          %swap3A_459 = vector.shape_cast %swap3A_458 : vector<1x16xf32> to vector<16xf32>
          %swap3A_460 = vector.shape_cast %get3A_455 : vector<16xf32> to vector<1x16xf32>
          tpu.vector_store %arg13[%swap3A_456, %swap3A_457], %swap3A_460 {strides = array<i32>} : memref<40x128xf32, #tpu.memory_space<vmem>>, vector<1x16xf32>,
          %add3A_461 = arith.constant 0 : i32
          %add3A_462 = arith.addi %add3A_461, %add3A_418 : i32
          %get3A_463 = arith.index_cast %add3A_462 : i32 to index
          %get3A_464 = arith.constant 64 : index
          %get3A_465 = tpu.vector_load %arg7[%get3A_463, %get3A_464] {strides = array<i32>} : memref<200x128xf32, #tpu.memory_space<vmem>>, vector<1x16xf32>,
          %get3A_466 = vector.shape_cast %get3A_465 : vector<1x16xf32> to vector<16xf32>
          %swap3A_467 = arith.index_cast %add3A_418 : i32 to index
          %swap3A_468 = arith.constant 64 : index
          %swap3A_469 = tpu.vector_load %arg13[%swap3A_467, %swap3A_468] {strides = array<i32>} : memref<40x128xf32, #tpu.memory_space<vmem>>, vector<1x16xf32>,
          %swap3A_470 = vector.shape_cast %swap3A_469 : vector<1x16xf32> to vector<16xf32>
          %swap3A_471 = vector.shape_cast %get3A_466 : vector<16xf32> to vector<1x16xf32>
          tpu.vector_store %arg13[%swap3A_467, %swap3A_468], %swap3A_471 {strides = array<i32>} : memref<40x128xf32, #tpu.memory_space<vmem>>, vector<1x16xf32>,
          %add3A_472 = arith.constant 0 : i32
          %add3A_473 = arith.addi %add3A_472, %add3A_418 : i32
          %get3A_474 = arith.index_cast %add3A_473 : i32 to index
          %get3A_475 = arith.constant 80 : index
          %get3A_476 = tpu.vector_load %arg7[%get3A_474, %get3A_475] {strides = array<i32>} : memref<200x128xf32, #tpu.memory_space<vmem>>, vector<1x16xf32>,
          %get3A_477 = vector.shape_cast %get3A_476 : vector<1x16xf32> to vector<16xf32>
          %swap3A_478 = arith.index_cast %add3A_418 : i32 to index
          %swap3A_479 = arith.constant 80 : index
          %swap3A_480 = tpu.vector_load %arg13[%swap3A_478, %swap3A_479] {strides = array<i32>} : memref<40x128xf32, #tpu.memory_space<vmem>>, vector<1x16xf32>,
          %swap3A_481 = vector.shape_cast %swap3A_480 : vector<1x16xf32> to vector<16xf32>
          %swap3A_482 = vector.shape_cast %get3A_477 : vector<16xf32> to vector<1x16xf32>
          tpu.vector_store %arg13[%swap3A_478, %swap3A_479], %swap3A_482 {strides = array<i32>} : memref<40x128xf32, #tpu.memory_space<vmem>>, vector<1x16xf32>,
          %add3A_483 = arith.constant 0 : i32
          %add3A_484 = arith.addi %add3A_483, %add3A_418 : i32
          %get3A_485 = arith.index_cast %add3A_484 : i32 to index
          %get3A_486 = arith.constant 96 : index
          %get3A_487 = tpu.vector_load %arg7[%get3A_485, %get3A_486] {strides = array<i32>} : memref<200x128xf32, #tpu.memory_space<vmem>>, vector<1x16xf32>,
          %get3A_488 = vector.shape_cast %get3A_487 : vector<1x16xf32> to vector<16xf32>
          %swap3A_489 = arith.index_cast %add3A_418 : i32 to index
          %swap3A_490 = arith.constant 96 : index
          %swap3A_491 = tpu.vector_load %arg13[%swap3A_489, %swap3A_490] {strides = array<i32>} : memref<40x128xf32, #tpu.memory_space<vmem>>, vector<1x16xf32>,
          %swap3A_492 = vector.shape_cast %swap3A_491 : vector<1x16xf32> to vector<16xf32>
          %swap3A_493 = vector.shape_cast %get3A_488 : vector<16xf32> to vector<1x16xf32>
          tpu.vector_store %arg13[%swap3A_489, %swap3A_490], %swap3A_493 {strides = array<i32>} : memref<40x128xf32, #tpu.memory_space<vmem>>, vector<1x16xf32>,
          %add3A_494 = arith.constant 0 : i32
          %add3A_495 = arith.addi %add3A_494, %add3A_418 : i32
          %get3A_496 = arith.index_cast %add3A_495 : i32 to index
          %get3A_497 = arith.constant 112 : index
          %get3A_498 = tpu.vector_load %arg7[%get3A_496, %get3A_497] {strides = array<i32>} : memref<200x128xf32, #tpu.memory_space<vmem>>, vector<1x16xf32>,
          %get3A_499 = vector.shape_cast %get3A_498 : vector<1x16xf32> to vector<16xf32>
          %swap3A_500 = arith.index_cast %add3A_418 : i32 to index
          %swap3A_501 = arith.constant 112 : index
          %swap3A_502 = tpu.vector_load %arg13[%swap3A_500, %swap3A_501] {strides = array<i32>} : memref<40x128xf32, #tpu.memory_space<vmem>>, vector<1x16xf32>,
          %swap3A_503 = vector.shape_cast %swap3A_502 : vector<1x16xf32> to vector<16xf32>
          %swap3A_504 = vector.shape_cast %get3A_499 : vector<16xf32> to vector<1x16xf32>
          tpu.vector_store %arg13[%swap3A_500, %swap3A_501], %swap3A_504 {strides = array<i32>} : memref<40x128xf32, #tpu.memory_space<vmem>>, vector<1x16xf32>,
          %mul3A_505 = arith.constant 2 : i32
          %mul3A_506 = arith.muli %mul3A_505, %scan3A_414 : i32
          %add3A_507 = arith.constant 1 : i32
          %add3A_508 = arith.addi %mul3A_506, %add3A_507 : i32
          %add3A_509 = arith.constant 0 : i32
          %add3A_510 = arith.addi %add3A_509, %add3A_508 : i32
          %get3A_511 = arith.index_cast %add3A_510 : i32 to index
          %get3A_512 = arith.constant 0 : index
          %get3A_513 = tpu.vector_load %arg7[%get3A_511, %get3A_512] {strides = array<i32>} : memref<200x128xf32, #tpu.memory_space<vmem>>, vector<1x16xf32>,
          %get3A_514 = vector.shape_cast %get3A_513 : vector<1x16xf32> to vector<16xf32>
          %swap3A_515 = arith.index_cast %add3A_508 : i32 to index
          %swap3A_516 = arith.constant 0 : index
          %swap3A_517 = tpu.vector_load %arg13[%swap3A_515, %swap3A_516] {strides = array<i32>} : memref<40x128xf32, #tpu.memory_space<vmem>>, vector<1x16xf32>,
          %swap3A_518 = vector.shape_cast %swap3A_517 : vector<1x16xf32> to vector<16xf32>
          %swap3A_519 = vector.shape_cast %get3A_514 : vector<16xf32> to vector<1x16xf32>
          tpu.vector_store %arg13[%swap3A_515, %swap3A_516], %swap3A_519 {strides = array<i32>} : memref<40x128xf32, #tpu.memory_space<vmem>>, vector<1x16xf32>,
          %add3A_520 = arith.constant 0 : i32
          %add3A_521 = arith.addi %add3A_520, %add3A_508 : i32
          %get3A_522 = arith.index_cast %add3A_521 : i32 to index
          %get3A_523 = arith.constant 16 : index
          %get3A_524 = tpu.vector_load %arg7[%get3A_522, %get3A_523] {strides = array<i32>} : memref<200x128xf32, #tpu.memory_space<vmem>>, vector<1x16xf32>,
          %get3A_525 = vector.shape_cast %get3A_524 : vector<1x16xf32> to vector<16xf32>
          %swap3A_526 = arith.index_cast %add3A_508 : i32 to index
          %swap3A_527 = arith.constant 16 : index
          %swap3A_528 = tpu.vector_load %arg13[%swap3A_526, %swap3A_527] {strides = array<i32>} : memref<40x128xf32, #tpu.memory_space<vmem>>, vector<1x16xf32>,
          %swap3A_529 = vector.shape_cast %swap3A_528 : vector<1x16xf32> to vector<16xf32>
          %swap3A_530 = vector.shape_cast %get3A_525 : vector<16xf32> to vector<1x16xf32>
          tpu.vector_store %arg13[%swap3A_526, %swap3A_527], %swap3A_530 {strides = array<i32>} : memref<40x128xf32, #tpu.memory_space<vmem>>, vector<1x16xf32>,
          %add3A_531 = arith.constant 0 : i32
          %add3A_532 = arith.addi %add3A_531, %add3A_508 : i32
          %get3A_533 = arith.index_cast %add3A_532 : i32 to index
          %get3A_534 = arith.constant 32 : index
          %get3A_535 = tpu.vector_load %arg7[%get3A_533, %get3A_534] {strides = array<i32>} : memref<200x128xf32, #tpu.memory_space<vmem>>, vector<1x16xf32>,
          %get3A_536 = vector.shape_cast %get3A_535 : vector<1x16xf32> to vector<16xf32>
          %swap3A_537 = arith.index_cast %add3A_508 : i32 to index
          %swap3A_538 = arith.constant 32 : index
          %swap3A_539 = tpu.vector_load %arg13[%swap3A_537, %swap3A_538] {strides = array<i32>} : memref<40x128xf32, #tpu.memory_space<vmem>>, vector<1x16xf32>,
          %swap3A_540 = vector.shape_cast %swap3A_539 : vector<1x16xf32> to vector<16xf32>
          %swap3A_541 = vector.shape_cast %get3A_536 : vector<16xf32> to vector<1x16xf32>
          tpu.vector_store %arg13[%swap3A_537, %swap3A_538], %swap3A_541 {strides = array<i32>} : memref<40x128xf32, #tpu.memory_space<vmem>>, vector<1x16xf32>,
          %add3A_542 = arith.constant 0 : i32
          %add3A_543 = arith.addi %add3A_542, %add3A_508 : i32
          %get3A_544 = arith.index_cast %add3A_543 : i32 to index
          %get3A_545 = arith.constant 48 : index
          %get3A_546 = tpu.vector_load %arg7[%get3A_544, %get3A_545] {strides = array<i32>} : memref<200x128xf32, #tpu.memory_space<vmem>>, vector<1x16xf32>,
          %get3A_547 = vector.shape_cast %get3A_546 : vector<1x16xf32> to vector<16xf32>
          %swap3A_548 = arith.index_cast %add3A_508 : i32 to index
          %swap3A_549 = arith.constant 48 : index
          %swap3A_550 = tpu.vector_load %arg13[%swap3A_548, %swap3A_549] {strides = array<i32>} : memref<40x128xf32, #tpu.memory_space<vmem>>, vector<1x16xf32>,
          %swap3A_551 = vector.shape_cast %swap3A_550 : vector<1x16xf32> to vector<16xf32>
          %swap3A_552 = vector.shape_cast %get3A_547 : vector<16xf32> to vector<1x16xf32>
          tpu.vector_store %arg13[%swap3A_548, %swap3A_549], %swap3A_552 {strides = array<i32>} : memref<40x128xf32, #tpu.memory_space<vmem>>, vector<1x16xf32>,
          %add3A_553 = arith.constant 0 : i32
          %add3A_554 = arith.addi %add3A_553, %add3A_508 : i32
          %get3A_555 = arith.index_cast %add3A_554 : i32 to index
          %get3A_556 = arith.constant 64 : index
          %get3A_557 = tpu.vector_load %arg7[%get3A_555, %get3A_556] {strides = array<i32>} : memref<200x128xf32, #tpu.memory_space<vmem>>, vector<1x16xf32>,
          %get3A_558 = vector.shape_cast %get3A_557 : vector<1x16xf32> to vector<16xf32>
          %swap3A_559 = arith.index_cast %add3A_508 : i32 to index
          %swap3A_560 = arith.constant 64 : index
          %swap3A_561 = tpu.vector_load %arg13[%swap3A_559, %swap3A_560] {strides = array<i32>} : memref<40x128xf32, #tpu.memory_space<vmem>>, vector<1x16xf32>,
          %swap3A_562 = vector.shape_cast %swap3A_561 : vector<1x16xf32> to vector<16xf32>
          %swap3A_563 = vector.shape_cast %get3A_558 : vector<16xf32> to vector<1x16xf32>
          tpu.vector_store %arg13[%swap3A_559, %swap3A_560], %swap3A_563 {strides = array<i32>} : memref<40x128xf32, #tpu.memory_space<vmem>>, vector<1x16xf32>,
          %add3A_564 = arith.constant 0 : i32
          %add3A_565 = arith.addi %add3A_564, %add3A_508 : i32
          %get3A_566 = arith.index_cast %add3A_565 : i32 to index
          %get3A_567 = arith.constant 80 : index
          %get3A_568 = tpu.vector_load %arg7[%get3A_566, %get3A_567] {strides = array<i32>} : memref<200x128xf32, #tpu.memory_space<vmem>>, vector<1x16xf32>,
          %get3A_569 = vector.shape_cast %get3A_568 : vector<1x16xf32> to vector<16xf32>
          %swap3A_570 = arith.index_cast %add3A_508 : i32 to index
          %swap3A_571 = arith.constant 80 : index
          %swap3A_572 = tpu.vector_load %arg13[%swap3A_570, %swap3A_571] {strides = array<i32>} : memref<40x128xf32, #tpu.memory_space<vmem>>, vector<1x16xf32>,
          %swap3A_573 = vector.shape_cast %swap3A_572 : vector<1x16xf32> to vector<16xf32>
          %swap3A_574 = vector.shape_cast %get3A_569 : vector<16xf32> to vector<1x16xf32>
          tpu.vector_store %arg13[%swap3A_570, %swap3A_571], %swap3A_574 {strides = array<i32>} : memref<40x128xf32, #tpu.memory_space<vmem>>, vector<1x16xf32>,
          %add3A_575 = arith.constant 0 : i32
          %add3A_576 = arith.addi %add3A_575, %add3A_508 : i32
          %get3A_577 = arith.index_cast %add3A_576 : i32 to index
          %get3A_578 = arith.constant 96 : index
          %get3A_579 = tpu.vector_load %arg7[%get3A_577, %get3A_578] {strides = array<i32>} : memref<200x128xf32, #tpu.memory_space<vmem>>, vector<1x16xf32>,
          %get3A_580 = vector.shape_cast %get3A_579 : vector<1x16xf32> to vector<16xf32>
          %swap3A_581 = arith.index_cast %add3A_508 : i32 to index
          %swap3A_582 = arith.constant 96 : index
          %swap3A_583 = tpu.vector_load %arg13[%swap3A_581, %swap3A_582] {strides = array<i32>} : memref<40x128xf32, #tpu.memory_space<vmem>>, vector<1x16xf32>,
          %swap3A_584 = vector.shape_cast %swap3A_583 : vector<1x16xf32> to vector<16xf32>
          %swap3A_585 = vector.shape_cast %get3A_580 : vector<16xf32> to vector<1x16xf32>
          tpu.vector_store %arg13[%swap3A_581, %swap3A_582], %swap3A_585 {strides = array<i32>} : memref<40x128xf32, #tpu.memory_space<vmem>>, vector<1x16xf32>,
          %add3A_586 = arith.constant 0 : i32
          %add3A_587 = arith.addi %add3A_586, %add3A_508 : i32
          %get3A_588 = arith.index_cast %add3A_587 : i32 to index
          %get3A_589 = arith.constant 112 : index
          %get3A_590 = tpu.vector_load %arg7[%get3A_588, %get3A_589] {strides = array<i32>} : memref<200x128xf32, #tpu.memory_space<vmem>>, vector<1x16xf32>,
          %get3A_591 = vector.shape_cast %get3A_590 : vector<1x16xf32> to vector<16xf32>
          %swap3A_592 = arith.index_cast %add3A_508 : i32 to index
          %swap3A_593 = arith.constant 112 : index
          %swap3A_594 = tpu.vector_load %arg13[%swap3A_592, %swap3A_593] {strides = array<i32>} : memref<40x128xf32, #tpu.memory_space<vmem>>, vector<1x16xf32>,
          %swap3A_595 = vector.shape_cast %swap3A_594 : vector<1x16xf32> to vector<16xf32>
          %swap3A_596 = vector.shape_cast %get3A_591 : vector<16xf32> to vector<1x16xf32>
          tpu.vector_store %arg13[%swap3A_592, %swap3A_593], %swap3A_596 {strides = array<i32>} : memref<40x128xf32, #tpu.memory_space<vmem>>, vector<1x16xf32>,
        }
        %scan3A_407 = arith.constant 20 : i32
        %mul3A_408 = arith.constant 40 : i32
        %mul3A_409 = arith.muli %sub3A_401, %mul3A_408 : i32
        %dma_start3A_410 = tpu.memref_slice %arg6[%mul3A_409] : memref<6400xi32, #tpu.memory_space<vmem>> -> memref<40xi32, #tpu.memory_space<vmem>>
        %dma_start3A_411 = arith.constant 0 : i32
        %dma_start3A_412 = arith.constant 0 : i32
        %dma_start3A_413 = tpu.memref_slice %arg2[%dma_start3A_411, %dma_start3A_412] : memref<100000x128xf32, #tpu.memory_space<hbm>> -> memref<100000x128xf32, #tpu.memory_space<hbm>>
        tpu.enqueue_indirect_dma source(%dma_start3A_413 : memref<100000x128xf32, #tpu.memory_space<hbm>>) target(%arg13 : memref<40x128xf32, #tpu.memory_space<vmem>>) offsets(%dma_start3A_410 : memref<40xi32, #tpu.memory_space<vmem>>) semaphore(%arg23 : memref<!tpu.dma_semaphore, #tpu.memory_space<semaphore_mem>>) {add = true}
      } else {
      }
      %mul3A_324 = arith.constant 10 : i32
      %mul3A_325 = arith.muli %mul3A_324, %scan3A_169 : i32
      %add3A_326 = arith.constant 7 : i32
      %add3A_327 = arith.addi %mul3A_325, %add3A_326 : i32
      %mul3A_328 = arith.constant 40 : i32
      %mul3A_329 = arith.muli %add3A_327, %mul3A_328 : i32
      %dma_wait3A_330 = tpu.memref_slice %arg6[%mul3A_329] : memref<6400xi32, #tpu.memory_space<vmem>> -> memref<40xi32, #tpu.memory_space<vmem>>
      %dma_wait3A_331 = arith.constant 0 : i32
      %dma_wait3A_332 = arith.constant 0 : i32
      %dma_wait3A_333 = tpu.memref_slice %arg2[%dma_wait3A_331, %dma_wait3A_332] : memref<100000x128xf32, #tpu.memory_space<hbm>> -> memref<100000x128xf32, #tpu.memory_space<hbm>>
      tpu.wait_indirect_dma semaphore(%arg25 : memref<!tpu.dma_semaphore, #tpu.memory_space<semaphore_mem>>) src(%dma_wait3A_333 : memref<100000x128xf32, #tpu.memory_space<hbm>>) dst(%arg15 : memref<40x128xf32, #tpu.memory_space<vmem>>)
      %mul3A_334 = arith.constant 40 : i32
      %mul3A_335 = arith.muli %add3A_327, %mul3A_334 : i32
      %add3A_336 = arith.addi %mul3A_2, %mul3A_335 : i32
      %dma_start3A_337 = arith.constant 0 : i32
      %dma_start3A_338 = tpu.memref_slice %arg5[%add3A_336, %dma_start3A_337] : memref<204800x128xf32, #tpu.memory_space<hbm>> -> memref<40x128xf32, #tpu.memory_space<hbm>>
      %dma_start3A_339 = arith.constant 0 : i32
      %dma_start3A_340 = tpu.memref_slice %arg5[%add3A_336, %dma_start3A_339] : memref<204800x128xf32, #tpu.memory_space<hbm>> -> memref<40x128xf32, #tpu.memory_space<hbm>>
      tpu.enqueue_dma source(%arg15 : memref<40x128xf32, #tpu.memory_space<vmem>>) target(%dma_start3A_340 : memref<40x128xf32, #tpu.memory_space<hbm>>) target_semaphore(%arg35 : memref<!tpu.dma_semaphore, #tpu.memory_space<semaphore_mem>>)
      %lt3A_341 = arith.constant 15 : i32
      %lt3A_342 = arith.cmpi slt, %scan3A_169, %lt3A_341 : i32
      %convert_element_type3A_343 = arith.extui %lt3A_342 : i1 to i32
      %cond3A_344 = arith.constant 0 : i32
      %cond3A_345 = arith.cmpi ne, %convert_element_type3A_343, %cond3A_344 : i32
      scf.if %cond3A_345 {
        %sub3A = arith.constant 1 : i32
        %sub3A_390 = arith.subi %add3A_327, %sub3A : i32
        %mul3A_391 = arith.constant 40 : i32
        %mul3A_392 = arith.muli %sub3A_390, %mul3A_391 : i32
        %add3A_393 = arith.addi %mul3A_2, %mul3A_392 : i32
        %dma_wait3A_394 = arith.constant 0 : i32
        %dma_wait3A_395 = tpu.memref_slice %arg5[%add3A_393, %dma_wait3A_394] : memref<204800x128xf32, #tpu.memory_space<hbm>> -> memref<40x128xf32, #tpu.memory_space<hbm>>
        %dma_wait3A_396 = arith.constant 0 : i32
        %dma_wait3A_397 = tpu.memref_slice %arg5[%add3A_393, %dma_wait3A_396] : memref<204800x128xf32, #tpu.memory_space<hbm>> -> memref<40x128xf32, #tpu.memory_space<hbm>>
        tpu.wait_dma2 semaphore(%arg34 : memref<!tpu.dma_semaphore, #tpu.memory_space<semaphore_mem>>) src(%arg14 : memref<40x128xf32, #tpu.memory_space<vmem>>) dst(%dma_wait3A_397 : memref<40x128xf32, #tpu.memory_space<hbm>>)
        %add3A_398 = arith.constant 10 : i32
        %add3A_399 = arith.addi %add3A_327, %add3A_398 : i32
        %sub3A_400 = arith.constant 1 : i32
        %sub3A_401 = arith.subi %add3A_399, %sub3A_400 : i32
        %scan3A_402 = arith.constant 0 : i32
        %scan3A_403 = arith.constant 0 : i32
        %scan3A_404 = arith.constant 20 : i32
        %scan3A_405 = arith.addi %scan3A_403, %scan3A_404 : i32
        %scan3A_406 = arith.constant 1 : i32
        scf.for %scan3A_414 = %scan3A_403 to %scan3A_405 step %scan3A_406  : i32 {
          %mul3A_415 = arith.constant 2 : i32
          %mul3A_416 = arith.muli %mul3A_415, %scan3A_414 : i32
          %add3A_417 = arith.constant 0 : i32
          %add3A_418 = arith.addi %mul3A_416, %add3A_417 : i32
          %add3A_419 = arith.constant 40 : i32
          %add3A_420 = arith.addi %add3A_419, %add3A_418 : i32
          %get3A = arith.index_cast %add3A_420 : i32 to index
          %get3A_421 = arith.constant 0 : index
          %get3A_422 = tpu.vector_load %arg7[%get3A, %get3A_421] {strides = array<i32>} : memref<200x128xf32, #tpu.memory_space<vmem>>, vector<1x16xf32>,
          %get3A_423 = vector.shape_cast %get3A_422 : vector<1x16xf32> to vector<16xf32>
          %swap3A = arith.index_cast %add3A_418 : i32 to index
          %swap3A_424 = arith.constant 0 : index
          %swap3A_425 = tpu.vector_load %arg14[%swap3A, %swap3A_424] {strides = array<i32>} : memref<40x128xf32, #tpu.memory_space<vmem>>, vector<1x16xf32>,
          %swap3A_426 = vector.shape_cast %swap3A_425 : vector<1x16xf32> to vector<16xf32>
          %swap3A_427 = vector.shape_cast %get3A_423 : vector<16xf32> to vector<1x16xf32>
          tpu.vector_store %arg14[%swap3A, %swap3A_424], %swap3A_427 {strides = array<i32>} : memref<40x128xf32, #tpu.memory_space<vmem>>, vector<1x16xf32>,
          %add3A_428 = arith.constant 40 : i32
          %add3A_429 = arith.addi %add3A_428, %add3A_418 : i32
          %get3A_430 = arith.index_cast %add3A_429 : i32 to index
          %get3A_431 = arith.constant 16 : index
          %get3A_432 = tpu.vector_load %arg7[%get3A_430, %get3A_431] {strides = array<i32>} : memref<200x128xf32, #tpu.memory_space<vmem>>, vector<1x16xf32>,
          %get3A_433 = vector.shape_cast %get3A_432 : vector<1x16xf32> to vector<16xf32>
          %swap3A_434 = arith.index_cast %add3A_418 : i32 to index
          %swap3A_435 = arith.constant 16 : index
          %swap3A_436 = tpu.vector_load %arg14[%swap3A_434, %swap3A_435] {strides = array<i32>} : memref<40x128xf32, #tpu.memory_space<vmem>>, vector<1x16xf32>,
          %swap3A_437 = vector.shape_cast %swap3A_436 : vector<1x16xf32> to vector<16xf32>
          %swap3A_438 = vector.shape_cast %get3A_433 : vector<16xf32> to vector<1x16xf32>
          tpu.vector_store %arg14[%swap3A_434, %swap3A_435], %swap3A_438 {strides = array<i32>} : memref<40x128xf32, #tpu.memory_space<vmem>>, vector<1x16xf32>,
          %add3A_439 = arith.constant 40 : i32
          %add3A_440 = arith.addi %add3A_439, %add3A_418 : i32
          %get3A_441 = arith.index_cast %add3A_440 : i32 to index
          %get3A_442 = arith.constant 32 : index
          %get3A_443 = tpu.vector_load %arg7[%get3A_441, %get3A_442] {strides = array<i32>} : memref<200x128xf32, #tpu.memory_space<vmem>>, vector<1x16xf32>,
          %get3A_444 = vector.shape_cast %get3A_443 : vector<1x16xf32> to vector<16xf32>
          %swap3A_445 = arith.index_cast %add3A_418 : i32 to index
          %swap3A_446 = arith.constant 32 : index
          %swap3A_447 = tpu.vector_load %arg14[%swap3A_445, %swap3A_446] {strides = array<i32>} : memref<40x128xf32, #tpu.memory_space<vmem>>, vector<1x16xf32>,
          %swap3A_448 = vector.shape_cast %swap3A_447 : vector<1x16xf32> to vector<16xf32>
          %swap3A_449 = vector.shape_cast %get3A_444 : vector<16xf32> to vector<1x16xf32>
          tpu.vector_store %arg14[%swap3A_445, %swap3A_446], %swap3A_449 {strides = array<i32>} : memref<40x128xf32, #tpu.memory_space<vmem>>, vector<1x16xf32>,
          %add3A_450 = arith.constant 40 : i32
          %add3A_451 = arith.addi %add3A_450, %add3A_418 : i32
          %get3A_452 = arith.index_cast %add3A_451 : i32 to index
          %get3A_453 = arith.constant 48 : index
          %get3A_454 = tpu.vector_load %arg7[%get3A_452, %get3A_453] {strides = array<i32>} : memref<200x128xf32, #tpu.memory_space<vmem>>, vector<1x16xf32>,
          %get3A_455 = vector.shape_cast %get3A_454 : vector<1x16xf32> to vector<16xf32>
          %swap3A_456 = arith.index_cast %add3A_418 : i32 to index
          %swap3A_457 = arith.constant 48 : index
          %swap3A_458 = tpu.vector_load %arg14[%swap3A_456, %swap3A_457] {strides = array<i32>} : memref<40x128xf32, #tpu.memory_space<vmem>>, vector<1x16xf32>,
          %swap3A_459 = vector.shape_cast %swap3A_458 : vector<1x16xf32> to vector<16xf32>
          %swap3A_460 = vector.shape_cast %get3A_455 : vector<16xf32> to vector<1x16xf32>
          tpu.vector_store %arg14[%swap3A_456, %swap3A_457], %swap3A_460 {strides = array<i32>} : memref<40x128xf32, #tpu.memory_space<vmem>>, vector<1x16xf32>,
          %add3A_461 = arith.constant 40 : i32
          %add3A_462 = arith.addi %add3A_461, %add3A_418 : i32
          %get3A_463 = arith.index_cast %add3A_462 : i32 to index
          %get3A_464 = arith.constant 64 : index
          %get3A_465 = tpu.vector_load %arg7[%get3A_463, %get3A_464] {strides = array<i32>} : memref<200x128xf32, #tpu.memory_space<vmem>>, vector<1x16xf32>,
          %get3A_466 = vector.shape_cast %get3A_465 : vector<1x16xf32> to vector<16xf32>
          %swap3A_467 = arith.index_cast %add3A_418 : i32 to index
          %swap3A_468 = arith.constant 64 : index
          %swap3A_469 = tpu.vector_load %arg14[%swap3A_467, %swap3A_468] {strides = array<i32>} : memref<40x128xf32, #tpu.memory_space<vmem>>, vector<1x16xf32>,
          %swap3A_470 = vector.shape_cast %swap3A_469 : vector<1x16xf32> to vector<16xf32>
          %swap3A_471 = vector.shape_cast %get3A_466 : vector<16xf32> to vector<1x16xf32>
          tpu.vector_store %arg14[%swap3A_467, %swap3A_468], %swap3A_471 {strides = array<i32>} : memref<40x128xf32, #tpu.memory_space<vmem>>, vector<1x16xf32>,
          %add3A_472 = arith.constant 40 : i32
          %add3A_473 = arith.addi %add3A_472, %add3A_418 : i32
          %get3A_474 = arith.index_cast %add3A_473 : i32 to index
          %get3A_475 = arith.constant 80 : index
          %get3A_476 = tpu.vector_load %arg7[%get3A_474, %get3A_475] {strides = array<i32>} : memref<200x128xf32, #tpu.memory_space<vmem>>, vector<1x16xf32>,
          %get3A_477 = vector.shape_cast %get3A_476 : vector<1x16xf32> to vector<16xf32>
          %swap3A_478 = arith.index_cast %add3A_418 : i32 to index
          %swap3A_479 = arith.constant 80 : index
          %swap3A_480 = tpu.vector_load %arg14[%swap3A_478, %swap3A_479] {strides = array<i32>} : memref<40x128xf32, #tpu.memory_space<vmem>>, vector<1x16xf32>,
          %swap3A_481 = vector.shape_cast %swap3A_480 : vector<1x16xf32> to vector<16xf32>
          %swap3A_482 = vector.shape_cast %get3A_477 : vector<16xf32> to vector<1x16xf32>
          tpu.vector_store %arg14[%swap3A_478, %swap3A_479], %swap3A_482 {strides = array<i32>} : memref<40x128xf32, #tpu.memory_space<vmem>>, vector<1x16xf32>,
          %add3A_483 = arith.constant 40 : i32
          %add3A_484 = arith.addi %add3A_483, %add3A_418 : i32
          %get3A_485 = arith.index_cast %add3A_484 : i32 to index
          %get3A_486 = arith.constant 96 : index
          %get3A_487 = tpu.vector_load %arg7[%get3A_485, %get3A_486] {strides = array<i32>} : memref<200x128xf32, #tpu.memory_space<vmem>>, vector<1x16xf32>,
          %get3A_488 = vector.shape_cast %get3A_487 : vector<1x16xf32> to vector<16xf32>
          %swap3A_489 = arith.index_cast %add3A_418 : i32 to index
          %swap3A_490 = arith.constant 96 : index
          %swap3A_491 = tpu.vector_load %arg14[%swap3A_489, %swap3A_490] {strides = array<i32>} : memref<40x128xf32, #tpu.memory_space<vmem>>, vector<1x16xf32>,
          %swap3A_492 = vector.shape_cast %swap3A_491 : vector<1x16xf32> to vector<16xf32>
          %swap3A_493 = vector.shape_cast %get3A_488 : vector<16xf32> to vector<1x16xf32>
          tpu.vector_store %arg14[%swap3A_489, %swap3A_490], %swap3A_493 {strides = array<i32>} : memref<40x128xf32, #tpu.memory_space<vmem>>, vector<1x16xf32>,
          %add3A_494 = arith.constant 40 : i32
          %add3A_495 = arith.addi %add3A_494, %add3A_418 : i32
          %get3A_496 = arith.index_cast %add3A_495 : i32 to index
          %get3A_497 = arith.constant 112 : index
          %get3A_498 = tpu.vector_load %arg7[%get3A_496, %get3A_497] {strides = array<i32>} : memref<200x128xf32, #tpu.memory_space<vmem>>, vector<1x16xf32>,
          %get3A_499 = vector.shape_cast %get3A_498 : vector<1x16xf32> to vector<16xf32>
          %swap3A_500 = arith.index_cast %add3A_418 : i32 to index
          %swap3A_501 = arith.constant 112 : index
          %swap3A_502 = tpu.vector_load %arg14[%swap3A_500, %swap3A_501] {strides = array<i32>} : memref<40x128xf32, #tpu.memory_space<vmem>>, vector<1x16xf32>,
          %swap3A_503 = vector.shape_cast %swap3A_502 : vector<1x16xf32> to vector<16xf32>
          %swap3A_504 = vector.shape_cast %get3A_499 : vector<16xf32> to vector<1x16xf32>
          tpu.vector_store %arg14[%swap3A_500, %swap3A_501], %swap3A_504 {strides = array<i32>} : memref<40x128xf32, #tpu.memory_space<vmem>>, vector<1x16xf32>,
          %mul3A_505 = arith.constant 2 : i32
          %mul3A_506 = arith.muli %mul3A_505, %scan3A_414 : i32
          %add3A_507 = arith.constant 1 : i32
          %add3A_508 = arith.addi %mul3A_506, %add3A_507 : i32
          %add3A_509 = arith.constant 40 : i32
          %add3A_510 = arith.addi %add3A_509, %add3A_508 : i32
          %get3A_511 = arith.index_cast %add3A_510 : i32 to index
          %get3A_512 = arith.constant 0 : index
          %get3A_513 = tpu.vector_load %arg7[%get3A_511, %get3A_512] {strides = array<i32>} : memref<200x128xf32, #tpu.memory_space<vmem>>, vector<1x16xf32>,
          %get3A_514 = vector.shape_cast %get3A_513 : vector<1x16xf32> to vector<16xf32>
          %swap3A_515 = arith.index_cast %add3A_508 : i32 to index
          %swap3A_516 = arith.constant 0 : index
          %swap3A_517 = tpu.vector_load %arg14[%swap3A_515, %swap3A_516] {strides = array<i32>} : memref<40x128xf32, #tpu.memory_space<vmem>>, vector<1x16xf32>,
          %swap3A_518 = vector.shape_cast %swap3A_517 : vector<1x16xf32> to vector<16xf32>
          %swap3A_519 = vector.shape_cast %get3A_514 : vector<16xf32> to vector<1x16xf32>
          tpu.vector_store %arg14[%swap3A_515, %swap3A_516], %swap3A_519 {strides = array<i32>} : memref<40x128xf32, #tpu.memory_space<vmem>>, vector<1x16xf32>,
          %add3A_520 = arith.constant 40 : i32
          %add3A_521 = arith.addi %add3A_520, %add3A_508 : i32
          %get3A_522 = arith.index_cast %add3A_521 : i32 to index
          %get3A_523 = arith.constant 16 : index
          %get3A_524 = tpu.vector_load %arg7[%get3A_522, %get3A_523] {strides = array<i32>} : memref<200x128xf32, #tpu.memory_space<vmem>>, vector<1x16xf32>,
          %get3A_525 = vector.shape_cast %get3A_524 : vector<1x16xf32> to vector<16xf32>
          %swap3A_526 = arith.index_cast %add3A_508 : i32 to index
          %swap3A_527 = arith.constant 16 : index
          %swap3A_528 = tpu.vector_load %arg14[%swap3A_526, %swap3A_527] {strides = array<i32>} : memref<40x128xf32, #tpu.memory_space<vmem>>, vector<1x16xf32>,
          %swap3A_529 = vector.shape_cast %swap3A_528 : vector<1x16xf32> to vector<16xf32>
          %swap3A_530 = vector.shape_cast %get3A_525 : vector<16xf32> to vector<1x16xf32>
          tpu.vector_store %arg14[%swap3A_526, %swap3A_527], %swap3A_530 {strides = array<i32>} : memref<40x128xf32, #tpu.memory_space<vmem>>, vector<1x16xf32>,
          %add3A_531 = arith.constant 40 : i32
          %add3A_532 = arith.addi %add3A_531, %add3A_508 : i32
          %get3A_533 = arith.index_cast %add3A_532 : i32 to index
          %get3A_534 = arith.constant 32 : index
          %get3A_535 = tpu.vector_load %arg7[%get3A_533, %get3A_534] {strides = array<i32>} : memref<200x128xf32, #tpu.memory_space<vmem>>, vector<1x16xf32>,
          %get3A_536 = vector.shape_cast %get3A_535 : vector<1x16xf32> to vector<16xf32>
          %swap3A_537 = arith.index_cast %add3A_508 : i32 to index
          %swap3A_538 = arith.constant 32 : index
          %swap3A_539 = tpu.vector_load %arg14[%swap3A_537, %swap3A_538] {strides = array<i32>} : memref<40x128xf32, #tpu.memory_space<vmem>>, vector<1x16xf32>,
          %swap3A_540 = vector.shape_cast %swap3A_539 : vector<1x16xf32> to vector<16xf32>
          %swap3A_541 = vector.shape_cast %get3A_536 : vector<16xf32> to vector<1x16xf32>
          tpu.vector_store %arg14[%swap3A_537, %swap3A_538], %swap3A_541 {strides = array<i32>} : memref<40x128xf32, #tpu.memory_space<vmem>>, vector<1x16xf32>,
          %add3A_542 = arith.constant 40 : i32
          %add3A_543 = arith.addi %add3A_542, %add3A_508 : i32
          %get3A_544 = arith.index_cast %add3A_543 : i32 to index
          %get3A_545 = arith.constant 48 : index
          %get3A_546 = tpu.vector_load %arg7[%get3A_544, %get3A_545] {strides = array<i32>} : memref<200x128xf32, #tpu.memory_space<vmem>>, vector<1x16xf32>,
          %get3A_547 = vector.shape_cast %get3A_546 : vector<1x16xf32> to vector<16xf32>
          %swap3A_548 = arith.index_cast %add3A_508 : i32 to index
          %swap3A_549 = arith.constant 48 : index
          %swap3A_550 = tpu.vector_load %arg14[%swap3A_548, %swap3A_549] {strides = array<i32>} : memref<40x128xf32, #tpu.memory_space<vmem>>, vector<1x16xf32>,
          %swap3A_551 = vector.shape_cast %swap3A_550 : vector<1x16xf32> to vector<16xf32>
          %swap3A_552 = vector.shape_cast %get3A_547 : vector<16xf32> to vector<1x16xf32>
          tpu.vector_store %arg14[%swap3A_548, %swap3A_549], %swap3A_552 {strides = array<i32>} : memref<40x128xf32, #tpu.memory_space<vmem>>, vector<1x16xf32>,
          %add3A_553 = arith.constant 40 : i32
          %add3A_554 = arith.addi %add3A_553, %add3A_508 : i32
          %get3A_555 = arith.index_cast %add3A_554 : i32 to index
          %get3A_556 = arith.constant 64 : index
          %get3A_557 = tpu.vector_load %arg7[%get3A_555, %get3A_556] {strides = array<i32>} : memref<200x128xf32, #tpu.memory_space<vmem>>, vector<1x16xf32>,
          %get3A_558 = vector.shape_cast %get3A_557 : vector<1x16xf32> to vector<16xf32>
          %swap3A_559 = arith.index_cast %add3A_508 : i32 to index
          %swap3A_560 = arith.constant 64 : index
          %swap3A_561 = tpu.vector_load %arg14[%swap3A_559, %swap3A_560] {strides = array<i32>} : memref<40x128xf32, #tpu.memory_space<vmem>>, vector<1x16xf32>,
          %swap3A_562 = vector.shape_cast %swap3A_561 : vector<1x16xf32> to vector<16xf32>
          %swap3A_563 = vector.shape_cast %get3A_558 : vector<16xf32> to vector<1x16xf32>
          tpu.vector_store %arg14[%swap3A_559, %swap3A_560], %swap3A_563 {strides = array<i32>} : memref<40x128xf32, #tpu.memory_space<vmem>>, vector<1x16xf32>,
          %add3A_564 = arith.constant 40 : i32
          %add3A_565 = arith.addi %add3A_564, %add3A_508 : i32
          %get3A_566 = arith.index_cast %add3A_565 : i32 to index
          %get3A_567 = arith.constant 80 : index
          %get3A_568 = tpu.vector_load %arg7[%get3A_566, %get3A_567] {strides = array<i32>} : memref<200x128xf32, #tpu.memory_space<vmem>>, vector<1x16xf32>,
          %get3A_569 = vector.shape_cast %get3A_568 : vector<1x16xf32> to vector<16xf32>
          %swap3A_570 = arith.index_cast %add3A_508 : i32 to index
          %swap3A_571 = arith.constant 80 : index
          %swap3A_572 = tpu.vector_load %arg14[%swap3A_570, %swap3A_571] {strides = array<i32>} : memref<40x128xf32, #tpu.memory_space<vmem>>, vector<1x16xf32>,
          %swap3A_573 = vector.shape_cast %swap3A_572 : vector<1x16xf32> to vector<16xf32>
          %swap3A_574 = vector.shape_cast %get3A_569 : vector<16xf32> to vector<1x16xf32>
          tpu.vector_store %arg14[%swap3A_570, %swap3A_571], %swap3A_574 {strides = array<i32>} : memref<40x128xf32, #tpu.memory_space<vmem>>, vector<1x16xf32>,
          %add3A_575 = arith.constant 40 : i32
          %add3A_576 = arith.addi %add3A_575, %add3A_508 : i32
          %get3A_577 = arith.index_cast %add3A_576 : i32 to index
          %get3A_578 = arith.constant 96 : index
          %get3A_579 = tpu.vector_load %arg7[%get3A_577, %get3A_578] {strides = array<i32>} : memref<200x128xf32, #tpu.memory_space<vmem>>, vector<1x16xf32>,
          %get3A_580 = vector.shape_cast %get3A_579 : vector<1x16xf32> to vector<16xf32>
          %swap3A_581 = arith.index_cast %add3A_508 : i32 to index
          %swap3A_582 = arith.constant 96 : index
          %swap3A_583 = tpu.vector_load %arg14[%swap3A_581, %swap3A_582] {strides = array<i32>} : memref<40x128xf32, #tpu.memory_space<vmem>>, vector<1x16xf32>,
          %swap3A_584 = vector.shape_cast %swap3A_583 : vector<1x16xf32> to vector<16xf32>
          %swap3A_585 = vector.shape_cast %get3A_580 : vector<16xf32> to vector<1x16xf32>
          tpu.vector_store %arg14[%swap3A_581, %swap3A_582], %swap3A_585 {strides = array<i32>} : memref<40x128xf32, #tpu.memory_space<vmem>>, vector<1x16xf32>,
          %add3A_586 = arith.constant 40 : i32
          %add3A_587 = arith.addi %add3A_586, %add3A_508 : i32
          %get3A_588 = arith.index_cast %add3A_587 : i32 to index
          %get3A_589 = arith.constant 112 : index
          %get3A_590 = tpu.vector_load %arg7[%get3A_588, %get3A_589] {strides = array<i32>} : memref<200x128xf32, #tpu.memory_space<vmem>>, vector<1x16xf32>,
          %get3A_591 = vector.shape_cast %get3A_590 : vector<1x16xf32> to vector<16xf32>
          %swap3A_592 = arith.index_cast %add3A_508 : i32 to index
          %swap3A_593 = arith.constant 112 : index
          %swap3A_594 = tpu.vector_load %arg14[%swap3A_592, %swap3A_593] {strides = array<i32>} : memref<40x128xf32, #tpu.memory_space<vmem>>, vector<1x16xf32>,
          %swap3A_595 = vector.shape_cast %swap3A_594 : vector<1x16xf32> to vector<16xf32>
          %swap3A_596 = vector.shape_cast %get3A_591 : vector<16xf32> to vector<1x16xf32>
          tpu.vector_store %arg14[%swap3A_592, %swap3A_593], %swap3A_596 {strides = array<i32>} : memref<40x128xf32, #tpu.memory_space<vmem>>, vector<1x16xf32>,
        }
        %scan3A_407 = arith.constant 20 : i32
        %mul3A_408 = arith.constant 40 : i32
        %mul3A_409 = arith.muli %sub3A_401, %mul3A_408 : i32
        %dma_start3A_410 = tpu.memref_slice %arg6[%mul3A_409] : memref<6400xi32, #tpu.memory_space<vmem>> -> memref<40xi32, #tpu.memory_space<vmem>>
        %dma_start3A_411 = arith.constant 0 : i32
        %dma_start3A_412 = arith.constant 0 : i32
        %dma_start3A_413 = tpu.memref_slice %arg2[%dma_start3A_411, %dma_start3A_412] : memref<100000x128xf32, #tpu.memory_space<hbm>> -> memref<100000x128xf32, #tpu.memory_space<hbm>>
        tpu.enqueue_indirect_dma source(%dma_start3A_413 : memref<100000x128xf32, #tpu.memory_space<hbm>>) target(%arg14 : memref<40x128xf32, #tpu.memory_space<vmem>>) offsets(%dma_start3A_410 : memref<40xi32, #tpu.memory_space<vmem>>) semaphore(%arg24 : memref<!tpu.dma_semaphore, #tpu.memory_space<semaphore_mem>>) {add = true}
      } else {
      }
      %mul3A_346 = arith.constant 10 : i32
      %mul3A_347 = arith.muli %mul3A_346, %scan3A_169 : i32
      %add3A_348 = arith.constant 8 : i32
      %add3A_349 = arith.addi %mul3A_347, %add3A_348 : i32
      %mul3A_350 = arith.constant 40 : i32
      %mul3A_351 = arith.muli %add3A_349, %mul3A_350 : i32
      %dma_wait3A_352 = tpu.memref_slice %arg6[%mul3A_351] : memref<6400xi32, #tpu.memory_space<vmem>> -> memref<40xi32, #tpu.memory_space<vmem>>
      %dma_wait3A_353 = arith.constant 0 : i32
      %dma_wait3A_354 = arith.constant 0 : i32
      %dma_wait3A_355 = tpu.memref_slice %arg2[%dma_wait3A_353, %dma_wait3A_354] : memref<100000x128xf32, #tpu.memory_space<hbm>> -> memref<100000x128xf32, #tpu.memory_space<hbm>>
      tpu.wait_indirect_dma semaphore(%arg26 : memref<!tpu.dma_semaphore, #tpu.memory_space<semaphore_mem>>) src(%dma_wait3A_355 : memref<100000x128xf32, #tpu.memory_space<hbm>>) dst(%arg16 : memref<40x128xf32, #tpu.memory_space<vmem>>)
      %mul3A_356 = arith.constant 40 : i32
      %mul3A_357 = arith.muli %add3A_349, %mul3A_356 : i32
      %add3A_358 = arith.addi %mul3A_2, %mul3A_357 : i32
      %dma_start3A_359 = arith.constant 0 : i32
      %dma_start3A_360 = tpu.memref_slice %arg5[%add3A_358, %dma_start3A_359] : memref<204800x128xf32, #tpu.memory_space<hbm>> -> memref<40x128xf32, #tpu.memory_space<hbm>>
      %dma_start3A_361 = arith.constant 0 : i32
      %dma_start3A_362 = tpu.memref_slice %arg5[%add3A_358, %dma_start3A_361] : memref<204800x128xf32, #tpu.memory_space<hbm>> -> memref<40x128xf32, #tpu.memory_space<hbm>>
      tpu.enqueue_dma source(%arg16 : memref<40x128xf32, #tpu.memory_space<vmem>>) target(%dma_start3A_362 : memref<40x128xf32, #tpu.memory_space<hbm>>) target_semaphore(%arg36 : memref<!tpu.dma_semaphore, #tpu.memory_space<semaphore_mem>>)
      %lt3A_363 = arith.constant 15 : i32
      %lt3A_364 = arith.cmpi slt, %scan3A_169, %lt3A_363 : i32
      %convert_element_type3A_365 = arith.extui %lt3A_364 : i1 to i32
      %cond3A_366 = arith.constant 0 : i32
      %cond3A_367 = arith.cmpi ne, %convert_element_type3A_365, %cond3A_366 : i32
      scf.if %cond3A_367 {
        %sub3A = arith.constant 1 : i32
        %sub3A_390 = arith.subi %add3A_349, %sub3A : i32
        %mul3A_391 = arith.constant 40 : i32
        %mul3A_392 = arith.muli %sub3A_390, %mul3A_391 : i32
        %add3A_393 = arith.addi %mul3A_2, %mul3A_392 : i32
        %dma_wait3A_394 = arith.constant 0 : i32
        %dma_wait3A_395 = tpu.memref_slice %arg5[%add3A_393, %dma_wait3A_394] : memref<204800x128xf32, #tpu.memory_space<hbm>> -> memref<40x128xf32, #tpu.memory_space<hbm>>
        %dma_wait3A_396 = arith.constant 0 : i32
        %dma_wait3A_397 = tpu.memref_slice %arg5[%add3A_393, %dma_wait3A_396] : memref<204800x128xf32, #tpu.memory_space<hbm>> -> memref<40x128xf32, #tpu.memory_space<hbm>>
        tpu.wait_dma2 semaphore(%arg35 : memref<!tpu.dma_semaphore, #tpu.memory_space<semaphore_mem>>) src(%arg15 : memref<40x128xf32, #tpu.memory_space<vmem>>) dst(%dma_wait3A_397 : memref<40x128xf32, #tpu.memory_space<hbm>>)
        %add3A_398 = arith.constant 10 : i32
        %add3A_399 = arith.addi %add3A_349, %add3A_398 : i32
        %sub3A_400 = arith.constant 1 : i32
        %sub3A_401 = arith.subi %add3A_399, %sub3A_400 : i32
        %scan3A_402 = arith.constant 0 : i32
        %scan3A_403 = arith.constant 0 : i32
        %scan3A_404 = arith.constant 20 : i32
        %scan3A_405 = arith.addi %scan3A_403, %scan3A_404 : i32
        %scan3A_406 = arith.constant 1 : i32
        scf.for %scan3A_414 = %scan3A_403 to %scan3A_405 step %scan3A_406  : i32 {
          %mul3A_415 = arith.constant 2 : i32
          %mul3A_416 = arith.muli %mul3A_415, %scan3A_414 : i32
          %add3A_417 = arith.constant 0 : i32
          %add3A_418 = arith.addi %mul3A_416, %add3A_417 : i32
          %add3A_419 = arith.constant 80 : i32
          %add3A_420 = arith.addi %add3A_419, %add3A_418 : i32
          %get3A = arith.index_cast %add3A_420 : i32 to index
          %get3A_421 = arith.constant 0 : index
          %get3A_422 = tpu.vector_load %arg7[%get3A, %get3A_421] {strides = array<i32>} : memref<200x128xf32, #tpu.memory_space<vmem>>, vector<1x16xf32>,
          %get3A_423 = vector.shape_cast %get3A_422 : vector<1x16xf32> to vector<16xf32>
          %swap3A = arith.index_cast %add3A_418 : i32 to index
          %swap3A_424 = arith.constant 0 : index
          %swap3A_425 = tpu.vector_load %arg15[%swap3A, %swap3A_424] {strides = array<i32>} : memref<40x128xf32, #tpu.memory_space<vmem>>, vector<1x16xf32>,
          %swap3A_426 = vector.shape_cast %swap3A_425 : vector<1x16xf32> to vector<16xf32>
          %swap3A_427 = vector.shape_cast %get3A_423 : vector<16xf32> to vector<1x16xf32>
          tpu.vector_store %arg15[%swap3A, %swap3A_424], %swap3A_427 {strides = array<i32>} : memref<40x128xf32, #tpu.memory_space<vmem>>, vector<1x16xf32>,
          %add3A_428 = arith.constant 80 : i32
          %add3A_429 = arith.addi %add3A_428, %add3A_418 : i32
          %get3A_430 = arith.index_cast %add3A_429 : i32 to index
          %get3A_431 = arith.constant 16 : index
          %get3A_432 = tpu.vector_load %arg7[%get3A_430, %get3A_431] {strides = array<i32>} : memref<200x128xf32, #tpu.memory_space<vmem>>, vector<1x16xf32>,
          %get3A_433 = vector.shape_cast %get3A_432 : vector<1x16xf32> to vector<16xf32>
          %swap3A_434 = arith.index_cast %add3A_418 : i32 to index
          %swap3A_435 = arith.constant 16 : index
          %swap3A_436 = tpu.vector_load %arg15[%swap3A_434, %swap3A_435] {strides = array<i32>} : memref<40x128xf32, #tpu.memory_space<vmem>>, vector<1x16xf32>,
          %swap3A_437 = vector.shape_cast %swap3A_436 : vector<1x16xf32> to vector<16xf32>
          %swap3A_438 = vector.shape_cast %get3A_433 : vector<16xf32> to vector<1x16xf32>
          tpu.vector_store %arg15[%swap3A_434, %swap3A_435], %swap3A_438 {strides = array<i32>} : memref<40x128xf32, #tpu.memory_space<vmem>>, vector<1x16xf32>,
          %add3A_439 = arith.constant 80 : i32
          %add3A_440 = arith.addi %add3A_439, %add3A_418 : i32
          %get3A_441 = arith.index_cast %add3A_440 : i32 to index
          %get3A_442 = arith.constant 32 : index
          %get3A_443 = tpu.vector_load %arg7[%get3A_441, %get3A_442] {strides = array<i32>} : memref<200x128xf32, #tpu.memory_space<vmem>>, vector<1x16xf32>,
          %get3A_444 = vector.shape_cast %get3A_443 : vector<1x16xf32> to vector<16xf32>
          %swap3A_445 = arith.index_cast %add3A_418 : i32 to index
          %swap3A_446 = arith.constant 32 : index
          %swap3A_447 = tpu.vector_load %arg15[%swap3A_445, %swap3A_446] {strides = array<i32>} : memref<40x128xf32, #tpu.memory_space<vmem>>, vector<1x16xf32>,
          %swap3A_448 = vector.shape_cast %swap3A_447 : vector<1x16xf32> to vector<16xf32>
          %swap3A_449 = vector.shape_cast %get3A_444 : vector<16xf32> to vector<1x16xf32>
          tpu.vector_store %arg15[%swap3A_445, %swap3A_446], %swap3A_449 {strides = array<i32>} : memref<40x128xf32, #tpu.memory_space<vmem>>, vector<1x16xf32>,
          %add3A_450 = arith.constant 80 : i32
          %add3A_451 = arith.addi %add3A_450, %add3A_418 : i32
          %get3A_452 = arith.index_cast %add3A_451 : i32 to index
          %get3A_453 = arith.constant 48 : index
          %get3A_454 = tpu.vector_load %arg7[%get3A_452, %get3A_453] {strides = array<i32>} : memref<200x128xf32, #tpu.memory_space<vmem>>, vector<1x16xf32>,
          %get3A_455 = vector.shape_cast %get3A_454 : vector<1x16xf32> to vector<16xf32>
          %swap3A_456 = arith.index_cast %add3A_418 : i32 to index
          %swap3A_457 = arith.constant 48 : index
          %swap3A_458 = tpu.vector_load %arg15[%swap3A_456, %swap3A_457] {strides = array<i32>} : memref<40x128xf32, #tpu.memory_space<vmem>>, vector<1x16xf32>,
          %swap3A_459 = vector.shape_cast %swap3A_458 : vector<1x16xf32> to vector<16xf32>
          %swap3A_460 = vector.shape_cast %get3A_455 : vector<16xf32> to vector<1x16xf32>
          tpu.vector_store %arg15[%swap3A_456, %swap3A_457], %swap3A_460 {strides = array<i32>} : memref<40x128xf32, #tpu.memory_space<vmem>>, vector<1x16xf32>,
          %add3A_461 = arith.constant 80 : i32
          %add3A_462 = arith.addi %add3A_461, %add3A_418 : i32
          %get3A_463 = arith.index_cast %add3A_462 : i32 to index
          %get3A_464 = arith.constant 64 : index
          %get3A_465 = tpu.vector_load %arg7[%get3A_463, %get3A_464] {strides = array<i32>} : memref<200x128xf32, #tpu.memory_space<vmem>>, vector<1x16xf32>,
          %get3A_466 = vector.shape_cast %get3A_465 : vector<1x16xf32> to vector<16xf32>
          %swap3A_467 = arith.index_cast %add3A_418 : i32 to index
          %swap3A_468 = arith.constant 64 : index
          %swap3A_469 = tpu.vector_load %arg15[%swap3A_467, %swap3A_468] {strides = array<i32>} : memref<40x128xf32, #tpu.memory_space<vmem>>, vector<1x16xf32>,
          %swap3A_470 = vector.shape_cast %swap3A_469 : vector<1x16xf32> to vector<16xf32>
          %swap3A_471 = vector.shape_cast %get3A_466 : vector<16xf32> to vector<1x16xf32>
          tpu.vector_store %arg15[%swap3A_467, %swap3A_468], %swap3A_471 {strides = array<i32>} : memref<40x128xf32, #tpu.memory_space<vmem>>, vector<1x16xf32>,
          %add3A_472 = arith.constant 80 : i32
          %add3A_473 = arith.addi %add3A_472, %add3A_418 : i32
          %get3A_474 = arith.index_cast %add3A_473 : i32 to index
          %get3A_475 = arith.constant 80 : index
          %get3A_476 = tpu.vector_load %arg7[%get3A_474, %get3A_475] {strides = array<i32>} : memref<200x128xf32, #tpu.memory_space<vmem>>, vector<1x16xf32>,
          %get3A_477 = vector.shape_cast %get3A_476 : vector<1x16xf32> to vector<16xf32>
          %swap3A_478 = arith.index_cast %add3A_418 : i32 to index
          %swap3A_479 = arith.constant 80 : index
          %swap3A_480 = tpu.vector_load %arg15[%swap3A_478, %swap3A_479] {strides = array<i32>} : memref<40x128xf32, #tpu.memory_space<vmem>>, vector<1x16xf32>,
          %swap3A_481 = vector.shape_cast %swap3A_480 : vector<1x16xf32> to vector<16xf32>
          %swap3A_482 = vector.shape_cast %get3A_477 : vector<16xf32> to vector<1x16xf32>
          tpu.vector_store %arg15[%swap3A_478, %swap3A_479], %swap3A_482 {strides = array<i32>} : memref<40x128xf32, #tpu.memory_space<vmem>>, vector<1x16xf32>,
          %add3A_483 = arith.constant 80 : i32
          %add3A_484 = arith.addi %add3A_483, %add3A_418 : i32
          %get3A_485 = arith.index_cast %add3A_484 : i32 to index
          %get3A_486 = arith.constant 96 : index
          %get3A_487 = tpu.vector_load %arg7[%get3A_485, %get3A_486] {strides = array<i32>} : memref<200x128xf32, #tpu.memory_space<vmem>>, vector<1x16xf32>,
          %get3A_488 = vector.shape_cast %get3A_487 : vector<1x16xf32> to vector<16xf32>
          %swap3A_489 = arith.index_cast %add3A_418 : i32 to index
          %swap3A_490 = arith.constant 96 : index
          %swap3A_491 = tpu.vector_load %arg15[%swap3A_489, %swap3A_490] {strides = array<i32>} : memref<40x128xf32, #tpu.memory_space<vmem>>, vector<1x16xf32>,
          %swap3A_492 = vector.shape_cast %swap3A_491 : vector<1x16xf32> to vector<16xf32>
          %swap3A_493 = vector.shape_cast %get3A_488 : vector<16xf32> to vector<1x16xf32>
          tpu.vector_store %arg15[%swap3A_489, %swap3A_490], %swap3A_493 {strides = array<i32>} : memref<40x128xf32, #tpu.memory_space<vmem>>, vector<1x16xf32>,
          %add3A_494 = arith.constant 80 : i32
          %add3A_495 = arith.addi %add3A_494, %add3A_418 : i32
          %get3A_496 = arith.index_cast %add3A_495 : i32 to index
          %get3A_497 = arith.constant 112 : index
          %get3A_498 = tpu.vector_load %arg7[%get3A_496, %get3A_497] {strides = array<i32>} : memref<200x128xf32, #tpu.memory_space<vmem>>, vector<1x16xf32>,
          %get3A_499 = vector.shape_cast %get3A_498 : vector<1x16xf32> to vector<16xf32>
          %swap3A_500 = arith.index_cast %add3A_418 : i32 to index
          %swap3A_501 = arith.constant 112 : index
          %swap3A_502 = tpu.vector_load %arg15[%swap3A_500, %swap3A_501] {strides = array<i32>} : memref<40x128xf32, #tpu.memory_space<vmem>>, vector<1x16xf32>,
          %swap3A_503 = vector.shape_cast %swap3A_502 : vector<1x16xf32> to vector<16xf32>
          %swap3A_504 = vector.shape_cast %get3A_499 : vector<16xf32> to vector<1x16xf32>
          tpu.vector_store %arg15[%swap3A_500, %swap3A_501], %swap3A_504 {strides = array<i32>} : memref<40x128xf32, #tpu.memory_space<vmem>>, vector<1x16xf32>,
          %mul3A_505 = arith.constant 2 : i32
          %mul3A_506 = arith.muli %mul3A_505, %scan3A_414 : i32
          %add3A_507 = arith.constant 1 : i32
          %add3A_508 = arith.addi %mul3A_506, %add3A_507 : i32
          %add3A_509 = arith.constant 80 : i32
          %add3A_510 = arith.addi %add3A_509, %add3A_508 : i32
          %get3A_511 = arith.index_cast %add3A_510 : i32 to index
          %get3A_512 = arith.constant 0 : index
          %get3A_513 = tpu.vector_load %arg7[%get3A_511, %get3A_512] {strides = array<i32>} : memref<200x128xf32, #tpu.memory_space<vmem>>, vector<1x16xf32>,
          %get3A_514 = vector.shape_cast %get3A_513 : vector<1x16xf32> to vector<16xf32>
          %swap3A_515 = arith.index_cast %add3A_508 : i32 to index
          %swap3A_516 = arith.constant 0 : index
          %swap3A_517 = tpu.vector_load %arg15[%swap3A_515, %swap3A_516] {strides = array<i32>} : memref<40x128xf32, #tpu.memory_space<vmem>>, vector<1x16xf32>,
          %swap3A_518 = vector.shape_cast %swap3A_517 : vector<1x16xf32> to vector<16xf32>
          %swap3A_519 = vector.shape_cast %get3A_514 : vector<16xf32> to vector<1x16xf32>
          tpu.vector_store %arg15[%swap3A_515, %swap3A_516], %swap3A_519 {strides = array<i32>} : memref<40x128xf32, #tpu.memory_space<vmem>>, vector<1x16xf32>,
          %add3A_520 = arith.constant 80 : i32
          %add3A_521 = arith.addi %add3A_520, %add3A_508 : i32
          %get3A_522 = arith.index_cast %add3A_521 : i32 to index
          %get3A_523 = arith.constant 16 : index
          %get3A_524 = tpu.vector_load %arg7[%get3A_522, %get3A_523] {strides = array<i32>} : memref<200x128xf32, #tpu.memory_space<vmem>>, vector<1x16xf32>,
          %get3A_525 = vector.shape_cast %get3A_524 : vector<1x16xf32> to vector<16xf32>
          %swap3A_526 = arith.index_cast %add3A_508 : i32 to index
          %swap3A_527 = arith.constant 16 : index
          %swap3A_528 = tpu.vector_load %arg15[%swap3A_526, %swap3A_527] {strides = array<i32>} : memref<40x128xf32, #tpu.memory_space<vmem>>, vector<1x16xf32>,
          %swap3A_529 = vector.shape_cast %swap3A_528 : vector<1x16xf32> to vector<16xf32>
          %swap3A_530 = vector.shape_cast %get3A_525 : vector<16xf32> to vector<1x16xf32>
          tpu.vector_store %arg15[%swap3A_526, %swap3A_527], %swap3A_530 {strides = array<i32>} : memref<40x128xf32, #tpu.memory_space<vmem>>, vector<1x16xf32>,
          %add3A_531 = arith.constant 80 : i32
          %add3A_532 = arith.addi %add3A_531, %add3A_508 : i32
          %get3A_533 = arith.index_cast %add3A_532 : i32 to index
          %get3A_534 = arith.constant 32 : index
          %get3A_535 = tpu.vector_load %arg7[%get3A_533, %get3A_534] {strides = array<i32>} : memref<200x128xf32, #tpu.memory_space<vmem>>, vector<1x16xf32>,
          %get3A_536 = vector.shape_cast %get3A_535 : vector<1x16xf32> to vector<16xf32>
          %swap3A_537 = arith.index_cast %add3A_508 : i32 to index
          %swap3A_538 = arith.constant 32 : index
          %swap3A_539 = tpu.vector_load %arg15[%swap3A_537, %swap3A_538] {strides = array<i32>} : memref<40x128xf32, #tpu.memory_space<vmem>>, vector<1x16xf32>,
          %swap3A_540 = vector.shape_cast %swap3A_539 : vector<1x16xf32> to vector<16xf32>
          %swap3A_541 = vector.shape_cast %get3A_536 : vector<16xf32> to vector<1x16xf32>
          tpu.vector_store %arg15[%swap3A_537, %swap3A_538], %swap3A_541 {strides = array<i32>} : memref<40x128xf32, #tpu.memory_space<vmem>>, vector<1x16xf32>,
          %add3A_542 = arith.constant 80 : i32
          %add3A_543 = arith.addi %add3A_542, %add3A_508 : i32
          %get3A_544 = arith.index_cast %add3A_543 : i32 to index
          %get3A_545 = arith.constant 48 : index
          %get3A_546 = tpu.vector_load %arg7[%get3A_544, %get3A_545] {strides = array<i32>} : memref<200x128xf32, #tpu.memory_space<vmem>>, vector<1x16xf32>,
          %get3A_547 = vector.shape_cast %get3A_546 : vector<1x16xf32> to vector<16xf32>
          %swap3A_548 = arith.index_cast %add3A_508 : i32 to index
          %swap3A_549 = arith.constant 48 : index
          %swap3A_550 = tpu.vector_load %arg15[%swap3A_548, %swap3A_549] {strides = array<i32>} : memref<40x128xf32, #tpu.memory_space<vmem>>, vector<1x16xf32>,
          %swap3A_551 = vector.shape_cast %swap3A_550 : vector<1x16xf32> to vector<16xf32>
          %swap3A_552 = vector.shape_cast %get3A_547 : vector<16xf32> to vector<1x16xf32>
          tpu.vector_store %arg15[%swap3A_548, %swap3A_549], %swap3A_552 {strides = array<i32>} : memref<40x128xf32, #tpu.memory_space<vmem>>, vector<1x16xf32>,
          %add3A_553 = arith.constant 80 : i32
          %add3A_554 = arith.addi %add3A_553, %add3A_508 : i32
          %get3A_555 = arith.index_cast %add3A_554 : i32 to index
          %get3A_556 = arith.constant 64 : index
          %get3A_557 = tpu.vector_load %arg7[%get3A_555, %get3A_556] {strides = array<i32>} : memref<200x128xf32, #tpu.memory_space<vmem>>, vector<1x16xf32>,
          %get3A_558 = vector.shape_cast %get3A_557 : vector<1x16xf32> to vector<16xf32>
          %swap3A_559 = arith.index_cast %add3A_508 : i32 to index
          %swap3A_560 = arith.constant 64 : index
          %swap3A_561 = tpu.vector_load %arg15[%swap3A_559, %swap3A_560] {strides = array<i32>} : memref<40x128xf32, #tpu.memory_space<vmem>>, vector<1x16xf32>,
          %swap3A_562 = vector.shape_cast %swap3A_561 : vector<1x16xf32> to vector<16xf32>
          %swap3A_563 = vector.shape_cast %get3A_558 : vector<16xf32> to vector<1x16xf32>
          tpu.vector_store %arg15[%swap3A_559, %swap3A_560], %swap3A_563 {strides = array<i32>} : memref<40x128xf32, #tpu.memory_space<vmem>>, vector<1x16xf32>,
          %add3A_564 = arith.constant 80 : i32
          %add3A_565 = arith.addi %add3A_564, %add3A_508 : i32
          %get3A_566 = arith.index_cast %add3A_565 : i32 to index
          %get3A_567 = arith.constant 80 : index
          %get3A_568 = tpu.vector_load %arg7[%get3A_566, %get3A_567] {strides = array<i32>} : memref<200x128xf32, #tpu.memory_space<vmem>>, vector<1x16xf32>,
          %get3A_569 = vector.shape_cast %get3A_568 : vector<1x16xf32> to vector<16xf32>
          %swap3A_570 = arith.index_cast %add3A_508 : i32 to index
          %swap3A_571 = arith.constant 80 : index
          %swap3A_572 = tpu.vector_load %arg15[%swap3A_570, %swap3A_571] {strides = array<i32>} : memref<40x128xf32, #tpu.memory_space<vmem>>, vector<1x16xf32>,
          %swap3A_573 = vector.shape_cast %swap3A_572 : vector<1x16xf32> to vector<16xf32>
          %swap3A_574 = vector.shape_cast %get3A_569 : vector<16xf32> to vector<1x16xf32>
          tpu.vector_store %arg15[%swap3A_570, %swap3A_571], %swap3A_574 {strides = array<i32>} : memref<40x128xf32, #tpu.memory_space<vmem>>, vector<1x16xf32>,
          %add3A_575 = arith.constant 80 : i32
          %add3A_576 = arith.addi %add3A_575, %add3A_508 : i32
          %get3A_577 = arith.index_cast %add3A_576 : i32 to index
          %get3A_578 = arith.constant 96 : index
          %get3A_579 = tpu.vector_load %arg7[%get3A_577, %get3A_578] {strides = array<i32>} : memref<200x128xf32, #tpu.memory_space<vmem>>, vector<1x16xf32>,
          %get3A_580 = vector.shape_cast %get3A_579 : vector<1x16xf32> to vector<16xf32>
          %swap3A_581 = arith.index_cast %add3A_508 : i32 to index
          %swap3A_582 = arith.constant 96 : index
          %swap3A_583 = tpu.vector_load %arg15[%swap3A_581, %swap3A_582] {strides = array<i32>} : memref<40x128xf32, #tpu.memory_space<vmem>>, vector<1x16xf32>,
          %swap3A_584 = vector.shape_cast %swap3A_583 : vector<1x16xf32> to vector<16xf32>
          %swap3A_585 = vector.shape_cast %get3A_580 : vector<16xf32> to vector<1x16xf32>
          tpu.vector_store %arg15[%swap3A_581, %swap3A_582], %swap3A_585 {strides = array<i32>} : memref<40x128xf32, #tpu.memory_space<vmem>>, vector<1x16xf32>,
          %add3A_586 = arith.constant 80 : i32
          %add3A_587 = arith.addi %add3A_586, %add3A_508 : i32
          %get3A_588 = arith.index_cast %add3A_587 : i32 to index
          %get3A_589 = arith.constant 112 : index
          %get3A_590 = tpu.vector_load %arg7[%get3A_588, %get3A_589] {strides = array<i32>} : memref<200x128xf32, #tpu.memory_space<vmem>>, vector<1x16xf32>,
          %get3A_591 = vector.shape_cast %get3A_590 : vector<1x16xf32> to vector<16xf32>
          %swap3A_592 = arith.index_cast %add3A_508 : i32 to index
          %swap3A_593 = arith.constant 112 : index
          %swap3A_594 = tpu.vector_load %arg15[%swap3A_592, %swap3A_593] {strides = array<i32>} : memref<40x128xf32, #tpu.memory_space<vmem>>, vector<1x16xf32>,
          %swap3A_595 = vector.shape_cast %swap3A_594 : vector<1x16xf32> to vector<16xf32>
          %swap3A_596 = vector.shape_cast %get3A_591 : vector<16xf32> to vector<1x16xf32>
          tpu.vector_store %arg15[%swap3A_592, %swap3A_593], %swap3A_596 {strides = array<i32>} : memref<40x128xf32, #tpu.memory_space<vmem>>, vector<1x16xf32>,
        }
        %scan3A_407 = arith.constant 20 : i32
        %mul3A_408 = arith.constant 40 : i32
        %mul3A_409 = arith.muli %sub3A_401, %mul3A_408 : i32
        %dma_start3A_410 = tpu.memref_slice %arg6[%mul3A_409] : memref<6400xi32, #tpu.memory_space<vmem>> -> memref<40xi32, #tpu.memory_space<vmem>>
        %dma_start3A_411 = arith.constant 0 : i32
        %dma_start3A_412 = arith.constant 0 : i32
        %dma_start3A_413 = tpu.memref_slice %arg2[%dma_start3A_411, %dma_start3A_412] : memref<100000x128xf32, #tpu.memory_space<hbm>> -> memref<100000x128xf32, #tpu.memory_space<hbm>>
        tpu.enqueue_indirect_dma source(%dma_start3A_413 : memref<100000x128xf32, #tpu.memory_space<hbm>>) target(%arg15 : memref<40x128xf32, #tpu.memory_space<vmem>>) offsets(%dma_start3A_410 : memref<40xi32, #tpu.memory_space<vmem>>) semaphore(%arg25 : memref<!tpu.dma_semaphore, #tpu.memory_space<semaphore_mem>>) {add = true}
      } else {
      }
      %mul3A_368 = arith.constant 10 : i32
      %mul3A_369 = arith.muli %mul3A_368, %scan3A_169 : i32
      %add3A_370 = arith.constant 9 : i32
      %add3A_371 = arith.addi %mul3A_369, %add3A_370 : i32
      %mul3A_372 = arith.constant 40 : i32
      %mul3A_373 = arith.muli %add3A_371, %mul3A_372 : i32
      %dma_wait3A_374 = tpu.memref_slice %arg6[%mul3A_373] : memref<6400xi32, #tpu.memory_space<vmem>> -> memref<40xi32, #tpu.memory_space<vmem>>
      %dma_wait3A_375 = arith.constant 0 : i32
      %dma_wait3A_376 = arith.constant 0 : i32
      %dma_wait3A_377 = tpu.memref_slice %arg2[%dma_wait3A_375, %dma_wait3A_376] : memref<100000x128xf32, #tpu.memory_space<hbm>> -> memref<100000x128xf32, #tpu.memory_space<hbm>>
      tpu.wait_indirect_dma semaphore(%arg27 : memref<!tpu.dma_semaphore, #tpu.memory_space<semaphore_mem>>) src(%dma_wait3A_377 : memref<100000x128xf32, #tpu.memory_space<hbm>>) dst(%arg17 : memref<40x128xf32, #tpu.memory_space<vmem>>)
      %mul3A_378 = arith.constant 40 : i32
      %mul3A_379 = arith.muli %add3A_371, %mul3A_378 : i32
      %add3A_380 = arith.addi %mul3A_2, %mul3A_379 : i32
      %dma_start3A_381 = arith.constant 0 : i32
      %dma_start3A_382 = tpu.memref_slice %arg5[%add3A_380, %dma_start3A_381] : memref<204800x128xf32, #tpu.memory_space<hbm>> -> memref<40x128xf32, #tpu.memory_space<hbm>>
      %dma_start3A_383 = arith.constant 0 : i32
      %dma_start3A_384 = tpu.memref_slice %arg5[%add3A_380, %dma_start3A_383] : memref<204800x128xf32, #tpu.memory_space<hbm>> -> memref<40x128xf32, #tpu.memory_space<hbm>>
      tpu.enqueue_dma source(%arg17 : memref<40x128xf32, #tpu.memory_space<vmem>>) target(%dma_start3A_384 : memref<40x128xf32, #tpu.memory_space<hbm>>) target_semaphore(%arg37 : memref<!tpu.dma_semaphore, #tpu.memory_space<semaphore_mem>>)
      %lt3A_385 = arith.constant 15 : i32
      %lt3A_386 = arith.cmpi slt, %scan3A_169, %lt3A_385 : i32
      %convert_element_type3A_387 = arith.extui %lt3A_386 : i1 to i32
      %cond3A_388 = arith.constant 0 : i32
      %cond3A_389 = arith.cmpi ne, %convert_element_type3A_387, %cond3A_388 : i32
      scf.if %cond3A_389 {
        %sub3A = arith.constant 1 : i32
        %sub3A_390 = arith.subi %add3A_371, %sub3A : i32
        %mul3A_391 = arith.constant 40 : i32
        %mul3A_392 = arith.muli %sub3A_390, %mul3A_391 : i32
        %add3A_393 = arith.addi %mul3A_2, %mul3A_392 : i32
        %dma_wait3A_394 = arith.constant 0 : i32
        %dma_wait3A_395 = tpu.memref_slice %arg5[%add3A_393, %dma_wait3A_394] : memref<204800x128xf32, #tpu.memory_space<hbm>> -> memref<40x128xf32, #tpu.memory_space<hbm>>
        %dma_wait3A_396 = arith.constant 0 : i32
        %dma_wait3A_397 = tpu.memref_slice %arg5[%add3A_393, %dma_wait3A_396] : memref<204800x128xf32, #tpu.memory_space<hbm>> -> memref<40x128xf32, #tpu.memory_space<hbm>>
        tpu.wait_dma2 semaphore(%arg36 : memref<!tpu.dma_semaphore, #tpu.memory_space<semaphore_mem>>) src(%arg16 : memref<40x128xf32, #tpu.memory_space<vmem>>) dst(%dma_wait3A_397 : memref<40x128xf32, #tpu.memory_space<hbm>>)
        %add3A_398 = arith.constant 10 : i32
        %add3A_399 = arith.addi %add3A_371, %add3A_398 : i32
        %sub3A_400 = arith.constant 1 : i32
        %sub3A_401 = arith.subi %add3A_399, %sub3A_400 : i32
        %scan3A_402 = arith.constant 0 : i32
        %scan3A_403 = arith.constant 0 : i32
        %scan3A_404 = arith.constant 20 : i32
        %scan3A_405 = arith.addi %scan3A_403, %scan3A_404 : i32
        %scan3A_406 = arith.constant 1 : i32
        scf.for %scan3A_414 = %scan3A_403 to %scan3A_405 step %scan3A_406  : i32 {
          %mul3A_415 = arith.constant 2 : i32
          %mul3A_416 = arith.muli %mul3A_415, %scan3A_414 : i32
          %add3A_417 = arith.constant 0 : i32
          %add3A_418 = arith.addi %mul3A_416, %add3A_417 : i32
          %add3A_419 = arith.constant 120 : i32
          %add3A_420 = arith.addi %add3A_419, %add3A_418 : i32
          %get3A = arith.index_cast %add3A_420 : i32 to index
          %get3A_421 = arith.constant 0 : index
          %get3A_422 = tpu.vector_load %arg7[%get3A, %get3A_421] {strides = array<i32>} : memref<200x128xf32, #tpu.memory_space<vmem>>, vector<1x16xf32>,
          %get3A_423 = vector.shape_cast %get3A_422 : vector<1x16xf32> to vector<16xf32>
          %swap3A = arith.index_cast %add3A_418 : i32 to index
          %swap3A_424 = arith.constant 0 : index
          %swap3A_425 = tpu.vector_load %arg16[%swap3A, %swap3A_424] {strides = array<i32>} : memref<40x128xf32, #tpu.memory_space<vmem>>, vector<1x16xf32>,
          %swap3A_426 = vector.shape_cast %swap3A_425 : vector<1x16xf32> to vector<16xf32>
          %swap3A_427 = vector.shape_cast %get3A_423 : vector<16xf32> to vector<1x16xf32>
          tpu.vector_store %arg16[%swap3A, %swap3A_424], %swap3A_427 {strides = array<i32>} : memref<40x128xf32, #tpu.memory_space<vmem>>, vector<1x16xf32>,
          %add3A_428 = arith.constant 120 : i32
          %add3A_429 = arith.addi %add3A_428, %add3A_418 : i32
          %get3A_430 = arith.index_cast %add3A_429 : i32 to index
          %get3A_431 = arith.constant 16 : index
          %get3A_432 = tpu.vector_load %arg7[%get3A_430, %get3A_431] {strides = array<i32>} : memref<200x128xf32, #tpu.memory_space<vmem>>, vector<1x16xf32>,
          %get3A_433 = vector.shape_cast %get3A_432 : vector<1x16xf32> to vector<16xf32>
          %swap3A_434 = arith.index_cast %add3A_418 : i32 to index
          %swap3A_435 = arith.constant 16 : index
          %swap3A_436 = tpu.vector_load %arg16[%swap3A_434, %swap3A_435] {strides = array<i32>} : memref<40x128xf32, #tpu.memory_space<vmem>>, vector<1x16xf32>,
          %swap3A_437 = vector.shape_cast %swap3A_436 : vector<1x16xf32> to vector<16xf32>
          %swap3A_438 = vector.shape_cast %get3A_433 : vector<16xf32> to vector<1x16xf32>
          tpu.vector_store %arg16[%swap3A_434, %swap3A_435], %swap3A_438 {strides = array<i32>} : memref<40x128xf32, #tpu.memory_space<vmem>>, vector<1x16xf32>,
          %add3A_439 = arith.constant 120 : i32
          %add3A_440 = arith.addi %add3A_439, %add3A_418 : i32
          %get3A_441 = arith.index_cast %add3A_440 : i32 to index
          %get3A_442 = arith.constant 32 : index
          %get3A_443 = tpu.vector_load %arg7[%get3A_441, %get3A_442] {strides = array<i32>} : memref<200x128xf32, #tpu.memory_space<vmem>>, vector<1x16xf32>,
          %get3A_444 = vector.shape_cast %get3A_443 : vector<1x16xf32> to vector<16xf32>
          %swap3A_445 = arith.index_cast %add3A_418 : i32 to index
          %swap3A_446 = arith.constant 32 : index
          %swap3A_447 = tpu.vector_load %arg16[%swap3A_445, %swap3A_446] {strides = array<i32>} : memref<40x128xf32, #tpu.memory_space<vmem>>, vector<1x16xf32>,
          %swap3A_448 = vector.shape_cast %swap3A_447 : vector<1x16xf32> to vector<16xf32>
          %swap3A_449 = vector.shape_cast %get3A_444 : vector<16xf32> to vector<1x16xf32>
          tpu.vector_store %arg16[%swap3A_445, %swap3A_446], %swap3A_449 {strides = array<i32>} : memref<40x128xf32, #tpu.memory_space<vmem>>, vector<1x16xf32>,
          %add3A_450 = arith.constant 120 : i32
          %add3A_451 = arith.addi %add3A_450, %add3A_418 : i32
          %get3A_452 = arith.index_cast %add3A_451 : i32 to index
          %get3A_453 = arith.constant 48 : index
          %get3A_454 = tpu.vector_load %arg7[%get3A_452, %get3A_453] {strides = array<i32>} : memref<200x128xf32, #tpu.memory_space<vmem>>, vector<1x16xf32>,
          %get3A_455 = vector.shape_cast %get3A_454 : vector<1x16xf32> to vector<16xf32>
          %swap3A_456 = arith.index_cast %add3A_418 : i32 to index
          %swap3A_457 = arith.constant 48 : index
          %swap3A_458 = tpu.vector_load %arg16[%swap3A_456, %swap3A_457] {strides = array<i32>} : memref<40x128xf32, #tpu.memory_space<vmem>>, vector<1x16xf32>,
          %swap3A_459 = vector.shape_cast %swap3A_458 : vector<1x16xf32> to vector<16xf32>
          %swap3A_460 = vector.shape_cast %get3A_455 : vector<16xf32> to vector<1x16xf32>
          tpu.vector_store %arg16[%swap3A_456, %swap3A_457], %swap3A_460 {strides = array<i32>} : memref<40x128xf32, #tpu.memory_space<vmem>>, vector<1x16xf32>,
          %add3A_461 = arith.constant 120 : i32
          %add3A_462 = arith.addi %add3A_461, %add3A_418 : i32
          %get3A_463 = arith.index_cast %add3A_462 : i32 to index
          %get3A_464 = arith.constant 64 : index
          %get3A_465 = tpu.vector_load %arg7[%get3A_463, %get3A_464] {strides = array<i32>} : memref<200x128xf32, #tpu.memory_space<vmem>>, vector<1x16xf32>,
          %get3A_466 = vector.shape_cast %get3A_465 : vector<1x16xf32> to vector<16xf32>
          %swap3A_467 = arith.index_cast %add3A_418 : i32 to index
          %swap3A_468 = arith.constant 64 : index
          %swap3A_469 = tpu.vector_load %arg16[%swap3A_467, %swap3A_468] {strides = array<i32>} : memref<40x128xf32, #tpu.memory_space<vmem>>, vector<1x16xf32>,
          %swap3A_470 = vector.shape_cast %swap3A_469 : vector<1x16xf32> to vector<16xf32>
          %swap3A_471 = vector.shape_cast %get3A_466 : vector<16xf32> to vector<1x16xf32>
          tpu.vector_store %arg16[%swap3A_467, %swap3A_468], %swap3A_471 {strides = array<i32>} : memref<40x128xf32, #tpu.memory_space<vmem>>, vector<1x16xf32>,
          %add3A_472 = arith.constant 120 : i32
          %add3A_473 = arith.addi %add3A_472, %add3A_418 : i32
          %get3A_474 = arith.index_cast %add3A_473 : i32 to index
          %get3A_475 = arith.constant 80 : index
          %get3A_476 = tpu.vector_load %arg7[%get3A_474, %get3A_475] {strides = array<i32>} : memref<200x128xf32, #tpu.memory_space<vmem>>, vector<1x16xf32>,
          %get3A_477 = vector.shape_cast %get3A_476 : vector<1x16xf32> to vector<16xf32>
          %swap3A_478 = arith.index_cast %add3A_418 : i32 to index
          %swap3A_479 = arith.constant 80 : index
          %swap3A_480 = tpu.vector_load %arg16[%swap3A_478, %swap3A_479] {strides = array<i32>} : memref<40x128xf32, #tpu.memory_space<vmem>>, vector<1x16xf32>,
          %swap3A_481 = vector.shape_cast %swap3A_480 : vector<1x16xf32> to vector<16xf32>
          %swap3A_482 = vector.shape_cast %get3A_477 : vector<16xf32> to vector<1x16xf32>
          tpu.vector_store %arg16[%swap3A_478, %swap3A_479], %swap3A_482 {strides = array<i32>} : memref<40x128xf32, #tpu.memory_space<vmem>>, vector<1x16xf32>,
          %add3A_483 = arith.constant 120 : i32
          %add3A_484 = arith.addi %add3A_483, %add3A_418 : i32
          %get3A_485 = arith.index_cast %add3A_484 : i32 to index
          %get3A_486 = arith.constant 96 : index
          %get3A_487 = tpu.vector_load %arg7[%get3A_485, %get3A_486] {strides = array<i32>} : memref<200x128xf32, #tpu.memory_space<vmem>>, vector<1x16xf32>,
          %get3A_488 = vector.shape_cast %get3A_487 : vector<1x16xf32> to vector<16xf32>
          %swap3A_489 = arith.index_cast %add3A_418 : i32 to index
          %swap3A_490 = arith.constant 96 : index
          %swap3A_491 = tpu.vector_load %arg16[%swap3A_489, %swap3A_490] {strides = array<i32>} : memref<40x128xf32, #tpu.memory_space<vmem>>, vector<1x16xf32>,
          %swap3A_492 = vector.shape_cast %swap3A_491 : vector<1x16xf32> to vector<16xf32>
          %swap3A_493 = vector.shape_cast %get3A_488 : vector<16xf32> to vector<1x16xf32>
          tpu.vector_store %arg16[%swap3A_489, %swap3A_490], %swap3A_493 {strides = array<i32>} : memref<40x128xf32, #tpu.memory_space<vmem>>, vector<1x16xf32>,
          %add3A_494 = arith.constant 120 : i32
          %add3A_495 = arith.addi %add3A_494, %add3A_418 : i32
          %get3A_496 = arith.index_cast %add3A_495 : i32 to index
          %get3A_497 = arith.constant 112 : index
          %get3A_498 = tpu.vector_load %arg7[%get3A_496, %get3A_497] {strides = array<i32>} : memref<200x128xf32, #tpu.memory_space<vmem>>, vector<1x16xf32>,
          %get3A_499 = vector.shape_cast %get3A_498 : vector<1x16xf32> to vector<16xf32>
          %swap3A_500 = arith.index_cast %add3A_418 : i32 to index
          %swap3A_501 = arith.constant 112 : index
          %swap3A_502 = tpu.vector_load %arg16[%swap3A_500, %swap3A_501] {strides = array<i32>} : memref<40x128xf32, #tpu.memory_space<vmem>>, vector<1x16xf32>,
          %swap3A_503 = vector.shape_cast %swap3A_502 : vector<1x16xf32> to vector<16xf32>
          %swap3A_504 = vector.shape_cast %get3A_499 : vector<16xf32> to vector<1x16xf32>
          tpu.vector_store %arg16[%swap3A_500, %swap3A_501], %swap3A_504 {strides = array<i32>} : memref<40x128xf32, #tpu.memory_space<vmem>>, vector<1x16xf32>,
          %mul3A_505 = arith.constant 2 : i32
          %mul3A_506 = arith.muli %mul3A_505, %scan3A_414 : i32
          %add3A_507 = arith.constant 1 : i32
          %add3A_508 = arith.addi %mul3A_506, %add3A_507 : i32
          %add3A_509 = arith.constant 120 : i32
          %add3A_510 = arith.addi %add3A_509, %add3A_508 : i32
          %get3A_511 = arith.index_cast %add3A_510 : i32 to index
          %get3A_512 = arith.constant 0 : index
          %get3A_513 = tpu.vector_load %arg7[%get3A_511, %get3A_512] {strides = array<i32>} : memref<200x128xf32, #tpu.memory_space<vmem>>, vector<1x16xf32>,
          %get3A_514 = vector.shape_cast %get3A_513 : vector<1x16xf32> to vector<16xf32>
          %swap3A_515 = arith.index_cast %add3A_508 : i32 to index
          %swap3A_516 = arith.constant 0 : index
          %swap3A_517 = tpu.vector_load %arg16[%swap3A_515, %swap3A_516] {strides = array<i32>} : memref<40x128xf32, #tpu.memory_space<vmem>>, vector<1x16xf32>,
          %swap3A_518 = vector.shape_cast %swap3A_517 : vector<1x16xf32> to vector<16xf32>
          %swap3A_519 = vector.shape_cast %get3A_514 : vector<16xf32> to vector<1x16xf32>
          tpu.vector_store %arg16[%swap3A_515, %swap3A_516], %swap3A_519 {strides = array<i32>} : memref<40x128xf32, #tpu.memory_space<vmem>>, vector<1x16xf32>,
          %add3A_520 = arith.constant 120 : i32
          %add3A_521 = arith.addi %add3A_520, %add3A_508 : i32
          %get3A_522 = arith.index_cast %add3A_521 : i32 to index
          %get3A_523 = arith.constant 16 : index
          %get3A_524 = tpu.vector_load %arg7[%get3A_522, %get3A_523] {strides = array<i32>} : memref<200x128xf32, #tpu.memory_space<vmem>>, vector<1x16xf32>,
          %get3A_525 = vector.shape_cast %get3A_524 : vector<1x16xf32> to vector<16xf32>
          %swap3A_526 = arith.index_cast %add3A_508 : i32 to index
          %swap3A_527 = arith.constant 16 : index
          %swap3A_528 = tpu.vector_load %arg16[%swap3A_526, %swap3A_527] {strides = array<i32>} : memref<40x128xf32, #tpu.memory_space<vmem>>, vector<1x16xf32>,
          %swap3A_529 = vector.shape_cast %swap3A_528 : vector<1x16xf32> to vector<16xf32>
          %swap3A_530 = vector.shape_cast %get3A_525 : vector<16xf32> to vector<1x16xf32>
          tpu.vector_store %arg16[%swap3A_526, %swap3A_527], %swap3A_530 {strides = array<i32>} : memref<40x128xf32, #tpu.memory_space<vmem>>, vector<1x16xf32>,
          %add3A_531 = arith.constant 120 : i32
          %add3A_532 = arith.addi %add3A_531, %add3A_508 : i32
          %get3A_533 = arith.index_cast %add3A_532 : i32 to index
          %get3A_534 = arith.constant 32 : index
          %get3A_535 = tpu.vector_load %arg7[%get3A_533, %get3A_534] {strides = array<i32>} : memref<200x128xf32, #tpu.memory_space<vmem>>, vector<1x16xf32>,
          %get3A_536 = vector.shape_cast %get3A_535 : vector<1x16xf32> to vector<16xf32>
          %swap3A_537 = arith.index_cast %add3A_508 : i32 to index
          %swap3A_538 = arith.constant 32 : index
          %swap3A_539 = tpu.vector_load %arg16[%swap3A_537, %swap3A_538] {strides = array<i32>} : memref<40x128xf32, #tpu.memory_space<vmem>>, vector<1x16xf32>,
          %swap3A_540 = vector.shape_cast %swap3A_539 : vector<1x16xf32> to vector<16xf32>
          %swap3A_541 = vector.shape_cast %get3A_536 : vector<16xf32> to vector<1x16xf32>
          tpu.vector_store %arg16[%swap3A_537, %swap3A_538], %swap3A_541 {strides = array<i32>} : memref<40x128xf32, #tpu.memory_space<vmem>>, vector<1x16xf32>,
          %add3A_542 = arith.constant 120 : i32
          %add3A_543 = arith.addi %add3A_542, %add3A_508 : i32
          %get3A_544 = arith.index_cast %add3A_543 : i32 to index
          %get3A_545 = arith.constant 48 : index
          %get3A_546 = tpu.vector_load %arg7[%get3A_544, %get3A_545] {strides = array<i32>} : memref<200x128xf32, #tpu.memory_space<vmem>>, vector<1x16xf32>,
          %get3A_547 = vector.shape_cast %get3A_546 : vector<1x16xf32> to vector<16xf32>
          %swap3A_548 = arith.index_cast %add3A_508 : i32 to index
          %swap3A_549 = arith.constant 48 : index
          %swap3A_550 = tpu.vector_load %arg16[%swap3A_548, %swap3A_549] {strides = array<i32>} : memref<40x128xf32, #tpu.memory_space<vmem>>, vector<1x16xf32>,
          %swap3A_551 = vector.shape_cast %swap3A_550 : vector<1x16xf32> to vector<16xf32>
          %swap3A_552 = vector.shape_cast %get3A_547 : vector<16xf32> to vector<1x16xf32>
          tpu.vector_store %arg16[%swap3A_548, %swap3A_549], %swap3A_552 {strides = array<i32>} : memref<40x128xf32, #tpu.memory_space<vmem>>, vector<1x16xf32>,
          %add3A_553 = arith.constant 120 : i32
          %add3A_554 = arith.addi %add3A_553, %add3A_508 : i32
          %get3A_555 = arith.index_cast %add3A_554 : i32 to index
          %get3A_556 = arith.constant 64 : index
          %get3A_557 = tpu.vector_load %arg7[%get3A_555, %get3A_556] {strides = array<i32>} : memref<200x128xf32, #tpu.memory_space<vmem>>, vector<1x16xf32>,
          %get3A_558 = vector.shape_cast %get3A_557 : vector<1x16xf32> to vector<16xf32>
          %swap3A_559 = arith.index_cast %add3A_508 : i32 to index
          %swap3A_560 = arith.constant 64 : index
          %swap3A_561 = tpu.vector_load %arg16[%swap3A_559, %swap3A_560] {strides = array<i32>} : memref<40x128xf32, #tpu.memory_space<vmem>>, vector<1x16xf32>,
          %swap3A_562 = vector.shape_cast %swap3A_561 : vector<1x16xf32> to vector<16xf32>
          %swap3A_563 = vector.shape_cast %get3A_558 : vector<16xf32> to vector<1x16xf32>
          tpu.vector_store %arg16[%swap3A_559, %swap3A_560], %swap3A_563 {strides = array<i32>} : memref<40x128xf32, #tpu.memory_space<vmem>>, vector<1x16xf32>,
          %add3A_564 = arith.constant 120 : i32
          %add3A_565 = arith.addi %add3A_564, %add3A_508 : i32
          %get3A_566 = arith.index_cast %add3A_565 : i32 to index
          %get3A_567 = arith.constant 80 : index
          %get3A_568 = tpu.vector_load %arg7[%get3A_566, %get3A_567] {strides = array<i32>} : memref<200x128xf32, #tpu.memory_space<vmem>>, vector<1x16xf32>,
          %get3A_569 = vector.shape_cast %get3A_568 : vector<1x16xf32> to vector<16xf32>
          %swap3A_570 = arith.index_cast %add3A_508 : i32 to index
          %swap3A_571 = arith.constant 80 : index
          %swap3A_572 = tpu.vector_load %arg16[%swap3A_570, %swap3A_571] {strides = array<i32>} : memref<40x128xf32, #tpu.memory_space<vmem>>, vector<1x16xf32>,
          %swap3A_573 = vector.shape_cast %swap3A_572 : vector<1x16xf32> to vector<16xf32>
          %swap3A_574 = vector.shape_cast %get3A_569 : vector<16xf32> to vector<1x16xf32>
          tpu.vector_store %arg16[%swap3A_570, %swap3A_571], %swap3A_574 {strides = array<i32>} : memref<40x128xf32, #tpu.memory_space<vmem>>, vector<1x16xf32>,
          %add3A_575 = arith.constant 120 : i32
          %add3A_576 = arith.addi %add3A_575, %add3A_508 : i32
          %get3A_577 = arith.index_cast %add3A_576 : i32 to index
          %get3A_578 = arith.constant 96 : index
          %get3A_579 = tpu.vector_load %arg7[%get3A_577, %get3A_578] {strides = array<i32>} : memref<200x128xf32, #tpu.memory_space<vmem>>, vector<1x16xf32>,
          %get3A_580 = vector.shape_cast %get3A_579 : vector<1x16xf32> to vector<16xf32>
          %swap3A_581 = arith.index_cast %add3A_508 : i32 to index
          %swap3A_582 = arith.constant 96 : index
          %swap3A_583 = tpu.vector_load %arg16[%swap3A_581, %swap3A_582] {strides = array<i32>} : memref<40x128xf32, #tpu.memory_space<vmem>>, vector<1x16xf32>,
          %swap3A_584 = vector.shape_cast %swap3A_583 : vector<1x16xf32> to vector<16xf32>
          %swap3A_585 = vector.shape_cast %get3A_580 : vector<16xf32> to vector<1x16xf32>
          tpu.vector_store %arg16[%swap3A_581, %swap3A_582], %swap3A_585 {strides = array<i32>} : memref<40x128xf32, #tpu.memory_space<vmem>>, vector<1x16xf32>,
          %add3A_586 = arith.constant 120 : i32
          %add3A_587 = arith.addi %add3A_586, %add3A_508 : i32
          %get3A_588 = arith.index_cast %add3A_587 : i32 to index
          %get3A_589 = arith.constant 112 : index
          %get3A_590 = tpu.vector_load %arg7[%get3A_588, %get3A_589] {strides = array<i32>} : memref<200x128xf32, #tpu.memory_space<vmem>>, vector<1x16xf32>,
          %get3A_591 = vector.shape_cast %get3A_590 : vector<1x16xf32> to vector<16xf32>
          %swap3A_592 = arith.index_cast %add3A_508 : i32 to index
          %swap3A_593 = arith.constant 112 : index
          %swap3A_594 = tpu.vector_load %arg16[%swap3A_592, %swap3A_593] {strides = array<i32>} : memref<40x128xf32, #tpu.memory_space<vmem>>, vector<1x16xf32>,
          %swap3A_595 = vector.shape_cast %swap3A_594 : vector<1x16xf32> to vector<16xf32>
          %swap3A_596 = vector.shape_cast %get3A_591 : vector<16xf32> to vector<1x16xf32>
          tpu.vector_store %arg16[%swap3A_592, %swap3A_593], %swap3A_596 {strides = array<i32>} : memref<40x128xf32, #tpu.memory_space<vmem>>, vector<1x16xf32>,
        }
        %scan3A_407 = arith.constant 20 : i32
        %mul3A_408 = arith.constant 40 : i32
        %mul3A_409 = arith.muli %sub3A_401, %mul3A_408 : i32
        %dma_start3A_410 = tpu.memref_slice %arg6[%mul3A_409] : memref<6400xi32, #tpu.memory_space<vmem>> -> memref<40xi32, #tpu.memory_space<vmem>>
        %dma_start3A_411 = arith.constant 0 : i32
        %dma_start3A_412 = arith.constant 0 : i32
        %dma_start3A_413 = tpu.memref_slice %arg2[%dma_start3A_411, %dma_start3A_412] : memref<100000x128xf32, #tpu.memory_space<hbm>> -> memref<100000x128xf32, #tpu.memory_space<hbm>>
        tpu.enqueue_indirect_dma source(%dma_start3A_413 : memref<100000x128xf32, #tpu.memory_space<hbm>>) target(%arg16 : memref<40x128xf32, #tpu.memory_space<vmem>>) offsets(%dma_start3A_410 : memref<40xi32, #tpu.memory_space<vmem>>) semaphore(%arg26 : memref<!tpu.dma_semaphore, #tpu.memory_space<semaphore_mem>>) {add = true}
      } else {
      }
    }
    %scan3A_108 = arith.constant 16 : i32
    %add3A_109 = arith.constant 6000 : i32
    %add3A_110 = arith.addi %mul3A_2, %add3A_109 : i32
    %dma_wait3A_111 = arith.constant 0 : i32
    %dma_wait3A_112 = tpu.memref_slice %arg5[%add3A_110, %dma_wait3A_111] : memref<204800x128xf32, #tpu.memory_space<hbm>> -> memref<40x128xf32, #tpu.memory_space<hbm>>
    %dma_wait3A_113 = arith.constant 0 : i32
    %dma_wait3A_114 = tpu.memref_slice %arg5[%add3A_110, %dma_wait3A_113] : memref<204800x128xf32, #tpu.memory_space<hbm>> -> memref<40x128xf32, #tpu.memory_space<hbm>>
    tpu.wait_dma2 semaphore(%arg28 : memref<!tpu.dma_semaphore, #tpu.memory_space<semaphore_mem>>) src(%arg8 : memref<40x128xf32, #tpu.memory_space<vmem>>) dst(%dma_wait3A_114 : memref<40x128xf32, #tpu.memory_space<hbm>>)
    %add3A_115 = arith.constant 6040 : i32
    %add3A_116 = arith.addi %mul3A_2, %add3A_115 : i32
    %dma_wait3A_117 = arith.constant 0 : i32
    %dma_wait3A_118 = tpu.memref_slice %arg5[%add3A_116, %dma_wait3A_117] : memref<204800x128xf32, #tpu.memory_space<hbm>> -> memref<40x128xf32, #tpu.memory_space<hbm>>
    %dma_wait3A_119 = arith.constant 0 : i32
    %dma_wait3A_120 = tpu.memref_slice %arg5[%add3A_116, %dma_wait3A_119] : memref<204800x128xf32, #tpu.memory_space<hbm>> -> memref<40x128xf32, #tpu.memory_space<hbm>>
    tpu.wait_dma2 semaphore(%arg29 : memref<!tpu.dma_semaphore, #tpu.memory_space<semaphore_mem>>) src(%arg9 : memref<40x128xf32, #tpu.memory_space<vmem>>) dst(%dma_wait3A_120 : memref<40x128xf32, #tpu.memory_space<hbm>>)
    %add3A_121 = arith.constant 6080 : i32
    %add3A_122 = arith.addi %mul3A_2, %add3A_121 : i32
    %dma_wait3A_123 = arith.constant 0 : i32
    %dma_wait3A_124 = tpu.memref_slice %arg5[%add3A_122, %dma_wait3A_123] : memref<204800x128xf32, #tpu.memory_space<hbm>> -> memref<40x128xf32, #tpu.memory_space<hbm>>
    %dma_wait3A_125 = arith.constant 0 : i32
    %dma_wait3A_126 = tpu.memref_slice %arg5[%add3A_122, %dma_wait3A_125] : memref<204800x128xf32, #tpu.memory_space<hbm>> -> memref<40x128xf32, #tpu.memory_space<hbm>>
    tpu.wait_dma2 semaphore(%arg30 : memref<!tpu.dma_semaphore, #tpu.memory_space<semaphore_mem>>) src(%arg10 : memref<40x128xf32, #tpu.memory_space<vmem>>) dst(%dma_wait3A_126 : memref<40x128xf32, #tpu.memory_space<hbm>>)
    %add3A_127 = arith.constant 6120 : i32
    %add3A_128 = arith.addi %mul3A_2, %add3A_127 : i32
    %dma_wait3A_129 = arith.constant 0 : i32
    %dma_wait3A_130 = tpu.memref_slice %arg5[%add3A_128, %dma_wait3A_129] : memref<204800x128xf32, #tpu.memory_space<hbm>> -> memref<40x128xf32, #tpu.memory_space<hbm>>
    %dma_wait3A_131 = arith.constant 0 : i32
    %dma_wait3A_132 = tpu.memref_slice %arg5[%add3A_128, %dma_wait3A_131] : memref<204800x128xf32, #tpu.memory_space<hbm>> -> memref<40x128xf32, #tpu.memory_space<hbm>>
    tpu.wait_dma2 semaphore(%arg31 : memref<!tpu.dma_semaphore, #tpu.memory_space<semaphore_mem>>) src(%arg11 : memref<40x128xf32, #tpu.memory_space<vmem>>) dst(%dma_wait3A_132 : memref<40x128xf32, #tpu.memory_space<hbm>>)
    %add3A_133 = arith.constant 6160 : i32
    %add3A_134 = arith.addi %mul3A_2, %add3A_133 : i32
    %dma_wait3A_135 = arith.constant 0 : i32
    %dma_wait3A_136 = tpu.memref_slice %arg5[%add3A_134, %dma_wait3A_135] : memref<204800x128xf32, #tpu.memory_space<hbm>> -> memref<40x128xf32, #tpu.memory_space<hbm>>
    %dma_wait3A_137 = arith.constant 0 : i32
    %dma_wait3A_138 = tpu.memref_slice %arg5[%add3A_134, %dma_wait3A_137] : memref<204800x128xf32, #tpu.memory_space<hbm>> -> memref<40x128xf32, #tpu.memory_space<hbm>>
    tpu.wait_dma2 semaphore(%arg32 : memref<!tpu.dma_semaphore, #tpu.memory_space<semaphore_mem>>) src(%arg12 : memref<40x128xf32, #tpu.memory_space<vmem>>) dst(%dma_wait3A_138 : memref<40x128xf32, #tpu.memory_space<hbm>>)
    %add3A_139 = arith.constant 6200 : i32
    %add3A_140 = arith.addi %mul3A_2, %add3A_139 : i32
    %dma_wait3A_141 = arith.constant 0 : i32
    %dma_wait3A_142 = tpu.memref_slice %arg5[%add3A_140, %dma_wait3A_141] : memref<204800x128xf32, #tpu.memory_space<hbm>> -> memref<40x128xf32, #tpu.memory_space<hbm>>
    %dma_wait3A_143 = arith.constant 0 : i32
    %dma_wait3A_144 = tpu.memref_slice %arg5[%add3A_140, %dma_wait3A_143] : memref<204800x128xf32, #tpu.memory_space<hbm>> -> memref<40x128xf32, #tpu.memory_space<hbm>>
    tpu.wait_dma2 semaphore(%arg33 : memref<!tpu.dma_semaphore, #tpu.memory_space<semaphore_mem>>) src(%arg13 : memref<40x128xf32, #tpu.memory_space<vmem>>) dst(%dma_wait3A_144 : memref<40x128xf32, #tpu.memory_space<hbm>>)
    %add3A_145 = arith.constant 6240 : i32
    %add3A_146 = arith.addi %mul3A_2, %add3A_145 : i32
    %dma_wait3A_147 = arith.constant 0 : i32
    %dma_wait3A_148 = tpu.memref_slice %arg5[%add3A_146, %dma_wait3A_147] : memref<204800x128xf32, #tpu.memory_space<hbm>> -> memref<40x128xf32, #tpu.memory_space<hbm>>
    %dma_wait3A_149 = arith.constant 0 : i32
    %dma_wait3A_150 = tpu.memref_slice %arg5[%add3A_146, %dma_wait3A_149] : memref<204800x128xf32, #tpu.memory_space<hbm>> -> memref<40x128xf32, #tpu.memory_space<hbm>>
    tpu.wait_dma2 semaphore(%arg34 : memref<!tpu.dma_semaphore, #tpu.memory_space<semaphore_mem>>) src(%arg14 : memref<40x128xf32, #tpu.memory_space<vmem>>) dst(%dma_wait3A_150 : memref<40x128xf32, #tpu.memory_space<hbm>>)
    %add3A_151 = arith.constant 6280 : i32
    %add3A_152 = arith.addi %mul3A_2, %add3A_151 : i32
    %dma_wait3A_153 = arith.constant 0 : i32
    %dma_wait3A_154 = tpu.memref_slice %arg5[%add3A_152, %dma_wait3A_153] : memref<204800x128xf32, #tpu.memory_space<hbm>> -> memref<40x128xf32, #tpu.memory_space<hbm>>
    %dma_wait3A_155 = arith.constant 0 : i32
    %dma_wait3A_156 = tpu.memref_slice %arg5[%add3A_152, %dma_wait3A_155] : memref<204800x128xf32, #tpu.memory_space<hbm>> -> memref<40x128xf32, #tpu.memory_space<hbm>>
    tpu.wait_dma2 semaphore(%arg35 : memref<!tpu.dma_semaphore, #tpu.memory_space<semaphore_mem>>) src(%arg15 : memref<40x128xf32, #tpu.memory_space<vmem>>) dst(%dma_wait3A_156 : memref<40x128xf32, #tpu.memory_space<hbm>>)
    %add3A_157 = arith.constant 6320 : i32
    %add3A_158 = arith.addi %mul3A_2, %add3A_157 : i32
    %dma_wait3A_159 = arith.constant 0 : i32
    %dma_wait3A_160 = tpu.memref_slice %arg5[%add3A_158, %dma_wait3A_159] : memref<204800x128xf32, #tpu.memory_space<hbm>> -> memref<40x128xf32, #tpu.memory_space<hbm>>
    %dma_wait3A_161 = arith.constant 0 : i32
    %dma_wait3A_162 = tpu.memref_slice %arg5[%add3A_158, %dma_wait3A_161] : memref<204800x128xf32, #tpu.memory_space<hbm>> -> memref<40x128xf32, #tpu.memory_space<hbm>>
    tpu.wait_dma2 semaphore(%arg36 : memref<!tpu.dma_semaphore, #tpu.memory_space<semaphore_mem>>) src(%arg16 : memref<40x128xf32, #tpu.memory_space<vmem>>) dst(%dma_wait3A_162 : memref<40x128xf32, #tpu.memory_space<hbm>>)
    %add3A_163 = arith.constant 6360 : i32
    %add3A_164 = arith.addi %mul3A_2, %add3A_163 : i32
    %dma_wait3A_165 = arith.constant 0 : i32
    %dma_wait3A_166 = tpu.memref_slice %arg5[%add3A_164, %dma_wait3A_165] : memref<204800x128xf32, #tpu.memory_space<hbm>> -> memref<40x128xf32, #tpu.memory_space<hbm>>
    %dma_wait3A_167 = arith.constant 0 : i32
    %dma_wait3A_168 = tpu.memref_slice %arg5[%add3A_164, %dma_wait3A_167] : memref<204800x128xf32, #tpu.memory_space<hbm>> -> memref<40x128xf32, #tpu.memory_space<hbm>>
    tpu.wait_dma2 semaphore(%arg37 : memref<!tpu.dma_semaphore, #tpu.memory_space<semaphore_mem>>) src(%arg17 : memref<40x128xf32, #tpu.memory_space<vmem>>) dst(%dma_wait3A_168 : memref<40x128xf32, #tpu.memory_space<hbm>>)
    return
  }
}

</mosaic_0001>

<sc_bundles>
// kernel: kernel.3.cloned.1.call-start
scs
__scs_entry_jumppad:
0x0: {  	(pc) =	sbr.rel $0x88, $3  }
0x1: {  	(tag) =	ssettag $0x0;
	lr =	simm.s32 $0x1  }
0x2: {  	[smem:$0x3F9F] =	sst lr;
	_ =	strace $0xD0000000  }
0x3: {  	_ = 	snop  }
0x4: {  	_ = 	snop  }
0x5: {  	_ = 	snop  }
0x6: {  	_ = 	snop  }
0x7: {  	_ = 	snop  }
__scs_overlays_trampoline_lowered:
0x8: {  	[smem:$0x3FAE] =	sst s0  }
0x9: {  	[smem:$0x3FAF] =	sst s1  }
0xa: {  	[smem:$0x3FB0] =	sst s2  }
0xb: {  	[smem:$0x3FB1] =	sst s3  }
0xc: {  	[smem:$0x3FB2] =	sst s4  }
0xd: {  	[smem:$0x3FB3] =	sst s5  }
0xe: {  	[smem:$0x3FB4] =	sst s6  }
0xf: {  	[smem:$0x3FB5] =	sst s7  }
0x10: {  	[smem:$0x3FB6] =	sst s8  }
0x11: {  	[smem:$0x3FB7] =	sst s9;
	s0 =	simm.s32 @!p0 $0x0  }
0x12: {  	s1 =	sld [smem:$0x3F9D];
	s0 =	simm.s32 @p0 $0x1  }
0x13: {  	[smem:$0x3FB8] =	sst s0;
	s0 =	simm.s32 @!p1 $0x0  }
0x14: {  	s2 =	sld [smem:$0x3F9C];
	s0 =	simm.s32 @p1 $0x1  }
0x15: {  	[smem:$0x3FB9] =	sst s0;
	s0 =	simm.s32 @!p2 $0x0  }
0x16: {  	s3 =	sld [smem:$0x3FDB];
	s0 =	simm.s32 @p2 $0x1  }
0x17: {  	s4 =	simm.s32 $0x1BF5;
	[smem:$0x3FBB] =	sst s0  }
0x18: {  	s0 =	sld [smem:$0x3F9E];
	_ =	swait.ge [sflag:s4], $0x0  }
0x19: {  	s7 =	sld [smem:$0x3F9F]  }
0x1a: {  	s8 =	sadd.s32 $0xFFFFE003, lr  }
0x1b: {  	s9 =	sadd.s32 $0xFFFFFEF7, lr;
	s5 =	simm.s32 $0xFFFFFFFF;
	p2 =	slt.u32 s8, $0xFFFFF086  }
0x1c: {  	p1 =	slt.u32 s9, $0xF7A;
	s5 =	simm.s32 @!p2 $0x0  }
0x1d: {  	s5 =	simm.s32 @p1 $0x1;
	p0 =	seq.s32 s7, s2  }
0x1e: {  	s7 =	smul.u32 @!p0 $0xF7A, s2;
	p2 =	seq.s32 @!p0 s5, $0x0  }
0x1f: {  	s9 =	smul.u32 $0xF7A, s1;
	s8 =	simm.s32 @!p0 $0x1BF5;
	p2 =	por !p2, p0  }
0x20: {  	[sflag:s8] =	ssyncset.s32 @!p0 $0xFFFFF086;
	s6 =	sadd.s32 @!p0 s3, s7;
	s7 =	simm.s32 @!p0 $0x108  }
0x21: {  	s3 =	sadd.s32 s3, s9;
	s6 =	sadd.s32 @!p0 $0x88, s6;
	s7 =	simm.s32 @p2 $0x1082  }
0x22: {  	[simem:s7], [sflag:s8] =	dma.local @!p0 [hbm:s6], $0xF7A  }
0x23: {  	s9 =	sor.u32 $0xD0000000, s2;
	s6 =	simm.s32 $0x108;
	_ =	swait.ge @!p0 [sflag:s8], $0x0  }
0x24: {  	s3 =	sadd.s32 $0x88, s3;
	s6 =	simm.s32 @!p1 $0x1082;
	[sflag:s4] =	ssyncset.s32 $0xFFFFF086  }
0x25: {  	[simem:s6], [sflag:s4] =	dma.local [hbm:s3], $0xF7A  }
0x26: {  	[smem:$0x3F9F] =	sst s1;
	(tag) =	ssettag s2;
	_ =	strace s9  }
0x27: {  	s1 =	sld [smem:$0x3FAF]  }
0x28: {  	s2 =	sld [smem:$0x3FB0]  }
0x29: {  	s4 =	sld [smem:$0x3FB2]  }
0x2a: {  	p0 =	seq.s32 s5, $0x0;
	s5 =	sld [smem:$0x3FB3]  }
0x2b: {  	s6 =	sld [smem:$0x3FB4]  }
0x2c: {  	s7 =	sld [smem:$0x3FB5]  }
0x2d: {  	s3 =	simm.s32 $0x108;
	s8 =	sld [smem:$0x3FB6]  }
0x2e: {  	s3 =	simm.s32 @!p0 $0x1082;
	s9 =	sld [smem:$0x3FB7]  }
0x2f: {  	lr =	sadd.s32 s0, s3;
	s0 =	sld [smem:$0x3FAE]  }
0x30: {  	s3 =	sld [smem:$0x3FB1]  }
0x31: {  	[smem:$0x3FBA] =	sst s10  }
0x32: {  	s10 =	sld [smem:$0x3FB8];
	_ =	sdelay $0x3  }
0x33: {  	p0 =	seq.s32 s10, $0x1;
	s10 =	sld [smem:$0x3FBA];
	_ =	sdelay $0x3  }
0x34: {  	[smem:$0x3FBA] =	sst s10  }
0x35: {  	s10 =	sld [smem:$0x3FB9];
	_ =	sdelay $0x3  }
0x36: {  	p1 =	seq.s32 s10, $0x1;
	s10 =	sld [smem:$0x3FBA];
	_ =	sdelay $0x3  }
0x37: {  	[smem:$0x3FBA] =	sst s10  }
0x38: {  	s10 =	sld [smem:$0x3FBB]  }
0x39: {  	_ = 	snop;
	(pc) =	sbr.ind lr, $3  }
0x3a: {  	_ = 	snop  }
0x3b: {  	_ = 	snop  }
0x3c: {  	p2 =	seq.s32 s10, $0x1;
	s10 =	sld [smem:$0x3FBA]  }
0x3d: {  	_ =	shalt  }
0x3e: {  	_ =	shalt  }
0x3f: {  	_ =	shalt  }
0x40: {  	_ =	shalt  }
0x41: {  	_ =	shalt  }
0x42: {  	_ =	shalt  }
0x43: {  	_ =	shalt  }
0x44: {  	_ =	shalt  }
0x45: {  	_ =	shalt  }
0x46: {  	_ =	shalt  }
0x47: {  	_ =	shalt  }
0x48: {  	_ =	shalt  }
0x49: {  	_ =	shalt  }
0x4a: {  	_ =	shalt  }
0x4b: {  	_ =	shalt  }
0x4c: {  	_ =	shalt  }
0x4d: {  	_ =	shalt  }
0x4e: {  	_ =	shalt  }
0x4f: {  	_ =	shalt  }
0x50: {  	_ =	shalt  }
0x51: {  	_ =	shalt  }
0x52: {  	_ =	shalt  }
0x53: {  	_ =	shalt  }
0x54: {  	_ =	shalt  }
0x55: {  	_ =	shalt  }
0x56: {  	_ =	shalt  }
0x57: {  	_ =	shalt  }
0x58: {  	_ =	shalt  }
0x59: {  	_ =	shalt  }
0x5a: {  	_ =	shalt  }
0x5b: {  	_ =	shalt  }
0x5c: {  	_ =	shalt  }
0x5d: {  	_ =	shalt  }
0x5e: {  	_ =	shalt  }
0x5f: {  	_ =	shalt  }
0x60: {  	_ =	shalt  }
0x61: {  	_ =	shalt  }
0x62: {  	_ =	shalt  }
0x63: {  	_ =	shalt  }
0x64: {  	_ =	shalt  }
0x65: {  	_ =	shalt  }
0x66: {  	_ =	shalt  }
0x67: {  	_ =	shalt  }
0x68: {  	_ =	shalt  }
0x69: {  	_ =	shalt  }
0x6a: {  	_ =	shalt  }
0x6b: {  	_ =	shalt  }
0x6c: {  	_ =	shalt  }
0x6d: {  	_ =	shalt  }
0x6e: {  	_ =	shalt  }
0x6f: {  	_ =	shalt  }
0x70: {  	_ =	shalt  }
0x71: {  	_ =	shalt  }
0x72: {  	_ =	shalt  }
0x73: {  	_ =	shalt  }
0x74: {  	_ =	shalt  }
0x75: {  	_ =	shalt  }
0x76: {  	_ =	shalt  }
0x77: {  	_ =	shalt  }
0x78: {  	_ =	shalt  }
0x79: {  	_ =	shalt  }
0x7a: {  	_ =	shalt  }
0x7b: {  	_ =	shalt  }
0x7c: {  	_ =	shalt  }
0x7d: {  	_ =	shalt  }
0x7e: {  	_ =	shalt  }
0x7f: {  	_ =	shalt  }
0x80: {  	_ =	shalt  }
0x81: {  	_ =	shalt  }
0x82: {  	_ =	shalt  }
0x83: {  	_ =	shalt  }
0x84: {  	_ =	shalt  }
0x85: {  	_ =	shalt  }
0x86: {  	_ =	shalt  }
0x87: {  	_ =	shalt  }
.Lfunc_end0:
.L_simem_size_0:
called_computation_lowered:
.L_overlay_start_0:
0x88: {  	s2 =	sld [smem:$0x3FD9]  }
0x89: {  	s3 =	sld [smem:$0x3FFE];
	_ =	sdelay $0x1  }
0x8a: {  	s1 =	srdreg.scid  }
0x8b: {  	s0 =	sand.u32 $0x1, s1  }
0x8c: {  	s17 =	sshll.u32 s0, $0xA;
	s2 =	sadd.s32 s3, s2  }
0x8d: {  	s2 =	sadd.s32 s2, s17  }
0x8e: {  	[smem:$0x3FC6] =	sst s2  }
0x8f: {  	_ = 	snop  }
0x90: {  	s2 =	sld [smem:$0x3FC8]  }
0x91: {  	s18 =	sld [smem:$0x3FD0];
	(tm) =	ssettm $0x1  }
0x92: {  	s4 =	sld [smem:$0x3FFB];
	_ =	sdelay $0x3  }
0x93: {  	_ =	strace s4  }
0x94: {  	s4 =	sld [smem:$0x3FFC];
	_ =	sdelay $0x3  }
0x95: {  	_ =	strace s4  }
0x96: {  	s4 =	sld [smem:$0x3FFD];
	_ =	sdelay $0x3  }
0x97: {  	_ =	strace s4  }
0x98: {  	_ =	strace $0x8FFFFFFF  }
0x99: {  	s19 =	sld [smem:$0x3FDB];
	_ =	sdelay $0x1  }
0x9a: {  	s5 =	simm.s32 $_scs_section_size  }
0x9b: {  	s6 =	simm.s32 $_size__tile_overlayer_lowered;
	s7 =	simm.s32 $_tile_overlayer_lowered  }
0x9c: {  	s22 =	simm.s32 $0x1BFF;
	s21 =	sshll.u32 s7, $0x1;
	s4 =	sadd.s32 s5, s19  }
0x9d: {  	s8 =	simm.s32 $0x0;
	s20 =	sshll.u32 s6, $0x1;
	s6 =	sadd.s32 s21, s4  }
0x9e: {  	[timem:s8], [sflag:s22] =	dma.local [hbm:s6], s20  }
0x9f: {  	_ =	swait.ge [sflag:s22], s20  }
0xa0: {  	s5 =	ssub.s32 $0x0, s20;
	[sflag:s22] =	ssyncset.done $0x0  }
0xa1: {  	[sflag:s22] =	ssyncadd.s32 s5;
	_ =	sdelay $0x1  }
0xa2: {  	s23 =	simm.s32 $0x1B8B  }
0xa3: {  	_ =	swait.ge [sflag:s23], $0x1  }
0xa4: {  	[sflag:s23] =	ssyncset.done $0x0  }
0xa5: {  	s25 =	simm.s32 $0x1B8E;
	s24 =	sld [smem:$0x3FFE];
	[sflag:s23] =	ssyncadd.s32 $0xFFFFFFFF  }
0xa6: {  	s26 =	simm.s32 $execute0_lowered;
	[smem:$0x3FD2] =	sst s25  }
0xa7: {  	s6 =	sshll.u32 s26, $0x1;
	_ =	strace $0x80000046;
	[dreg:$0x1] =	wrdreg $0xFFFFFFFF  }
0xa8: {  	s28 =	simm.s32 $_size_execute0_lowered;
	s4 =	sadd.s32 s4, s6;
	[dreg:$0x0] =	wrdreg $0x0  }
0xa9: {  	s6 =	sshll.u32 s28, $0x1;
	[dreg:$0x2] =	wrdreg s4  }
0xaa: {  	[dreg:$0x3] =	wrdreg s6  }
0xab: {  	[dreg:$0x4] =	wrdreg $0xC0  }
0xac: {  	_ =	task [dreg:s8], $0x5FFFF  }
0xad: {  	[dreg:$0x1] =	wrdreg $0xFFFFFFFF  }
0xae: {  	[dreg:$0x0] =	wrdreg $0x60  }
0xaf: {  	[dreg:$0x2] =	wrdreg s2  }
0xb0: {  	[dreg:$0x3] =	wrdreg s24  }
0xb1: {  	[dreg:$0x4] =	wrdreg s18  }
0xb2: {  	[dreg:$0x5] =	wrdreg $0x9  }
0xb3: {  	_ =	task.clear_ibuf [dreg:s8], $0x6FFFF;
	_ =	strace $0x90000046  }
0xb4: {  	s29 =	simm.s32 $0x9;
	_ =	strace $0x80000048  }
0xb5: {  	_ =	swait.ge [sflag:s29], $0x1  }
0xb6: {  	[sflag:s29] =	ssyncadd.s32 $0xFFFFFFFF  }
0xb7: {  	_ =	strace $0x90000048  }
0xb8: {  	_ =	sfence  }
0xb9: {  	s30 =	sld [smem:$0x0];
	_ =	sdelay $0x2  }
0xba: {  	s31 =	sshll.u32 s1, $0xD;
	s1 =	sshrl.u32 s1, $0x2  }
0xbb: {  	s3 =	sand.u32 $0x4000, s31;
	s1 =	sadd.s32 s1, s30  }
0xbc: {  	s0 =	sor.u32 s3, s0;
	s1 =	sshll.u32 s1, $0x11  }
0xbd: {  	s0 =	sor.u32 s1, s0  }
0xbe: {  	s0 =	sadd.s32 $0x8F2B, s0  }
0xbf: {  	[sflag:s0] =	ssyncadd.remote.s32 $0x1  }
0xc0: {  	_ =	sfence.sel $0xFFFF  }
0xc1: {  	[dreg:$0x0] =	wrdreg $0xFFFFFFFF;
	(pc) =	sbr.abs _section_cstart, $3  }
0xc2: {  	[dreg:$0x1] =	wrdreg $0xFFFFFFFF  }
0xc3: {  	_ =	task.clear_ibuf [dreg:s8], $0x2FFFF;
	_ =	strace $0x9FFFFFFF  }
0xc4: {  	(tm) =	ssettm $0x7FFFFFFF  }
0xc5: {  	_ =	shalt  }
tec
execute0_lowered:
.L_overlay_start_1:
0x0: {  	(tag) =	ssettag $0x1  }
0x1: {  	s1 =	rddreg [dreg:$0x0]  }
0x2: {  	s0 =	srdreg.scid;
	s3 =	stileid.u32  }
0x3: {  	s2 =	rddreg [dreg:$0x1];
	s17 =	simm.s32 $0x13100;
	s9 =	simm.s32 $0x2  }
0x4: {  	s11 =	simm.s32 $0x3;
	s13 =	simm.s32 $0x4;
	s15 =	simm.s32 $0x5  }
0x5: {  	s18 =	simm.s32 $0x6;
	s19 =	simm.s32 $0x7;
	s20 =	simm.s32 $0x8  }
0x6: {  	s0 =	sand.u32 $0x1, s0;
	s4 =	sshll.u32 s3, $0x1;
	s3 =	rddreg [dreg:$0x2]  }
0x7: {  	s6 =	sor.u32 s0, s4;
	s4 =	simm.s32 $0x0;
	s0 =	ssub.s32 $0x2, s0  }
0x8: {  	s5 =	smul.u32 $0x1900, s6;
	[smem:$0x7FF] =	sst s4;
	s8 =	sshrl.u32 s0, $0x1  }
0x9: {  	s24 =	smul.u32 $0x19000, s6;
	s6 =	simm.s32 $0x11D00;
	_ =	strace $0x80000047  }
0xa: {  	s0 =	ssub.s32 s0, s8;
	s7 =	sshrl.u32 s5, $0x3;
	s8 =	sor.u32 $0x28, s5  }
0xb: {  	s22 =	sor.u32 $0x50, s5;
	s10 =	sor.u32 $0x78, s5;
	s23 =	sor.u32 $0xA0, s5  }
0xc: {  	s12 =	sor.u32 $0xC8, s5;
	s25 =	sor.u32 $0xF0, s5;
	[dreg:$0x6] =	wrdreg s22  }
0xd: {  	s14 =	sadd.s32 $0x118, s5;
	s26 =	sadd.s32 $0x140, s5;
	[dreg:$0x7] =	wrdreg s23  }
0xe: {  	s16 =	sadd.s32 $0x168, s5;
	s0 =	smax.u32 s0, $0x1;
	[dreg:$0x8] =	wrdreg s25  }
0xf: {  	s7 =	sadd.s32 s7, s2;
	s2 =	sadd.s32 $0x6800, s2;
	[dreg:$0x9] =	wrdreg s26  }
0x10: {  	[dreg:$0xa] =	wrdreg s0;
	s23 =	simm.s32 $0xA;
	s25 =	simm.s32 $0x28  }
0x11: {  	[dreg:$0x4] =	wrdreg s2;
	s21 =	sadd.s32 $0x400, s7;
	s2 =	sadd.s32 s3, s24  }
.Ltmp0:
0x12: {  	[dreg:$0x5] =	wrdreg s21;
	s28 =	sadd.s32 $0x17C00, s2;
	(pc) =	sbr.rel .LBB2_1-.Ltmp0, $4  }
0x13: {  	s26 =	simm.s32 $0x13;
	s29 =	sadd.s32 $0x18100, s2;
	[dreg:$0xb] =	wrdreg s28  }
0x14: {  	s24 =	simm.s32 $0x14;
	s30 =	sadd.s32 $0x18600, s2;
	[dreg:$0xc] =	wrdreg s29  }
0x15: {  	s7 =	simm.s32 $0x1;
	s31 =	sadd.s32 $0x18B00, s2;
	[dreg:$0xd] =	wrdreg s30  }
0x16: {  	s21 =	simm.s32 $0x9;
	s2 =	simm.s32 $0x0;
	[dreg:$0xe] =	wrdreg s31  }
.LBB2_59:
0x17: {  	s0 =	simm.s32 $0xB  }
0x18: {  	_ =	swait.ge [sflag:s0], $0x1400  }
0x19: {  	[sflag:s0] =	ssyncset.done $0x0  }
0x1a: {  	s30 =	simm.s32 $0xC;
	[sflag:s0] =	ssyncadd.s32 $0xFFFFEC00  }
0x1b: {  	_ =	swait.ge [sflag:s30], $0x1400  }
0x1c: {  	[sflag:s30] =	ssyncset.done $0x0  }
0x1d: {  	s31 =	simm.s32 $0xD;
	[sflag:s30] =	ssyncadd.s32 $0xFFFFEC00  }
0x1e: {  	_ =	swait.ge [sflag:s31], $0x1400  }
0x1f: {  	[sflag:s31] =	ssyncset.done $0x0  }
0x20: {  	s2 =	simm.s32 $0xE;
	[sflag:s31] =	ssyncadd.s32 $0xFFFFEC00  }
0x21: {  	_ =	swait.ge [sflag:s2], $0x1400  }
0x22: {  	[sflag:s2] =	ssyncset.done $0x0  }
0x23: {  	s22 =	simm.s32 $0xF;
	[sflag:s2] =	ssyncadd.s32 $0xFFFFEC00  }
0x24: {  	_ =	swait.ge [sflag:s22], $0x1400  }
0x25: {  	[sflag:s22] =	ssyncset.done $0x0  }
0x26: {  	s28 =	simm.s32 $0x10;
	[sflag:s22] =	ssyncadd.s32 $0xFFFFEC00  }
0x27: {  	_ =	swait.ge [sflag:s28], $0x1400  }
0x28: {  	[sflag:s28] =	ssyncset.done $0x0  }
0x29: {  	s29 =	simm.s32 $0x11;
	[sflag:s28] =	ssyncadd.s32 $0xFFFFEC00  }
0x2a: {  	_ =	swait.ge [sflag:s29], $0x1400  }
0x2b: {  	[sflag:s29] =	ssyncset.done $0x0  }
0x2c: {  	s30 =	simm.s32 $0x12;
	[sflag:s29] =	ssyncadd.s32 $0xFFFFEC00  }
0x2d: {  	_ =	swait.ge [sflag:s30], $0x1400  }
0x2e: {  	[sflag:s30] =	ssyncset.done $0x0  }
0x2f: {  	[sflag:s30] =	ssyncadd.s32 $0xFFFFEC00  }
0x30: {  	_ =	swait.ge [sflag:s26], $0x1400  }
0x31: {  	[sflag:s26] =	ssyncset.done $0x0  }
0x32: {  	[sflag:s26] =	ssyncadd.s32 $0xFFFFEC00  }
0x33: {  	_ =	swait.ge [sflag:s24], $0x1400  }
0x34: {  	s2 =	rddreg [dreg:$0xf]  }
0x35: {  	s31 =	rddreg [dreg:$0xa];
	s2 =	sadd.s32 $0x1, s2  }
0x36: {  	p0 =	sne.s32 s2, s31  }
.Ltmp1:
0x37: {  	_ = 	snop;
	(pc) =	sbr.rel @!p0 .LBB2_60-.Ltmp1, $3  }
0x38: {  	_ =	sdelay $0x1  }
0x39: {  	[sflag:s24] =	ssyncset.done $0x0  }
0x3a: {  	[sflag:s24] =	ssyncadd.s32 $0xFFFFEC00  }
.LBB2_1:
0x3b: {  	[dreg:$0xf] =	wrdreg s2  }
0x3c: {  	s0 =	rddreg [dreg:$0x5]  }
0x3d: {  	[tilespmem:s4], [sflag:$0xA] =	stream.linear.gather [hbm4b:s0+s4], $0x1900, $0x38;
	[tilespmem:$0x14500] =	vst v63  }
0x3e: {  	s30 =	rddreg [dreg:$0x4];
	s31 =	simm.s32 $0x1900  }
0x3f: {  	[tilespmem:s31], [sflag:$0x14] =	stream.linear.gather [hbm4b:s30+s4], $0x6400, $0x38;
	[tilespmem:$0x14500] =	vst v63  }
0x40: {  	_ =	swait.ge [sflag:s23], $0x1900  }
0x41: {  	[sflag:s23] =	ssyncset.done $0x0  }
0x42: {  	[sflag:s23] =	ssyncadd.s32 $0xFFFFE700  }
0x43: {  	_ =	swait.ge [sflag:s24], $0x6400  }
0x44: {  	[sflag:s24] =	ssyncset.done $0x0  }
0x45: {  	s2 =	simm.s32 $0xF0;
	[sflag:s24] =	ssyncadd.s32 $0xFFFF9C00  }
0x46: {  	v0 =	vld [tilespmem:s2+$0x1900]  }
0x47: {  	v1 =	vld [tilespmem:s2+$0x1810]  }
0x48: {  	v2 =	vld [tilespmem:s2+$0x1820]  }
0x49: {  	v3 =	vld [tilespmem:s2+$0x1830]  }
0x4a: {  	v4 =	vld [tilespmem:s2+$0x1840]  }
0x4b: {  	v5 =	vld [tilespmem:s2+$0x1850];
	[tilespmem:s2+$0x7D00] =	vst v0  }
0x4c: {  	[tilespmem:s2+$0x7C10] =	vst v1;
	v0 =	vld [tilespmem:s2+$0x1860]  }
0x4d: {  	[tilespmem:s2+$0x7C20] =	vst v2;
	v1 =	vld [tilespmem:s2+$0x1870]  }
0x4e: {  	[tilespmem:s2+$0x7C30] =	vst v3;
	v2 =	vld [tilespmem:s2+$0x1880]  }
0x4f: {  	[tilespmem:s2+$0x7C40] =	vst v4;
	v3 =	vld [tilespmem:s2+$0x1890]  }
0x50: {  	[tilespmem:s2+$0x7C50] =	vst v5;
	v4 =	vld [tilespmem:s2+$0x18A0]  }
0x51: {  	[tilespmem:s2+$0x7C60] =	vst v0;
	v0 =	vld [tilespmem:s2+$0x18B0]  }
0x52: {  	[tilespmem:s2+$0x7C70] =	vst v1;
	v1 =	vld [tilespmem:s2+$0x18C0]  }
0x53: {  	[tilespmem:s2+$0x7C80] =	vst v2;
	v2 =	vld [tilespmem:s2+$0x18D0]  }
0x54: {  	[tilespmem:s2+$0x7C90] =	vst v3;
	v3 =	vld [tilespmem:s2+$0x18E0]  }
0x55: {  	s22 =	simm.s32 $0x1F0;
	s28 =	simm.s32 $0xBC0;
	[tilespmem:s2+$0x7CA0] =	vst v4;
	v4 =	vld [tilespmem:s2+$0x18F0]  }
.LBB2_2:
0x56: {  	p0 =	sne.s32 s28, $0x4FC0;
	v5 =	vld [tilespmem:s22+$0x1900];
	[tilespmem:s2+$0x7CB0] =	vst v0  }
0x57: {  	v0 =	vld [tilespmem:s22+$0x1810];
	[tilespmem:s2+$0x7CC0] =	vst v1  }
0x58: {  	v1 =	vld [tilespmem:s22+$0x1820];
	[tilespmem:s2+$0x7CD0] =	vst v2  }
0x59: {  	v2 =	vld [tilespmem:s22+$0x1830];
	[tilespmem:s2+$0x7CE0] =	vst v3  }
0x5a: {  	v3 =	vld [tilespmem:s22+$0x1840];
	[tilespmem:s2+$0x7CF0] =	vst v4;
	s2 =	smov.u32 s22  }
0x5b: {  	v4 =	vld [tilespmem:s2+$0x1850];
	[tilespmem:s2+$0x7D00] =	vst v5  }
0x5c: {  	[tilespmem:s2+$0x7C10] =	vst v0;
	v0 =	vld [tilespmem:s2+$0x1860]  }
0x5d: {  	[tilespmem:s2+$0x7C20] =	vst v1;
	v1 =	vld [tilespmem:s2+$0x1870]  }
0x5e: {  	[tilespmem:s2+$0x7C30] =	vst v2;
	v2 =	vld [tilespmem:s2+$0x1880]  }
0x5f: {  	[tilespmem:s2+$0x7C40] =	vst v3;
	v3 =	vld [tilespmem:s2+$0x1890]  }
0x60: {  	[tilespmem:s2+$0x7C50] =	vst v4;
	v4 =	vld [tilespmem:s2+$0x18A0]  }
.Ltmp2:
0x61: {  	[tilespmem:s2+$0x7C60] =	vst v0;
	v0 =	vld [tilespmem:s2+$0x18B0];
	(pc) =	sbr.rel @p0 .LBB2_2-.Ltmp2, $4  }
0x62: {  	[tilespmem:s2+$0x7C70] =	vst v1;
	v1 =	vld [tilespmem:s2+$0x18C0]  }
0x63: {  	[tilespmem:s2+$0x7C80] =	vst v2;
	v2 =	vld [tilespmem:s2+$0x18D0]  }
0x64: {  	[tilespmem:s2+$0x7C90] =	vst v3;
	v3 =	vld [tilespmem:s2+$0x18E0]  }
0x65: {  	s22 =	sshra.s32 s28, $0x2;
	s28 =	sadd.s32 $0x400, s28;
	[tilespmem:s2+$0x7CA0] =	vst v4;
	v4 =	vld [tilespmem:s2+$0x18F0]  }
0x66: {  	v5 =	vld [tilespmem:s22+$0x1900];
	[tilespmem:s2+$0x7CB0] =	vst v0  }
0x67: {  	v0 =	vld [tilespmem:s22+$0x1810];
	[tilespmem:s2+$0x7CC0] =	vst v1  }
0x68: {  	v1 =	vld [tilespmem:s22+$0x1820];
	[tilespmem:s2+$0x7CD0] =	vst v2  }
0x69: {  	v2 =	vld [tilespmem:s22+$0x1830];
	[tilespmem:s2+$0x7CE0] =	vst v3  }
0x6a: {  	v3 =	vld [tilespmem:s22+$0x1840];
	[tilespmem:s2+$0x7CF0] =	vst v4  }
0x6b: {  	v4 =	vld [tilespmem:s22+$0x1850];
	[tilespmem:s22+$0x7D00] =	vst v5  }
0x6c: {  	[tilespmem:s22+$0x7C10] =	vst v0;
	v0 =	vld [tilespmem:s22+$0x1860]  }
0x6d: {  	[tilespmem:s22+$0x7C20] =	vst v1;
	v1 =	vld [tilespmem:s22+$0x1870]  }
0x6e: {  	[tilespmem:s22+$0x7C30] =	vst v2;
	v2 =	vld [tilespmem:s22+$0x1880]  }
0x6f: {  	[tilespmem:s22+$0x7C40] =	vst v3;
	v3 =	vld [tilespmem:s22+$0x1890]  }
0x70: {  	[tilespmem:s22+$0x7C50] =	vst v4;
	v4 =	vld [tilespmem:s22+$0x18A0]  }
0x71: {  	[tilespmem:s22+$0x7C60] =	vst v0;
	v0 =	vld [tilespmem:s22+$0x18B0]  }
0x72: {  	[tilespmem:s22+$0x7C70] =	vst v1;
	v1 =	vld [tilespmem:s22+$0x18C0]  }
0x73: {  	[tilespmem:s22+$0x7C80] =	vst v2;
	v2 =	vld [tilespmem:s22+$0x18D0]  }
0x74: {  	[tilespmem:s22+$0x7C90] =	vst v3;
	v3 =	vld [tilespmem:s22+$0x18E0]  }
0x75: {  	[tilespmem:s22+$0x7CA0] =	vst v4;
	v4 =	vld [tilespmem:s22+$0x18F0]  }
0x76: {  	[tilespmem:s22+$0x7CB0] =	vst v0  }
0x77: {  	[tilespmem:s22+$0x7CC0] =	vst v1  }
0x78: {  	[tilespmem:s22+$0x7CD0] =	vst v2  }
0x79: {  	[tilespmem:s22+$0x7CE0] =	vst v3  }
0x7a: {  	s0 =	simm.s32 $0x0;
	s31 =	simm.s32 $0x7D00;
	s2 =	simm.s32 $0x0;
	[tilespmem:s22+$0x7CF0] =	vst v4  }
0x7b: {  	[tilespmem:s31], [sflag:$0x1] =	stream.indirect.gather.add.f32 [hbm:s1], $0x80, s0, s25, $0xb8;
	[tilespmem:$0x14500] =	vst v63  }
0x7c: {  	v0 =	vld [tilespmem:s2+$0x2DF0]  }
0x7d: {  	v1 =	vld [tilespmem:s2+$0x2D00]  }
0x7e: {  	v2 =	vld [tilespmem:s2+$0x2D10]  }
0x7f: {  	v3 =	vld [tilespmem:s2+$0x2D20]  }
0x80: {  	v4 =	vld [tilespmem:s2+$0x2D30]  }
0x81: {  	v5 =	vld [tilespmem:s2+$0x2D40];
	[tilespmem:s2+$0x91F0] =	vst v0  }
0x82: {  	[tilespmem:s2+$0x9100] =	vst v1;
	v0 =	vld [tilespmem:s2+$0x2D50]  }
0x83: {  	[tilespmem:s2+$0x9110] =	vst v2;
	v1 =	vld [tilespmem:s2+$0x2D60]  }
0x84: {  	[tilespmem:s2+$0x9120] =	vst v3;
	v2 =	vld [tilespmem:s2+$0x2D70]  }
0x85: {  	[tilespmem:s2+$0x9130] =	vst v4;
	v3 =	vld [tilespmem:s2+$0x2D80]  }
0x86: {  	[tilespmem:s2+$0x9140] =	vst v5;
	v4 =	vld [tilespmem:s2+$0x2D90]  }
0x87: {  	[tilespmem:s2+$0x9150] =	vst v0;
	v0 =	vld [tilespmem:s2+$0x2DA0]  }
0x88: {  	[tilespmem:s2+$0x9160] =	vst v1;
	v1 =	vld [tilespmem:s2+$0x2DB0]  }
0x89: {  	[tilespmem:s2+$0x9170] =	vst v2;
	v2 =	vld [tilespmem:s2+$0x2DC0]  }
0x8a: {  	[tilespmem:s2+$0x9180] =	vst v3;
	v3 =	vld [tilespmem:s2+$0x2DD0]  }
0x8b: {  	s28 =	simm.s32 $0x800;
	s22 =	simm.s32 $0x100;
	[tilespmem:s2+$0x9190] =	vst v4;
	v4 =	vld [tilespmem:s2+$0x2DE0]  }
.LBB2_4:
0x8c: {  	p0 =	sne.s32 s28, $0x4C00;
	v5 =	vld [tilespmem:s22+$0x2DF0];
	[tilespmem:s2+$0x91A0] =	vst v0  }
0x8d: {  	v0 =	vld [tilespmem:s22+$0x2D00];
	[tilespmem:s2+$0x91B0] =	vst v1  }
0x8e: {  	v1 =	vld [tilespmem:s22+$0x2D10];
	[tilespmem:s2+$0x91C0] =	vst v2  }
0x8f: {  	v2 =	vld [tilespmem:s22+$0x2D20];
	[tilespmem:s2+$0x91D0] =	vst v3  }
0x90: {  	v3 =	vld [tilespmem:s22+$0x2D30];
	[tilespmem:s2+$0x91E0] =	vst v4;
	s2 =	smov.u32 s22  }
0x91: {  	v4 =	vld [tilespmem:s2+$0x2D40];
	[tilespmem:s2+$0x91F0] =	vst v5  }
0x92: {  	[tilespmem:s2+$0x9100] =	vst v0;
	v0 =	vld [tilespmem:s2+$0x2D50]  }
0x93: {  	[tilespmem:s2+$0x9110] =	vst v1;
	v1 =	vld [tilespmem:s2+$0x2D60]  }
0x94: {  	[tilespmem:s2+$0x9120] =	vst v2;
	v2 =	vld [tilespmem:s2+$0x2D70]  }
0x95: {  	[tilespmem:s2+$0x9130] =	vst v3;
	v3 =	vld [tilespmem:s2+$0x2D80]  }
0x96: {  	[tilespmem:s2+$0x9140] =	vst v4;
	v4 =	vld [tilespmem:s2+$0x2D90]  }
.Ltmp3:
0x97: {  	[tilespmem:s2+$0x9150] =	vst v0;
	v0 =	vld [tilespmem:s2+$0x2DA0];
	(pc) =	sbr.rel @p0 .LBB2_4-.Ltmp3, $4  }
0x98: {  	[tilespmem:s2+$0x9160] =	vst v1;
	v1 =	vld [tilespmem:s2+$0x2DB0]  }
0x99: {  	[tilespmem:s2+$0x9170] =	vst v2;
	v2 =	vld [tilespmem:s2+$0x2DC0]  }
0x9a: {  	[tilespmem:s2+$0x9180] =	vst v3;
	v3 =	vld [tilespmem:s2+$0x2DD0]  }
0x9b: {  	s22 =	sshra.s32 s28, $0x2;
	s28 =	sadd.s32 $0x400, s28;
	[tilespmem:s2+$0x9190] =	vst v4;
	v4 =	vld [tilespmem:s2+$0x2DE0]  }
0x9c: {  	v5 =	vld [tilespmem:s22+$0x2DF0];
	[tilespmem:s2+$0x91A0] =	vst v0  }
0x9d: {  	v0 =	vld [tilespmem:s22+$0x2D00];
	[tilespmem:s2+$0x91B0] =	vst v1  }
0x9e: {  	v1 =	vld [tilespmem:s22+$0x2D10];
	[tilespmem:s2+$0x91C0] =	vst v2  }
0x9f: {  	v2 =	vld [tilespmem:s22+$0x2D20];
	[tilespmem:s2+$0x91D0] =	vst v3  }
0xa0: {  	v3 =	vld [tilespmem:s22+$0x2D30];
	[tilespmem:s2+$0x91E0] =	vst v4  }
0xa1: {  	v4 =	vld [tilespmem:s22+$0x2D40];
	[tilespmem:s22+$0x91F0] =	vst v5  }
0xa2: {  	[tilespmem:s22+$0x9100] =	vst v0;
	v0 =	vld [tilespmem:s22+$0x2D50]  }
0xa3: {  	[tilespmem:s22+$0x9110] =	vst v1;
	v1 =	vld [tilespmem:s22+$0x2D60]  }
0xa4: {  	[tilespmem:s22+$0x9120] =	vst v2;
	v2 =	vld [tilespmem:s22+$0x2D70]  }
0xa5: {  	[tilespmem:s22+$0x9130] =	vst v3;
	v3 =	vld [tilespmem:s22+$0x2D80]  }
0xa6: {  	[tilespmem:s22+$0x9140] =	vst v4;
	v4 =	vld [tilespmem:s22+$0x2D90]  }
0xa7: {  	[tilespmem:s22+$0x9150] =	vst v0;
	v0 =	vld [tilespmem:s22+$0x2DA0]  }
0xa8: {  	[tilespmem:s22+$0x9160] =	vst v1;
	v1 =	vld [tilespmem:s22+$0x2DB0]  }
0xa9: {  	[tilespmem:s22+$0x9170] =	vst v2;
	v2 =	vld [tilespmem:s22+$0x2DC0]  }
0xaa: {  	[tilespmem:s22+$0x9180] =	vst v3;
	v3 =	vld [tilespmem:s22+$0x2DD0]  }
0xab: {  	[tilespmem:s22+$0x9190] =	vst v4;
	v4 =	vld [tilespmem:s22+$0x2DE0]  }
0xac: {  	[tilespmem:s22+$0x91A0] =	vst v0  }
0xad: {  	[tilespmem:s22+$0x91B0] =	vst v1  }
0xae: {  	[tilespmem:s22+$0x91C0] =	vst v2  }
0xaf: {  	[tilespmem:s22+$0x91D0] =	vst v3  }
0xb0: {  	s0 =	simm.s32 $0x9100;
	s2 =	simm.s32 $0x0;
	[tilespmem:s22+$0x91E0] =	vst v4  }
0xb1: {  	[tilespmem:s0], [sflag:$0x2] =	stream.indirect.gather.add.f32 [hbm:s1], $0x80, s25, s25, $0xb8;
	[tilespmem:$0x14500] =	vst v63  }
0xb2: {  	v0 =	vld [tilespmem:s2+$0x41F0]  }
0xb3: {  	v1 =	vld [tilespmem:s2+$0x4100]  }
0xb4: {  	v2 =	vld [tilespmem:s2+$0x4110]  }
0xb5: {  	v3 =	vld [tilespmem:s2+$0x4120]  }
0xb6: {  	v4 =	vld [tilespmem:s2+$0x4130]  }
0xb7: {  	v5 =	vld [tilespmem:s2+$0x4140];
	[tilespmem:s2+$0xA5F0] =	vst v0  }
0xb8: {  	[tilespmem:s2+$0xA500] =	vst v1;
	v0 =	vld [tilespmem:s2+$0x4150]  }
0xb9: {  	[tilespmem:s2+$0xA510] =	vst v2;
	v1 =	vld [tilespmem:s2+$0x4160]  }
0xba: {  	[tilespmem:s2+$0xA520] =	vst v3;
	v2 =	vld [tilespmem:s2+$0x4170]  }
0xbb: {  	[tilespmem:s2+$0xA530] =	vst v4;
	v3 =	vld [tilespmem:s2+$0x4180]  }
0xbc: {  	[tilespmem:s2+$0xA540] =	vst v5;
	v4 =	vld [tilespmem:s2+$0x4190]  }
0xbd: {  	[tilespmem:s2+$0xA550] =	vst v0;
	v0 =	vld [tilespmem:s2+$0x41A0]  }
0xbe: {  	[tilespmem:s2+$0xA560] =	vst v1;
	v1 =	vld [tilespmem:s2+$0x41B0]  }
0xbf: {  	[tilespmem:s2+$0xA570] =	vst v2;
	v2 =	vld [tilespmem:s2+$0x41C0]  }
0xc0: {  	[tilespmem:s2+$0xA580] =	vst v3;
	v3 =	vld [tilespmem:s2+$0x41D0]  }
0xc1: {  	s28 =	simm.s32 $0x800;
	s22 =	simm.s32 $0x100;
	[tilespmem:s2+$0xA590] =	vst v4;
	v4 =	vld [tilespmem:s2+$0x41E0]  }
.LBB2_6:
0xc2: {  	p0 =	sne.s32 s28, $0x4C00;
	v5 =	vld [tilespmem:s22+$0x41F0];
	[tilespmem:s2+$0xA5A0] =	vst v0  }
0xc3: {  	v0 =	vld [tilespmem:s22+$0x4100];
	[tilespmem:s2+$0xA5B0] =	vst v1  }
0xc4: {  	v1 =	vld [tilespmem:s22+$0x4110];
	[tilespmem:s2+$0xA5C0] =	vst v2  }
0xc5: {  	v2 =	vld [tilespmem:s22+$0x4120];
	[tilespmem:s2+$0xA5D0] =	vst v3  }
0xc6: {  	v3 =	vld [tilespmem:s22+$0x4130];
	[tilespmem:s2+$0xA5E0] =	vst v4;
	s2 =	smov.u32 s22  }
0xc7: {  	v4 =	vld [tilespmem:s2+$0x4140];
	[tilespmem:s2+$0xA5F0] =	vst v5  }
0xc8: {  	[tilespmem:s2+$0xA500] =	vst v0;
	v0 =	vld [tilespmem:s2+$0x4150]  }
0xc9: {  	[tilespmem:s2+$0xA510] =	vst v1;
	v1 =	vld [tilespmem:s2+$0x4160]  }
0xca: {  	[tilespmem:s2+$0xA520] =	vst v2;
	v2 =	vld [tilespmem:s2+$0x4170]  }
0xcb: {  	[tilespmem:s2+$0xA530] =	vst v3;
	v3 =	vld [tilespmem:s2+$0x4180]  }
0xcc: {  	[tilespmem:s2+$0xA540] =	vst v4;
	v4 =	vld [tilespmem:s2+$0x4190]  }
.Ltmp4:
0xcd: {  	[tilespmem:s2+$0xA550] =	vst v0;
	v0 =	vld [tilespmem:s2+$0x41A0];
	(pc) =	sbr.rel @p0 .LBB2_6-.Ltmp4, $4  }
0xce: {  	[tilespmem:s2+$0xA560] =	vst v1;
	v1 =	vld [tilespmem:s2+$0x41B0]  }
0xcf: {  	[tilespmem:s2+$0xA570] =	vst v2;
	v2 =	vld [tilespmem:s2+$0x41C0]  }
0xd0: {  	[tilespmem:s2+$0xA580] =	vst v3;
	v3 =	vld [tilespmem:s2+$0x41D0]  }
0xd1: {  	s22 =	sshra.s32 s28, $0x2;
	s28 =	sadd.s32 $0x400, s28;
	[tilespmem:s2+$0xA590] =	vst v4;
	v4 =	vld [tilespmem:s2+$0x41E0]  }
0xd2: {  	v5 =	vld [tilespmem:s22+$0x41F0];
	[tilespmem:s2+$0xA5A0] =	vst v0  }
0xd3: {  	v0 =	vld [tilespmem:s22+$0x4100];
	[tilespmem:s2+$0xA5B0] =	vst v1  }
0xd4: {  	v1 =	vld [tilespmem:s22+$0x4110];
	[tilespmem:s2+$0xA5C0] =	vst v2  }
0xd5: {  	v2 =	vld [tilespmem:s22+$0x4120];
	[tilespmem:s2+$0xA5D0] =	vst v3  }
0xd6: {  	v3 =	vld [tilespmem:s22+$0x4130];
	[tilespmem:s2+$0xA5E0] =	vst v4  }
0xd7: {  	v4 =	vld [tilespmem:s22+$0x4140];
	[tilespmem:s22+$0xA5F0] =	vst v5  }
0xd8: {  	[tilespmem:s22+$0xA500] =	vst v0;
	v0 =	vld [tilespmem:s22+$0x4150]  }
0xd9: {  	[tilespmem:s22+$0xA510] =	vst v1;
	v1 =	vld [tilespmem:s22+$0x4160]  }
0xda: {  	[tilespmem:s22+$0xA520] =	vst v2;
	v2 =	vld [tilespmem:s22+$0x4170]  }
0xdb: {  	[tilespmem:s22+$0xA530] =	vst v3;
	v3 =	vld [tilespmem:s22+$0x4180]  }
0xdc: {  	[tilespmem:s22+$0xA540] =	vst v4;
	v4 =	vld [tilespmem:s22+$0x4190]  }
0xdd: {  	[tilespmem:s22+$0xA550] =	vst v0;
	v0 =	vld [tilespmem:s22+$0x41A0]  }
0xde: {  	[tilespmem:s22+$0xA560] =	vst v1;
	v1 =	vld [tilespmem:s22+$0x41B0]  }
0xdf: {  	[tilespmem:s22+$0xA570] =	vst v2;
	v2 =	vld [tilespmem:s22+$0x41C0]  }
0xe0: {  	[tilespmem:s22+$0xA580] =	vst v3;
	v3 =	vld [tilespmem:s22+$0x41D0]  }
0xe1: {  	[tilespmem:s22+$0xA590] =	vst v4;
	v4 =	vld [tilespmem:s22+$0x41E0]  }
0xe2: {  	[tilespmem:s22+$0xA5A0] =	vst v0  }
0xe3: {  	[tilespmem:s22+$0xA5B0] =	vst v1  }
0xe4: {  	[tilespmem:s22+$0xA5C0] =	vst v2  }
0xe5: {  	[tilespmem:s22+$0xA5D0] =	vst v3  }
0xe6: {  	s0 =	simm.s32 $0x50;
	s31 =	simm.s32 $0xA500;
	s2 =	simm.s32 $0x0;
	[tilespmem:s22+$0xA5E0] =	vst v4  }
0xe7: {  	[tilespmem:s31], [sflag:$0x3] =	stream.indirect.gather.add.f32 [hbm:s1], $0x80, s0, s25, $0xb8;
	[tilespmem:$0x14500] =	vst v63  }
0xe8: {  	v0 =	vld [tilespmem:s2+$0x55F0]  }
0xe9: {  	v1 =	vld [tilespmem:s2+$0x5500]  }
0xea: {  	v2 =	vld [tilespmem:s2+$0x5510]  }
0xeb: {  	v3 =	vld [tilespmem:s2+$0x5520]  }
0xec: {  	v4 =	vld [tilespmem:s2+$0x5530]  }
0xed: {  	v5 =	vld [tilespmem:s2+$0x5540];
	[tilespmem:s2+$0xB9F0] =	vst v0  }
0xee: {  	[tilespmem:s2+$0xB900] =	vst v1;
	v0 =	vld [tilespmem:s2+$0x5550]  }
0xef: {  	[tilespmem:s2+$0xB910] =	vst v2;
	v1 =	vld [tilespmem:s2+$0x5560]  }
0xf0: {  	[tilespmem:s2+$0xB920] =	vst v3;
	v2 =	vld [tilespmem:s2+$0x5570]  }
0xf1: {  	[tilespmem:s2+$0xB930] =	vst v4;
	v3 =	vld [tilespmem:s2+$0x5580]  }
0xf2: {  	[tilespmem:s2+$0xB940] =	vst v5;
	v4 =	vld [tilespmem:s2+$0x5590]  }
0xf3: {  	[tilespmem:s2+$0xB950] =	vst v0;
	v0 =	vld [tilespmem:s2+$0x55A0]  }
0xf4: {  	[tilespmem:s2+$0xB960] =	vst v1;
	v1 =	vld [tilespmem:s2+$0x55B0]  }
0xf5: {  	[tilespmem:s2+$0xB970] =	vst v2;
	v2 =	vld [tilespmem:s2+$0x55C0]  }
0xf6: {  	[tilespmem:s2+$0xB980] =	vst v3;
	v3 =	vld [tilespmem:s2+$0x55D0]  }
0xf7: {  	s28 =	simm.s32 $0x800;
	s22 =	simm.s32 $0x100;
	[tilespmem:s2+$0xB990] =	vst v4;
	v4 =	vld [tilespmem:s2+$0x55E0]  }
.LBB2_8:
0xf8: {  	p0 =	sne.s32 s28, $0x4C00;
	v5 =	vld [tilespmem:s22+$0x55F0];
	[tilespmem:s2+$0xB9A0] =	vst v0  }
0xf9: {  	v0 =	vld [tilespmem:s22+$0x5500];
	[tilespmem:s2+$0xB9B0] =	vst v1  }
0xfa: {  	v1 =	vld [tilespmem:s22+$0x5510];
	[tilespmem:s2+$0xB9C0] =	vst v2  }
0xfb: {  	v2 =	vld [tilespmem:s22+$0x5520];
	[tilespmem:s2+$0xB9D0] =	vst v3  }
0xfc: {  	v3 =	vld [tilespmem:s22+$0x5530];
	[tilespmem:s2+$0xB9E0] =	vst v4;
	s2 =	smov.u32 s22  }
0xfd: {  	v4 =	vld [tilespmem:s2+$0x5540];
	[tilespmem:s2+$0xB9F0] =	vst v5  }
0xfe: {  	[tilespmem:s2+$0xB900] =	vst v0;
	v0 =	vld [tilespmem:s2+$0x5550]  }
0xff: {  	[tilespmem:s2+$0xB910] =	vst v1;
	v1 =	vld [tilespmem:s2+$0x5560]  }
0x100: {  	[tilespmem:s2+$0xB920] =	vst v2;
	v2 =	vld [tilespmem:s2+$0x5570]  }
0x101: {  	[tilespmem:s2+$0xB930] =	vst v3;
	v3 =	vld [tilespmem:s2+$0x5580]  }
0x102: {  	[tilespmem:s2+$0xB940] =	vst v4;
	v4 =	vld [tilespmem:s2+$0x5590]  }
.Ltmp5:
0x103: {  	[tilespmem:s2+$0xB950] =	vst v0;
	v0 =	vld [tilespmem:s2+$0x55A0];
	(pc) =	sbr.rel @p0 .LBB2_8-.Ltmp5, $4  }
0x104: {  	[tilespmem:s2+$0xB960] =	vst v1;
	v1 =	vld [tilespmem:s2+$0x55B0]  }
0x105: {  	[tilespmem:s2+$0xB970] =	vst v2;
	v2 =	vld [tilespmem:s2+$0x55C0]  }
0x106: {  	[tilespmem:s2+$0xB980] =	vst v3;
	v3 =	vld [tilespmem:s2+$0x55D0]  }
0x107: {  	s22 =	sshra.s32 s28, $0x2;
	s28 =	sadd.s32 $0x400, s28;
	[tilespmem:s2+$0xB990] =	vst v4;
	v4 =	vld [tilespmem:s2+$0x55E0]  }
0x108: {  	v5 =	vld [tilespmem:s22+$0x55F0];
	[tilespmem:s2+$0xB9A0] =	vst v0  }
0x109: {  	v0 =	vld [tilespmem:s22+$0x5500];
	[tilespmem:s2+$0xB9B0] =	vst v1  }
0x10a: {  	v1 =	vld [tilespmem:s22+$0x5510];
	[tilespmem:s2+$0xB9C0] =	vst v2  }
0x10b: {  	v2 =	vld [tilespmem:s22+$0x5520];
	[tilespmem:s2+$0xB9D0] =	vst v3  }
0x10c: {  	v3 =	vld [tilespmem:s22+$0x5530];
	[tilespmem:s2+$0xB9E0] =	vst v4  }
0x10d: {  	v4 =	vld [tilespmem:s22+$0x5540];
	[tilespmem:s22+$0xB9F0] =	vst v5  }
0x10e: {  	[tilespmem:s22+$0xB900] =	vst v0;
	v0 =	vld [tilespmem:s22+$0x5550]  }
0x10f: {  	[tilespmem:s22+$0xB910] =	vst v1;
	v1 =	vld [tilespmem:s22+$0x5560]  }
0x110: {  	[tilespmem:s22+$0xB920] =	vst v2;
	v2 =	vld [tilespmem:s22+$0x5570]  }
0x111: {  	[tilespmem:s22+$0xB930] =	vst v3;
	v3 =	vld [tilespmem:s22+$0x5580]  }
0x112: {  	[tilespmem:s22+$0xB940] =	vst v4;
	v4 =	vld [tilespmem:s22+$0x5590]  }
0x113: {  	[tilespmem:s22+$0xB950] =	vst v0;
	v0 =	vld [tilespmem:s22+$0x55A0]  }
0x114: {  	[tilespmem:s22+$0xB960] =	vst v1;
	v1 =	vld [tilespmem:s22+$0x55B0]  }
0x115: {  	[tilespmem:s22+$0xB970] =	vst v2;
	v2 =	vld [tilespmem:s22+$0x55C0]  }
0x116: {  	[tilespmem:s22+$0xB980] =	vst v3;
	v3 =	vld [tilespmem:s22+$0x55D0]  }
0x117: {  	[tilespmem:s22+$0xB990] =	vst v4;
	v4 =	vld [tilespmem:s22+$0x55E0]  }
0x118: {  	[tilespmem:s22+$0xB9A0] =	vst v0  }
0x119: {  	[tilespmem:s22+$0xB9B0] =	vst v1  }
0x11a: {  	[tilespmem:s22+$0xB9C0] =	vst v2  }
0x11b: {  	[tilespmem:s22+$0xB9D0] =	vst v3  }
0x11c: {  	s0 =	simm.s32 $0x78;
	s31 =	simm.s32 $0xB900;
	s2 =	simm.s32 $0x0;
	[tilespmem:s22+$0xB9E0] =	vst v4  }
0x11d: {  	[tilespmem:s31], [sflag:$0x4] =	stream.indirect.gather.add.f32 [hbm:s1], $0x80, s0, s25, $0xb8;
	[tilespmem:$0x14500] =	vst v63  }
0x11e: {  	v0 =	vld [tilespmem:s2+$0x69F0]  }
0x11f: {  	v1 =	vld [tilespmem:s2+$0x6900]  }
0x120: {  	v2 =	vld [tilespmem:s2+$0x6910]  }
0x121: {  	v3 =	vld [tilespmem:s2+$0x6920]  }
0x122: {  	v4 =	vld [tilespmem:s2+$0x6930]  }
0x123: {  	v5 =	vld [tilespmem:s2+$0x6940];
	[tilespmem:s2+$0xCDF0] =	vst v0  }
0x124: {  	[tilespmem:s2+$0xCD00] =	vst v1;
	v0 =	vld [tilespmem:s2+$0x6950]  }
0x125: {  	[tilespmem:s2+$0xCD10] =	vst v2;
	v1 =	vld [tilespmem:s2+$0x6960]  }
0x126: {  	[tilespmem:s2+$0xCD20] =	vst v3;
	v2 =	vld [tilespmem:s2+$0x6970]  }
0x127: {  	[tilespmem:s2+$0xCD30] =	vst v4;
	v3 =	vld [tilespmem:s2+$0x6980]  }
0x128: {  	[tilespmem:s2+$0xCD40] =	vst v5;
	v4 =	vld [tilespmem:s2+$0x6990]  }
0x129: {  	[tilespmem:s2+$0xCD50] =	vst v0;
	v0 =	vld [tilespmem:s2+$0x69A0]  }
0x12a: {  	[tilespmem:s2+$0xCD60] =	vst v1;
	v1 =	vld [tilespmem:s2+$0x69B0]  }
0x12b: {  	[tilespmem:s2+$0xCD70] =	vst v2;
	v2 =	vld [tilespmem:s2+$0x69C0]  }
0x12c: {  	[tilespmem:s2+$0xCD80] =	vst v3;
	v3 =	vld [tilespmem:s2+$0x69D0]  }
0x12d: {  	s28 =	simm.s32 $0x800;
	s22 =	simm.s32 $0x100;
	[tilespmem:s2+$0xCD90] =	vst v4;
	v4 =	vld [tilespmem:s2+$0x69E0]  }
.LBB2_10:
0x12e: {  	p0 =	sne.s32 s28, $0x4C00;
	v5 =	vld [tilespmem:s22+$0x69F0];
	[tilespmem:s2+$0xCDA0] =	vst v0  }
0x12f: {  	v0 =	vld [tilespmem:s22+$0x6900];
	[tilespmem:s2+$0xCDB0] =	vst v1  }
0x130: {  	v1 =	vld [tilespmem:s22+$0x6910];
	[tilespmem:s2+$0xCDC0] =	vst v2  }
0x131: {  	v2 =	vld [tilespmem:s22+$0x6920];
	[tilespmem:s2+$0xCDD0] =	vst v3  }
0x132: {  	v3 =	vld [tilespmem:s22+$0x6930];
	[tilespmem:s2+$0xCDE0] =	vst v4;
	s2 =	smov.u32 s22  }
0x133: {  	v4 =	vld [tilespmem:s2+$0x6940];
	[tilespmem:s2+$0xCDF0] =	vst v5  }
0x134: {  	[tilespmem:s2+$0xCD00] =	vst v0;
	v0 =	vld [tilespmem:s2+$0x6950]  }
0x135: {  	[tilespmem:s2+$0xCD10] =	vst v1;
	v1 =	vld [tilespmem:s2+$0x6960]  }
0x136: {  	[tilespmem:s2+$0xCD20] =	vst v2;
	v2 =	vld [tilespmem:s2+$0x6970]  }
0x137: {  	[tilespmem:s2+$0xCD30] =	vst v3;
	v3 =	vld [tilespmem:s2+$0x6980]  }
0x138: {  	[tilespmem:s2+$0xCD40] =	vst v4;
	v4 =	vld [tilespmem:s2+$0x6990]  }
.Ltmp6:
0x139: {  	[tilespmem:s2+$0xCD50] =	vst v0;
	v0 =	vld [tilespmem:s2+$0x69A0];
	(pc) =	sbr.rel @p0 .LBB2_10-.Ltmp6, $4  }
0x13a: {  	[tilespmem:s2+$0xCD60] =	vst v1;
	v1 =	vld [tilespmem:s2+$0x69B0]  }
0x13b: {  	[tilespmem:s2+$0xCD70] =	vst v2;
	v2 =	vld [tilespmem:s2+$0x69C0]  }
0x13c: {  	[tilespmem:s2+$0xCD80] =	vst v3;
	v3 =	vld [tilespmem:s2+$0x69D0]  }
0x13d: {  	s22 =	sshra.s32 s28, $0x2;
	s28 =	sadd.s32 $0x400, s28;
	[tilespmem:s2+$0xCD90] =	vst v4;
	v4 =	vld [tilespmem:s2+$0x69E0]  }
0x13e: {  	v5 =	vld [tilespmem:s22+$0x69F0];
	[tilespmem:s2+$0xCDA0] =	vst v0  }
0x13f: {  	v0 =	vld [tilespmem:s22+$0x6900];
	[tilespmem:s2+$0xCDB0] =	vst v1  }
0x140: {  	v1 =	vld [tilespmem:s22+$0x6910];
	[tilespmem:s2+$0xCDC0] =	vst v2  }
0x141: {  	v2 =	vld [tilespmem:s22+$0x6920];
	[tilespmem:s2+$0xCDD0] =	vst v3  }
0x142: {  	v3 =	vld [tilespmem:s22+$0x6930];
	[tilespmem:s2+$0xCDE0] =	vst v4  }
0x143: {  	v4 =	vld [tilespmem:s22+$0x6940];
	[tilespmem:s22+$0xCDF0] =	vst v5  }
0x144: {  	[tilespmem:s22+$0xCD00] =	vst v0;
	v0 =	vld [tilespmem:s22+$0x6950]  }
0x145: {  	[tilespmem:s22+$0xCD10] =	vst v1;
	v1 =	vld [tilespmem:s22+$0x6960]  }
0x146: {  	[tilespmem:s22+$0xCD20] =	vst v2;
	v2 =	vld [tilespmem:s22+$0x6970]  }
0x147: {  	[tilespmem:s22+$0xCD30] =	vst v3;
	v3 =	vld [tilespmem:s22+$0x6980]  }
0x148: {  	[tilespmem:s22+$0xCD40] =	vst v4;
	v4 =	vld [tilespmem:s22+$0x6990]  }
0x149: {  	[tilespmem:s22+$0xCD50] =	vst v0;
	v0 =	vld [tilespmem:s22+$0x69A0]  }
0x14a: {  	[tilespmem:s22+$0xCD60] =	vst v1;
	v1 =	vld [tilespmem:s22+$0x69B0]  }
0x14b: {  	[tilespmem:s22+$0xCD70] =	vst v2;
	v2 =	vld [tilespmem:s22+$0x69C0]  }
0x14c: {  	[tilespmem:s22+$0xCD80] =	vst v3;
	v3 =	vld [tilespmem:s22+$0x69D0]  }
0x14d: {  	[tilespmem:s22+$0xCD90] =	vst v4;
	v4 =	vld [tilespmem:s22+$0x69E0]  }
0x14e: {  	[tilespmem:s22+$0xCDA0] =	vst v0  }
0x14f: {  	[tilespmem:s22+$0xCDB0] =	vst v1  }
0x150: {  	[tilespmem:s22+$0xCDC0] =	vst v2  }
0x151: {  	[tilespmem:s22+$0xCDD0] =	vst v3  }
0x152: {  	s0 =	simm.s32 $0xA0;
	s31 =	simm.s32 $0xCD00;
	s2 =	simm.s32 $0xF0;
	[tilespmem:s22+$0xCDE0] =	vst v4  }
0x153: {  	[tilespmem:s31], [sflag:$0x5] =	stream.indirect.gather.add.f32 [hbm:s1], $0x80, s0, s25, $0xb8;
	[tilespmem:$0x14500] =	vst v63  }
0x154: {  	v0 =	vld [tilespmem:s2+$0x1900]  }
0x155: {  	v1 =	vld [tilespmem:s2+$0x1810]  }
0x156: {  	v2 =	vld [tilespmem:s2+$0x1820]  }
0x157: {  	v3 =	vld [tilespmem:s2+$0x1830]  }
0x158: {  	v4 =	vld [tilespmem:s2+$0x1840]  }
0x159: {  	v5 =	vld [tilespmem:s2+$0x1850];
	[tilespmem:s2+$0xE100] =	vst v0  }
0x15a: {  	[tilespmem:s2+$0xE010] =	vst v1;
	v0 =	vld [tilespmem:s2+$0x1860]  }
0x15b: {  	[tilespmem:s2+$0xE020] =	vst v2;
	v1 =	vld [tilespmem:s2+$0x1870]  }
0x15c: {  	[tilespmem:s2+$0xE030] =	vst v3;
	v2 =	vld [tilespmem:s2+$0x1880]  }
0x15d: {  	[tilespmem:s2+$0xE040] =	vst v4;
	v3 =	vld [tilespmem:s2+$0x1890]  }
0x15e: {  	[tilespmem:s2+$0xE050] =	vst v5;
	v4 =	vld [tilespmem:s2+$0x18A0]  }
0x15f: {  	[tilespmem:s2+$0xE060] =	vst v0;
	v0 =	vld [tilespmem:s2+$0x18B0]  }
0x160: {  	[tilespmem:s2+$0xE070] =	vst v1;
	v1 =	vld [tilespmem:s2+$0x18C0]  }
0x161: {  	[tilespmem:s2+$0xE080] =	vst v2;
	v2 =	vld [tilespmem:s2+$0x18D0]  }
0x162: {  	[tilespmem:s2+$0xE090] =	vst v3;
	v3 =	vld [tilespmem:s2+$0x18E0]  }
0x163: {  	s28 =	simm.s32 $0xBC0;
	s22 =	simm.s32 $0x1F0;
	[tilespmem:s2+$0xE0A0] =	vst v4;
	v4 =	vld [tilespmem:s2+$0x18F0]  }
.LBB2_12:
0x164: {  	p0 =	sne.s32 s28, $0x4FC0;
	v5 =	vld [tilespmem:s22+$0x1900];
	[tilespmem:s2+$0xE0B0] =	vst v0  }
0x165: {  	v0 =	vld [tilespmem:s22+$0x1810];
	[tilespmem:s2+$0xE0C0] =	vst v1  }
0x166: {  	v1 =	vld [tilespmem:s22+$0x1820];
	[tilespmem:s2+$0xE0D0] =	vst v2  }
0x167: {  	v2 =	vld [tilespmem:s22+$0x1830];
	[tilespmem:s2+$0xE0E0] =	vst v3  }
0x168: {  	v3 =	vld [tilespmem:s22+$0x1840];
	[tilespmem:s2+$0xE0F0] =	vst v4;
	s2 =	smov.u32 s22  }
0x169: {  	v4 =	vld [tilespmem:s2+$0x1850];
	[tilespmem:s2+$0xE100] =	vst v5  }
0x16a: {  	[tilespmem:s2+$0xE010] =	vst v0;
	v0 =	vld [tilespmem:s2+$0x1860]  }
0x16b: {  	[tilespmem:s2+$0xE020] =	vst v1;
	v1 =	vld [tilespmem:s2+$0x1870]  }
0x16c: {  	[tilespmem:s2+$0xE030] =	vst v2;
	v2 =	vld [tilespmem:s2+$0x1880]  }
0x16d: {  	[tilespmem:s2+$0xE040] =	vst v3;
	v3 =	vld [tilespmem:s2+$0x1890]  }
0x16e: {  	[tilespmem:s2+$0xE050] =	vst v4;
	v4 =	vld [tilespmem:s2+$0x18A0]  }
.Ltmp7:
0x16f: {  	[tilespmem:s2+$0xE060] =	vst v0;
	v0 =	vld [tilespmem:s2+$0x18B0];
	(pc) =	sbr.rel @p0 .LBB2_12-.Ltmp7, $4  }
0x170: {  	[tilespmem:s2+$0xE070] =	vst v1;
	v1 =	vld [tilespmem:s2+$0x18C0]  }
0x171: {  	[tilespmem:s2+$0xE080] =	vst v2;
	v2 =	vld [tilespmem:s2+$0x18D0]  }
0x172: {  	[tilespmem:s2+$0xE090] =	vst v3;
	v3 =	vld [tilespmem:s2+$0x18E0]  }
0x173: {  	s22 =	sshra.s32 s28, $0x2;
	s28 =	sadd.s32 $0x400, s28;
	[tilespmem:s2+$0xE0A0] =	vst v4;
	v4 =	vld [tilespmem:s2+$0x18F0]  }
0x174: {  	v5 =	vld [tilespmem:s22+$0x1900];
	[tilespmem:s2+$0xE0B0] =	vst v0  }
0x175: {  	v0 =	vld [tilespmem:s22+$0x1810];
	[tilespmem:s2+$0xE0C0] =	vst v1  }
0x176: {  	v1 =	vld [tilespmem:s22+$0x1820];
	[tilespmem:s2+$0xE0D0] =	vst v2  }
0x177: {  	v2 =	vld [tilespmem:s22+$0x1830];
	[tilespmem:s2+$0xE0E0] =	vst v3  }
0x178: {  	v3 =	vld [tilespmem:s22+$0x1840];
	[tilespmem:s2+$0xE0F0] =	vst v4  }
0x179: {  	v4 =	vld [tilespmem:s22+$0x1850];
	[tilespmem:s22+$0xE100] =	vst v5  }
0x17a: {  	[tilespmem:s22+$0xE010] =	vst v0;
	v0 =	vld [tilespmem:s22+$0x1860]  }
0x17b: {  	[tilespmem:s22+$0xE020] =	vst v1;
	v1 =	vld [tilespmem:s22+$0x1870]  }
0x17c: {  	[tilespmem:s22+$0xE030] =	vst v2;
	v2 =	vld [tilespmem:s22+$0x1880]  }
0x17d: {  	[tilespmem:s22+$0xE040] =	vst v3;
	v3 =	vld [tilespmem:s22+$0x1890]  }
0x17e: {  	[tilespmem:s22+$0xE050] =	vst v4;
	v4 =	vld [tilespmem:s22+$0x18A0]  }
0x17f: {  	[tilespmem:s22+$0xE060] =	vst v0;
	v0 =	vld [tilespmem:s22+$0x18B0]  }
0x180: {  	[tilespmem:s22+$0xE070] =	vst v1;
	v1 =	vld [tilespmem:s22+$0x18C0]  }
0x181: {  	[tilespmem:s22+$0xE080] =	vst v2;
	v2 =	vld [tilespmem:s22+$0x18D0]  }
0x182: {  	[tilespmem:s22+$0xE090] =	vst v3;
	v3 =	vld [tilespmem:s22+$0x18E0]  }
0x183: {  	[tilespmem:s22+$0xE0A0] =	vst v4;
	v4 =	vld [tilespmem:s22+$0x18F0]  }
0x184: {  	[tilespmem:s22+$0xE0B0] =	vst v0  }
0x185: {  	[tilespmem:s22+$0xE0C0] =	vst v1  }
0x186: {  	[tilespmem:s22+$0xE0D0] =	vst v2  }
0x187: {  	[tilespmem:s22+$0xE0E0] =	vst v3  }
0x188: {  	s0 =	simm.s32 $0xC8;
	s31 =	simm.s32 $0xE100;
	s2 =	simm.s32 $0x0;
	[tilespmem:s22+$0xE0F0] =	vst v4  }
0x189: {  	[tilespmem:s31], [sflag:$0x6] =	stream.indirect.gather.add.f32 [hbm:s1], $0x80, s0, s25, $0xb8;
	[tilespmem:$0x14500] =	vst v63  }
0x18a: {  	v0 =	vld [tilespmem:s2+$0x2DF0]  }
0x18b: {  	v1 =	vld [tilespmem:s2+$0x2D00]  }
0x18c: {  	v2 =	vld [tilespmem:s2+$0x2D10]  }
0x18d: {  	v3 =	vld [tilespmem:s2+$0x2D20]  }
0x18e: {  	v4 =	vld [tilespmem:s2+$0x2D30]  }
0x18f: {  	v5 =	vld [tilespmem:s2+$0x2D40];
	[tilespmem:s2+$0xF5F0] =	vst v0  }
0x190: {  	[tilespmem:s2+$0xF500] =	vst v1;
	v0 =	vld [tilespmem:s2+$0x2D50]  }
0x191: {  	[tilespmem:s2+$0xF510] =	vst v2;
	v1 =	vld [tilespmem:s2+$0x2D60]  }
0x192: {  	[tilespmem:s2+$0xF520] =	vst v3;
	v2 =	vld [tilespmem:s2+$0x2D70]  }
0x193: {  	[tilespmem:s2+$0xF530] =	vst v4;
	v3 =	vld [tilespmem:s2+$0x2D80]  }
0x194: {  	[tilespmem:s2+$0xF540] =	vst v5;
	v4 =	vld [tilespmem:s2+$0x2D90]  }
0x195: {  	[tilespmem:s2+$0xF550] =	vst v0;
	v0 =	vld [tilespmem:s2+$0x2DA0]  }
0x196: {  	[tilespmem:s2+$0xF560] =	vst v1;
	v1 =	vld [tilespmem:s2+$0x2DB0]  }
0x197: {  	[tilespmem:s2+$0xF570] =	vst v2;
	v2 =	vld [tilespmem:s2+$0x2DC0]  }
0x198: {  	[tilespmem:s2+$0xF580] =	vst v3;
	v3 =	vld [tilespmem:s2+$0x2DD0]  }
0x199: {  	s28 =	simm.s32 $0x800;
	s22 =	simm.s32 $0x100;
	[tilespmem:s2+$0xF590] =	vst v4;
	v4 =	vld [tilespmem:s2+$0x2DE0]  }
.LBB2_14:
0x19a: {  	p0 =	sne.s32 s28, $0x4C00;
	v5 =	vld [tilespmem:s22+$0x2DF0];
	[tilespmem:s2+$0xF5A0] =	vst v0  }
0x19b: {  	v0 =	vld [tilespmem:s22+$0x2D00];
	[tilespmem:s2+$0xF5B0] =	vst v1  }
0x19c: {  	v1 =	vld [tilespmem:s22+$0x2D10];
	[tilespmem:s2+$0xF5C0] =	vst v2  }
0x19d: {  	v2 =	vld [tilespmem:s22+$0x2D20];
	[tilespmem:s2+$0xF5D0] =	vst v3  }
0x19e: {  	v3 =	vld [tilespmem:s22+$0x2D30];
	[tilespmem:s2+$0xF5E0] =	vst v4;
	s2 =	smov.u32 s22  }
0x19f: {  	v4 =	vld [tilespmem:s2+$0x2D40];
	[tilespmem:s2+$0xF5F0] =	vst v5  }
0x1a0: {  	[tilespmem:s2+$0xF500] =	vst v0;
	v0 =	vld [tilespmem:s2+$0x2D50]  }
0x1a1: {  	[tilespmem:s2+$0xF510] =	vst v1;
	v1 =	vld [tilespmem:s2+$0x2D60]  }
0x1a2: {  	[tilespmem:s2+$0xF520] =	vst v2;
	v2 =	vld [tilespmem:s2+$0x2D70]  }
0x1a3: {  	[tilespmem:s2+$0xF530] =	vst v3;
	v3 =	vld [tilespmem:s2+$0x2D80]  }
0x1a4: {  	[tilespmem:s2+$0xF540] =	vst v4;
	v4 =	vld [tilespmem:s2+$0x2D90]  }
.Ltmp8:
0x1a5: {  	[tilespmem:s2+$0xF550] =	vst v0;
	v0 =	vld [tilespmem:s2+$0x2DA0];
	(pc) =	sbr.rel @p0 .LBB2_14-.Ltmp8, $4  }
0x1a6: {  	[tilespmem:s2+$0xF560] =	vst v1;
	v1 =	vld [tilespmem:s2+$0x2DB0]  }
0x1a7: {  	[tilespmem:s2+$0xF570] =	vst v2;
	v2 =	vld [tilespmem:s2+$0x2DC0]  }
0x1a8: {  	[tilespmem:s2+$0xF580] =	vst v3;
	v3 =	vld [tilespmem:s2+$0x2DD0]  }
0x1a9: {  	s22 =	sshra.s32 s28, $0x2;
	s28 =	sadd.s32 $0x400, s28;
	[tilespmem:s2+$0xF590] =	vst v4;
	v4 =	vld [tilespmem:s2+$0x2DE0]  }
0x1aa: {  	v5 =	vld [tilespmem:s22+$0x2DF0];
	[tilespmem:s2+$0xF5A0] =	vst v0  }
0x1ab: {  	v0 =	vld [tilespmem:s22+$0x2D00];
	[tilespmem:s2+$0xF5B0] =	vst v1  }
0x1ac: {  	v1 =	vld [tilespmem:s22+$0x2D10];
	[tilespmem:s2+$0xF5C0] =	vst v2  }
0x1ad: {  	v2 =	vld [tilespmem:s22+$0x2D20];
	[tilespmem:s2+$0xF5D0] =	vst v3  }
0x1ae: {  	v3 =	vld [tilespmem:s22+$0x2D30];
	[tilespmem:s2+$0xF5E0] =	vst v4  }
0x1af: {  	v4 =	vld [tilespmem:s22+$0x2D40];
	[tilespmem:s22+$0xF5F0] =	vst v5  }
0x1b0: {  	[tilespmem:s22+$0xF500] =	vst v0;
	v0 =	vld [tilespmem:s22+$0x2D50]  }
0x1b1: {  	[tilespmem:s22+$0xF510] =	vst v1;
	v1 =	vld [tilespmem:s22+$0x2D60]  }
0x1b2: {  	[tilespmem:s22+$0xF520] =	vst v2;
	v2 =	vld [tilespmem:s22+$0x2D70]  }
0x1b3: {  	[tilespmem:s22+$0xF530] =	vst v3;
	v3 =	vld [tilespmem:s22+$0x2D80]  }
0x1b4: {  	[tilespmem:s22+$0xF540] =	vst v4;
	v4 =	vld [tilespmem:s22+$0x2D90]  }
0x1b5: {  	[tilespmem:s22+$0xF550] =	vst v0;
	v0 =	vld [tilespmem:s22+$0x2DA0]  }
0x1b6: {  	[tilespmem:s22+$0xF560] =	vst v1;
	v1 =	vld [tilespmem:s22+$0x2DB0]  }
0x1b7: {  	[tilespmem:s22+$0xF570] =	vst v2;
	v2 =	vld [tilespmem:s22+$0x2DC0]  }
0x1b8: {  	[tilespmem:s22+$0xF580] =	vst v3;
	v3 =	vld [tilespmem:s22+$0x2DD0]  }
0x1b9: {  	[tilespmem:s22+$0xF590] =	vst v4;
	v4 =	vld [tilespmem:s22+$0x2DE0]  }
0x1ba: {  	[tilespmem:s22+$0xF5A0] =	vst v0  }
0x1bb: {  	[tilespmem:s22+$0xF5B0] =	vst v1  }
0x1bc: {  	[tilespmem:s22+$0xF5C0] =	vst v2  }
0x1bd: {  	[tilespmem:s22+$0xF5D0] =	vst v3  }
0x1be: {  	s0 =	simm.s32 $0xF0;
	s31 =	simm.s32 $0xF500;
	s2 =	simm.s32 $0x0;
	[tilespmem:s22+$0xF5E0] =	vst v4  }
0x1bf: {  	[tilespmem:s31], [sflag:$0x7] =	stream.indirect.gather.add.f32 [hbm:s1], $0x80, s0, s25, $0xb8;
	[tilespmem:$0x14500] =	vst v63  }
0x1c0: {  	v0 =	vld [tilespmem:s2+$0x41F0]  }
0x1c1: {  	v1 =	vld [tilespmem:s2+$0x4100]  }
0x1c2: {  	v2 =	vld [tilespmem:s2+$0x4110]  }
0x1c3: {  	v3 =	vld [tilespmem:s2+$0x4120]  }
0x1c4: {  	v4 =	vld [tilespmem:s2+$0x4130]  }
0x1c5: {  	v5 =	vld [tilespmem:s2+$0x4140];
	[tilespmem:s2+$0x109F0] =	vst v0  }
0x1c6: {  	[tilespmem:s2+$0x10900] =	vst v1;
	v0 =	vld [tilespmem:s2+$0x4150]  }
0x1c7: {  	[tilespmem:s2+$0x10910] =	vst v2;
	v1 =	vld [tilespmem:s2+$0x4160]  }
0x1c8: {  	[tilespmem:s2+$0x10920] =	vst v3;
	v2 =	vld [tilespmem:s2+$0x4170]  }
0x1c9: {  	[tilespmem:s2+$0x10930] =	vst v4;
	v3 =	vld [tilespmem:s2+$0x4180]  }
0x1ca: {  	[tilespmem:s2+$0x10940] =	vst v5;
	v4 =	vld [tilespmem:s2+$0x4190]  }
0x1cb: {  	[tilespmem:s2+$0x10950] =	vst v0;
	v0 =	vld [tilespmem:s2+$0x41A0]  }
0x1cc: {  	[tilespmem:s2+$0x10960] =	vst v1;
	v1 =	vld [tilespmem:s2+$0x41B0]  }
0x1cd: {  	[tilespmem:s2+$0x10970] =	vst v2;
	v2 =	vld [tilespmem:s2+$0x41C0]  }
0x1ce: {  	[tilespmem:s2+$0x10980] =	vst v3;
	v3 =	vld [tilespmem:s2+$0x41D0]  }
0x1cf: {  	s28 =	simm.s32 $0x800;
	s22 =	simm.s32 $0x100;
	[tilespmem:s2+$0x10990] =	vst v4;
	v4 =	vld [tilespmem:s2+$0x41E0]  }
.LBB2_16:
0x1d0: {  	p0 =	sne.s32 s28, $0x4C00;
	v5 =	vld [tilespmem:s22+$0x41F0];
	[tilespmem:s2+$0x109A0] =	vst v0  }
0x1d1: {  	v0 =	vld [tilespmem:s22+$0x4100];
	[tilespmem:s2+$0x109B0] =	vst v1  }
0x1d2: {  	v1 =	vld [tilespmem:s22+$0x4110];
	[tilespmem:s2+$0x109C0] =	vst v2  }
0x1d3: {  	v2 =	vld [tilespmem:s22+$0x4120];
	[tilespmem:s2+$0x109D0] =	vst v3  }
0x1d4: {  	v3 =	vld [tilespmem:s22+$0x4130];
	[tilespmem:s2+$0x109E0] =	vst v4;
	s2 =	smov.u32 s22  }
0x1d5: {  	v4 =	vld [tilespmem:s2+$0x4140];
	[tilespmem:s2+$0x109F0] =	vst v5  }
0x1d6: {  	[tilespmem:s2+$0x10900] =	vst v0;
	v0 =	vld [tilespmem:s2+$0x4150]  }
0x1d7: {  	[tilespmem:s2+$0x10910] =	vst v1;
	v1 =	vld [tilespmem:s2+$0x4160]  }
0x1d8: {  	[tilespmem:s2+$0x10920] =	vst v2;
	v2 =	vld [tilespmem:s2+$0x4170]  }
0x1d9: {  	[tilespmem:s2+$0x10930] =	vst v3;
	v3 =	vld [tilespmem:s2+$0x4180]  }
0x1da: {  	[tilespmem:s2+$0x10940] =	vst v4;
	v4 =	vld [tilespmem:s2+$0x4190]  }
.Ltmp9:
0x1db: {  	[tilespmem:s2+$0x10950] =	vst v0;
	v0 =	vld [tilespmem:s2+$0x41A0];
	(pc) =	sbr.rel @p0 .LBB2_16-.Ltmp9, $4  }
0x1dc: {  	[tilespmem:s2+$0x10960] =	vst v1;
	v1 =	vld [tilespmem:s2+$0x41B0]  }
0x1dd: {  	[tilespmem:s2+$0x10970] =	vst v2;
	v2 =	vld [tilespmem:s2+$0x41C0]  }
0x1de: {  	[tilespmem:s2+$0x10980] =	vst v3;
	v3 =	vld [tilespmem:s2+$0x41D0]  }
0x1df: {  	s22 =	sshra.s32 s28, $0x2;
	s28 =	sadd.s32 $0x400, s28;
	[tilespmem:s2+$0x10990] =	vst v4;
	v4 =	vld [tilespmem:s2+$0x41E0]  }
0x1e0: {  	v5 =	vld [tilespmem:s22+$0x41F0];
	[tilespmem:s2+$0x109A0] =	vst v0  }
0x1e1: {  	v0 =	vld [tilespmem:s22+$0x4100];
	[tilespmem:s2+$0x109B0] =	vst v1  }
0x1e2: {  	v1 =	vld [tilespmem:s22+$0x4110];
	[tilespmem:s2+$0x109C0] =	vst v2  }
0x1e3: {  	v2 =	vld [tilespmem:s22+$0x4120];
	[tilespmem:s2+$0x109D0] =	vst v3  }
0x1e4: {  	v3 =	vld [tilespmem:s22+$0x4130];
	[tilespmem:s2+$0x109E0] =	vst v4  }
0x1e5: {  	v4 =	vld [tilespmem:s22+$0x4140];
	[tilespmem:s22+$0x109F0] =	vst v5  }
0x1e6: {  	[tilespmem:s22+$0x10900] =	vst v0;
	v0 =	vld [tilespmem:s22+$0x4150]  }
0x1e7: {  	[tilespmem:s22+$0x10910] =	vst v1;
	v1 =	vld [tilespmem:s22+$0x4160]  }
0x1e8: {  	[tilespmem:s22+$0x10920] =	vst v2;
	v2 =	vld [tilespmem:s22+$0x4170]  }
0x1e9: {  	[tilespmem:s22+$0x10930] =	vst v3;
	v3 =	vld [tilespmem:s22+$0x4180]  }
0x1ea: {  	[tilespmem:s22+$0x10940] =	vst v4;
	v4 =	vld [tilespmem:s22+$0x4190]  }
0x1eb: {  	[tilespmem:s22+$0x10950] =	vst v0;
	v0 =	vld [tilespmem:s22+$0x41A0]  }
0x1ec: {  	[tilespmem:s22+$0x10960] =	vst v1;
	v1 =	vld [tilespmem:s22+$0x41B0]  }
0x1ed: {  	[tilespmem:s22+$0x10970] =	vst v2;
	v2 =	vld [tilespmem:s22+$0x41C0]  }
0x1ee: {  	[tilespmem:s22+$0x10980] =	vst v3;
	v3 =	vld [tilespmem:s22+$0x41D0]  }
0x1ef: {  	[tilespmem:s22+$0x10990] =	vst v4;
	v4 =	vld [tilespmem:s22+$0x41E0]  }
0x1f0: {  	[tilespmem:s22+$0x109A0] =	vst v0  }
0x1f1: {  	[tilespmem:s22+$0x109B0] =	vst v1  }
0x1f2: {  	[tilespmem:s22+$0x109C0] =	vst v2  }
0x1f3: {  	[tilespmem:s22+$0x109D0] =	vst v3  }
0x1f4: {  	s0 =	simm.s32 $0x118;
	s31 =	simm.s32 $0x10900;
	s2 =	simm.s32 $0x0;
	[tilespmem:s22+$0x109E0] =	vst v4  }
0x1f5: {  	[tilespmem:s31], [sflag:$0x8] =	stream.indirect.gather.add.f32 [hbm:s1], $0x80, s0, s25, $0xb8;
	[tilespmem:$0x14500] =	vst v63  }
0x1f6: {  	v0 =	vld [tilespmem:s2+$0x55F0]  }
0x1f7: {  	v1 =	vld [tilespmem:s2+$0x5500]  }
0x1f8: {  	v2 =	vld [tilespmem:s2+$0x5510]  }
0x1f9: {  	v3 =	vld [tilespmem:s2+$0x5520]  }
0x1fa: {  	v4 =	vld [tilespmem:s2+$0x5530]  }
0x1fb: {  	v5 =	vld [tilespmem:s2+$0x5540];
	[tilespmem:s2+$0x11DF0] =	vst v0  }
0x1fc: {  	[tilespmem:s2+$0x11D00] =	vst v1;
	v0 =	vld [tilespmem:s2+$0x5550]  }
0x1fd: {  	[tilespmem:s2+$0x11D10] =	vst v2;
	v1 =	vld [tilespmem:s2+$0x5560]  }
0x1fe: {  	[tilespmem:s2+$0x11D20] =	vst v3;
	v2 =	vld [tilespmem:s2+$0x5570]  }
0x1ff: {  	[tilespmem:s2+$0x11D30] =	vst v4;
	v3 =	vld [tilespmem:s2+$0x5580]  }
0x200: {  	[tilespmem:s2+$0x11D40] =	vst v5;
	v4 =	vld [tilespmem:s2+$0x5590]  }
0x201: {  	[tilespmem:s2+$0x11D50] =	vst v0;
	v0 =	vld [tilespmem:s2+$0x55A0]  }
0x202: {  	[tilespmem:s2+$0x11D60] =	vst v1;
	v1 =	vld [tilespmem:s2+$0x55B0]  }
0x203: {  	[tilespmem:s2+$0x11D70] =	vst v2;
	v2 =	vld [tilespmem:s2+$0x55C0]  }
0x204: {  	[tilespmem:s2+$0x11D80] =	vst v3;
	v3 =	vld [tilespmem:s2+$0x55D0]  }
0x205: {  	s28 =	simm.s32 $0x800;
	s22 =	simm.s32 $0x100;
	[tilespmem:s2+$0x11D90] =	vst v4;
	v4 =	vld [tilespmem:s2+$0x55E0]  }
.LBB2_18:
0x206: {  	p0 =	sne.s32 s28, $0x4C00;
	v5 =	vld [tilespmem:s22+$0x55F0];
	[tilespmem:s2+$0x11DA0] =	vst v0  }
0x207: {  	v0 =	vld [tilespmem:s22+$0x5500];
	[tilespmem:s2+$0x11DB0] =	vst v1  }
0x208: {  	v1 =	vld [tilespmem:s22+$0x5510];
	[tilespmem:s2+$0x11DC0] =	vst v2  }
0x209: {  	v2 =	vld [tilespmem:s22+$0x5520];
	[tilespmem:s2+$0x11DD0] =	vst v3  }
0x20a: {  	v3 =	vld [tilespmem:s22+$0x5530];
	[tilespmem:s2+$0x11DE0] =	vst v4;
	s2 =	smov.u32 s22  }
0x20b: {  	v4 =	vld [tilespmem:s2+$0x5540];
	[tilespmem:s2+$0x11DF0] =	vst v5  }
0x20c: {  	[tilespmem:s2+$0x11D00] =	vst v0;
	v0 =	vld [tilespmem:s2+$0x5550]  }
0x20d: {  	[tilespmem:s2+$0x11D10] =	vst v1;
	v1 =	vld [tilespmem:s2+$0x5560]  }
0x20e: {  	[tilespmem:s2+$0x11D20] =	vst v2;
	v2 =	vld [tilespmem:s2+$0x5570]  }
0x20f: {  	[tilespmem:s2+$0x11D30] =	vst v3;
	v3 =	vld [tilespmem:s2+$0x5580]  }
0x210: {  	[tilespmem:s2+$0x11D40] =	vst v4;
	v4 =	vld [tilespmem:s2+$0x5590]  }
.Ltmp10:
0x211: {  	[tilespmem:s2+$0x11D50] =	vst v0;
	v0 =	vld [tilespmem:s2+$0x55A0];
	(pc) =	sbr.rel @p0 .LBB2_18-.Ltmp10, $4  }
0x212: {  	[tilespmem:s2+$0x11D60] =	vst v1;
	v1 =	vld [tilespmem:s2+$0x55B0]  }
0x213: {  	[tilespmem:s2+$0x11D70] =	vst v2;
	v2 =	vld [tilespmem:s2+$0x55C0]  }
0x214: {  	[tilespmem:s2+$0x11D80] =	vst v3;
	v3 =	vld [tilespmem:s2+$0x55D0]  }
0x215: {  	s22 =	sshra.s32 s28, $0x2;
	s28 =	sadd.s32 $0x400, s28;
	[tilespmem:s2+$0x11D90] =	vst v4;
	v4 =	vld [tilespmem:s2+$0x55E0]  }
0x216: {  	v5 =	vld [tilespmem:s22+$0x55F0];
	[tilespmem:s2+$0x11DA0] =	vst v0  }
0x217: {  	v0 =	vld [tilespmem:s22+$0x5500];
	[tilespmem:s2+$0x11DB0] =	vst v1  }
0x218: {  	v1 =	vld [tilespmem:s22+$0x5510];
	[tilespmem:s2+$0x11DC0] =	vst v2  }
0x219: {  	v2 =	vld [tilespmem:s22+$0x5520];
	[tilespmem:s2+$0x11DD0] =	vst v3  }
0x21a: {  	v3 =	vld [tilespmem:s22+$0x5530];
	[tilespmem:s2+$0x11DE0] =	vst v4  }
0x21b: {  	v4 =	vld [tilespmem:s22+$0x5540];
	[tilespmem:s22+$0x11DF0] =	vst v5  }
0x21c: {  	v54 =	vld [tilespmem:s22+$0x5550];
	[tilespmem:s22+$0x11D00] =	vst v0  }
0x21d: {  	v55 =	vld [tilespmem:s22+$0x5560];
	[tilespmem:s22+$0x11D10] =	vst v1  }
0x21e: {  	v56 =	vld [tilespmem:s22+$0x5570];
	[tilespmem:s22+$0x11D20] =	vst v2  }
0x21f: {  	v57 =	vld [tilespmem:s22+$0x5580];
	[tilespmem:s22+$0x11D30] =	vst v3  }
0x220: {  	v58 =	vld [tilespmem:s22+$0x5590];
	[tilespmem:s22+$0x11D40] =	vst v4  }
0x221: {  	v59 =	vld [tilespmem:s22+$0x55A0];
	[tilespmem:s22+$0x11D50] =	vst v54  }
0x222: {  	v60 =	vld [tilespmem:s22+$0x55B0];
	[tilespmem:s22+$0x11D60] =	vst v55  }
0x223: {  	v61 =	vld [tilespmem:s22+$0x55C0];
	[tilespmem:s22+$0x11D70] =	vst v56  }
0x224: {  	v62 =	vld [tilespmem:s22+$0x55D0];
	[tilespmem:s22+$0x11D80] =	vst v57  }
0x225: {  	v63 =	vld [tilespmem:s22+$0x55E0];
	[tilespmem:s22+$0x11D90] =	vst v58  }
0x226: {  	[tilespmem:s22+$0x11DA0] =	vst v59  }
0x227: {  	[tilespmem:s22+$0x11DB0] =	vst v60  }
0x228: {  	[tilespmem:s22+$0x11DC0] =	vst v61  }
0x229: {  	[tilespmem:s22+$0x11DD0] =	vst v62  }
0x22a: {  	s0 =	simm.s32 $0x140;
	s28 =	simm.s32 $0x0;
	s30 =	simm.s32 $0x0;
	[tilespmem:s22+$0x11DE0] =	vst v63  }
0x22b: {  	[tilespmem:s6], [sflag:$0x9] =	stream.indirect.gather.add.f32 [hbm:s1], $0x80, s0, s25, $0xb8;
	[tilespmem:$0x14500] =	vst v63  }
.LBB2_20:
0x22c: {  	s2 =	smul.u32 $0x190, s30;
	p0 =	seq.s32 s30, $0x0  }
.Ltmp11:
0x22d: {  	_ = 	snop;
	(pc) =	sbr.rel @p0 .LBB2_24-.Ltmp11, $4  }
0x22e: {  	_ =	swait.ge [sflag:s7], $0x1400;
	s0 =	sadd.s32 s5, s2  }
0x22f: {  	[sflag:s7] =	ssyncset.done $0x0;
	s0 =	sshll.u32 s0, $0x4  }
0x230: {  	s22 =	simm.s32 $0x7D00;
	[sflag:s7] =	ssyncadd.s32 $0xFFFFEC00;
	s0 =	sadd.s32 s3, s0  }
0x231: {  	[hbm4b:s0+s28] =	stream.linear.scatter [tilespmem:s22], [sflag:$0xB], $0x1400, $0x38;
	[tilespmem:$0x14500] =	vst v63  }
0x232: {  	_ =	swait.ge [sflag:s24], $0x1400  }
0x233: {  	[sflag:s24] =	ssyncset.done $0x0  }
0x234: {  	s22 =	simm.s32 $0x0;
	[sflag:s24] =	ssyncadd.s32 $0xFFFFEC00  }
0x235: {  	v0 =	vld [tilespmem:s22+$0x69F0]  }
0x236: {  	v1 =	vld [tilespmem:s22+$0x6900]  }
0x237: {  	v2 =	vld [tilespmem:s22+$0x6910]  }
0x238: {  	v3 =	vld [tilespmem:s22+$0x6920]  }
0x239: {  	v4 =	vld [tilespmem:s22+$0x6930]  }
0x23a: {  	v5 =	vld [tilespmem:s22+$0x6940];
	[tilespmem:s22+$0x131F0] =	vst v0  }
0x23b: {  	[tilespmem:s22+$0x13100] =	vst v1;
	v0 =	vld [tilespmem:s22+$0x6950]  }
0x23c: {  	[tilespmem:s22+$0x13110] =	vst v2;
	v1 =	vld [tilespmem:s22+$0x6960]  }
0x23d: {  	[tilespmem:s22+$0x13120] =	vst v3;
	v2 =	vld [tilespmem:s22+$0x6970]  }
0x23e: {  	[tilespmem:s22+$0x13130] =	vst v4;
	v3 =	vld [tilespmem:s22+$0x6980]  }
0x23f: {  	[tilespmem:s22+$0x13140] =	vst v5;
	v4 =	vld [tilespmem:s22+$0x6990]  }
0x240: {  	[tilespmem:s22+$0x13150] =	vst v0;
	v0 =	vld [tilespmem:s22+$0x69A0]  }
0x241: {  	[tilespmem:s22+$0x13160] =	vst v1;
	v1 =	vld [tilespmem:s22+$0x69B0]  }
0x242: {  	[tilespmem:s22+$0x13170] =	vst v2;
	v2 =	vld [tilespmem:s22+$0x69C0]  }
0x243: {  	[tilespmem:s22+$0x13180] =	vst v3;
	v3 =	vld [tilespmem:s22+$0x69D0]  }
0x244: {  	s31 =	simm.s32 $0x100;
	s29 =	simm.s32 $0x800;
	[tilespmem:s22+$0x13190] =	vst v4;
	v4 =	vld [tilespmem:s22+$0x69E0]  }
.LBB2_22:
0x245: {  	p0 =	sne.s32 s29, $0x4C00;
	v5 =	vld [tilespmem:s31+$0x69F0];
	[tilespmem:s22+$0x131A0] =	vst v0  }
0x246: {  	v0 =	vld [tilespmem:s31+$0x6900];
	[tilespmem:s22+$0x131B0] =	vst v1  }
0x247: {  	v1 =	vld [tilespmem:s31+$0x6910];
	[tilespmem:s22+$0x131C0] =	vst v2  }
0x248: {  	v2 =	vld [tilespmem:s31+$0x6920];
	[tilespmem:s22+$0x131D0] =	vst v3  }
0x249: {  	v3 =	vld [tilespmem:s31+$0x6930];
	[tilespmem:s22+$0x131E0] =	vst v4;
	s22 =	smov.u32 s31  }
0x24a: {  	v4 =	vld [tilespmem:s22+$0x6940];
	[tilespmem:s22+$0x131F0] =	vst v5  }
0x24b: {  	[tilespmem:s22+$0x13100] =	vst v0;
	v0 =	vld [tilespmem:s22+$0x6950]  }
0x24c: {  	[tilespmem:s22+$0x13110] =	vst v1;
	v1 =	vld [tilespmem:s22+$0x6960]  }
0x24d: {  	[tilespmem:s22+$0x13120] =	vst v2;
	v2 =	vld [tilespmem:s22+$0x6970]  }
0x24e: {  	[tilespmem:s22+$0x13130] =	vst v3;
	v3 =	vld [tilespmem:s22+$0x6980]  }
0x24f: {  	[tilespmem:s22+$0x13140] =	vst v4;
	v4 =	vld [tilespmem:s22+$0x6990]  }
.Ltmp12:
0x250: {  	[tilespmem:s22+$0x13150] =	vst v0;
	v0 =	vld [tilespmem:s22+$0x69A0];
	(pc) =	sbr.rel @p0 .LBB2_22-.Ltmp12, $4  }
0x251: {  	[tilespmem:s22+$0x13160] =	vst v1;
	v1 =	vld [tilespmem:s22+$0x69B0]  }
0x252: {  	[tilespmem:s22+$0x13170] =	vst v2;
	v2 =	vld [tilespmem:s22+$0x69C0]  }
0x253: {  	[tilespmem:s22+$0x13180] =	vst v3;
	v3 =	vld [tilespmem:s22+$0x69D0]  }
0x254: {  	s31 =	sshra.s32 s29, $0x2;
	s29 =	sadd.s32 $0x400, s29;
	[tilespmem:s22+$0x13190] =	vst v4;
	v4 =	vld [tilespmem:s22+$0x69E0]  }
0x255: {  	v5 =	vld [tilespmem:s31+$0x69F0];
	[tilespmem:s22+$0x131A0] =	vst v0  }
0x256: {  	v0 =	vld [tilespmem:s31+$0x6900];
	[tilespmem:s22+$0x131B0] =	vst v1  }
0x257: {  	v1 =	vld [tilespmem:s31+$0x6910];
	[tilespmem:s22+$0x131C0] =	vst v2  }
0x258: {  	v2 =	vld [tilespmem:s31+$0x6920];
	[tilespmem:s22+$0x131D0] =	vst v3  }
0x259: {  	v3 =	vld [tilespmem:s31+$0x6930];
	[tilespmem:s22+$0x131E0] =	vst v4  }
0x25a: {  	v4 =	vld [tilespmem:s31+$0x6940];
	[tilespmem:s31+$0x131F0] =	vst v5  }
0x25b: {  	v54 =	vld [tilespmem:s31+$0x6950];
	[tilespmem:s31+$0x13100] =	vst v0  }
0x25c: {  	v55 =	vld [tilespmem:s31+$0x6960];
	[tilespmem:s31+$0x13110] =	vst v1  }
0x25d: {  	v56 =	vld [tilespmem:s31+$0x6970];
	[tilespmem:s31+$0x13120] =	vst v2  }
0x25e: {  	v57 =	vld [tilespmem:s31+$0x6980];
	[tilespmem:s31+$0x13130] =	vst v3  }
0x25f: {  	v58 =	vld [tilespmem:s31+$0x6990];
	[tilespmem:s31+$0x13140] =	vst v4  }
0x260: {  	v59 =	vld [tilespmem:s31+$0x69A0];
	[tilespmem:s31+$0x13150] =	vst v54  }
0x261: {  	v60 =	vld [tilespmem:s31+$0x69B0];
	[tilespmem:s31+$0x13160] =	vst v55  }
0x262: {  	v61 =	vld [tilespmem:s31+$0x69C0];
	[tilespmem:s31+$0x13170] =	vst v56  }
0x263: {  	v62 =	vld [tilespmem:s31+$0x69D0];
	[tilespmem:s31+$0x13180] =	vst v57  }
0x264: {  	v63 =	vld [tilespmem:s31+$0x69E0];
	[tilespmem:s31+$0x13190] =	vst v58  }
.Ltmp13:
0x265: {  	[tilespmem:s31+$0x131A0] =	vst v59;
	(pc) =	sbr.rel .LBB2_27-.Ltmp13, $4  }
0x266: {  	[tilespmem:s31+$0x131B0] =	vst v60  }
0x267: {  	s0 =	smul.u32 $0x640, s30;
	[tilespmem:s31+$0x131C0] =	vst v61  }
0x268: {  	[tilespmem:s31+$0x131D0] =	vst v62  }
0x269: {  	s0 =	sshra.s32 s0, $0x2;
	[tilespmem:s31+$0x131E0] =	vst v63  }
.LBB2_24:
0x26a: {  	s22 =	simm.s32 $0x0  }
0x26b: {  	v0 =	vld [tilespmem:s22+$0x69F0]  }
0x26c: {  	v1 =	vld [tilespmem:s22+$0x6900]  }
0x26d: {  	v2 =	vld [tilespmem:s22+$0x6910]  }
0x26e: {  	v3 =	vld [tilespmem:s22+$0x6920]  }
0x26f: {  	v4 =	vld [tilespmem:s22+$0x6930]  }
0x270: {  	v5 =	vld [tilespmem:s22+$0x6940];
	[tilespmem:s22+$0x131F0] =	vst v0  }
0x271: {  	[tilespmem:s22+$0x13100] =	vst v1;
	v0 =	vld [tilespmem:s22+$0x6950]  }
0x272: {  	[tilespmem:s22+$0x13110] =	vst v2;
	v1 =	vld [tilespmem:s22+$0x6960]  }
0x273: {  	[tilespmem:s22+$0x13120] =	vst v3;
	v2 =	vld [tilespmem:s22+$0x6970]  }
0x274: {  	[tilespmem:s22+$0x13130] =	vst v4;
	v3 =	vld [tilespmem:s22+$0x6980]  }
0x275: {  	[tilespmem:s22+$0x13140] =	vst v5;
	v4 =	vld [tilespmem:s22+$0x6990]  }
0x276: {  	[tilespmem:s22+$0x13150] =	vst v0;
	v0 =	vld [tilespmem:s22+$0x69A0]  }
0x277: {  	[tilespmem:s22+$0x13160] =	vst v1;
	v1 =	vld [tilespmem:s22+$0x69B0]  }
0x278: {  	[tilespmem:s22+$0x13170] =	vst v2;
	v2 =	vld [tilespmem:s22+$0x69C0]  }
0x279: {  	[tilespmem:s22+$0x13180] =	vst v3;
	v3 =	vld [tilespmem:s22+$0x69D0]  }
0x27a: {  	s29 =	simm.s32 $0x100;
	s0 =	simm.s32 $0x800;
	[tilespmem:s22+$0x13190] =	vst v4;
	v4 =	vld [tilespmem:s22+$0x69E0]  }
.LBB2_25:
0x27b: {  	p0 =	sne.s32 s0, $0x4C00;
	v5 =	vld [tilespmem:s29+$0x69F0];
	[tilespmem:s22+$0x131A0] =	vst v0  }
0x27c: {  	v0 =	vld [tilespmem:s29+$0x6900];
	[tilespmem:s22+$0x131B0] =	vst v1  }
0x27d: {  	v1 =	vld [tilespmem:s29+$0x6910];
	[tilespmem:s22+$0x131C0] =	vst v2  }
0x27e: {  	v2 =	vld [tilespmem:s29+$0x6920];
	[tilespmem:s22+$0x131D0] =	vst v3  }
0x27f: {  	v3 =	vld [tilespmem:s29+$0x6930];
	[tilespmem:s22+$0x131E0] =	vst v4;
	s22 =	smov.u32 s29  }
0x280: {  	v4 =	vld [tilespmem:s22+$0x6940];
	[tilespmem:s22+$0x131F0] =	vst v5  }
0x281: {  	[tilespmem:s22+$0x13100] =	vst v0;
	v0 =	vld [tilespmem:s22+$0x6950]  }
0x282: {  	[tilespmem:s22+$0x13110] =	vst v1;
	v1 =	vld [tilespmem:s22+$0x6960]  }
0x283: {  	[tilespmem:s22+$0x13120] =	vst v2;
	v2 =	vld [tilespmem:s22+$0x6970]  }
0x284: {  	[tilespmem:s22+$0x13130] =	vst v3;
	v3 =	vld [tilespmem:s22+$0x6980]  }
0x285: {  	[tilespmem:s22+$0x13140] =	vst v4;
	v4 =	vld [tilespmem:s22+$0x6990]  }
.Ltmp14:
0x286: {  	[tilespmem:s22+$0x13150] =	vst v0;
	v0 =	vld [tilespmem:s22+$0x69A0];
	(pc) =	sbr.rel @p0 .LBB2_25-.Ltmp14, $4  }
0x287: {  	[tilespmem:s22+$0x13160] =	vst v1;
	v1 =	vld [tilespmem:s22+$0x69B0]  }
0x288: {  	[tilespmem:s22+$0x13170] =	vst v2;
	v2 =	vld [tilespmem:s22+$0x69C0]  }
0x289: {  	[tilespmem:s22+$0x13180] =	vst v3;
	v3 =	vld [tilespmem:s22+$0x69D0]  }
0x28a: {  	s29 =	sshra.s32 s0, $0x2;
	s0 =	sadd.s32 $0x400, s0;
	[tilespmem:s22+$0x13190] =	vst v4;
	v4 =	vld [tilespmem:s22+$0x69E0]  }
0x28b: {  	v5 =	vld [tilespmem:s29+$0x69F0];
	[tilespmem:s22+$0x131A0] =	vst v0  }
0x28c: {  	v0 =	vld [tilespmem:s29+$0x6900];
	[tilespmem:s22+$0x131B0] =	vst v1  }
0x28d: {  	v1 =	vld [tilespmem:s29+$0x6910];
	[tilespmem:s22+$0x131C0] =	vst v2  }
0x28e: {  	v2 =	vld [tilespmem:s29+$0x6920];
	[tilespmem:s22+$0x131D0] =	vst v3  }
0x28f: {  	v3 =	vld [tilespmem:s29+$0x6930];
	[tilespmem:s22+$0x131E0] =	vst v4  }
0x290: {  	v4 =	vld [tilespmem:s29+$0x6940];
	[tilespmem:s29+$0x131F0] =	vst v5  }
0x291: {  	v54 =	vld [tilespmem:s29+$0x6950];
	[tilespmem:s29+$0x13100] =	vst v0  }
0x292: {  	v55 =	vld [tilespmem:s29+$0x6960];
	[tilespmem:s29+$0x13110] =	vst v1  }
0x293: {  	v56 =	vld [tilespmem:s29+$0x6970];
	[tilespmem:s29+$0x13120] =	vst v2  }
0x294: {  	v57 =	vld [tilespmem:s29+$0x6980];
	[tilespmem:s29+$0x13130] =	vst v3  }
0x295: {  	v58 =	vld [tilespmem:s29+$0x6990];
	[tilespmem:s29+$0x13140] =	vst v4  }
0x296: {  	v59 =	vld [tilespmem:s29+$0x69A0];
	[tilespmem:s29+$0x13150] =	vst v54  }
0x297: {  	v60 =	vld [tilespmem:s29+$0x69B0];
	[tilespmem:s29+$0x13160] =	vst v55  }
0x298: {  	v61 =	vld [tilespmem:s29+$0x69C0];
	[tilespmem:s29+$0x13170] =	vst v56  }
0x299: {  	v62 =	vld [tilespmem:s29+$0x69D0];
	[tilespmem:s29+$0x13180] =	vst v57  }
0x29a: {  	v63 =	vld [tilespmem:s29+$0x69E0];
	[tilespmem:s29+$0x13190] =	vst v58  }
0x29b: {  	[tilespmem:s29+$0x131A0] =	vst v59  }
0x29c: {  	[tilespmem:s29+$0x131B0] =	vst v60  }
0x29d: {  	[tilespmem:s29+$0x131C0] =	vst v61  }
0x29e: {  	[tilespmem:s29+$0x131D0] =	vst v62  }
0x29f: {  	s0 =	simm.s32 $0x0;
	[tilespmem:s29+$0x131E0] =	vst v63  }
.LBB2_27:
0x2a0: {  	s0 =	sadd.s32 $0x168, s0;
	p0 =	seq.s32 s30, $0xF  }
0x2a1: {  	[tilespmem:s17], [sflag:$0xA] =	stream.indirect.gather.add.f32 [hbm:s1], $0x80, s0, s25, $0xb8;
	[tilespmem:$0x14500] =	vst v63  }
.Ltmp15:
0x2a2: {  	_ = 	snop;
	(pc) =	sbr.rel @!p0 .LBB2_28-.Ltmp15, $4  }
0x2a3: {  	s31 =	sadd.s32 s2, s8;
	_ =	swait.ge [sflag:s9], $0x1400  }
0x2a4: {  	s0 =	sshll.u32 s31, $0x4;
	[sflag:s9] =	ssyncset.done $0x0  }
0x2a5: {  	s22 =	simm.s32 $0x9100;
	s0 =	sadd.s32 s3, s0;
	[sflag:s9] =	ssyncadd.s32 $0xFFFFEC00  }
0x2a6: {  	[hbm4b:s0+s4] =	stream.linear.scatter [tilespmem:s22], [sflag:$0xC], $0x1400, $0x38;
	[tilespmem:$0x14500] =	vst v63  }
.Ltmp16:
0x2a7: {  	(pc) =	sbr.rel .LBB2_34-.Ltmp16, $4  }
0x2a8: {  	_ =	swait.ge [sflag:s11], $0x1400  }
0x2a9: {  	[sflag:s11] =	ssyncset.done $0x0  }
0x2aa: {  	s22 =	simm.s32 $0xA500;
	s0 =	rddreg [dreg:$0xb];
	[sflag:s11] =	ssyncadd.s32 $0xFFFFEC00  }
0x2ab: {  	[hbm4b:s0+s4] =	stream.linear.scatter [tilespmem:s22], [sflag:$0xD], $0x1400, $0x38;
	[tilespmem:$0x14500] =	vst v63  }
.LBB2_28:
0x2ac: {  	s0 =	simm.s32 $0xB  }
0x2ad: {  	_ =	swait.ge [sflag:s0], $0x1400  }
0x2ae: {  	[sflag:s0] =	ssyncset.done $0x0  }
0x2af: {  	s22 =	simm.s32 $0xF0;
	[sflag:s0] =	ssyncadd.s32 $0xFFFFEC00  }
0x2b0: {  	v0 =	vld [tilespmem:s22+$0x1900]  }
0x2b1: {  	v1 =	vld [tilespmem:s22+$0x1810]  }
0x2b2: {  	v2 =	vld [tilespmem:s22+$0x1820]  }
0x2b3: {  	v3 =	vld [tilespmem:s22+$0x1830]  }
0x2b4: {  	v4 =	vld [tilespmem:s22+$0x1840]  }
0x2b5: {  	v5 =	vld [tilespmem:s22+$0x1850];
	[tilespmem:s22+$0x7D00] =	vst v0  }
0x2b6: {  	[tilespmem:s22+$0x7C10] =	vst v1;
	v0 =	vld [tilespmem:s22+$0x1860]  }
0x2b7: {  	[tilespmem:s22+$0x7C20] =	vst v2;
	v1 =	vld [tilespmem:s22+$0x1870]  }
0x2b8: {  	[tilespmem:s22+$0x7C30] =	vst v3;
	v2 =	vld [tilespmem:s22+$0x1880]  }
0x2b9: {  	[tilespmem:s22+$0x7C40] =	vst v4;
	v3 =	vld [tilespmem:s22+$0x1890]  }
0x2ba: {  	[tilespmem:s22+$0x7C50] =	vst v5;
	v4 =	vld [tilespmem:s22+$0x18A0]  }
0x2bb: {  	[tilespmem:s22+$0x7C60] =	vst v0;
	v0 =	vld [tilespmem:s22+$0x18B0]  }
0x2bc: {  	[tilespmem:s22+$0x7C70] =	vst v1;
	v1 =	vld [tilespmem:s22+$0x18C0]  }
0x2bd: {  	[tilespmem:s22+$0x7C80] =	vst v2;
	v2 =	vld [tilespmem:s22+$0x18D0]  }
0x2be: {  	[tilespmem:s22+$0x7C90] =	vst v3;
	v3 =	vld [tilespmem:s22+$0x18E0]  }
0x2bf: {  	s31 =	simm.s32 $0x1F0;
	s29 =	simm.s32 $0xBC0;
	[tilespmem:s22+$0x7CA0] =	vst v4;
	v4 =	vld [tilespmem:s22+$0x18F0]  }
.LBB2_29:
0x2c0: {  	p1 =	sne.s32 s29, $0x4FC0;
	v5 =	vld [tilespmem:s31+$0x1900];
	[tilespmem:s22+$0x7CB0] =	vst v0  }
0x2c1: {  	v0 =	vld [tilespmem:s31+$0x1810];
	[tilespmem:s22+$0x7CC0] =	vst v1  }
0x2c2: {  	v1 =	vld [tilespmem:s31+$0x1820];
	[tilespmem:s22+$0x7CD0] =	vst v2  }
0x2c3: {  	v2 =	vld [tilespmem:s31+$0x1830];
	[tilespmem:s22+$0x7CE0] =	vst v3  }
0x2c4: {  	v3 =	vld [tilespmem:s31+$0x1840];
	[tilespmem:s22+$0x7CF0] =	vst v4;
	s22 =	smov.u32 s31  }
0x2c5: {  	v4 =	vld [tilespmem:s22+$0x1850];
	[tilespmem:s22+$0x7D00] =	vst v5  }
0x2c6: {  	[tilespmem:s22+$0x7C10] =	vst v0;
	v0 =	vld [tilespmem:s22+$0x1860]  }
0x2c7: {  	[tilespmem:s22+$0x7C20] =	vst v1;
	v1 =	vld [tilespmem:s22+$0x1870]  }
0x2c8: {  	[tilespmem:s22+$0x7C30] =	vst v2;
	v2 =	vld [tilespmem:s22+$0x1880]  }
0x2c9: {  	[tilespmem:s22+$0x7C40] =	vst v3;
	v3 =	vld [tilespmem:s22+$0x1890]  }
0x2ca: {  	[tilespmem:s22+$0x7C50] =	vst v4;
	v4 =	vld [tilespmem:s22+$0x18A0]  }
.Ltmp17:
0x2cb: {  	[tilespmem:s22+$0x7C60] =	vst v0;
	v0 =	vld [tilespmem:s22+$0x18B0];
	(pc) =	sbr.rel @p1 .LBB2_29-.Ltmp17, $4  }
0x2cc: {  	[tilespmem:s22+$0x7C70] =	vst v1;
	v1 =	vld [tilespmem:s22+$0x18C0]  }
0x2cd: {  	[tilespmem:s22+$0x7C80] =	vst v2;
	v2 =	vld [tilespmem:s22+$0x18D0]  }
0x2ce: {  	[tilespmem:s22+$0x7C90] =	vst v3;
	v3 =	vld [tilespmem:s22+$0x18E0]  }
0x2cf: {  	s31 =	sshra.s32 s29, $0x2;
	s29 =	sadd.s32 $0x400, s29;
	[tilespmem:s22+$0x7CA0] =	vst v4;
	v4 =	vld [tilespmem:s22+$0x18F0]  }
0x2d0: {  	v5 =	vld [tilespmem:s31+$0x1900];
	[tilespmem:s22+$0x7CB0] =	vst v0  }
0x2d1: {  	v0 =	vld [tilespmem:s31+$0x1810];
	[tilespmem:s22+$0x7CC0] =	vst v1  }
0x2d2: {  	v1 =	vld [tilespmem:s31+$0x1820];
	[tilespmem:s22+$0x7CD0] =	vst v2  }
0x2d3: {  	v2 =	vld [tilespmem:s31+$0x1830];
	[tilespmem:s22+$0x7CE0] =	vst v3  }
0x2d4: {  	v3 =	vld [tilespmem:s31+$0x1840];
	[tilespmem:s22+$0x7CF0] =	vst v4  }
0x2d5: {  	v4 =	vld [tilespmem:s31+$0x1850];
	[tilespmem:s31+$0x7D00] =	vst v5  }
0x2d6: {  	[tilespmem:s31+$0x7C10] =	vst v0;
	v0 =	vld [tilespmem:s31+$0x1860]  }
0x2d7: {  	[tilespmem:s31+$0x7C20] =	vst v1;
	v1 =	vld [tilespmem:s31+$0x1870]  }
0x2d8: {  	[tilespmem:s31+$0x7C30] =	vst v2;
	v2 =	vld [tilespmem:s31+$0x1880]  }
0x2d9: {  	[tilespmem:s31+$0x7C40] =	vst v3;
	v3 =	vld [tilespmem:s31+$0x1890]  }
0x2da: {  	[tilespmem:s31+$0x7C50] =	vst v4;
	v4 =	vld [tilespmem:s31+$0x18A0]  }
0x2db: {  	[tilespmem:s31+$0x7C60] =	vst v0;
	v0 =	vld [tilespmem:s31+$0x18B0]  }
0x2dc: {  	[tilespmem:s31+$0x7C70] =	vst v1;
	v1 =	vld [tilespmem:s31+$0x18C0]  }
0x2dd: {  	[tilespmem:s31+$0x7C80] =	vst v2;
	v2 =	vld [tilespmem:s31+$0x18D0]  }
0x2de: {  	[tilespmem:s31+$0x7C90] =	vst v3;
	v3 =	vld [tilespmem:s31+$0x18E0]  }
0x2df: {  	[tilespmem:s31+$0x7CA0] =	vst v4;
	v4 =	vld [tilespmem:s31+$0x18F0]  }
0x2e0: {  	[tilespmem:s31+$0x7CB0] =	vst v0  }
0x2e1: {  	s0 =	smul.u32 $0x640, s30;
	[tilespmem:s31+$0x7CC0] =	vst v1  }
0x2e2: {  	[tilespmem:s31+$0x7CD0] =	vst v2  }
0x2e3: {  	s22 =	sshra.s32 s0, $0x2;
	[tilespmem:s31+$0x7CE0] =	vst v3  }
0x2e4: {  	s29 =	simm.s32 $0x7D00;
	s0 =	sadd.s32 $0x190, s22;
	[tilespmem:s31+$0x7CF0] =	vst v4  }
0x2e5: {  	[tilespmem:s29], [sflag:$0x1] =	stream.indirect.gather.add.f32 [hbm:s1], $0x80, s0, s25, $0xb8;
	[tilespmem:$0x14500] =	vst v63  }
0x2e6: {  	_ =	swait.ge [sflag:s11], $0x1400  }
0x2e7: {  	s0 =	rddreg [dreg:$0x6]  }
0x2e8: {  	s0 =	sadd.s32 s2, s0  }
0x2e9: {  	s31 =	simm.s32 $0xA500;
	[sflag:s11] =	ssyncset.done $0x0;
	s0 =	sshll.u32 s0, $0x4  }
0x2ea: {  	s29 =	simm.s32 $0x0;
	[sflag:s11] =	ssyncadd.s32 $0xFFFFEC00;
	s0 =	sadd.s32 s3, s0  }
0x2eb: {  	[hbm4b:s0+s29] =	stream.linear.scatter [tilespmem:s31], [sflag:$0xD], $0x1400, $0x38;
	[tilespmem:$0x14500] =	vst v63  }
0x2ec: {  	s0 =	simm.s32 $0xC  }
0x2ed: {  	_ =	swait.ge [sflag:s0], $0x1400  }
0x2ee: {  	[sflag:s0] =	ssyncset.done $0x0  }
0x2ef: {  	s31 =	simm.s32 $0x0;
	[sflag:s0] =	ssyncadd.s32 $0xFFFFEC00  }
0x2f0: {  	v0 =	vld [tilespmem:s31+$0x2DF0]  }
0x2f1: {  	v1 =	vld [tilespmem:s31+$0x2D00]  }
0x2f2: {  	v2 =	vld [tilespmem:s31+$0x2D10]  }
0x2f3: {  	v3 =	vld [tilespmem:s31+$0x2D20]  }
0x2f4: {  	v4 =	vld [tilespmem:s31+$0x2D30]  }
0x2f5: {  	v5 =	vld [tilespmem:s31+$0x2D40];
	[tilespmem:s31+$0x91F0] =	vst v0  }
0x2f6: {  	[tilespmem:s31+$0x9100] =	vst v1;
	v0 =	vld [tilespmem:s31+$0x2D50]  }
0x2f7: {  	[tilespmem:s31+$0x9110] =	vst v2;
	v1 =	vld [tilespmem:s31+$0x2D60]  }
0x2f8: {  	[tilespmem:s31+$0x9120] =	vst v3;
	v2 =	vld [tilespmem:s31+$0x2D70]  }
0x2f9: {  	[tilespmem:s31+$0x9130] =	vst v4;
	v3 =	vld [tilespmem:s31+$0x2D80]  }
0x2fa: {  	[tilespmem:s31+$0x9140] =	vst v5;
	v4 =	vld [tilespmem:s31+$0x2D90]  }
0x2fb: {  	[tilespmem:s31+$0x9150] =	vst v0;
	v0 =	vld [tilespmem:s31+$0x2DA0]  }
0x2fc: {  	[tilespmem:s31+$0x9160] =	vst v1;
	v1 =	vld [tilespmem:s31+$0x2DB0]  }
0x2fd: {  	[tilespmem:s31+$0x9170] =	vst v2;
	v2 =	vld [tilespmem:s31+$0x2DC0]  }
0x2fe: {  	[tilespmem:s31+$0x9180] =	vst v3;
	v3 =	vld [tilespmem:s31+$0x2DD0]  }
0x2ff: {  	s29 =	simm.s32 $0x100;
	s0 =	simm.s32 $0x800;
	[tilespmem:s31+$0x9190] =	vst v4;
	v4 =	vld [tilespmem:s31+$0x2DE0]  }
.LBB2_31:
0x300: {  	p1 =	sne.s32 s0, $0x4C00;
	v5 =	vld [tilespmem:s29+$0x2DF0];
	[tilespmem:s31+$0x91A0] =	vst v0  }
0x301: {  	v0 =	vld [tilespmem:s29+$0x2D00];
	[tilespmem:s31+$0x91B0] =	vst v1  }
0x302: {  	v1 =	vld [tilespmem:s29+$0x2D10];
	[tilespmem:s31+$0x91C0] =	vst v2  }
0x303: {  	v2 =	vld [tilespmem:s29+$0x2D20];
	[tilespmem:s31+$0x91D0] =	vst v3  }
0x304: {  	v3 =	vld [tilespmem:s29+$0x2D30];
	[tilespmem:s31+$0x91E0] =	vst v4;
	s31 =	smov.u32 s29  }
0x305: {  	v4 =	vld [tilespmem:s31+$0x2D40];
	[tilespmem:s31+$0x91F0] =	vst v5  }
0x306: {  	[tilespmem:s31+$0x9100] =	vst v0;
	v0 =	vld [tilespmem:s31+$0x2D50]  }
0x307: {  	[tilespmem:s31+$0x9110] =	vst v1;
	v1 =	vld [tilespmem:s31+$0x2D60]  }
0x308: {  	[tilespmem:s31+$0x9120] =	vst v2;
	v2 =	vld [tilespmem:s31+$0x2D70]  }
0x309: {  	[tilespmem:s31+$0x9130] =	vst v3;
	v3 =	vld [tilespmem:s31+$0x2D80]  }
0x30a: {  	[tilespmem:s31+$0x9140] =	vst v4;
	v4 =	vld [tilespmem:s31+$0x2D90]  }
.Ltmp18:
0x30b: {  	[tilespmem:s31+$0x9150] =	vst v0;
	v0 =	vld [tilespmem:s31+$0x2DA0];
	(pc) =	sbr.rel @p1 .LBB2_31-.Ltmp18, $4  }
0x30c: {  	[tilespmem:s31+$0x9160] =	vst v1;
	v1 =	vld [tilespmem:s31+$0x2DB0]  }
0x30d: {  	[tilespmem:s31+$0x9170] =	vst v2;
	v2 =	vld [tilespmem:s31+$0x2DC0]  }
0x30e: {  	[tilespmem:s31+$0x9180] =	vst v3;
	v3 =	vld [tilespmem:s31+$0x2DD0]  }
0x30f: {  	s29 =	sshra.s32 s0, $0x2;
	s0 =	sadd.s32 $0x400, s0;
	[tilespmem:s31+$0x9190] =	vst v4;
	v4 =	vld [tilespmem:s31+$0x2DE0]  }
0x310: {  	v5 =	vld [tilespmem:s29+$0x2DF0];
	[tilespmem:s31+$0x91A0] =	vst v0  }
0x311: {  	v0 =	vld [tilespmem:s29+$0x2D00];
	[tilespmem:s31+$0x91B0] =	vst v1  }
0x312: {  	v1 =	vld [tilespmem:s29+$0x2D10];
	[tilespmem:s31+$0x91C0] =	vst v2  }
0x313: {  	v2 =	vld [tilespmem:s29+$0x2D20];
	[tilespmem:s31+$0x91D0] =	vst v3  }
0x314: {  	v3 =	vld [tilespmem:s29+$0x2D30];
	[tilespmem:s31+$0x91E0] =	vst v4  }
0x315: {  	v4 =	vld [tilespmem:s29+$0x2D40];
	[tilespmem:s29+$0x91F0] =	vst v5  }
0x316: {  	v54 =	vld [tilespmem:s29+$0x2D50];
	[tilespmem:s29+$0x9100] =	vst v0  }
0x317: {  	v55 =	vld [tilespmem:s29+$0x2D60];
	[tilespmem:s29+$0x9110] =	vst v1  }
0x318: {  	v56 =	vld [tilespmem:s29+$0x2D70];
	[tilespmem:s29+$0x9120] =	vst v2  }
0x319: {  	v57 =	vld [tilespmem:s29+$0x2D80];
	[tilespmem:s29+$0x9130] =	vst v3  }
0x31a: {  	v58 =	vld [tilespmem:s29+$0x2D90];
	[tilespmem:s29+$0x9140] =	vst v4  }
0x31b: {  	v59 =	vld [tilespmem:s29+$0x2DA0];
	[tilespmem:s29+$0x9150] =	vst v54  }
0x31c: {  	v60 =	vld [tilespmem:s29+$0x2DB0];
	[tilespmem:s29+$0x9160] =	vst v55  }
0x31d: {  	v61 =	vld [tilespmem:s29+$0x2DC0];
	[tilespmem:s29+$0x9170] =	vst v56  }
0x31e: {  	v62 =	vld [tilespmem:s29+$0x2DD0];
	[tilespmem:s29+$0x9180] =	vst v57  }
0x31f: {  	v63 =	vld [tilespmem:s29+$0x2DE0];
	[tilespmem:s29+$0x9190] =	vst v58  }
0x320: {  	[tilespmem:s29+$0x91A0] =	vst v59  }
0x321: {  	[tilespmem:s29+$0x91B0] =	vst v60  }
0x322: {  	[tilespmem:s29+$0x91C0] =	vst v61  }
0x323: {  	[tilespmem:s29+$0x91D0] =	vst v62  }
0x324: {  	s0 =	sadd.s32 $0x1B8, s22;
	s31 =	simm.s32 $0x9100;
	[tilespmem:s29+$0x91E0] =	vst v63  }
0x325: {  	[tilespmem:s31], [sflag:$0x2] =	stream.indirect.gather.add.f32 [hbm:s1], $0x80, s0, s25, $0xb8;
	[tilespmem:$0x14500] =	vst v63  }
.LBB2_34:
.Ltmp19:
0x326: {  	(pc) =	sbr.rel @!p0 .LBB2_35-.Ltmp19, $4  }
0x327: {  	_ =	swait.ge [sflag:s13], $0x1400;
	s0 =	sadd.s32 s2, s10  }
0x328: {  	[sflag:s13] =	ssyncset.done $0x0;
	s0 =	sshll.u32 s0, $0x4  }
0x329: {  	s22 =	simm.s32 $0xB900;
	[sflag:s13] =	ssyncadd.s32 $0xFFFFEC00;
	s0 =	sadd.s32 s3, s0  }
0x32a: {  	[hbm4b:s0+s4] =	stream.linear.scatter [tilespmem:s22], [sflag:$0xE], $0x1400, $0x38;
	[tilespmem:$0x14500] =	vst v63  }
.Ltmp20:
0x32b: {  	(pc) =	sbr.rel .LBB2_41-.Ltmp20, $4  }
0x32c: {  	_ =	swait.ge [sflag:s15], $0x1400  }
0x32d: {  	[sflag:s15] =	ssyncset.done $0x0  }
0x32e: {  	s22 =	simm.s32 $0xCD00;
	s0 =	rddreg [dreg:$0xc];
	[sflag:s15] =	ssyncadd.s32 $0xFFFFEC00  }
0x32f: {  	[hbm4b:s0+s4] =	stream.linear.scatter [tilespmem:s22], [sflag:$0xF], $0x1400, $0x38;
	[tilespmem:$0x14500] =	vst v63  }
.LBB2_35:
0x330: {  	s0 =	simm.s32 $0xD  }
0x331: {  	_ =	swait.ge [sflag:s0], $0x1400  }
0x332: {  	[sflag:s0] =	ssyncset.done $0x0  }
0x333: {  	s22 =	simm.s32 $0x0;
	[sflag:s0] =	ssyncadd.s32 $0xFFFFEC00  }
0x334: {  	v0 =	vld [tilespmem:s22+$0x41F0]  }
0x335: {  	v1 =	vld [tilespmem:s22+$0x4100]  }
0x336: {  	v2 =	vld [tilespmem:s22+$0x4110]  }
0x337: {  	v3 =	vld [tilespmem:s22+$0x4120]  }
0x338: {  	v4 =	vld [tilespmem:s22+$0x4130]  }
0x339: {  	v5 =	vld [tilespmem:s22+$0x4140];
	[tilespmem:s22+$0xA5F0] =	vst v0  }
0x33a: {  	[tilespmem:s22+$0xA500] =	vst v1;
	v0 =	vld [tilespmem:s22+$0x4150]  }
0x33b: {  	[tilespmem:s22+$0xA510] =	vst v2;
	v1 =	vld [tilespmem:s22+$0x4160]  }
0x33c: {  	[tilespmem:s22+$0xA520] =	vst v3;
	v2 =	vld [tilespmem:s22+$0x4170]  }
0x33d: {  	[tilespmem:s22+$0xA530] =	vst v4;
	v3 =	vld [tilespmem:s22+$0x4180]  }
0x33e: {  	[tilespmem:s22+$0xA540] =	vst v5;
	v4 =	vld [tilespmem:s22+$0x4190]  }
0x33f: {  	[tilespmem:s22+$0xA550] =	vst v0;
	v0 =	vld [tilespmem:s22+$0x41A0]  }
0x340: {  	[tilespmem:s22+$0xA560] =	vst v1;
	v1 =	vld [tilespmem:s22+$0x41B0]  }
0x341: {  	[tilespmem:s22+$0xA570] =	vst v2;
	v2 =	vld [tilespmem:s22+$0x41C0]  }
0x342: {  	[tilespmem:s22+$0xA580] =	vst v3;
	v3 =	vld [tilespmem:s22+$0x41D0]  }
0x343: {  	s31 =	simm.s32 $0x100;
	s0 =	simm.s32 $0x800;
	[tilespmem:s22+$0xA590] =	vst v4;
	v4 =	vld [tilespmem:s22+$0x41E0]  }
.LBB2_36:
0x344: {  	p1 =	sne.s32 s0, $0x4C00;
	v5 =	vld [tilespmem:s31+$0x41F0];
	[tilespmem:s22+$0xA5A0] =	vst v0  }
0x345: {  	v0 =	vld [tilespmem:s31+$0x4100];
	[tilespmem:s22+$0xA5B0] =	vst v1  }
0x346: {  	v1 =	vld [tilespmem:s31+$0x4110];
	[tilespmem:s22+$0xA5C0] =	vst v2  }
0x347: {  	v2 =	vld [tilespmem:s31+$0x4120];
	[tilespmem:s22+$0xA5D0] =	vst v3  }
0x348: {  	v3 =	vld [tilespmem:s31+$0x4130];
	[tilespmem:s22+$0xA5E0] =	vst v4;
	s22 =	smov.u32 s31  }
0x349: {  	v4 =	vld [tilespmem:s22+$0x4140];
	[tilespmem:s22+$0xA5F0] =	vst v5  }
0x34a: {  	[tilespmem:s22+$0xA500] =	vst v0;
	v0 =	vld [tilespmem:s22+$0x4150]  }
0x34b: {  	[tilespmem:s22+$0xA510] =	vst v1;
	v1 =	vld [tilespmem:s22+$0x4160]  }
0x34c: {  	[tilespmem:s22+$0xA520] =	vst v2;
	v2 =	vld [tilespmem:s22+$0x4170]  }
0x34d: {  	[tilespmem:s22+$0xA530] =	vst v3;
	v3 =	vld [tilespmem:s22+$0x4180]  }
0x34e: {  	[tilespmem:s22+$0xA540] =	vst v4;
	v4 =	vld [tilespmem:s22+$0x4190]  }
.Ltmp21:
0x34f: {  	[tilespmem:s22+$0xA550] =	vst v0;
	v0 =	vld [tilespmem:s22+$0x41A0];
	(pc) =	sbr.rel @p1 .LBB2_36-.Ltmp21, $4  }
0x350: {  	[tilespmem:s22+$0xA560] =	vst v1;
	v1 =	vld [tilespmem:s22+$0x41B0]  }
0x351: {  	[tilespmem:s22+$0xA570] =	vst v2;
	v2 =	vld [tilespmem:s22+$0x41C0]  }
0x352: {  	[tilespmem:s22+$0xA580] =	vst v3;
	v3 =	vld [tilespmem:s22+$0x41D0]  }
0x353: {  	s31 =	sshra.s32 s0, $0x2;
	s0 =	sadd.s32 $0x400, s0;
	[tilespmem:s22+$0xA590] =	vst v4;
	v4 =	vld [tilespmem:s22+$0x41E0]  }
0x354: {  	v5 =	vld [tilespmem:s31+$0x41F0];
	[tilespmem:s22+$0xA5A0] =	vst v0  }
0x355: {  	v0 =	vld [tilespmem:s31+$0x4100];
	[tilespmem:s22+$0xA5B0] =	vst v1  }
0x356: {  	v1 =	vld [tilespmem:s31+$0x4110];
	[tilespmem:s22+$0xA5C0] =	vst v2  }
0x357: {  	v2 =	vld [tilespmem:s31+$0x4120];
	[tilespmem:s22+$0xA5D0] =	vst v3  }
0x358: {  	v3 =	vld [tilespmem:s31+$0x4130];
	[tilespmem:s22+$0xA5E0] =	vst v4  }
0x359: {  	v4 =	vld [tilespmem:s31+$0x4140];
	[tilespmem:s31+$0xA5F0] =	vst v5  }
0x35a: {  	[tilespmem:s31+$0xA500] =	vst v0;
	v0 =	vld [tilespmem:s31+$0x4150]  }
0x35b: {  	[tilespmem:s31+$0xA510] =	vst v1;
	v1 =	vld [tilespmem:s31+$0x4160]  }
0x35c: {  	[tilespmem:s31+$0xA520] =	vst v2;
	v2 =	vld [tilespmem:s31+$0x4170]  }
0x35d: {  	[tilespmem:s31+$0xA530] =	vst v3;
	v3 =	vld [tilespmem:s31+$0x4180]  }
0x35e: {  	[tilespmem:s31+$0xA540] =	vst v4;
	v4 =	vld [tilespmem:s31+$0x4190]  }
0x35f: {  	[tilespmem:s31+$0xA550] =	vst v0;
	v0 =	vld [tilespmem:s31+$0x41A0]  }
0x360: {  	[tilespmem:s31+$0xA560] =	vst v1;
	v1 =	vld [tilespmem:s31+$0x41B0]  }
0x361: {  	[tilespmem:s31+$0xA570] =	vst v2;
	v2 =	vld [tilespmem:s31+$0x41C0]  }
0x362: {  	[tilespmem:s31+$0xA580] =	vst v3;
	v3 =	vld [tilespmem:s31+$0x41D0]  }
0x363: {  	[tilespmem:s31+$0xA590] =	vst v4;
	v4 =	vld [tilespmem:s31+$0x41E0]  }
0x364: {  	[tilespmem:s31+$0xA5A0] =	vst v0  }
0x365: {  	s0 =	smul.u32 $0x640, s30;
	[tilespmem:s31+$0xA5B0] =	vst v1  }
0x366: {  	[tilespmem:s31+$0xA5C0] =	vst v2  }
0x367: {  	s22 =	sshra.s32 s0, $0x2;
	[tilespmem:s31+$0xA5D0] =	vst v3  }
0x368: {  	s29 =	simm.s32 $0xA500;
	s0 =	sadd.s32 $0x1E0, s22;
	[tilespmem:s31+$0xA5E0] =	vst v4  }
0x369: {  	[tilespmem:s29], [sflag:$0x3] =	stream.indirect.gather.add.f32 [hbm:s1], $0x80, s0, s25, $0xb8;
	[tilespmem:$0x14500] =	vst v63  }
0x36a: {  	_ =	swait.ge [sflag:s15], $0x1400  }
0x36b: {  	s0 =	rddreg [dreg:$0x7]  }
0x36c: {  	s0 =	sadd.s32 s2, s0  }
0x36d: {  	s31 =	simm.s32 $0xCD00;
	[sflag:s15] =	ssyncset.done $0x0;
	s0 =	sshll.u32 s0, $0x4  }
0x36e: {  	s29 =	simm.s32 $0x0;
	[sflag:s15] =	ssyncadd.s32 $0xFFFFEC00;
	s0 =	sadd.s32 s3, s0  }
0x36f: {  	[hbm4b:s0+s29] =	stream.linear.scatter [tilespmem:s31], [sflag:$0xF], $0x1400, $0x38;
	[tilespmem:$0x14500] =	vst v63  }
0x370: {  	s0 =	simm.s32 $0xE  }
0x371: {  	_ =	swait.ge [sflag:s0], $0x1400  }
0x372: {  	[sflag:s0] =	ssyncset.done $0x0  }
0x373: {  	s31 =	simm.s32 $0x0;
	[sflag:s0] =	ssyncadd.s32 $0xFFFFEC00  }
0x374: {  	v0 =	vld [tilespmem:s31+$0x55F0]  }
0x375: {  	v1 =	vld [tilespmem:s31+$0x5500]  }
0x376: {  	v2 =	vld [tilespmem:s31+$0x5510]  }
0x377: {  	v3 =	vld [tilespmem:s31+$0x5520]  }
0x378: {  	v4 =	vld [tilespmem:s31+$0x5530]  }
0x379: {  	v5 =	vld [tilespmem:s31+$0x5540];
	[tilespmem:s31+$0xB9F0] =	vst v0  }
0x37a: {  	[tilespmem:s31+$0xB900] =	vst v1;
	v0 =	vld [tilespmem:s31+$0x5550]  }
0x37b: {  	[tilespmem:s31+$0xB910] =	vst v2;
	v1 =	vld [tilespmem:s31+$0x5560]  }
0x37c: {  	[tilespmem:s31+$0xB920] =	vst v3;
	v2 =	vld [tilespmem:s31+$0x5570]  }
0x37d: {  	[tilespmem:s31+$0xB930] =	vst v4;
	v3 =	vld [tilespmem:s31+$0x5580]  }
0x37e: {  	[tilespmem:s31+$0xB940] =	vst v5;
	v4 =	vld [tilespmem:s31+$0x5590]  }
0x37f: {  	[tilespmem:s31+$0xB950] =	vst v0;
	v0 =	vld [tilespmem:s31+$0x55A0]  }
0x380: {  	[tilespmem:s31+$0xB960] =	vst v1;
	v1 =	vld [tilespmem:s31+$0x55B0]  }
0x381: {  	[tilespmem:s31+$0xB970] =	vst v2;
	v2 =	vld [tilespmem:s31+$0x55C0]  }
0x382: {  	[tilespmem:s31+$0xB980] =	vst v3;
	v3 =	vld [tilespmem:s31+$0x55D0]  }
0x383: {  	s29 =	simm.s32 $0x100;
	s0 =	simm.s32 $0x800;
	[tilespmem:s31+$0xB990] =	vst v4;
	v4 =	vld [tilespmem:s31+$0x55E0]  }
.LBB2_38:
0x384: {  	p1 =	sne.s32 s0, $0x4C00;
	v5 =	vld [tilespmem:s29+$0x55F0];
	[tilespmem:s31+$0xB9A0] =	vst v0  }
0x385: {  	v0 =	vld [tilespmem:s29+$0x5500];
	[tilespmem:s31+$0xB9B0] =	vst v1  }
0x386: {  	v1 =	vld [tilespmem:s29+$0x5510];
	[tilespmem:s31+$0xB9C0] =	vst v2  }
0x387: {  	v2 =	vld [tilespmem:s29+$0x5520];
	[tilespmem:s31+$0xB9D0] =	vst v3  }
0x388: {  	v3 =	vld [tilespmem:s29+$0x5530];
	[tilespmem:s31+$0xB9E0] =	vst v4;
	s31 =	smov.u32 s29  }
0x389: {  	v4 =	vld [tilespmem:s31+$0x5540];
	[tilespmem:s31+$0xB9F0] =	vst v5  }
0x38a: {  	[tilespmem:s31+$0xB900] =	vst v0;
	v0 =	vld [tilespmem:s31+$0x5550]  }
0x38b: {  	[tilespmem:s31+$0xB910] =	vst v1;
	v1 =	vld [tilespmem:s31+$0x5560]  }
0x38c: {  	[tilespmem:s31+$0xB920] =	vst v2;
	v2 =	vld [tilespmem:s31+$0x5570]  }
0x38d: {  	[tilespmem:s31+$0xB930] =	vst v3;
	v3 =	vld [tilespmem:s31+$0x5580]  }
0x38e: {  	[tilespmem:s31+$0xB940] =	vst v4;
	v4 =	vld [tilespmem:s31+$0x5590]  }
.Ltmp22:
0x38f: {  	[tilespmem:s31+$0xB950] =	vst v0;
	v0 =	vld [tilespmem:s31+$0x55A0];
	(pc) =	sbr.rel @p1 .LBB2_38-.Ltmp22, $4  }
0x390: {  	[tilespmem:s31+$0xB960] =	vst v1;
	v1 =	vld [tilespmem:s31+$0x55B0]  }
0x391: {  	[tilespmem:s31+$0xB970] =	vst v2;
	v2 =	vld [tilespmem:s31+$0x55C0]  }
0x392: {  	[tilespmem:s31+$0xB980] =	vst v3;
	v3 =	vld [tilespmem:s31+$0x55D0]  }
0x393: {  	s29 =	sshra.s32 s0, $0x2;
	s0 =	sadd.s32 $0x400, s0;
	[tilespmem:s31+$0xB990] =	vst v4;
	v4 =	vld [tilespmem:s31+$0x55E0]  }
0x394: {  	v5 =	vld [tilespmem:s29+$0x55F0];
	[tilespmem:s31+$0xB9A0] =	vst v0  }
0x395: {  	v0 =	vld [tilespmem:s29+$0x5500];
	[tilespmem:s31+$0xB9B0] =	vst v1  }
0x396: {  	v1 =	vld [tilespmem:s29+$0x5510];
	[tilespmem:s31+$0xB9C0] =	vst v2  }
0x397: {  	v2 =	vld [tilespmem:s29+$0x5520];
	[tilespmem:s31+$0xB9D0] =	vst v3  }
0x398: {  	v3 =	vld [tilespmem:s29+$0x5530];
	[tilespmem:s31+$0xB9E0] =	vst v4  }
0x399: {  	v4 =	vld [tilespmem:s29+$0x5540];
	[tilespmem:s29+$0xB9F0] =	vst v5  }
0x39a: {  	v54 =	vld [tilespmem:s29+$0x5550];
	[tilespmem:s29+$0xB900] =	vst v0  }
0x39b: {  	v55 =	vld [tilespmem:s29+$0x5560];
	[tilespmem:s29+$0xB910] =	vst v1  }
0x39c: {  	v56 =	vld [tilespmem:s29+$0x5570];
	[tilespmem:s29+$0xB920] =	vst v2  }
0x39d: {  	v57 =	vld [tilespmem:s29+$0x5580];
	[tilespmem:s29+$0xB930] =	vst v3  }
0x39e: {  	v58 =	vld [tilespmem:s29+$0x5590];
	[tilespmem:s29+$0xB940] =	vst v4  }
0x39f: {  	v59 =	vld [tilespmem:s29+$0x55A0];
	[tilespmem:s29+$0xB950] =	vst v54  }
0x3a0: {  	v60 =	vld [tilespmem:s29+$0x55B0];
	[tilespmem:s29+$0xB960] =	vst v55  }
0x3a1: {  	v61 =	vld [tilespmem:s29+$0x55C0];
	[tilespmem:s29+$0xB970] =	vst v56  }
0x3a2: {  	v62 =	vld [tilespmem:s29+$0x55D0];
	[tilespmem:s29+$0xB980] =	vst v57  }
0x3a3: {  	v63 =	vld [tilespmem:s29+$0x55E0];
	[tilespmem:s29+$0xB990] =	vst v58  }
0x3a4: {  	[tilespmem:s29+$0xB9A0] =	vst v59  }
0x3a5: {  	[tilespmem:s29+$0xB9B0] =	vst v60  }
0x3a6: {  	[tilespmem:s29+$0xB9C0] =	vst v61  }
0x3a7: {  	[tilespmem:s29+$0xB9D0] =	vst v62  }
0x3a8: {  	s0 =	sadd.s32 $0x208, s22;
	s31 =	simm.s32 $0xB900;
	[tilespmem:s29+$0xB9E0] =	vst v63  }
0x3a9: {  	[tilespmem:s31], [sflag:$0x4] =	stream.indirect.gather.add.f32 [hbm:s1], $0x80, s0, s25, $0xb8;
	[tilespmem:$0x14500] =	vst v63  }
.LBB2_41:
.Ltmp23:
0x3aa: {  	(pc) =	sbr.rel @!p0 .LBB2_42-.Ltmp23, $4  }
0x3ab: {  	_ =	swait.ge [sflag:s18], $0x1400;
	s0 =	sadd.s32 s2, s12  }
0x3ac: {  	[sflag:s18] =	ssyncset.done $0x0;
	s0 =	sshll.u32 s0, $0x4  }
0x3ad: {  	s22 =	simm.s32 $0xE100;
	[sflag:s18] =	ssyncadd.s32 $0xFFFFEC00;
	s0 =	sadd.s32 s3, s0  }
0x3ae: {  	[hbm4b:s0+s4] =	stream.linear.scatter [tilespmem:s22], [sflag:$0x10], $0x1400, $0x38;
	[tilespmem:$0x14500] =	vst v63  }
.Ltmp24:
0x3af: {  	(pc) =	sbr.rel .LBB2_48-.Ltmp24, $4  }
0x3b0: {  	_ =	swait.ge [sflag:s19], $0x1400  }
0x3b1: {  	[sflag:s19] =	ssyncset.done $0x0  }
0x3b2: {  	s22 =	simm.s32 $0xF500;
	s0 =	rddreg [dreg:$0xd];
	[sflag:s19] =	ssyncadd.s32 $0xFFFFEC00  }
0x3b3: {  	[hbm4b:s0+s4] =	stream.linear.scatter [tilespmem:s22], [sflag:$0x11], $0x1400, $0x38;
	[tilespmem:$0x14500] =	vst v63  }
.LBB2_42:
0x3b4: {  	s0 =	simm.s32 $0xF  }
0x3b5: {  	_ =	swait.ge [sflag:s0], $0x1400  }
0x3b6: {  	[sflag:s0] =	ssyncset.done $0x0  }
0x3b7: {  	s22 =	simm.s32 $0x0;
	[sflag:s0] =	ssyncadd.s32 $0xFFFFEC00  }
0x3b8: {  	v0 =	vld [tilespmem:s22+$0x69F0]  }
0x3b9: {  	v1 =	vld [tilespmem:s22+$0x6900]  }
0x3ba: {  	v2 =	vld [tilespmem:s22+$0x6910]  }
0x3bb: {  	v3 =	vld [tilespmem:s22+$0x6920]  }
0x3bc: {  	v4 =	vld [tilespmem:s22+$0x6930]  }
0x3bd: {  	v5 =	vld [tilespmem:s22+$0x6940];
	[tilespmem:s22+$0xCDF0] =	vst v0  }
0x3be: {  	[tilespmem:s22+$0xCD00] =	vst v1;
	v0 =	vld [tilespmem:s22+$0x6950]  }
0x3bf: {  	[tilespmem:s22+$0xCD10] =	vst v2;
	v1 =	vld [tilespmem:s22+$0x6960]  }
0x3c0: {  	[tilespmem:s22+$0xCD20] =	vst v3;
	v2 =	vld [tilespmem:s22+$0x6970]  }
0x3c1: {  	[tilespmem:s22+$0xCD30] =	vst v4;
	v3 =	vld [tilespmem:s22+$0x6980]  }
0x3c2: {  	[tilespmem:s22+$0xCD40] =	vst v5;
	v4 =	vld [tilespmem:s22+$0x6990]  }
0x3c3: {  	[tilespmem:s22+$0xCD50] =	vst v0;
	v0 =	vld [tilespmem:s22+$0x69A0]  }
0x3c4: {  	[tilespmem:s22+$0xCD60] =	vst v1;
	v1 =	vld [tilespmem:s22+$0x69B0]  }
0x3c5: {  	[tilespmem:s22+$0xCD70] =	vst v2;
	v2 =	vld [tilespmem:s22+$0x69C0]  }
0x3c6: {  	[tilespmem:s22+$0xCD80] =	vst v3;
	v3 =	vld [tilespmem:s22+$0x69D0]  }
0x3c7: {  	s31 =	simm.s32 $0x100;
	s0 =	simm.s32 $0x800;
	[tilespmem:s22+$0xCD90] =	vst v4;
	v4 =	vld [tilespmem:s22+$0x69E0]  }
.LBB2_43:
0x3c8: {  	p1 =	sne.s32 s0, $0x4C00;
	v5 =	vld [tilespmem:s31+$0x69F0];
	[tilespmem:s22+$0xCDA0] =	vst v0  }
0x3c9: {  	v0 =	vld [tilespmem:s31+$0x6900];
	[tilespmem:s22+$0xCDB0] =	vst v1  }
0x3ca: {  	v1 =	vld [tilespmem:s31+$0x6910];
	[tilespmem:s22+$0xCDC0] =	vst v2  }
0x3cb: {  	v2 =	vld [tilespmem:s31+$0x6920];
	[tilespmem:s22+$0xCDD0] =	vst v3  }
0x3cc: {  	v3 =	vld [tilespmem:s31+$0x6930];
	[tilespmem:s22+$0xCDE0] =	vst v4;
	s22 =	smov.u32 s31  }
0x3cd: {  	v4 =	vld [tilespmem:s22+$0x6940];
	[tilespmem:s22+$0xCDF0] =	vst v5  }
0x3ce: {  	[tilespmem:s22+$0xCD00] =	vst v0;
	v0 =	vld [tilespmem:s22+$0x6950]  }
0x3cf: {  	[tilespmem:s22+$0xCD10] =	vst v1;
	v1 =	vld [tilespmem:s22+$0x6960]  }
0x3d0: {  	[tilespmem:s22+$0xCD20] =	vst v2;
	v2 =	vld [tilespmem:s22+$0x6970]  }
0x3d1: {  	[tilespmem:s22+$0xCD30] =	vst v3;
	v3 =	vld [tilespmem:s22+$0x6980]  }
0x3d2: {  	[tilespmem:s22+$0xCD40] =	vst v4;
	v4 =	vld [tilespmem:s22+$0x6990]  }
.Ltmp25:
0x3d3: {  	[tilespmem:s22+$0xCD50] =	vst v0;
	v0 =	vld [tilespmem:s22+$0x69A0];
	(pc) =	sbr.rel @p1 .LBB2_43-.Ltmp25, $4  }
0x3d4: {  	[tilespmem:s22+$0xCD60] =	vst v1;
	v1 =	vld [tilespmem:s22+$0x69B0]  }
0x3d5: {  	[tilespmem:s22+$0xCD70] =	vst v2;
	v2 =	vld [tilespmem:s22+$0x69C0]  }
0x3d6: {  	[tilespmem:s22+$0xCD80] =	vst v3;
	v3 =	vld [tilespmem:s22+$0x69D0]  }
0x3d7: {  	s31 =	sshra.s32 s0, $0x2;
	s0 =	sadd.s32 $0x400, s0;
	[tilespmem:s22+$0xCD90] =	vst v4;
	v4 =	vld [tilespmem:s22+$0x69E0]  }
0x3d8: {  	v5 =	vld [tilespmem:s31+$0x69F0];
	[tilespmem:s22+$0xCDA0] =	vst v0  }
0x3d9: {  	v0 =	vld [tilespmem:s31+$0x6900];
	[tilespmem:s22+$0xCDB0] =	vst v1  }
0x3da: {  	v1 =	vld [tilespmem:s31+$0x6910];
	[tilespmem:s22+$0xCDC0] =	vst v2  }
0x3db: {  	v2 =	vld [tilespmem:s31+$0x6920];
	[tilespmem:s22+$0xCDD0] =	vst v3  }
0x3dc: {  	v3 =	vld [tilespmem:s31+$0x6930];
	[tilespmem:s22+$0xCDE0] =	vst v4  }
0x3dd: {  	v4 =	vld [tilespmem:s31+$0x6940];
	[tilespmem:s31+$0xCDF0] =	vst v5  }
0x3de: {  	[tilespmem:s31+$0xCD00] =	vst v0;
	v0 =	vld [tilespmem:s31+$0x6950]  }
0x3df: {  	[tilespmem:s31+$0xCD10] =	vst v1;
	v1 =	vld [tilespmem:s31+$0x6960]  }
0x3e0: {  	[tilespmem:s31+$0xCD20] =	vst v2;
	v2 =	vld [tilespmem:s31+$0x6970]  }
0x3e1: {  	[tilespmem:s31+$0xCD30] =	vst v3;
	v3 =	vld [tilespmem:s31+$0x6980]  }
0x3e2: {  	[tilespmem:s31+$0xCD40] =	vst v4;
	v4 =	vld [tilespmem:s31+$0x6990]  }
0x3e3: {  	[tilespmem:s31+$0xCD50] =	vst v0;
	v0 =	vld [tilespmem:s31+$0x69A0]  }
0x3e4: {  	[tilespmem:s31+$0xCD60] =	vst v1;
	v1 =	vld [tilespmem:s31+$0x69B0]  }
0x3e5: {  	[tilespmem:s31+$0xCD70] =	vst v2;
	v2 =	vld [tilespmem:s31+$0x69C0]  }
0x3e6: {  	[tilespmem:s31+$0xCD80] =	vst v3;
	v3 =	vld [tilespmem:s31+$0x69D0]  }
0x3e7: {  	[tilespmem:s31+$0xCD90] =	vst v4;
	v4 =	vld [tilespmem:s31+$0x69E0]  }
0x3e8: {  	[tilespmem:s31+$0xCDA0] =	vst v0  }
0x3e9: {  	s0 =	smul.u32 $0x640, s30;
	[tilespmem:s31+$0xCDB0] =	vst v1  }
0x3ea: {  	[tilespmem:s31+$0xCDC0] =	vst v2  }
0x3eb: {  	s22 =	sshra.s32 s0, $0x2;
	[tilespmem:s31+$0xCDD0] =	vst v3  }
0x3ec: {  	s29 =	simm.s32 $0xCD00;
	s0 =	sadd.s32 $0x230, s22;
	[tilespmem:s31+$0xCDE0] =	vst v4  }
0x3ed: {  	[tilespmem:s29], [sflag:$0x5] =	stream.indirect.gather.add.f32 [hbm:s1], $0x80, s0, s25, $0xb8;
	[tilespmem:$0x14500] =	vst v63  }
0x3ee: {  	_ =	swait.ge [sflag:s19], $0x1400  }
0x3ef: {  	s0 =	rddreg [dreg:$0x8]  }
0x3f0: {  	s0 =	sadd.s32 s2, s0  }
0x3f1: {  	[sflag:s19] =	ssyncset.done $0x0;
	s0 =	sshll.u32 s0, $0x4  }
0x3f2: {  	s29 =	simm.s32 $0xF500;
	[sflag:s19] =	ssyncadd.s32 $0xFFFFEC00;
	s0 =	sadd.s32 s3, s0  }
0x3f3: {  	[hbm4b:s0+s4] =	stream.linear.scatter [tilespmem:s29], [sflag:$0x11], $0x1400, $0x38;
	[tilespmem:$0x14500] =	vst v63  }
0x3f4: {  	s0 =	simm.s32 $0x10  }
0x3f5: {  	_ =	swait.ge [sflag:s0], $0x1400  }
0x3f6: {  	[sflag:s0] =	ssyncset.done $0x0  }
0x3f7: {  	s31 =	simm.s32 $0xF0;
	[sflag:s0] =	ssyncadd.s32 $0xFFFFEC00  }
0x3f8: {  	v0 =	vld [tilespmem:s31+$0x1900]  }
0x3f9: {  	v1 =	vld [tilespmem:s31+$0x1810]  }
0x3fa: {  	v2 =	vld [tilespmem:s31+$0x1820]  }
0x3fb: {  	v3 =	vld [tilespmem:s31+$0x1830]  }
0x3fc: {  	v4 =	vld [tilespmem:s31+$0x1840]  }
0x3fd: {  	v5 =	vld [tilespmem:s31+$0x1850];
	[tilespmem:s31+$0xE100] =	vst v0  }
0x3fe: {  	[tilespmem:s31+$0xE010] =	vst v1;
	v0 =	vld [tilespmem:s31+$0x1860]  }
0x3ff: {  	[tilespmem:s31+$0xE020] =	vst v2;
	v1 =	vld [tilespmem:s31+$0x1870]  }
0x400: {  	[tilespmem:s31+$0xE030] =	vst v3;
	v2 =	vld [tilespmem:s31+$0x1880]  }
0x401: {  	[tilespmem:s31+$0xE040] =	vst v4;
	v3 =	vld [tilespmem:s31+$0x1890]  }
0x402: {  	[tilespmem:s31+$0xE050] =	vst v5;
	v4 =	vld [tilespmem:s31+$0x18A0]  }
0x403: {  	[tilespmem:s31+$0xE060] =	vst v0;
	v0 =	vld [tilespmem:s31+$0x18B0]  }
0x404: {  	[tilespmem:s31+$0xE070] =	vst v1;
	v1 =	vld [tilespmem:s31+$0x18C0]  }
0x405: {  	[tilespmem:s31+$0xE080] =	vst v2;
	v2 =	vld [tilespmem:s31+$0x18D0]  }
0x406: {  	[tilespmem:s31+$0xE090] =	vst v3;
	v3 =	vld [tilespmem:s31+$0x18E0]  }
0x407: {  	s29 =	simm.s32 $0x1F0;
	s0 =	simm.s32 $0xBC0;
	[tilespmem:s31+$0xE0A0] =	vst v4;
	v4 =	vld [tilespmem:s31+$0x18F0]  }
.LBB2_45:
0x408: {  	p1 =	sne.s32 s0, $0x4FC0;
	v5 =	vld [tilespmem:s29+$0x1900];
	[tilespmem:s31+$0xE0B0] =	vst v0  }
0x409: {  	v0 =	vld [tilespmem:s29+$0x1810];
	[tilespmem:s31+$0xE0C0] =	vst v1  }
0x40a: {  	v1 =	vld [tilespmem:s29+$0x1820];
	[tilespmem:s31+$0xE0D0] =	vst v2  }
0x40b: {  	v2 =	vld [tilespmem:s29+$0x1830];
	[tilespmem:s31+$0xE0E0] =	vst v3  }
0x40c: {  	v3 =	vld [tilespmem:s29+$0x1840];
	[tilespmem:s31+$0xE0F0] =	vst v4;
	s31 =	smov.u32 s29  }
0x40d: {  	v4 =	vld [tilespmem:s31+$0x1850];
	[tilespmem:s31+$0xE100] =	vst v5  }
0x40e: {  	[tilespmem:s31+$0xE010] =	vst v0;
	v0 =	vld [tilespmem:s31+$0x1860]  }
0x40f: {  	[tilespmem:s31+$0xE020] =	vst v1;
	v1 =	vld [tilespmem:s31+$0x1870]  }
0x410: {  	[tilespmem:s31+$0xE030] =	vst v2;
	v2 =	vld [tilespmem:s31+$0x1880]  }
0x411: {  	[tilespmem:s31+$0xE040] =	vst v3;
	v3 =	vld [tilespmem:s31+$0x1890]  }
0x412: {  	[tilespmem:s31+$0xE050] =	vst v4;
	v4 =	vld [tilespmem:s31+$0x18A0]  }
.Ltmp26:
0x413: {  	[tilespmem:s31+$0xE060] =	vst v0;
	v0 =	vld [tilespmem:s31+$0x18B0];
	(pc) =	sbr.rel @p1 .LBB2_45-.Ltmp26, $4  }
0x414: {  	[tilespmem:s31+$0xE070] =	vst v1;
	v1 =	vld [tilespmem:s31+$0x18C0]  }
0x415: {  	[tilespmem:s31+$0xE080] =	vst v2;
	v2 =	vld [tilespmem:s31+$0x18D0]  }
0x416: {  	[tilespmem:s31+$0xE090] =	vst v3;
	v3 =	vld [tilespmem:s31+$0x18E0]  }
0x417: {  	s29 =	sshra.s32 s0, $0x2;
	s0 =	sadd.s32 $0x400, s0;
	[tilespmem:s31+$0xE0A0] =	vst v4;
	v4 =	vld [tilespmem:s31+$0x18F0]  }
0x418: {  	v5 =	vld [tilespmem:s29+$0x1900];
	[tilespmem:s31+$0xE0B0] =	vst v0  }
0x419: {  	v0 =	vld [tilespmem:s29+$0x1810];
	[tilespmem:s31+$0xE0C0] =	vst v1  }
0x41a: {  	v1 =	vld [tilespmem:s29+$0x1820];
	[tilespmem:s31+$0xE0D0] =	vst v2  }
0x41b: {  	v2 =	vld [tilespmem:s29+$0x1830];
	[tilespmem:s31+$0xE0E0] =	vst v3  }
0x41c: {  	v3 =	vld [tilespmem:s29+$0x1840];
	[tilespmem:s31+$0xE0F0] =	vst v4  }
0x41d: {  	v4 =	vld [tilespmem:s29+$0x1850];
	[tilespmem:s29+$0xE100] =	vst v5  }
0x41e: {  	v54 =	vld [tilespmem:s29+$0x1860];
	[tilespmem:s29+$0xE010] =	vst v0  }
0x41f: {  	v55 =	vld [tilespmem:s29+$0x1870];
	[tilespmem:s29+$0xE020] =	vst v1  }
0x420: {  	v56 =	vld [tilespmem:s29+$0x1880];
	[tilespmem:s29+$0xE030] =	vst v2  }
0x421: {  	v57 =	vld [tilespmem:s29+$0x1890];
	[tilespmem:s29+$0xE040] =	vst v3  }
0x422: {  	v58 =	vld [tilespmem:s29+$0x18A0];
	[tilespmem:s29+$0xE050] =	vst v4  }
0x423: {  	v59 =	vld [tilespmem:s29+$0x18B0];
	[tilespmem:s29+$0xE060] =	vst v54  }
0x424: {  	v60 =	vld [tilespmem:s29+$0x18C0];
	[tilespmem:s29+$0xE070] =	vst v55  }
0x425: {  	v61 =	vld [tilespmem:s29+$0x18D0];
	[tilespmem:s29+$0xE080] =	vst v56  }
0x426: {  	v62 =	vld [tilespmem:s29+$0x18E0];
	[tilespmem:s29+$0xE090] =	vst v57  }
0x427: {  	v63 =	vld [tilespmem:s29+$0x18F0];
	[tilespmem:s29+$0xE0A0] =	vst v58  }
0x428: {  	[tilespmem:s29+$0xE0B0] =	vst v59  }
0x429: {  	[tilespmem:s29+$0xE0C0] =	vst v60  }
0x42a: {  	[tilespmem:s29+$0xE0D0] =	vst v61  }
0x42b: {  	[tilespmem:s29+$0xE0E0] =	vst v62  }
0x42c: {  	s0 =	sadd.s32 $0x258, s22;
	s31 =	simm.s32 $0xE100;
	[tilespmem:s29+$0xE0F0] =	vst v63  }
0x42d: {  	[tilespmem:s31], [sflag:$0x6] =	stream.indirect.gather.add.f32 [hbm:s1], $0x80, s0, s25, $0xb8;
	[tilespmem:$0x14500] =	vst v63  }
.LBB2_48:
.Ltmp27:
0x42e: {  	(pc) =	sbr.rel @!p0 .LBB2_49-.Ltmp27, $4  }
0x42f: {  	_ =	swait.ge [sflag:s20], $0x1400;
	s0 =	sadd.s32 s2, s14  }
0x430: {  	[sflag:s20] =	ssyncset.done $0x0;
	s0 =	sshll.u32 s0, $0x4  }
0x431: {  	s22 =	simm.s32 $0x10900;
	[sflag:s20] =	ssyncadd.s32 $0xFFFFEC00;
	s0 =	sadd.s32 s3, s0  }
0x432: {  	[hbm4b:s0+s4] =	stream.linear.scatter [tilespmem:s22], [sflag:$0x12], $0x1400, $0x38;
	[tilespmem:$0x14500] =	vst v63  }
.Ltmp28:
0x433: {  	(pc) =	sbr.rel .LBB2_55-.Ltmp28, $4  }
0x434: {  	_ =	swait.ge [sflag:s21], $0x1400  }
0x435: {  	[sflag:s21] =	ssyncset.done $0x0  }
0x436: {  	s0 =	rddreg [dreg:$0xe];
	[sflag:s21] =	ssyncadd.s32 $0xFFFFEC00  }
0x437: {  	[hbm4b:s0+s4] =	stream.linear.scatter [tilespmem:s6], [sflag:$0x13], $0x1400, $0x38;
	[tilespmem:$0x14500] =	vst v63  }
.LBB2_49:
0x438: {  	s0 =	simm.s32 $0x11  }
0x439: {  	_ =	swait.ge [sflag:s0], $0x1400  }
0x43a: {  	[sflag:s0] =	ssyncset.done $0x0  }
0x43b: {  	s22 =	simm.s32 $0x0;
	[sflag:s0] =	ssyncadd.s32 $0xFFFFEC00  }
0x43c: {  	v0 =	vld [tilespmem:s22+$0x2DF0]  }
0x43d: {  	v1 =	vld [tilespmem:s22+$0x2D00]  }
0x43e: {  	v2 =	vld [tilespmem:s22+$0x2D10]  }
0x43f: {  	v3 =	vld [tilespmem:s22+$0x2D20]  }
0x440: {  	v4 =	vld [tilespmem:s22+$0x2D30]  }
0x441: {  	v5 =	vld [tilespmem:s22+$0x2D40];
	[tilespmem:s22+$0xF5F0] =	vst v0  }
0x442: {  	[tilespmem:s22+$0xF500] =	vst v1;
	v0 =	vld [tilespmem:s22+$0x2D50]  }
0x443: {  	[tilespmem:s22+$0xF510] =	vst v2;
	v1 =	vld [tilespmem:s22+$0x2D60]  }
0x444: {  	[tilespmem:s22+$0xF520] =	vst v3;
	v2 =	vld [tilespmem:s22+$0x2D70]  }
0x445: {  	[tilespmem:s22+$0xF530] =	vst v4;
	v3 =	vld [tilespmem:s22+$0x2D80]  }
0x446: {  	[tilespmem:s22+$0xF540] =	vst v5;
	v4 =	vld [tilespmem:s22+$0x2D90]  }
0x447: {  	[tilespmem:s22+$0xF550] =	vst v0;
	v0 =	vld [tilespmem:s22+$0x2DA0]  }
0x448: {  	[tilespmem:s22+$0xF560] =	vst v1;
	v1 =	vld [tilespmem:s22+$0x2DB0]  }
0x449: {  	[tilespmem:s22+$0xF570] =	vst v2;
	v2 =	vld [tilespmem:s22+$0x2DC0]  }
0x44a: {  	[tilespmem:s22+$0xF580] =	vst v3;
	v3 =	vld [tilespmem:s22+$0x2DD0]  }
0x44b: {  	s31 =	simm.s32 $0x100;
	s0 =	simm.s32 $0x800;
	[tilespmem:s22+$0xF590] =	vst v4;
	v4 =	vld [tilespmem:s22+$0x2DE0]  }
.LBB2_50:
0x44c: {  	p1 =	sne.s32 s0, $0x4C00;
	v5 =	vld [tilespmem:s31+$0x2DF0];
	[tilespmem:s22+$0xF5A0] =	vst v0  }
0x44d: {  	v0 =	vld [tilespmem:s31+$0x2D00];
	[tilespmem:s22+$0xF5B0] =	vst v1  }
0x44e: {  	v1 =	vld [tilespmem:s31+$0x2D10];
	[tilespmem:s22+$0xF5C0] =	vst v2  }
0x44f: {  	v2 =	vld [tilespmem:s31+$0x2D20];
	[tilespmem:s22+$0xF5D0] =	vst v3  }
0x450: {  	v3 =	vld [tilespmem:s31+$0x2D30];
	[tilespmem:s22+$0xF5E0] =	vst v4;
	s22 =	smov.u32 s31  }
0x451: {  	v4 =	vld [tilespmem:s22+$0x2D40];
	[tilespmem:s22+$0xF5F0] =	vst v5  }
0x452: {  	[tilespmem:s22+$0xF500] =	vst v0;
	v0 =	vld [tilespmem:s22+$0x2D50]  }
0x453: {  	[tilespmem:s22+$0xF510] =	vst v1;
	v1 =	vld [tilespmem:s22+$0x2D60]  }
0x454: {  	[tilespmem:s22+$0xF520] =	vst v2;
	v2 =	vld [tilespmem:s22+$0x2D70]  }
0x455: {  	[tilespmem:s22+$0xF530] =	vst v3;
	v3 =	vld [tilespmem:s22+$0x2D80]  }
0x456: {  	[tilespmem:s22+$0xF540] =	vst v4;
	v4 =	vld [tilespmem:s22+$0x2D90]  }
.Ltmp29:
0x457: {  	[tilespmem:s22+$0xF550] =	vst v0;
	v0 =	vld [tilespmem:s22+$0x2DA0];
	(pc) =	sbr.rel @p1 .LBB2_50-.Ltmp29, $4  }
0x458: {  	[tilespmem:s22+$0xF560] =	vst v1;
	v1 =	vld [tilespmem:s22+$0x2DB0]  }
0x459: {  	[tilespmem:s22+$0xF570] =	vst v2;
	v2 =	vld [tilespmem:s22+$0x2DC0]  }
0x45a: {  	[tilespmem:s22+$0xF580] =	vst v3;
	v3 =	vld [tilespmem:s22+$0x2DD0]  }
0x45b: {  	s31 =	sshra.s32 s0, $0x2;
	s0 =	sadd.s32 $0x400, s0;
	[tilespmem:s22+$0xF590] =	vst v4;
	v4 =	vld [tilespmem:s22+$0x2DE0]  }
0x45c: {  	v5 =	vld [tilespmem:s31+$0x2DF0];
	[tilespmem:s22+$0xF5A0] =	vst v0  }
0x45d: {  	v0 =	vld [tilespmem:s31+$0x2D00];
	[tilespmem:s22+$0xF5B0] =	vst v1  }
0x45e: {  	v1 =	vld [tilespmem:s31+$0x2D10];
	[tilespmem:s22+$0xF5C0] =	vst v2  }
0x45f: {  	v2 =	vld [tilespmem:s31+$0x2D20];
	[tilespmem:s22+$0xF5D0] =	vst v3  }
0x460: {  	v3 =	vld [tilespmem:s31+$0x2D30];
	[tilespmem:s22+$0xF5E0] =	vst v4  }
0x461: {  	v4 =	vld [tilespmem:s31+$0x2D40];
	[tilespmem:s31+$0xF5F0] =	vst v5  }
0x462: {  	[tilespmem:s31+$0xF500] =	vst v0;
	v0 =	vld [tilespmem:s31+$0x2D50]  }
0x463: {  	[tilespmem:s31+$0xF510] =	vst v1;
	v1 =	vld [tilespmem:s31+$0x2D60]  }
0x464: {  	[tilespmem:s31+$0xF520] =	vst v2;
	v2 =	vld [tilespmem:s31+$0x2D70]  }
0x465: {  	[tilespmem:s31+$0xF530] =	vst v3;
	v3 =	vld [tilespmem:s31+$0x2D80]  }
0x466: {  	[tilespmem:s31+$0xF540] =	vst v4;
	v4 =	vld [tilespmem:s31+$0x2D90]  }
0x467: {  	[tilespmem:s31+$0xF550] =	vst v0;
	v0 =	vld [tilespmem:s31+$0x2DA0]  }
0x468: {  	[tilespmem:s31+$0xF560] =	vst v1;
	v1 =	vld [tilespmem:s31+$0x2DB0]  }
0x469: {  	[tilespmem:s31+$0xF570] =	vst v2;
	v2 =	vld [tilespmem:s31+$0x2DC0]  }
0x46a: {  	[tilespmem:s31+$0xF580] =	vst v3;
	v3 =	vld [tilespmem:s31+$0x2DD0]  }
0x46b: {  	[tilespmem:s31+$0xF590] =	vst v4;
	v4 =	vld [tilespmem:s31+$0x2DE0]  }
0x46c: {  	[tilespmem:s31+$0xF5A0] =	vst v0  }
0x46d: {  	s0 =	smul.u32 $0x640, s30;
	[tilespmem:s31+$0xF5B0] =	vst v1  }
0x46e: {  	[tilespmem:s31+$0xF5C0] =	vst v2  }
0x46f: {  	s22 =	sshra.s32 s0, $0x2;
	[tilespmem:s31+$0xF5D0] =	vst v3  }
0x470: {  	s29 =	simm.s32 $0xF500;
	s0 =	sadd.s32 $0x280, s22;
	[tilespmem:s31+$0xF5E0] =	vst v4  }
0x471: {  	[tilespmem:s29], [sflag:$0x7] =	stream.indirect.gather.add.f32 [hbm:s1], $0x80, s0, s25, $0xb8;
	[tilespmem:$0x14500] =	vst v63  }
0x472: {  	_ =	swait.ge [sflag:s21], $0x1400  }
0x473: {  	s0 =	rddreg [dreg:$0x9]  }
0x474: {  	s0 =	sadd.s32 s2, s0  }
0x475: {  	[sflag:s21] =	ssyncset.done $0x0;
	s0 =	sshll.u32 s0, $0x4  }
0x476: {  	s29 =	simm.s32 $0x0;
	[sflag:s21] =	ssyncadd.s32 $0xFFFFEC00;
	s0 =	sadd.s32 s3, s0  }
0x477: {  	[hbm4b:s0+s29] =	stream.linear.scatter [tilespmem:s6], [sflag:$0x13], $0x1400, $0x38;
	[tilespmem:$0x14500] =	vst v63  }
0x478: {  	s0 =	simm.s32 $0x12  }
0x479: {  	_ =	swait.ge [sflag:s0], $0x1400  }
0x47a: {  	[sflag:s0] =	ssyncset.done $0x0  }
0x47b: {  	s31 =	simm.s32 $0x0;
	[sflag:s0] =	ssyncadd.s32 $0xFFFFEC00  }
0x47c: {  	v0 =	vld [tilespmem:s31+$0x41F0]  }
0x47d: {  	v1 =	vld [tilespmem:s31+$0x4100]  }
0x47e: {  	v2 =	vld [tilespmem:s31+$0x4110]  }
0x47f: {  	v3 =	vld [tilespmem:s31+$0x4120]  }
0x480: {  	v4 =	vld [tilespmem:s31+$0x4130]  }
0x481: {  	v5 =	vld [tilespmem:s31+$0x4140];
	[tilespmem:s31+$0x109F0] =	vst v0  }
0x482: {  	[tilespmem:s31+$0x10900] =	vst v1;
	v0 =	vld [tilespmem:s31+$0x4150]  }
0x483: {  	[tilespmem:s31+$0x10910] =	vst v2;
	v1 =	vld [tilespmem:s31+$0x4160]  }
0x484: {  	[tilespmem:s31+$0x10920] =	vst v3;
	v2 =	vld [tilespmem:s31+$0x4170]  }
0x485: {  	[tilespmem:s31+$0x10930] =	vst v4;
	v3 =	vld [tilespmem:s31+$0x4180]  }
0x486: {  	[tilespmem:s31+$0x10940] =	vst v5;
	v4 =	vld [tilespmem:s31+$0x4190]  }
0x487: {  	[tilespmem:s31+$0x10950] =	vst v0;
	v0 =	vld [tilespmem:s31+$0x41A0]  }
0x488: {  	[tilespmem:s31+$0x10960] =	vst v1;
	v1 =	vld [tilespmem:s31+$0x41B0]  }
0x489: {  	[tilespmem:s31+$0x10970] =	vst v2;
	v2 =	vld [tilespmem:s31+$0x41C0]  }
0x48a: {  	[tilespmem:s31+$0x10980] =	vst v3;
	v3 =	vld [tilespmem:s31+$0x41D0]  }
0x48b: {  	s29 =	simm.s32 $0x100;
	s0 =	simm.s32 $0x800;
	[tilespmem:s31+$0x10990] =	vst v4;
	v4 =	vld [tilespmem:s31+$0x41E0]  }
.LBB2_52:
0x48c: {  	p1 =	sne.s32 s0, $0x4C00;
	v5 =	vld [tilespmem:s29+$0x41F0];
	[tilespmem:s31+$0x109A0] =	vst v0  }
0x48d: {  	v0 =	vld [tilespmem:s29+$0x4100];
	[tilespmem:s31+$0x109B0] =	vst v1  }
0x48e: {  	v1 =	vld [tilespmem:s29+$0x4110];
	[tilespmem:s31+$0x109C0] =	vst v2  }
0x48f: {  	v2 =	vld [tilespmem:s29+$0x4120];
	[tilespmem:s31+$0x109D0] =	vst v3  }
0x490: {  	v3 =	vld [tilespmem:s29+$0x4130];
	[tilespmem:s31+$0x109E0] =	vst v4;
	s31 =	smov.u32 s29  }
0x491: {  	v4 =	vld [tilespmem:s31+$0x4140];
	[tilespmem:s31+$0x109F0] =	vst v5  }
0x492: {  	[tilespmem:s31+$0x10900] =	vst v0;
	v0 =	vld [tilespmem:s31+$0x4150]  }
0x493: {  	[tilespmem:s31+$0x10910] =	vst v1;
	v1 =	vld [tilespmem:s31+$0x4160]  }
0x494: {  	[tilespmem:s31+$0x10920] =	vst v2;
	v2 =	vld [tilespmem:s31+$0x4170]  }
0x495: {  	[tilespmem:s31+$0x10930] =	vst v3;
	v3 =	vld [tilespmem:s31+$0x4180]  }
0x496: {  	[tilespmem:s31+$0x10940] =	vst v4;
	v4 =	vld [tilespmem:s31+$0x4190]  }
.Ltmp30:
0x497: {  	[tilespmem:s31+$0x10950] =	vst v0;
	v0 =	vld [tilespmem:s31+$0x41A0];
	(pc) =	sbr.rel @p1 .LBB2_52-.Ltmp30, $4  }
0x498: {  	[tilespmem:s31+$0x10960] =	vst v1;
	v1 =	vld [tilespmem:s31+$0x41B0]  }
0x499: {  	[tilespmem:s31+$0x10970] =	vst v2;
	v2 =	vld [tilespmem:s31+$0x41C0]  }
0x49a: {  	[tilespmem:s31+$0x10980] =	vst v3;
	v3 =	vld [tilespmem:s31+$0x41D0]  }
0x49b: {  	s29 =	sshra.s32 s0, $0x2;
	s0 =	sadd.s32 $0x400, s0;
	[tilespmem:s31+$0x10990] =	vst v4;
	v4 =	vld [tilespmem:s31+$0x41E0]  }
0x49c: {  	v5 =	vld [tilespmem:s29+$0x41F0];
	[tilespmem:s31+$0x109A0] =	vst v0  }
0x49d: {  	v0 =	vld [tilespmem:s29+$0x4100];
	[tilespmem:s31+$0x109B0] =	vst v1  }
0x49e: {  	v1 =	vld [tilespmem:s29+$0x4110];
	[tilespmem:s31+$0x109C0] =	vst v2  }
0x49f: {  	v2 =	vld [tilespmem:s29+$0x4120];
	[tilespmem:s31+$0x109D0] =	vst v3  }
0x4a0: {  	v3 =	vld [tilespmem:s29+$0x4130];
	[tilespmem:s31+$0x109E0] =	vst v4  }
0x4a1: {  	v4 =	vld [tilespmem:s29+$0x4140];
	[tilespmem:s29+$0x109F0] =	vst v5  }
0x4a2: {  	v54 =	vld [tilespmem:s29+$0x4150];
	[tilespmem:s29+$0x10900] =	vst v0  }
0x4a3: {  	v55 =	vld [tilespmem:s29+$0x4160];
	[tilespmem:s29+$0x10910] =	vst v1  }
0x4a4: {  	v56 =	vld [tilespmem:s29+$0x4170];
	[tilespmem:s29+$0x10920] =	vst v2  }
0x4a5: {  	v57 =	vld [tilespmem:s29+$0x4180];
	[tilespmem:s29+$0x10930] =	vst v3  }
0x4a6: {  	v58 =	vld [tilespmem:s29+$0x4190];
	[tilespmem:s29+$0x10940] =	vst v4  }
0x4a7: {  	v59 =	vld [tilespmem:s29+$0x41A0];
	[tilespmem:s29+$0x10950] =	vst v54  }
0x4a8: {  	v60 =	vld [tilespmem:s29+$0x41B0];
	[tilespmem:s29+$0x10960] =	vst v55  }
0x4a9: {  	v61 =	vld [tilespmem:s29+$0x41C0];
	[tilespmem:s29+$0x10970] =	vst v56  }
0x4aa: {  	v62 =	vld [tilespmem:s29+$0x41D0];
	[tilespmem:s29+$0x10980] =	vst v57  }
0x4ab: {  	v63 =	vld [tilespmem:s29+$0x41E0];
	[tilespmem:s29+$0x10990] =	vst v58  }
0x4ac: {  	[tilespmem:s29+$0x109A0] =	vst v59  }
0x4ad: {  	[tilespmem:s29+$0x109B0] =	vst v60  }
0x4ae: {  	[tilespmem:s29+$0x109C0] =	vst v61  }
0x4af: {  	[tilespmem:s29+$0x109D0] =	vst v62  }
0x4b0: {  	s0 =	sadd.s32 $0x2A8, s22;
	s31 =	simm.s32 $0x10900;
	[tilespmem:s29+$0x109E0] =	vst v63  }
0x4b1: {  	[tilespmem:s31], [sflag:$0x8] =	stream.indirect.gather.add.f32 [hbm:s1], $0x80, s0, s25, $0xb8;
	[tilespmem:$0x14500] =	vst v63  }
.LBB2_55:
.Ltmp31:
0x4b2: {  	(pc) =	sbr.rel @p0 .LBB2_59-.Ltmp31, $4  }
0x4b3: {  	_ =	swait.ge [sflag:s23], $0x1400;
	s0 =	sadd.s32 s2, s16  }
0x4b4: {  	[sflag:s23] =	ssyncset.done $0x0;
	s0 =	sshll.u32 s0, $0x4  }
0x4b5: {  	[sflag:s23] =	ssyncadd.s32 $0xFFFFEC00;
	s0 =	sadd.s32 s3, s0  }
0x4b6: {  	[hbm4b:s0+s4] =	stream.linear.scatter [tilespmem:s17], [sflag:$0x14], $0x1400, $0x38;
	[tilespmem:$0x14500] =	vst v63  }
0x4b7: {  	_ =	swait.ge [sflag:s26], $0x1400  }
0x4b8: {  	[sflag:s26] =	ssyncset.done $0x0  }
0x4b9: {  	s2 =	simm.s32 $0x0;
	[sflag:s26] =	ssyncadd.s32 $0xFFFFEC00  }
0x4ba: {  	v0 =	vld [tilespmem:s2+$0x55F0]  }
0x4bb: {  	v1 =	vld [tilespmem:s2+$0x5500]  }
0x4bc: {  	v2 =	vld [tilespmem:s2+$0x5510]  }
0x4bd: {  	v3 =	vld [tilespmem:s2+$0x5520]  }
0x4be: {  	v4 =	vld [tilespmem:s2+$0x5530]  }
0x4bf: {  	v5 =	vld [tilespmem:s2+$0x5540];
	[tilespmem:s2+$0x11DF0] =	vst v0  }
0x4c0: {  	[tilespmem:s2+$0x11D00] =	vst v1;
	v0 =	vld [tilespmem:s2+$0x5550]  }
0x4c1: {  	[tilespmem:s2+$0x11D10] =	vst v2;
	v1 =	vld [tilespmem:s2+$0x5560]  }
0x4c2: {  	[tilespmem:s2+$0x11D20] =	vst v3;
	v2 =	vld [tilespmem:s2+$0x5570]  }
0x4c3: {  	[tilespmem:s2+$0x11D30] =	vst v4;
	v3 =	vld [tilespmem:s2+$0x5580]  }
0x4c4: {  	[tilespmem:s2+$0x11D40] =	vst v5;
	v4 =	vld [tilespmem:s2+$0x5590]  }
0x4c5: {  	[tilespmem:s2+$0x11D50] =	vst v0;
	v0 =	vld [tilespmem:s2+$0x55A0]  }
0x4c6: {  	[tilespmem:s2+$0x11D60] =	vst v1;
	v1 =	vld [tilespmem:s2+$0x55B0]  }
0x4c7: {  	[tilespmem:s2+$0x11D70] =	vst v2;
	v2 =	vld [tilespmem:s2+$0x55C0]  }
0x4c8: {  	[tilespmem:s2+$0x11D80] =	vst v3;
	v3 =	vld [tilespmem:s2+$0x55D0]  }
0x4c9: {  	s22 =	simm.s32 $0x100;
	s0 =	simm.s32 $0x800;
	[tilespmem:s2+$0x11D90] =	vst v4;
	v4 =	vld [tilespmem:s2+$0x55E0]  }
.LBB2_57:
0x4ca: {  	p0 =	sne.s32 s0, $0x4C00;
	v5 =	vld [tilespmem:s22+$0x55F0];
	[tilespmem:s2+$0x11DA0] =	vst v0  }
0x4cb: {  	v0 =	vld [tilespmem:s22+$0x5500];
	[tilespmem:s2+$0x11DB0] =	vst v1  }
0x4cc: {  	v1 =	vld [tilespmem:s22+$0x5510];
	[tilespmem:s2+$0x11DC0] =	vst v2  }
0x4cd: {  	v2 =	vld [tilespmem:s22+$0x5520];
	[tilespmem:s2+$0x11DD0] =	vst v3  }
0x4ce: {  	v3 =	vld [tilespmem:s22+$0x5530];
	[tilespmem:s2+$0x11DE0] =	vst v4;
	s2 =	smov.u32 s22  }
0x4cf: {  	v4 =	vld [tilespmem:s2+$0x5540];
	[tilespmem:s2+$0x11DF0] =	vst v5  }
0x4d0: {  	[tilespmem:s2+$0x11D00] =	vst v0;
	v0 =	vld [tilespmem:s2+$0x5550]  }
0x4d1: {  	[tilespmem:s2+$0x11D10] =	vst v1;
	v1 =	vld [tilespmem:s2+$0x5560]  }
0x4d2: {  	[tilespmem:s2+$0x11D20] =	vst v2;
	v2 =	vld [tilespmem:s2+$0x5570]  }
0x4d3: {  	[tilespmem:s2+$0x11D30] =	vst v3;
	v3 =	vld [tilespmem:s2+$0x5580]  }
0x4d4: {  	[tilespmem:s2+$0x11D40] =	vst v4;
	v4 =	vld [tilespmem:s2+$0x5590]  }
.Ltmp32:
0x4d5: {  	[tilespmem:s2+$0x11D50] =	vst v0;
	v0 =	vld [tilespmem:s2+$0x55A0];
	(pc) =	sbr.rel @p0 .LBB2_57-.Ltmp32, $4  }
0x4d6: {  	[tilespmem:s2+$0x11D60] =	vst v1;
	v1 =	vld [tilespmem:s2+$0x55B0]  }
0x4d7: {  	[tilespmem:s2+$0x11D70] =	vst v2;
	v2 =	vld [tilespmem:s2+$0x55C0]  }
0x4d8: {  	[tilespmem:s2+$0x11D80] =	vst v3;
	v3 =	vld [tilespmem:s2+$0x55D0]  }
0x4d9: {  	s22 =	sshra.s32 s0, $0x2;
	s0 =	sadd.s32 $0x400, s0;
	[tilespmem:s2+$0x11D90] =	vst v4;
	v4 =	vld [tilespmem:s2+$0x55E0]  }
0x4da: {  	v5 =	vld [tilespmem:s22+$0x55F0];
	[tilespmem:s2+$0x11DA0] =	vst v0  }
0x4db: {  	v0 =	vld [tilespmem:s22+$0x5500];
	[tilespmem:s2+$0x11DB0] =	vst v1  }
0x4dc: {  	v1 =	vld [tilespmem:s22+$0x5510];
	[tilespmem:s2+$0x11DC0] =	vst v2  }
0x4dd: {  	v2 =	vld [tilespmem:s22+$0x5520];
	[tilespmem:s2+$0x11DD0] =	vst v3  }
0x4de: {  	v3 =	vld [tilespmem:s22+$0x5530];
	[tilespmem:s2+$0x11DE0] =	vst v4  }
0x4df: {  	v4 =	vld [tilespmem:s22+$0x5540];
	[tilespmem:s22+$0x11DF0] =	vst v5  }
0x4e0: {  	v54 =	vld [tilespmem:s22+$0x5550];
	[tilespmem:s22+$0x11D00] =	vst v0  }
0x4e1: {  	v55 =	vld [tilespmem:s22+$0x5560];
	[tilespmem:s22+$0x11D10] =	vst v1  }
0x4e2: {  	v56 =	vld [tilespmem:s22+$0x5570];
	[tilespmem:s22+$0x11D20] =	vst v2  }
0x4e3: {  	v57 =	vld [tilespmem:s22+$0x5580];
	[tilespmem:s22+$0x11D30] =	vst v3  }
0x4e4: {  	v58 =	vld [tilespmem:s22+$0x5590];
	[tilespmem:s22+$0x11D40] =	vst v4  }
0x4e5: {  	v59 =	vld [tilespmem:s22+$0x55A0];
	[tilespmem:s22+$0x11D50] =	vst v54  }
0x4e6: {  	v60 =	vld [tilespmem:s22+$0x55B0];
	[tilespmem:s22+$0x11D60] =	vst v55  }
0x4e7: {  	v61 =	vld [tilespmem:s22+$0x55C0];
	[tilespmem:s22+$0x11D70] =	vst v56  }
0x4e8: {  	v62 =	vld [tilespmem:s22+$0x55D0];
	[tilespmem:s22+$0x11D80] =	vst v57  }
0x4e9: {  	v63 =	vld [tilespmem:s22+$0x55E0];
	[tilespmem:s22+$0x11D90] =	vst v58  }
0x4ea: {  	s0 =	smul.u32 $0x640, s30;
	[tilespmem:s22+$0x11DA0] =	vst v59  }
.Ltmp33:
0x4eb: {  	[tilespmem:s22+$0x11DB0] =	vst v60;
	(pc) =	sbr.rel .LBB2_20-.Ltmp33, $4  }
0x4ec: {  	[tilespmem:s22+$0x11DC0] =	vst v61  }
0x4ed: {  	s0 =	sshra.s32 s0, $0x2;
	[tilespmem:s22+$0x11DD0] =	vst v62  }
0x4ee: {  	s30 =	sadd.s32 $0x1, s30;
	s0 =	sadd.s32 $0x2D0, s0;
	[tilespmem:s22+$0x11DE0] =	vst v63  }
0x4ef: {  	[tilespmem:s6], [sflag:$0x9] =	stream.indirect.gather.add.f32 [hbm:s1], $0x80, s0, s25, $0xb8;
	[tilespmem:$0x14500] =	vst v63  }
.LBB2_60:
0x4f0: {  	_ =	sfence.sel $0x180000  }
0x4f1: {  	[bflag:$0x0] =	sbarrier.arrive $0xFFFF  }
0x4f2: {  	_ =	strace $0x90000047  }
0x4f3: {  	s0 =	stileid.u32;
	[bflag:$0x2] =	sbarrier.arrive $0xFFFF  }
0x4f4: {  	p0 =	sne.s32 s0, $0x0;
	s0 =	rddreg [dreg:$0x3]  }
0x4f5: {  	s0 =	sadd.s32 @!p0 $0x100000, s0  }
0x4f6: {  	[sflag:s0] =	ssyncadd.tile.s32 @!p0 $0x1;
	_ =	shalt  }
.Lfunc_end2:
_tile_overlayer_lowered:
.L_overlay_start_2:
0x4f7: {  	(tag) =	ssettag $0x2  }
0x4f8: {  	s0 =	rddreg [dreg:$0x0];
	s2 =	stileid.u32  }
0x4f9: {  	s1 =	rddreg [dreg:$0x1];
	p0 =	sne.s32 s2, $0x0  }
0x4fa: {  	s3 =	rddreg [dreg:$0x2];
	[bflag:$0x3] =	sbarrier.arrive $0xFFFF;
	s2 =	simm.s32 @!p0 $0x1C15  }
0x4fb: {  	[timem:s3], [sflag:s2] =	dma.local @!p0 [hbm:s0], s1  }
0x4fc: {  	s0 =	simm.s32 @!p0 $0x15  }
0x4fd: {  	_ =	swait.ge @!p0 [sflag:s0], s1  }
0x4fe: {  	s1 =	ssub.s32 @!p0 $0x0, s1;
	[sflag:s0] =	ssyncset.done @!p0 $0x0  }
0x4ff: {  	[sflag:s0] =	ssyncadd.s32 @!p0 s1  }
0x500: {  	[bflag:$0x3] =	sbarrier.arrive $0xFFFF  }
0x501: {  	_ =	shalt  }

</sc_bundles>
